<compile_context>
chip_gen: v7x
topology: tpu7x:2x2x1
jax: 0.10.2.dev20260603
libtpu: 0.0.44.dev20260713+nightly
codegen_flags: <defaults>
</compile_context>

<pallas_src>
import functools

import jax
import jax.numpy as jnp
from jax import lax
from jax.experimental import pallas as pl
from jax.experimental.pallas import tpu as pltpu
from jax.experimental.pallas import tpu_sc as plsc

H = 4096
W = 8192
B = 1048576
NC = 2
NS = 16
NW = NC * NS
N_PER_W = B // NW
CHUNK = 4096
NCHUNK = N_PER_W // CHUNK
LANES = 16

MAGIC = 12582912.0


def _scale_round(x, scale, hi):
    t = x * jnp.float32(scale) + jnp.float32(scale + MAGIC)
    i = t.astype(jnp.int32) - jnp.int32(MAGIC)
    return jnp.minimum(jnp.maximum(i, 0), hi)


def _make_kernel():
    mesh = plsc.VectorSubcoreMesh(core_axis_name="c", subcore_axis_name="s")

    @functools.partial(
        pl.kernel,
        mesh=mesh,
        out_type=jax.ShapeDtypeStruct((B,), jnp.float32),
        scratch_types=[
            pltpu.VMEM((2 * N_PER_W,), jnp.float32),
            pltpu.VMEM((CHUNK,), jnp.int32),
            pltpu.VMEM((CHUNK,), jnp.int32),
            pltpu.VMEM((CHUNK,), jnp.int32),
            pltpu.VMEM((CHUNK,), jnp.int32),
            pltpu.VMEM((N_PER_W,), jnp.float32),
            pltpu.SemaphoreType.DMA,
            pltpu.SemaphoreType.DMA,
            pltpu.SemaphoreType.DMA,
            pltpu.SemaphoreType.DMA,
            pltpu.SemaphoreType.DMA,
            pltpu.SemaphoreType.DMA,
        ],
        compiler_params=pltpu.CompilerParams(
            needs_layout_passes=False, disable_bounds_checks=True),
    )
    def night_light(x_hbm, f_hbm, y_hbm,
                    xv, ix0, ix1, ix2, ix3, yall,
                    sx, sg0, sg1, sg2, sg3, sw):
        wid = lax.axis_index("s") * NC + lax.axis_index("c")
        base0 = wid * N_PER_W
        ix = [ix0, ix1, ix2, ix3]
        sg = [sg0, sg1, sg2, sg3]

        hx = pltpu.async_copy(
            x_hbm.at[pl.ds(2 * base0, 2 * N_PER_W)], xv, sx)

        def compute(k):
            b = k % 4

            def pt_body(i, c2):
                j = k * CHUNK // LANES + i
                off = (j >> 3) * 256 + (j & 7) * LANES
                x0 = xv[pl.ds(off, LANES)]
                x1 = xv[pl.ds(off + 128, LANES)]
                col = _scale_round(x0, W // 2, W - 1)
                row = _scale_round(x1, H // 2, H - 1)
                p = ((row << 7) + (row >> 3) * 64512
                     + col + (col >> 7) * 896)
                ix[b][pl.ds(i * LANES, LANES)] = p
                return c2

            lax.fori_loop(0, CHUNK // LANES, pt_body, 0, unroll=4)

        def gather(k):
            return pltpu.async_copy(
                f_hbm.at[ix[k % 4]],
                yall.at[pl.ds(k * CHUNK, CHUNK)],
                sg[k % 4])

        hx.wait()
        hg = {}
        for k in range(NCHUNK):
            compute(k)
            if k >= 3:
                hg[k - 3].wait()
            hg[k] = gather(k)
        for k in range(NCHUNK - 3, NCHUNK):
            hg[k].wait()
        pltpu.async_copy(yall, y_hbm.at[pl.ds(base0, N_PER_W)], sw).wait()

    return night_light


_night_light = _make_kernel()


@jax.jit
def kernel(x, f):
    x_phys = x.reshape(B // 128, 128, 2).transpose(0, 2, 1).reshape(2 * B)
    f_phys = (
        f.reshape(H // 8, 8, W // 128, 128)
        .transpose(0, 2, 1, 3)
        .reshape(H * W)
    )
    return _night_light(x_phys, f_phys)

# --- scband reference (transcript-rebuilt; emitter-appended) ---
"""Pipeline reference for scband-night-light-34282428957010 (READ-ONLY COPY).

The authoritative reference and input builder live on the scoring server;
editing this copy changes nothing except your own understanding.
"""

import jax, jax.numpy as jnp
import numpy as np

H, W = 4096, 8192
DIM = 2
NOISE_STD = 0.0


def setup_inputs(seed: int = 0) -> dict:
    key = jax.random.key(seed)
    k1, k2 = jax.random.split(key)
    # query points in the domain [-1, 1]^2 (fill=rand gives [0,1), which is in-domain)
    x = jax.random.uniform(k1, (1048576, DIM), dtype=jnp.float32, minval=-1.0, maxval=1.0)
    # the nightlight image (read_image(...)[0]/255.0 in the original); synthesized here
    f = jax.random.uniform(k2, (H, W), dtype=jnp.float32)
    return {"x": x, "f": f}


def reference(x, f):
    # bounds = [[-1, 1]] * dim, transposed -> row0 = lows, row1 = highs
    bounds = jnp.array([[-1.0, -1.0], [1.0, 1.0]], dtype=x.dtype)
    # pos = [f.shape[1], f.shape[0]] i.e. (W, H)
    pos = jnp.array([f.shape[1], f.shape[0]], dtype=x.dtype)
    xn = (x - bounds[0, :]) / (bounds[1, :] - bounds[0, :])
    xn = xn * pos
    xn = jnp.clip(xn, jnp.zeros((DIM,), dtype=x.dtype), pos - 1)
    int_x = jnp.round(xn).astype(jnp.int32)
    # y = f[int_x[..., 1], int_x[..., 0]]  (gather: row index from y-coord, col from x-coord)
    y = f[int_x[..., 1], int_x[..., 0]]
    # noise_std = 0.0 -> noise term is identically zero; keep deterministic
    return y

if __name__ == "__main__":
    import jax
    _d = setup_inputs()
    print(jax.jit(kernel)(*tuple(_d.values())))

</pallas_src>

<mosaic_0001>
#map = affine_map<(d0, d1) -> (0)>
module attributes {stable_mosaic.version = 14 : i64} {
  func.func @night_light(%arg0: i32, %arg1: i32, %arg2: memref<2097152xf32, #tpu.memory_space<hbm>>, %arg3: memref<33554432xf32, #tpu.memory_space<hbm>>, %arg4: memref<1048576xf32, #tpu.memory_space<hbm>>, %arg5: memref<65536xf32, #tpu.memory_space<vmem>>, %arg6: memref<4096xi32, #tpu.memory_space<vmem>>, %arg7: memref<4096xi32, #tpu.memory_space<vmem>>, %arg8: memref<4096xi32, #tpu.memory_space<vmem>>, %arg9: memref<4096xi32, #tpu.memory_space<vmem>>, %arg10: memref<32768xf32, #tpu.memory_space<vmem>>, %arg11: memref<!tpu.dma_semaphore, #tpu.memory_space<semaphore_mem>>, %arg12: memref<!tpu.dma_semaphore, #tpu.memory_space<semaphore_mem>>, %arg13: memref<!tpu.dma_semaphore, #tpu.memory_space<semaphore_mem>>, %arg14: memref<!tpu.dma_semaphore, #tpu.memory_space<semaphore_mem>>, %arg15: memref<!tpu.dma_semaphore, #tpu.memory_space<semaphore_mem>>, %arg16: memref<!tpu.dma_semaphore, #tpu.memory_space<semaphore_mem>>) attributes {dimension_semantics = [#tpu.dimension_semantics<core_parallel>, #tpu.dimension_semantics<subcore_parallel>], iteration_bounds = array<i64: 2, 16>, scalar_prefetch = 0 : i64, scratch_operands = 12 : i64, tpu.core_type = #tpu.core_type<sc_vector_subcore>, window_params = [{transform_indices = #map}, {transform_indices = #map}, {transform_indices = #map}]} {
    %mul3A = arith.constant 2 : i32
    %mul3A_0 = arith.muli %arg1, %mul3A : i32
    %add3A = arith.addi %mul3A_0, %arg0 : i32
    %mul3A_1 = arith.constant 32768 : i32
    %mul3A_2 = arith.muli %add3A, %mul3A_1 : i32
    %mul3A_3 = arith.constant 2 : i32
    %mul3A_4 = arith.muli %mul3A_3, %mul3A_2 : i32
    %dma_start3A = tpu.memref_slice %arg2[%mul3A_4] : memref<2097152xf32, #tpu.memory_space<hbm>> -> memref<65536xf32, #tpu.memory_space<hbm>>
    %dma_start3A_5 = tpu.memref_slice %arg2[%mul3A_4] : memref<2097152xf32, #tpu.memory_space<hbm>> -> memref<65536xf32, #tpu.memory_space<hbm>>
    tpu.enqueue_dma source(%dma_start3A_5 : memref<65536xf32, #tpu.memory_space<hbm>>) target(%arg5 : memref<65536xf32, #tpu.memory_space<vmem>>) target_semaphore(%arg11 : memref<!tpu.dma_semaphore, #tpu.memory_space<semaphore_mem>>)
    %dma_wait3A = tpu.memref_slice %arg2[%mul3A_4] : memref<2097152xf32, #tpu.memory_space<hbm>> -> memref<65536xf32, #tpu.memory_space<hbm>>
    %dma_wait3A_6 = tpu.memref_slice %arg2[%mul3A_4] : memref<2097152xf32, #tpu.memory_space<hbm>> -> memref<65536xf32, #tpu.memory_space<hbm>>
    tpu.wait_dma2 semaphore(%arg11 : memref<!tpu.dma_semaphore, #tpu.memory_space<semaphore_mem>>) src(%dma_wait3A_6 : memref<65536xf32, #tpu.memory_space<hbm>>) dst(%arg5 : memref<65536xf32, #tpu.memory_space<vmem>>)
    %scan3A = arith.constant 0 : i32
    %scan3A_7 = arith.constant 0 : i32
    %scan3A_8 = arith.constant 256 : i32
    %scan3A_9 = arith.addi %scan3A_7, %scan3A_8 : i32
    %scan3A_10 = arith.constant 4 : i32
    scf.for %scan3A_122 = %scan3A_7 to %scan3A_9 step %scan3A_10  : i32 {
      %add3A_123 = arith.constant 0 : i32
      %add3A_124 = arith.addi %add3A_123, %scan3A_122 : i32
      %shift_right_arithmetic3A = arith.constant 3 : i32
      %shift_right_arithmetic3A_125 = arith.shrsi %add3A_124, %shift_right_arithmetic3A : i32
      %mul3A_126 = arith.constant 256 : i32
      %mul3A_127 = arith.muli %shift_right_arithmetic3A_125, %mul3A_126 : i32
      %and3A = arith.constant 7 : i32
      %and3A_128 = arith.andi %add3A_124, %and3A : i32
      %mul3A_129 = arith.constant 16 : i32
      %mul3A_130 = arith.muli %and3A_128, %mul3A_129 : i32
      %add3A_131 = arith.addi %mul3A_127, %mul3A_130 : i32
      %get3A = arith.index_cast %add3A_131 : i32 to index
      %get3A_132 = tpu.vector_load %arg5[%get3A] {strides = array<i32>} : memref<65536xf32, #tpu.memory_space<vmem>>, vector<16xf32>,
      %add3A_133 = arith.constant 128 : i32
      %add3A_134 = arith.addi %add3A_131, %add3A_133 : i32
      %get3A_135 = arith.index_cast %add3A_134 : i32 to index
      %get3A_136 = tpu.vector_load %arg5[%get3A_135] {strides = array<i32>} : memref<65536xf32, #tpu.memory_space<vmem>>, vector<16xf32>,
      %mul3A_137 = arith.constant 4.096000e+03 : f32
      %mul3A_138 = vector.broadcast %mul3A_137 : f32 to vector<16xf32>
      %mul3A_139 = arith.mulf %get3A_132, %mul3A_138 : vector<16xf32>
      %add3A_140 = arith.constant 0x4B401000 : f32
      %add3A_141 = vector.broadcast %add3A_140 : f32 to vector<16xf32>
      %add3A_142 = arith.addf %mul3A_139, %add3A_141 : vector<16xf32>
      %convert_element_type3A = arith.fptosi %add3A_142 : vector<16xf32> to vector<16xi32>
      %sub3A = arith.constant 12582912 : i32
      %sub3A_143 = vector.broadcast %sub3A : i32 to vector<16xi32>
      %sub3A_144 = arith.subi %convert_element_type3A, %sub3A_143 : vector<16xi32>
      %max3A = arith.constant 0 : i32
      %max3A_145 = vector.broadcast %max3A : i32 to vector<16xi32>
      %max3A_146 = arith.maxsi %sub3A_144, %max3A_145 : vector<16xi32>
      %min3A = arith.constant 8191 : i32
      %min3A_147 = vector.broadcast %min3A : i32 to vector<16xi32>
      %min3A_148 = arith.minsi %max3A_146, %min3A_147 : vector<16xi32>
      %mul3A_149 = arith.constant 2.048000e+03 : f32
      %mul3A_150 = vector.broadcast %mul3A_149 : f32 to vector<16xf32>
      %mul3A_151 = arith.mulf %get3A_136, %mul3A_150 : vector<16xf32>
      %add3A_152 = arith.constant 0x4B400800 : f32
      %add3A_153 = vector.broadcast %add3A_152 : f32 to vector<16xf32>
      %add3A_154 = arith.addf %mul3A_151, %add3A_153 : vector<16xf32>
      %convert_element_type3A_155 = arith.fptosi %add3A_154 : vector<16xf32> to vector<16xi32>
      %sub3A_156 = arith.constant 12582912 : i32
      %sub3A_157 = vector.broadcast %sub3A_156 : i32 to vector<16xi32>
      %sub3A_158 = arith.subi %convert_element_type3A_155, %sub3A_157 : vector<16xi32>
      %max3A_159 = arith.constant 0 : i32
      %max3A_160 = vector.broadcast %max3A_159 : i32 to vector<16xi32>
      %max3A_161 = arith.maxsi %sub3A_158, %max3A_160 : vector<16xi32>
      %min3A_162 = arith.constant 4095 : i32
      %min3A_163 = vector.broadcast %min3A_162 : i32 to vector<16xi32>
      %min3A_164 = arith.minsi %max3A_161, %min3A_163 : vector<16xi32>
      %shift_left3A = arith.constant 7 : i32
      %shift_left3A_165 = vector.broadcast %shift_left3A : i32 to vector<16xi32>
      %shift_left3A_166 = arith.shli %min3A_164, %shift_left3A_165 : vector<16xi32>
      %shift_right_arithmetic3A_167 = arith.constant 3 : i32
      %shift_right_arithmetic3A_168 = vector.broadcast %shift_right_arithmetic3A_167 : i32 to vector<16xi32>
      %shift_right_arithmetic3A_169 = arith.shrsi %min3A_164, %shift_right_arithmetic3A_168 : vector<16xi32>
      %mul3A_170 = arith.constant 64512 : i32
      %mul3A_171 = vector.broadcast %mul3A_170 : i32 to vector<16xi32>
      %mul3A_172 = arith.muli %shift_right_arithmetic3A_169, %mul3A_171 : vector<16xi32>
      %add3A_173 = arith.addi %shift_left3A_166, %mul3A_172 : vector<16xi32>
      %add3A_174 = arith.addi %add3A_173, %min3A_148 : vector<16xi32>
      %shift_right_arithmetic3A_175 = arith.constant 7 : i32
      %shift_right_arithmetic3A_176 = vector.broadcast %shift_right_arithmetic3A_175 : i32 to vector<16xi32>
      %shift_right_arithmetic3A_177 = arith.shrsi %min3A_148, %shift_right_arithmetic3A_176 : vector<16xi32>
      %mul3A_178 = arith.constant 896 : i32
      %mul3A_179 = vector.broadcast %mul3A_178 : i32 to vector<16xi32>
      %mul3A_180 = arith.muli %shift_right_arithmetic3A_177, %mul3A_179 : vector<16xi32>
      %add3A_181 = arith.addi %add3A_174, %mul3A_180 : vector<16xi32>
      %mul3A_182 = arith.constant 16 : i32
      %mul3A_183 = arith.muli %scan3A_122, %mul3A_182 : i32
      %swap3A = arith.index_cast %mul3A_183 : i32 to index
      %swap3A_184 = tpu.vector_load %arg6[%swap3A] {strides = array<i32>} : memref<4096xi32, #tpu.memory_space<vmem>>, vector<16xi32>,
      tpu.vector_store %arg6[%swap3A], %add3A_181 {strides = array<i32>} : memref<4096xi32, #tpu.memory_space<vmem>>, vector<16xi32>,
      %scan3A_185 = arith.constant 1 : i32
      %scan3A_186 = arith.addi %scan3A_122, %scan3A_185 : i32
      %add3A_187 = arith.constant 0 : i32
      %add3A_188 = arith.addi %add3A_187, %scan3A_186 : i32
      %shift_right_arithmetic3A_189 = arith.constant 3 : i32
      %shift_right_arithmetic3A_190 = arith.shrsi %add3A_188, %shift_right_arithmetic3A_189 : i32
      %mul3A_191 = arith.constant 256 : i32
      %mul3A_192 = arith.muli %shift_right_arithmetic3A_190, %mul3A_191 : i32
      %and3A_193 = arith.constant 7 : i32
      %and3A_194 = arith.andi %add3A_188, %and3A_193 : i32
      %mul3A_195 = arith.constant 16 : i32
      %mul3A_196 = arith.muli %and3A_194, %mul3A_195 : i32
      %add3A_197 = arith.addi %mul3A_192, %mul3A_196 : i32
      %get3A_198 = arith.index_cast %add3A_197 : i32 to index
      %get3A_199 = tpu.vector_load %arg5[%get3A_198] {strides = array<i32>} : memref<65536xf32, #tpu.memory_space<vmem>>, vector<16xf32>,
      %add3A_200 = arith.constant 128 : i32
      %add3A_201 = arith.addi %add3A_197, %add3A_200 : i32
      %get3A_202 = arith.index_cast %add3A_201 : i32 to index
      %get3A_203 = tpu.vector_load %arg5[%get3A_202] {strides = array<i32>} : memref<65536xf32, #tpu.memory_space<vmem>>, vector<16xf32>,
      %mul3A_204 = arith.constant 4.096000e+03 : f32
      %mul3A_205 = vector.broadcast %mul3A_204 : f32 to vector<16xf32>
      %mul3A_206 = arith.mulf %get3A_199, %mul3A_205 : vector<16xf32>
      %add3A_207 = arith.constant 0x4B401000 : f32
      %add3A_208 = vector.broadcast %add3A_207 : f32 to vector<16xf32>
      %add3A_209 = arith.addf %mul3A_206, %add3A_208 : vector<16xf32>
      %convert_element_type3A_210 = arith.fptosi %add3A_209 : vector<16xf32> to vector<16xi32>
      %sub3A_211 = arith.constant 12582912 : i32
      %sub3A_212 = vector.broadcast %sub3A_211 : i32 to vector<16xi32>
      %sub3A_213 = arith.subi %convert_element_type3A_210, %sub3A_212 : vector<16xi32>
      %max3A_214 = arith.constant 0 : i32
      %max3A_215 = vector.broadcast %max3A_214 : i32 to vector<16xi32>
      %max3A_216 = arith.maxsi %sub3A_213, %max3A_215 : vector<16xi32>
      %min3A_217 = arith.constant 8191 : i32
      %min3A_218 = vector.broadcast %min3A_217 : i32 to vector<16xi32>
      %min3A_219 = arith.minsi %max3A_216, %min3A_218 : vector<16xi32>
      %mul3A_220 = arith.constant 2.048000e+03 : f32
      %mul3A_221 = vector.broadcast %mul3A_220 : f32 to vector<16xf32>
      %mul3A_222 = arith.mulf %get3A_203, %mul3A_221 : vector<16xf32>
      %add3A_223 = arith.constant 0x4B400800 : f32
      %add3A_224 = vector.broadcast %add3A_223 : f32 to vector<16xf32>
      %add3A_225 = arith.addf %mul3A_222, %add3A_224 : vector<16xf32>
      %convert_element_type3A_226 = arith.fptosi %add3A_225 : vector<16xf32> to vector<16xi32>
      %sub3A_227 = arith.constant 12582912 : i32
      %sub3A_228 = vector.broadcast %sub3A_227 : i32 to vector<16xi32>
      %sub3A_229 = arith.subi %convert_element_type3A_226, %sub3A_228 : vector<16xi32>
      %max3A_230 = arith.constant 0 : i32
      %max3A_231 = vector.broadcast %max3A_230 : i32 to vector<16xi32>
      %max3A_232 = arith.maxsi %sub3A_229, %max3A_231 : vector<16xi32>
      %min3A_233 = arith.constant 4095 : i32
      %min3A_234 = vector.broadcast %min3A_233 : i32 to vector<16xi32>
      %min3A_235 = arith.minsi %max3A_232, %min3A_234 : vector<16xi32>
      %shift_left3A_236 = arith.constant 7 : i32
      %shift_left3A_237 = vector.broadcast %shift_left3A_236 : i32 to vector<16xi32>
      %shift_left3A_238 = arith.shli %min3A_235, %shift_left3A_237 : vector<16xi32>
      %shift_right_arithmetic3A_239 = arith.constant 3 : i32
      %shift_right_arithmetic3A_240 = vector.broadcast %shift_right_arithmetic3A_239 : i32 to vector<16xi32>
      %shift_right_arithmetic3A_241 = arith.shrsi %min3A_235, %shift_right_arithmetic3A_240 : vector<16xi32>
      %mul3A_242 = arith.constant 64512 : i32
      %mul3A_243 = vector.broadcast %mul3A_242 : i32 to vector<16xi32>
      %mul3A_244 = arith.muli %shift_right_arithmetic3A_241, %mul3A_243 : vector<16xi32>
      %add3A_245 = arith.addi %shift_left3A_238, %mul3A_244 : vector<16xi32>
      %add3A_246 = arith.addi %add3A_245, %min3A_219 : vector<16xi32>
      %shift_right_arithmetic3A_247 = arith.constant 7 : i32
      %shift_right_arithmetic3A_248 = vector.broadcast %shift_right_arithmetic3A_247 : i32 to vector<16xi32>
      %shift_right_arithmetic3A_249 = arith.shrsi %min3A_219, %shift_right_arithmetic3A_248 : vector<16xi32>
      %mul3A_250 = arith.constant 896 : i32
      %mul3A_251 = vector.broadcast %mul3A_250 : i32 to vector<16xi32>
      %mul3A_252 = arith.muli %shift_right_arithmetic3A_249, %mul3A_251 : vector<16xi32>
      %add3A_253 = arith.addi %add3A_246, %mul3A_252 : vector<16xi32>
      %mul3A_254 = arith.constant 16 : i32
      %mul3A_255 = arith.muli %scan3A_186, %mul3A_254 : i32
      %swap3A_256 = arith.index_cast %mul3A_255 : i32 to index
      %swap3A_257 = tpu.vector_load %arg6[%swap3A_256] {strides = array<i32>} : memref<4096xi32, #tpu.memory_space<vmem>>, vector<16xi32>,
      tpu.vector_store %arg6[%swap3A_256], %add3A_253 {strides = array<i32>} : memref<4096xi32, #tpu.memory_space<vmem>>, vector<16xi32>,
      %scan3A_258 = arith.constant 2 : i32
      %scan3A_259 = arith.addi %scan3A_122, %scan3A_258 : i32
      %add3A_260 = arith.constant 0 : i32
      %add3A_261 = arith.addi %add3A_260, %scan3A_259 : i32
      %shift_right_arithmetic3A_262 = arith.constant 3 : i32
      %shift_right_arithmetic3A_263 = arith.shrsi %add3A_261, %shift_right_arithmetic3A_262 : i32
      %mul3A_264 = arith.constant 256 : i32
      %mul3A_265 = arith.muli %shift_right_arithmetic3A_263, %mul3A_264 : i32
      %and3A_266 = arith.constant 7 : i32
      %and3A_267 = arith.andi %add3A_261, %and3A_266 : i32
      %mul3A_268 = arith.constant 16 : i32
      %mul3A_269 = arith.muli %and3A_267, %mul3A_268 : i32
      %add3A_270 = arith.addi %mul3A_265, %mul3A_269 : i32
      %get3A_271 = arith.index_cast %add3A_270 : i32 to index
      %get3A_272 = tpu.vector_load %arg5[%get3A_271] {strides = array<i32>} : memref<65536xf32, #tpu.memory_space<vmem>>, vector<16xf32>,
      %add3A_273 = arith.constant 128 : i32
      %add3A_274 = arith.addi %add3A_270, %add3A_273 : i32
      %get3A_275 = arith.index_cast %add3A_274 : i32 to index
      %get3A_276 = tpu.vector_load %arg5[%get3A_275] {strides = array<i32>} : memref<65536xf32, #tpu.memory_space<vmem>>, vector<16xf32>,
      %mul3A_277 = arith.constant 4.096000e+03 : f32
      %mul3A_278 = vector.broadcast %mul3A_277 : f32 to vector<16xf32>
      %mul3A_279 = arith.mulf %get3A_272, %mul3A_278 : vector<16xf32>
      %add3A_280 = arith.constant 0x4B401000 : f32
      %add3A_281 = vector.broadcast %add3A_280 : f32 to vector<16xf32>
      %add3A_282 = arith.addf %mul3A_279, %add3A_281 : vector<16xf32>
      %convert_element_type3A_283 = arith.fptosi %add3A_282 : vector<16xf32> to vector<16xi32>
      %sub3A_284 = arith.constant 12582912 : i32
      %sub3A_285 = vector.broadcast %sub3A_284 : i32 to vector<16xi32>
      %sub3A_286 = arith.subi %convert_element_type3A_283, %sub3A_285 : vector<16xi32>
      %max3A_287 = arith.constant 0 : i32
      %max3A_288 = vector.broadcast %max3A_287 : i32 to vector<16xi32>
      %max3A_289 = arith.maxsi %sub3A_286, %max3A_288 : vector<16xi32>
      %min3A_290 = arith.constant 8191 : i32
      %min3A_291 = vector.broadcast %min3A_290 : i32 to vector<16xi32>
      %min3A_292 = arith.minsi %max3A_289, %min3A_291 : vector<16xi32>
      %mul3A_293 = arith.constant 2.048000e+03 : f32
      %mul3A_294 = vector.broadcast %mul3A_293 : f32 to vector<16xf32>
      %mul3A_295 = arith.mulf %get3A_276, %mul3A_294 : vector<16xf32>
      %add3A_296 = arith.constant 0x4B400800 : f32
      %add3A_297 = vector.broadcast %add3A_296 : f32 to vector<16xf32>
      %add3A_298 = arith.addf %mul3A_295, %add3A_297 : vector<16xf32>
      %convert_element_type3A_299 = arith.fptosi %add3A_298 : vector<16xf32> to vector<16xi32>
      %sub3A_300 = arith.constant 12582912 : i32
      %sub3A_301 = vector.broadcast %sub3A_300 : i32 to vector<16xi32>
      %sub3A_302 = arith.subi %convert_element_type3A_299, %sub3A_301 : vector<16xi32>
      %max3A_303 = arith.constant 0 : i32
      %max3A_304 = vector.broadcast %max3A_303 : i32 to vector<16xi32>
      %max3A_305 = arith.maxsi %sub3A_302, %max3A_304 : vector<16xi32>
      %min3A_306 = arith.constant 4095 : i32
      %min3A_307 = vector.broadcast %min3A_306 : i32 to vector<16xi32>
      %min3A_308 = arith.minsi %max3A_305, %min3A_307 : vector<16xi32>
      %shift_left3A_309 = arith.constant 7 : i32
      %shift_left3A_310 = vector.broadcast %shift_left3A_309 : i32 to vector<16xi32>
      %shift_left3A_311 = arith.shli %min3A_308, %shift_left3A_310 : vector<16xi32>
      %shift_right_arithmetic3A_312 = arith.constant 3 : i32
      %shift_right_arithmetic3A_313 = vector.broadcast %shift_right_arithmetic3A_312 : i32 to vector<16xi32>
      %shift_right_arithmetic3A_314 = arith.shrsi %min3A_308, %shift_right_arithmetic3A_313 : vector<16xi32>
      %mul3A_315 = arith.constant 64512 : i32
      %mul3A_316 = vector.broadcast %mul3A_315 : i32 to vector<16xi32>
      %mul3A_317 = arith.muli %shift_right_arithmetic3A_314, %mul3A_316 : vector<16xi32>
      %add3A_318 = arith.addi %shift_left3A_311, %mul3A_317 : vector<16xi32>
      %add3A_319 = arith.addi %add3A_318, %min3A_292 : vector<16xi32>
      %shift_right_arithmetic3A_320 = arith.constant 7 : i32
      %shift_right_arithmetic3A_321 = vector.broadcast %shift_right_arithmetic3A_320 : i32 to vector<16xi32>
      %shift_right_arithmetic3A_322 = arith.shrsi %min3A_292, %shift_right_arithmetic3A_321 : vector<16xi32>
      %mul3A_323 = arith.constant 896 : i32
      %mul3A_324 = vector.broadcast %mul3A_323 : i32 to vector<16xi32>
      %mul3A_325 = arith.muli %shift_right_arithmetic3A_322, %mul3A_324 : vector<16xi32>
      %add3A_326 = arith.addi %add3A_319, %mul3A_325 : vector<16xi32>
      %mul3A_327 = arith.constant 16 : i32
      %mul3A_328 = arith.muli %scan3A_259, %mul3A_327 : i32
      %swap3A_329 = arith.index_cast %mul3A_328 : i32 to index
      %swap3A_330 = tpu.vector_load %arg6[%swap3A_329] {strides = array<i32>} : memref<4096xi32, #tpu.memory_space<vmem>>, vector<16xi32>,
      tpu.vector_store %arg6[%swap3A_329], %add3A_326 {strides = array<i32>} : memref<4096xi32, #tpu.memory_space<vmem>>, vector<16xi32>,
      %scan3A_331 = arith.constant 3 : i32
      %scan3A_332 = arith.addi %scan3A_122, %scan3A_331 : i32
      %add3A_333 = arith.constant 0 : i32
      %add3A_334 = arith.addi %add3A_333, %scan3A_332 : i32
      %shift_right_arithmetic3A_335 = arith.constant 3 : i32
      %shift_right_arithmetic3A_336 = arith.shrsi %add3A_334, %shift_right_arithmetic3A_335 : i32
      %mul3A_337 = arith.constant 256 : i32
      %mul3A_338 = arith.muli %shift_right_arithmetic3A_336, %mul3A_337 : i32
      %and3A_339 = arith.constant 7 : i32
      %and3A_340 = arith.andi %add3A_334, %and3A_339 : i32
      %mul3A_341 = arith.constant 16 : i32
      %mul3A_342 = arith.muli %and3A_340, %mul3A_341 : i32
      %add3A_343 = arith.addi %mul3A_338, %mul3A_342 : i32
      %get3A_344 = arith.index_cast %add3A_343 : i32 to index
      %get3A_345 = tpu.vector_load %arg5[%get3A_344] {strides = array<i32>} : memref<65536xf32, #tpu.memory_space<vmem>>, vector<16xf32>,
      %add3A_346 = arith.constant 128 : i32
      %add3A_347 = arith.addi %add3A_343, %add3A_346 : i32
      %get3A_348 = arith.index_cast %add3A_347 : i32 to index
      %get3A_349 = tpu.vector_load %arg5[%get3A_348] {strides = array<i32>} : memref<65536xf32, #tpu.memory_space<vmem>>, vector<16xf32>,
      %mul3A_350 = arith.constant 4.096000e+03 : f32
      %mul3A_351 = vector.broadcast %mul3A_350 : f32 to vector<16xf32>
      %mul3A_352 = arith.mulf %get3A_345, %mul3A_351 : vector<16xf32>
      %add3A_353 = arith.constant 0x4B401000 : f32
      %add3A_354 = vector.broadcast %add3A_353 : f32 to vector<16xf32>
      %add3A_355 = arith.addf %mul3A_352, %add3A_354 : vector<16xf32>
      %convert_element_type3A_356 = arith.fptosi %add3A_355 : vector<16xf32> to vector<16xi32>
      %sub3A_357 = arith.constant 12582912 : i32
      %sub3A_358 = vector.broadcast %sub3A_357 : i32 to vector<16xi32>
      %sub3A_359 = arith.subi %convert_element_type3A_356, %sub3A_358 : vector<16xi32>
      %max3A_360 = arith.constant 0 : i32
      %max3A_361 = vector.broadcast %max3A_360 : i32 to vector<16xi32>
      %max3A_362 = arith.maxsi %sub3A_359, %max3A_361 : vector<16xi32>
      %min3A_363 = arith.constant 8191 : i32
      %min3A_364 = vector.broadcast %min3A_363 : i32 to vector<16xi32>
      %min3A_365 = arith.minsi %max3A_362, %min3A_364 : vector<16xi32>
      %mul3A_366 = arith.constant 2.048000e+03 : f32
      %mul3A_367 = vector.broadcast %mul3A_366 : f32 to vector<16xf32>
      %mul3A_368 = arith.mulf %get3A_349, %mul3A_367 : vector<16xf32>
      %add3A_369 = arith.constant 0x4B400800 : f32
      %add3A_370 = vector.broadcast %add3A_369 : f32 to vector<16xf32>
      %add3A_371 = arith.addf %mul3A_368, %add3A_370 : vector<16xf32>
      %convert_element_type3A_372 = arith.fptosi %add3A_371 : vector<16xf32> to vector<16xi32>
      %sub3A_373 = arith.constant 12582912 : i32
      %sub3A_374 = vector.broadcast %sub3A_373 : i32 to vector<16xi32>
      %sub3A_375 = arith.subi %convert_element_type3A_372, %sub3A_374 : vector<16xi32>
      %max3A_376 = arith.constant 0 : i32
      %max3A_377 = vector.broadcast %max3A_376 : i32 to vector<16xi32>
      %max3A_378 = arith.maxsi %sub3A_375, %max3A_377 : vector<16xi32>
      %min3A_379 = arith.constant 4095 : i32
      %min3A_380 = vector.broadcast %min3A_379 : i32 to vector<16xi32>
      %min3A_381 = arith.minsi %max3A_378, %min3A_380 : vector<16xi32>
      %shift_left3A_382 = arith.constant 7 : i32
      %shift_left3A_383 = vector.broadcast %shift_left3A_382 : i32 to vector<16xi32>
      %shift_left3A_384 = arith.shli %min3A_381, %shift_left3A_383 : vector<16xi32>
      %shift_right_arithmetic3A_385 = arith.constant 3 : i32
      %shift_right_arithmetic3A_386 = vector.broadcast %shift_right_arithmetic3A_385 : i32 to vector<16xi32>
      %shift_right_arithmetic3A_387 = arith.shrsi %min3A_381, %shift_right_arithmetic3A_386 : vector<16xi32>
      %mul3A_388 = arith.constant 64512 : i32
      %mul3A_389 = vector.broadcast %mul3A_388 : i32 to vector<16xi32>
      %mul3A_390 = arith.muli %shift_right_arithmetic3A_387, %mul3A_389 : vector<16xi32>
      %add3A_391 = arith.addi %shift_left3A_384, %mul3A_390 : vector<16xi32>
      %add3A_392 = arith.addi %add3A_391, %min3A_365 : vector<16xi32>
      %shift_right_arithmetic3A_393 = arith.constant 7 : i32
      %shift_right_arithmetic3A_394 = vector.broadcast %shift_right_arithmetic3A_393 : i32 to vector<16xi32>
      %shift_right_arithmetic3A_395 = arith.shrsi %min3A_365, %shift_right_arithmetic3A_394 : vector<16xi32>
      %mul3A_396 = arith.constant 896 : i32
      %mul3A_397 = vector.broadcast %mul3A_396 : i32 to vector<16xi32>
      %mul3A_398 = arith.muli %shift_right_arithmetic3A_395, %mul3A_397 : vector<16xi32>
      %add3A_399 = arith.addi %add3A_392, %mul3A_398 : vector<16xi32>
      %mul3A_400 = arith.constant 16 : i32
      %mul3A_401 = arith.muli %scan3A_332, %mul3A_400 : i32
      %swap3A_402 = arith.index_cast %mul3A_401 : i32 to index
      %swap3A_403 = tpu.vector_load %arg6[%swap3A_402] {strides = array<i32>} : memref<4096xi32, #tpu.memory_space<vmem>>, vector<16xi32>,
      tpu.vector_store %arg6[%swap3A_402], %add3A_399 {strides = array<i32>} : memref<4096xi32, #tpu.memory_space<vmem>>, vector<16xi32>,
    }
    %scan3A_11 = arith.constant 256 : i32
    %dma_start3A_12 = arith.constant 0 : i32
    %dma_start3A_13 = tpu.memref_slice %arg10[%dma_start3A_12] : memref<32768xf32, #tpu.memory_space<vmem>> -> memref<4096xf32, #tpu.memory_space<vmem>>
    %dma_start3A_14 = arith.constant 0 : i32
    %dma_start3A_15 = tpu.memref_slice %arg3[%dma_start3A_14] : memref<33554432xf32, #tpu.memory_space<hbm>> -> memref<33554432xf32, #tpu.memory_space<hbm>>
    tpu.enqueue_indirect_dma source(%dma_start3A_15 : memref<33554432xf32, #tpu.memory_space<hbm>>) target(%dma_start3A_13 : memref<4096xf32, #tpu.memory_space<vmem>>) offsets(%arg6 : memref<4096xi32, #tpu.memory_space<vmem>>) semaphore(%arg12 : memref<!tpu.dma_semaphore, #tpu.memory_space<semaphore_mem>>)
    %scan3A_16 = arith.constant 0 : i32
    %scan3A_17 = arith.constant 0 : i32
    %scan3A_18 = arith.constant 256 : i32
    %scan3A_19 = arith.addi %scan3A_17, %scan3A_18 : i32
    %scan3A_20 = arith.constant 4 : i32
    scf.for %scan3A_122 = %scan3A_17 to %scan3A_19 step %scan3A_20  : i32 {
      %add3A_123 = arith.constant 256 : i32
      %add3A_124 = arith.addi %add3A_123, %scan3A_122 : i32
      %shift_right_arithmetic3A = arith.constant 3 : i32
      %shift_right_arithmetic3A_125 = arith.shrsi %add3A_124, %shift_right_arithmetic3A : i32
      %mul3A_126 = arith.constant 256 : i32
      %mul3A_127 = arith.muli %shift_right_arithmetic3A_125, %mul3A_126 : i32
      %and3A = arith.constant 7 : i32
      %and3A_128 = arith.andi %add3A_124, %and3A : i32
      %mul3A_129 = arith.constant 16 : i32
      %mul3A_130 = arith.muli %and3A_128, %mul3A_129 : i32
      %add3A_131 = arith.addi %mul3A_127, %mul3A_130 : i32
      %get3A = arith.index_cast %add3A_131 : i32 to index
      %get3A_132 = tpu.vector_load %arg5[%get3A] {strides = array<i32>} : memref<65536xf32, #tpu.memory_space<vmem>>, vector<16xf32>,
      %add3A_133 = arith.constant 128 : i32
      %add3A_134 = arith.addi %add3A_131, %add3A_133 : i32
      %get3A_135 = arith.index_cast %add3A_134 : i32 to index
      %get3A_136 = tpu.vector_load %arg5[%get3A_135] {strides = array<i32>} : memref<65536xf32, #tpu.memory_space<vmem>>, vector<16xf32>,
      %mul3A_137 = arith.constant 4.096000e+03 : f32
      %mul3A_138 = vector.broadcast %mul3A_137 : f32 to vector<16xf32>
      %mul3A_139 = arith.mulf %get3A_132, %mul3A_138 : vector<16xf32>
      %add3A_140 = arith.constant 0x4B401000 : f32
      %add3A_141 = vector.broadcast %add3A_140 : f32 to vector<16xf32>
      %add3A_142 = arith.addf %mul3A_139, %add3A_141 : vector<16xf32>
      %convert_element_type3A = arith.fptosi %add3A_142 : vector<16xf32> to vector<16xi32>
      %sub3A = arith.constant 12582912 : i32
      %sub3A_143 = vector.broadcast %sub3A : i32 to vector<16xi32>
      %sub3A_144 = arith.subi %convert_element_type3A, %sub3A_143 : vector<16xi32>
      %max3A = arith.constant 0 : i32
      %max3A_145 = vector.broadcast %max3A : i32 to vector<16xi32>
      %max3A_146 = arith.maxsi %sub3A_144, %max3A_145 : vector<16xi32>
      %min3A = arith.constant 8191 : i32
      %min3A_147 = vector.broadcast %min3A : i32 to vector<16xi32>
      %min3A_148 = arith.minsi %max3A_146, %min3A_147 : vector<16xi32>
      %mul3A_149 = arith.constant 2.048000e+03 : f32
      %mul3A_150 = vector.broadcast %mul3A_149 : f32 to vector<16xf32>
      %mul3A_151 = arith.mulf %get3A_136, %mul3A_150 : vector<16xf32>
      %add3A_152 = arith.constant 0x4B400800 : f32
      %add3A_153 = vector.broadcast %add3A_152 : f32 to vector<16xf32>
      %add3A_154 = arith.addf %mul3A_151, %add3A_153 : vector<16xf32>
      %convert_element_type3A_155 = arith.fptosi %add3A_154 : vector<16xf32> to vector<16xi32>
      %sub3A_156 = arith.constant 12582912 : i32
      %sub3A_157 = vector.broadcast %sub3A_156 : i32 to vector<16xi32>
      %sub3A_158 = arith.subi %convert_element_type3A_155, %sub3A_157 : vector<16xi32>
      %max3A_159 = arith.constant 0 : i32
      %max3A_160 = vector.broadcast %max3A_159 : i32 to vector<16xi32>
      %max3A_161 = arith.maxsi %sub3A_158, %max3A_160 : vector<16xi32>
      %min3A_162 = arith.constant 4095 : i32
      %min3A_163 = vector.broadcast %min3A_162 : i32 to vector<16xi32>
      %min3A_164 = arith.minsi %max3A_161, %min3A_163 : vector<16xi32>
      %shift_left3A = arith.constant 7 : i32
      %shift_left3A_165 = vector.broadcast %shift_left3A : i32 to vector<16xi32>
      %shift_left3A_166 = arith.shli %min3A_164, %shift_left3A_165 : vector<16xi32>
      %shift_right_arithmetic3A_167 = arith.constant 3 : i32
      %shift_right_arithmetic3A_168 = vector.broadcast %shift_right_arithmetic3A_167 : i32 to vector<16xi32>
      %shift_right_arithmetic3A_169 = arith.shrsi %min3A_164, %shift_right_arithmetic3A_168 : vector<16xi32>
      %mul3A_170 = arith.constant 64512 : i32
      %mul3A_171 = vector.broadcast %mul3A_170 : i32 to vector<16xi32>
      %mul3A_172 = arith.muli %shift_right_arithmetic3A_169, %mul3A_171 : vector<16xi32>
      %add3A_173 = arith.addi %shift_left3A_166, %mul3A_172 : vector<16xi32>
      %add3A_174 = arith.addi %add3A_173, %min3A_148 : vector<16xi32>
      %shift_right_arithmetic3A_175 = arith.constant 7 : i32
      %shift_right_arithmetic3A_176 = vector.broadcast %shift_right_arithmetic3A_175 : i32 to vector<16xi32>
      %shift_right_arithmetic3A_177 = arith.shrsi %min3A_148, %shift_right_arithmetic3A_176 : vector<16xi32>
      %mul3A_178 = arith.constant 896 : i32
      %mul3A_179 = vector.broadcast %mul3A_178 : i32 to vector<16xi32>
      %mul3A_180 = arith.muli %shift_right_arithmetic3A_177, %mul3A_179 : vector<16xi32>
      %add3A_181 = arith.addi %add3A_174, %mul3A_180 : vector<16xi32>
      %mul3A_182 = arith.constant 16 : i32
      %mul3A_183 = arith.muli %scan3A_122, %mul3A_182 : i32
      %swap3A = arith.index_cast %mul3A_183 : i32 to index
      %swap3A_184 = tpu.vector_load %arg7[%swap3A] {strides = array<i32>} : memref<4096xi32, #tpu.memory_space<vmem>>, vector<16xi32>,
      tpu.vector_store %arg7[%swap3A], %add3A_181 {strides = array<i32>} : memref<4096xi32, #tpu.memory_space<vmem>>, vector<16xi32>,
      %scan3A_185 = arith.constant 1 : i32
      %scan3A_186 = arith.addi %scan3A_122, %scan3A_185 : i32
      %add3A_187 = arith.constant 256 : i32
      %add3A_188 = arith.addi %add3A_187, %scan3A_186 : i32
      %shift_right_arithmetic3A_189 = arith.constant 3 : i32
      %shift_right_arithmetic3A_190 = arith.shrsi %add3A_188, %shift_right_arithmetic3A_189 : i32
      %mul3A_191 = arith.constant 256 : i32
      %mul3A_192 = arith.muli %shift_right_arithmetic3A_190, %mul3A_191 : i32
      %and3A_193 = arith.constant 7 : i32
      %and3A_194 = arith.andi %add3A_188, %and3A_193 : i32
      %mul3A_195 = arith.constant 16 : i32
      %mul3A_196 = arith.muli %and3A_194, %mul3A_195 : i32
      %add3A_197 = arith.addi %mul3A_192, %mul3A_196 : i32
      %get3A_198 = arith.index_cast %add3A_197 : i32 to index
      %get3A_199 = tpu.vector_load %arg5[%get3A_198] {strides = array<i32>} : memref<65536xf32, #tpu.memory_space<vmem>>, vector<16xf32>,
      %add3A_200 = arith.constant 128 : i32
      %add3A_201 = arith.addi %add3A_197, %add3A_200 : i32
      %get3A_202 = arith.index_cast %add3A_201 : i32 to index
      %get3A_203 = tpu.vector_load %arg5[%get3A_202] {strides = array<i32>} : memref<65536xf32, #tpu.memory_space<vmem>>, vector<16xf32>,
      %mul3A_204 = arith.constant 4.096000e+03 : f32
      %mul3A_205 = vector.broadcast %mul3A_204 : f32 to vector<16xf32>
      %mul3A_206 = arith.mulf %get3A_199, %mul3A_205 : vector<16xf32>
      %add3A_207 = arith.constant 0x4B401000 : f32
      %add3A_208 = vector.broadcast %add3A_207 : f32 to vector<16xf32>
      %add3A_209 = arith.addf %mul3A_206, %add3A_208 : vector<16xf32>
      %convert_element_type3A_210 = arith.fptosi %add3A_209 : vector<16xf32> to vector<16xi32>
      %sub3A_211 = arith.constant 12582912 : i32
      %sub3A_212 = vector.broadcast %sub3A_211 : i32 to vector<16xi32>
      %sub3A_213 = arith.subi %convert_element_type3A_210, %sub3A_212 : vector<16xi32>
      %max3A_214 = arith.constant 0 : i32
      %max3A_215 = vector.broadcast %max3A_214 : i32 to vector<16xi32>
      %max3A_216 = arith.maxsi %sub3A_213, %max3A_215 : vector<16xi32>
      %min3A_217 = arith.constant 8191 : i32
      %min3A_218 = vector.broadcast %min3A_217 : i32 to vector<16xi32>
      %min3A_219 = arith.minsi %max3A_216, %min3A_218 : vector<16xi32>
      %mul3A_220 = arith.constant 2.048000e+03 : f32
      %mul3A_221 = vector.broadcast %mul3A_220 : f32 to vector<16xf32>
      %mul3A_222 = arith.mulf %get3A_203, %mul3A_221 : vector<16xf32>
      %add3A_223 = arith.constant 0x4B400800 : f32
      %add3A_224 = vector.broadcast %add3A_223 : f32 to vector<16xf32>
      %add3A_225 = arith.addf %mul3A_222, %add3A_224 : vector<16xf32>
      %convert_element_type3A_226 = arith.fptosi %add3A_225 : vector<16xf32> to vector<16xi32>
      %sub3A_227 = arith.constant 12582912 : i32
      %sub3A_228 = vector.broadcast %sub3A_227 : i32 to vector<16xi32>
      %sub3A_229 = arith.subi %convert_element_type3A_226, %sub3A_228 : vector<16xi32>
      %max3A_230 = arith.constant 0 : i32
      %max3A_231 = vector.broadcast %max3A_230 : i32 to vector<16xi32>
      %max3A_232 = arith.maxsi %sub3A_229, %max3A_231 : vector<16xi32>
      %min3A_233 = arith.constant 4095 : i32
      %min3A_234 = vector.broadcast %min3A_233 : i32 to vector<16xi32>
      %min3A_235 = arith.minsi %max3A_232, %min3A_234 : vector<16xi32>
      %shift_left3A_236 = arith.constant 7 : i32
      %shift_left3A_237 = vector.broadcast %shift_left3A_236 : i32 to vector<16xi32>
      %shift_left3A_238 = arith.shli %min3A_235, %shift_left3A_237 : vector<16xi32>
      %shift_right_arithmetic3A_239 = arith.constant 3 : i32
      %shift_right_arithmetic3A_240 = vector.broadcast %shift_right_arithmetic3A_239 : i32 to vector<16xi32>
      %shift_right_arithmetic3A_241 = arith.shrsi %min3A_235, %shift_right_arithmetic3A_240 : vector<16xi32>
      %mul3A_242 = arith.constant 64512 : i32
      %mul3A_243 = vector.broadcast %mul3A_242 : i32 to vector<16xi32>
      %mul3A_244 = arith.muli %shift_right_arithmetic3A_241, %mul3A_243 : vector<16xi32>
      %add3A_245 = arith.addi %shift_left3A_238, %mul3A_244 : vector<16xi32>
      %add3A_246 = arith.addi %add3A_245, %min3A_219 : vector<16xi32>
      %shift_right_arithmetic3A_247 = arith.constant 7 : i32
      %shift_right_arithmetic3A_248 = vector.broadcast %shift_right_arithmetic3A_247 : i32 to vector<16xi32>
      %shift_right_arithmetic3A_249 = arith.shrsi %min3A_219, %shift_right_arithmetic3A_248 : vector<16xi32>
      %mul3A_250 = arith.constant 896 : i32
      %mul3A_251 = vector.broadcast %mul3A_250 : i32 to vector<16xi32>
      %mul3A_252 = arith.muli %shift_right_arithmetic3A_249, %mul3A_251 : vector<16xi32>
      %add3A_253 = arith.addi %add3A_246, %mul3A_252 : vector<16xi32>
      %mul3A_254 = arith.constant 16 : i32
      %mul3A_255 = arith.muli %scan3A_186, %mul3A_254 : i32
      %swap3A_256 = arith.index_cast %mul3A_255 : i32 to index
      %swap3A_257 = tpu.vector_load %arg7[%swap3A_256] {strides = array<i32>} : memref<4096xi32, #tpu.memory_space<vmem>>, vector<16xi32>,
      tpu.vector_store %arg7[%swap3A_256], %add3A_253 {strides = array<i32>} : memref<4096xi32, #tpu.memory_space<vmem>>, vector<16xi32>,
      %scan3A_258 = arith.constant 2 : i32
      %scan3A_259 = arith.addi %scan3A_122, %scan3A_258 : i32
      %add3A_260 = arith.constant 256 : i32
      %add3A_261 = arith.addi %add3A_260, %scan3A_259 : i32
      %shift_right_arithmetic3A_262 = arith.constant 3 : i32
      %shift_right_arithmetic3A_263 = arith.shrsi %add3A_261, %shift_right_arithmetic3A_262 : i32
      %mul3A_264 = arith.constant 256 : i32
      %mul3A_265 = arith.muli %shift_right_arithmetic3A_263, %mul3A_264 : i32
      %and3A_266 = arith.constant 7 : i32
      %and3A_267 = arith.andi %add3A_261, %and3A_266 : i32
      %mul3A_268 = arith.constant 16 : i32
      %mul3A_269 = arith.muli %and3A_267, %mul3A_268 : i32
      %add3A_270 = arith.addi %mul3A_265, %mul3A_269 : i32
      %get3A_271 = arith.index_cast %add3A_270 : i32 to index
      %get3A_272 = tpu.vector_load %arg5[%get3A_271] {strides = array<i32>} : memref<65536xf32, #tpu.memory_space<vmem>>, vector<16xf32>,
      %add3A_273 = arith.constant 128 : i32
      %add3A_274 = arith.addi %add3A_270, %add3A_273 : i32
      %get3A_275 = arith.index_cast %add3A_274 : i32 to index
      %get3A_276 = tpu.vector_load %arg5[%get3A_275] {strides = array<i32>} : memref<65536xf32, #tpu.memory_space<vmem>>, vector<16xf32>,
      %mul3A_277 = arith.constant 4.096000e+03 : f32
      %mul3A_278 = vector.broadcast %mul3A_277 : f32 to vector<16xf32>
      %mul3A_279 = arith.mulf %get3A_272, %mul3A_278 : vector<16xf32>
      %add3A_280 = arith.constant 0x4B401000 : f32
      %add3A_281 = vector.broadcast %add3A_280 : f32 to vector<16xf32>
      %add3A_282 = arith.addf %mul3A_279, %add3A_281 : vector<16xf32>
      %convert_element_type3A_283 = arith.fptosi %add3A_282 : vector<16xf32> to vector<16xi32>
      %sub3A_284 = arith.constant 12582912 : i32
      %sub3A_285 = vector.broadcast %sub3A_284 : i32 to vector<16xi32>
      %sub3A_286 = arith.subi %convert_element_type3A_283, %sub3A_285 : vector<16xi32>
      %max3A_287 = arith.constant 0 : i32
      %max3A_288 = vector.broadcast %max3A_287 : i32 to vector<16xi32>
      %max3A_289 = arith.maxsi %sub3A_286, %max3A_288 : vector<16xi32>
      %min3A_290 = arith.constant 8191 : i32
      %min3A_291 = vector.broadcast %min3A_290 : i32 to vector<16xi32>
      %min3A_292 = arith.minsi %max3A_289, %min3A_291 : vector<16xi32>
      %mul3A_293 = arith.constant 2.048000e+03 : f32
      %mul3A_294 = vector.broadcast %mul3A_293 : f32 to vector<16xf32>
      %mul3A_295 = arith.mulf %get3A_276, %mul3A_294 : vector<16xf32>
      %add3A_296 = arith.constant 0x4B400800 : f32
      %add3A_297 = vector.broadcast %add3A_296 : f32 to vector<16xf32>
      %add3A_298 = arith.addf %mul3A_295, %add3A_297 : vector<16xf32>
      %convert_element_type3A_299 = arith.fptosi %add3A_298 : vector<16xf32> to vector<16xi32>
      %sub3A_300 = arith.constant 12582912 : i32
      %sub3A_301 = vector.broadcast %sub3A_300 : i32 to vector<16xi32>
      %sub3A_302 = arith.subi %convert_element_type3A_299, %sub3A_301 : vector<16xi32>
      %max3A_303 = arith.constant 0 : i32
      %max3A_304 = vector.broadcast %max3A_303 : i32 to vector<16xi32>
      %max3A_305 = arith.maxsi %sub3A_302, %max3A_304 : vector<16xi32>
      %min3A_306 = arith.constant 4095 : i32
      %min3A_307 = vector.broadcast %min3A_306 : i32 to vector<16xi32>
      %min3A_308 = arith.minsi %max3A_305, %min3A_307 : vector<16xi32>
      %shift_left3A_309 = arith.constant 7 : i32
      %shift_left3A_310 = vector.broadcast %shift_left3A_309 : i32 to vector<16xi32>
      %shift_left3A_311 = arith.shli %min3A_308, %shift_left3A_310 : vector<16xi32>
      %shift_right_arithmetic3A_312 = arith.constant 3 : i32
      %shift_right_arithmetic3A_313 = vector.broadcast %shift_right_arithmetic3A_312 : i32 to vector<16xi32>
      %shift_right_arithmetic3A_314 = arith.shrsi %min3A_308, %shift_right_arithmetic3A_313 : vector<16xi32>
      %mul3A_315 = arith.constant 64512 : i32
      %mul3A_316 = vector.broadcast %mul3A_315 : i32 to vector<16xi32>
      %mul3A_317 = arith.muli %shift_right_arithmetic3A_314, %mul3A_316 : vector<16xi32>
      %add3A_318 = arith.addi %shift_left3A_311, %mul3A_317 : vector<16xi32>
      %add3A_319 = arith.addi %add3A_318, %min3A_292 : vector<16xi32>
      %shift_right_arithmetic3A_320 = arith.constant 7 : i32
      %shift_right_arithmetic3A_321 = vector.broadcast %shift_right_arithmetic3A_320 : i32 to vector<16xi32>
      %shift_right_arithmetic3A_322 = arith.shrsi %min3A_292, %shift_right_arithmetic3A_321 : vector<16xi32>
      %mul3A_323 = arith.constant 896 : i32
      %mul3A_324 = vector.broadcast %mul3A_323 : i32 to vector<16xi32>
      %mul3A_325 = arith.muli %shift_right_arithmetic3A_322, %mul3A_324 : vector<16xi32>
      %add3A_326 = arith.addi %add3A_319, %mul3A_325 : vector<16xi32>
      %mul3A_327 = arith.constant 16 : i32
      %mul3A_328 = arith.muli %scan3A_259, %mul3A_327 : i32
      %swap3A_329 = arith.index_cast %mul3A_328 : i32 to index
      %swap3A_330 = tpu.vector_load %arg7[%swap3A_329] {strides = array<i32>} : memref<4096xi32, #tpu.memory_space<vmem>>, vector<16xi32>,
      tpu.vector_store %arg7[%swap3A_329], %add3A_326 {strides = array<i32>} : memref<4096xi32, #tpu.memory_space<vmem>>, vector<16xi32>,
      %scan3A_331 = arith.constant 3 : i32
      %scan3A_332 = arith.addi %scan3A_122, %scan3A_331 : i32
      %add3A_333 = arith.constant 256 : i32
      %add3A_334 = arith.addi %add3A_333, %scan3A_332 : i32
      %shift_right_arithmetic3A_335 = arith.constant 3 : i32
      %shift_right_arithmetic3A_336 = arith.shrsi %add3A_334, %shift_right_arithmetic3A_335 : i32
      %mul3A_337 = arith.constant 256 : i32
      %mul3A_338 = arith.muli %shift_right_arithmetic3A_336, %mul3A_337 : i32
      %and3A_339 = arith.constant 7 : i32
      %and3A_340 = arith.andi %add3A_334, %and3A_339 : i32
      %mul3A_341 = arith.constant 16 : i32
      %mul3A_342 = arith.muli %and3A_340, %mul3A_341 : i32
      %add3A_343 = arith.addi %mul3A_338, %mul3A_342 : i32
      %get3A_344 = arith.index_cast %add3A_343 : i32 to index
      %get3A_345 = tpu.vector_load %arg5[%get3A_344] {strides = array<i32>} : memref<65536xf32, #tpu.memory_space<vmem>>, vector<16xf32>,
      %add3A_346 = arith.constant 128 : i32
      %add3A_347 = arith.addi %add3A_343, %add3A_346 : i32
      %get3A_348 = arith.index_cast %add3A_347 : i32 to index
      %get3A_349 = tpu.vector_load %arg5[%get3A_348] {strides = array<i32>} : memref<65536xf32, #tpu.memory_space<vmem>>, vector<16xf32>,
      %mul3A_350 = arith.constant 4.096000e+03 : f32
      %mul3A_351 = vector.broadcast %mul3A_350 : f32 to vector<16xf32>
      %mul3A_352 = arith.mulf %get3A_345, %mul3A_351 : vector<16xf32>
      %add3A_353 = arith.constant 0x4B401000 : f32
      %add3A_354 = vector.broadcast %add3A_353 : f32 to vector<16xf32>
      %add3A_355 = arith.addf %mul3A_352, %add3A_354 : vector<16xf32>
      %convert_element_type3A_356 = arith.fptosi %add3A_355 : vector<16xf32> to vector<16xi32>
      %sub3A_357 = arith.constant 12582912 : i32
      %sub3A_358 = vector.broadcast %sub3A_357 : i32 to vector<16xi32>
      %sub3A_359 = arith.subi %convert_element_type3A_356, %sub3A_358 : vector<16xi32>
      %max3A_360 = arith.constant 0 : i32
      %max3A_361 = vector.broadcast %max3A_360 : i32 to vector<16xi32>
      %max3A_362 = arith.maxsi %sub3A_359, %max3A_361 : vector<16xi32>
      %min3A_363 = arith.constant 8191 : i32
      %min3A_364 = vector.broadcast %min3A_363 : i32 to vector<16xi32>
      %min3A_365 = arith.minsi %max3A_362, %min3A_364 : vector<16xi32>
      %mul3A_366 = arith.constant 2.048000e+03 : f32
      %mul3A_367 = vector.broadcast %mul3A_366 : f32 to vector<16xf32>
      %mul3A_368 = arith.mulf %get3A_349, %mul3A_367 : vector<16xf32>
      %add3A_369 = arith.constant 0x4B400800 : f32
      %add3A_370 = vector.broadcast %add3A_369 : f32 to vector<16xf32>
      %add3A_371 = arith.addf %mul3A_368, %add3A_370 : vector<16xf32>
      %convert_element_type3A_372 = arith.fptosi %add3A_371 : vector<16xf32> to vector<16xi32>
      %sub3A_373 = arith.constant 12582912 : i32
      %sub3A_374 = vector.broadcast %sub3A_373 : i32 to vector<16xi32>
      %sub3A_375 = arith.subi %convert_element_type3A_372, %sub3A_374 : vector<16xi32>
      %max3A_376 = arith.constant 0 : i32
      %max3A_377 = vector.broadcast %max3A_376 : i32 to vector<16xi32>
      %max3A_378 = arith.maxsi %sub3A_375, %max3A_377 : vector<16xi32>
      %min3A_379 = arith.constant 4095 : i32
      %min3A_380 = vector.broadcast %min3A_379 : i32 to vector<16xi32>
      %min3A_381 = arith.minsi %max3A_378, %min3A_380 : vector<16xi32>
      %shift_left3A_382 = arith.constant 7 : i32
      %shift_left3A_383 = vector.broadcast %shift_left3A_382 : i32 to vector<16xi32>
      %shift_left3A_384 = arith.shli %min3A_381, %shift_left3A_383 : vector<16xi32>
      %shift_right_arithmetic3A_385 = arith.constant 3 : i32
      %shift_right_arithmetic3A_386 = vector.broadcast %shift_right_arithmetic3A_385 : i32 to vector<16xi32>
      %shift_right_arithmetic3A_387 = arith.shrsi %min3A_381, %shift_right_arithmetic3A_386 : vector<16xi32>
      %mul3A_388 = arith.constant 64512 : i32
      %mul3A_389 = vector.broadcast %mul3A_388 : i32 to vector<16xi32>
      %mul3A_390 = arith.muli %shift_right_arithmetic3A_387, %mul3A_389 : vector<16xi32>
      %add3A_391 = arith.addi %shift_left3A_384, %mul3A_390 : vector<16xi32>
      %add3A_392 = arith.addi %add3A_391, %min3A_365 : vector<16xi32>
      %shift_right_arithmetic3A_393 = arith.constant 7 : i32
      %shift_right_arithmetic3A_394 = vector.broadcast %shift_right_arithmetic3A_393 : i32 to vector<16xi32>
      %shift_right_arithmetic3A_395 = arith.shrsi %min3A_365, %shift_right_arithmetic3A_394 : vector<16xi32>
      %mul3A_396 = arith.constant 896 : i32
      %mul3A_397 = vector.broadcast %mul3A_396 : i32 to vector<16xi32>
      %mul3A_398 = arith.muli %shift_right_arithmetic3A_395, %mul3A_397 : vector<16xi32>
      %add3A_399 = arith.addi %add3A_392, %mul3A_398 : vector<16xi32>
      %mul3A_400 = arith.constant 16 : i32
      %mul3A_401 = arith.muli %scan3A_332, %mul3A_400 : i32
      %swap3A_402 = arith.index_cast %mul3A_401 : i32 to index
      %swap3A_403 = tpu.vector_load %arg7[%swap3A_402] {strides = array<i32>} : memref<4096xi32, #tpu.memory_space<vmem>>, vector<16xi32>,
      tpu.vector_store %arg7[%swap3A_402], %add3A_399 {strides = array<i32>} : memref<4096xi32, #tpu.memory_space<vmem>>, vector<16xi32>,
    }
    %scan3A_21 = arith.constant 256 : i32
    %dma_start3A_22 = arith.constant 4096 : i32
    %dma_start3A_23 = tpu.memref_slice %arg10[%dma_start3A_22] : memref<32768xf32, #tpu.memory_space<vmem>> -> memref<4096xf32, #tpu.memory_space<vmem>>
    %dma_start3A_24 = arith.constant 0 : i32
    %dma_start3A_25 = tpu.memref_slice %arg3[%dma_start3A_24] : memref<33554432xf32, #tpu.memory_space<hbm>> -> memref<33554432xf32, #tpu.memory_space<hbm>>
    tpu.enqueue_indirect_dma source(%dma_start3A_25 : memref<33554432xf32, #tpu.memory_space<hbm>>) target(%dma_start3A_23 : memref<4096xf32, #tpu.memory_space<vmem>>) offsets(%arg7 : memref<4096xi32, #tpu.memory_space<vmem>>) semaphore(%arg13 : memref<!tpu.dma_semaphore, #tpu.memory_space<semaphore_mem>>)
    %scan3A_26 = arith.constant 0 : i32
    %scan3A_27 = arith.constant 0 : i32
    %scan3A_28 = arith.constant 256 : i32
    %scan3A_29 = arith.addi %scan3A_27, %scan3A_28 : i32
    %scan3A_30 = arith.constant 4 : i32
    scf.for %scan3A_122 = %scan3A_27 to %scan3A_29 step %scan3A_30  : i32 {
      %add3A_123 = arith.constant 512 : i32
      %add3A_124 = arith.addi %add3A_123, %scan3A_122 : i32
      %shift_right_arithmetic3A = arith.constant 3 : i32
      %shift_right_arithmetic3A_125 = arith.shrsi %add3A_124, %shift_right_arithmetic3A : i32
      %mul3A_126 = arith.constant 256 : i32
      %mul3A_127 = arith.muli %shift_right_arithmetic3A_125, %mul3A_126 : i32
      %and3A = arith.constant 7 : i32
      %and3A_128 = arith.andi %add3A_124, %and3A : i32
      %mul3A_129 = arith.constant 16 : i32
      %mul3A_130 = arith.muli %and3A_128, %mul3A_129 : i32
      %add3A_131 = arith.addi %mul3A_127, %mul3A_130 : i32
      %get3A = arith.index_cast %add3A_131 : i32 to index
      %get3A_132 = tpu.vector_load %arg5[%get3A] {strides = array<i32>} : memref<65536xf32, #tpu.memory_space<vmem>>, vector<16xf32>,
      %add3A_133 = arith.constant 128 : i32
      %add3A_134 = arith.addi %add3A_131, %add3A_133 : i32
      %get3A_135 = arith.index_cast %add3A_134 : i32 to index
      %get3A_136 = tpu.vector_load %arg5[%get3A_135] {strides = array<i32>} : memref<65536xf32, #tpu.memory_space<vmem>>, vector<16xf32>,
      %mul3A_137 = arith.constant 4.096000e+03 : f32
      %mul3A_138 = vector.broadcast %mul3A_137 : f32 to vector<16xf32>
      %mul3A_139 = arith.mulf %get3A_132, %mul3A_138 : vector<16xf32>
      %add3A_140 = arith.constant 0x4B401000 : f32
      %add3A_141 = vector.broadcast %add3A_140 : f32 to vector<16xf32>
      %add3A_142 = arith.addf %mul3A_139, %add3A_141 : vector<16xf32>
      %convert_element_type3A = arith.fptosi %add3A_142 : vector<16xf32> to vector<16xi32>
      %sub3A = arith.constant 12582912 : i32
      %sub3A_143 = vector.broadcast %sub3A : i32 to vector<16xi32>
      %sub3A_144 = arith.subi %convert_element_type3A, %sub3A_143 : vector<16xi32>
      %max3A = arith.constant 0 : i32
      %max3A_145 = vector.broadcast %max3A : i32 to vector<16xi32>
      %max3A_146 = arith.maxsi %sub3A_144, %max3A_145 : vector<16xi32>
      %min3A = arith.constant 8191 : i32
      %min3A_147 = vector.broadcast %min3A : i32 to vector<16xi32>
      %min3A_148 = arith.minsi %max3A_146, %min3A_147 : vector<16xi32>
      %mul3A_149 = arith.constant 2.048000e+03 : f32
      %mul3A_150 = vector.broadcast %mul3A_149 : f32 to vector<16xf32>
      %mul3A_151 = arith.mulf %get3A_136, %mul3A_150 : vector<16xf32>
      %add3A_152 = arith.constant 0x4B400800 : f32
      %add3A_153 = vector.broadcast %add3A_152 : f32 to vector<16xf32>
      %add3A_154 = arith.addf %mul3A_151, %add3A_153 : vector<16xf32>
      %convert_element_type3A_155 = arith.fptosi %add3A_154 : vector<16xf32> to vector<16xi32>
      %sub3A_156 = arith.constant 12582912 : i32
      %sub3A_157 = vector.broadcast %sub3A_156 : i32 to vector<16xi32>
      %sub3A_158 = arith.subi %convert_element_type3A_155, %sub3A_157 : vector<16xi32>
      %max3A_159 = arith.constant 0 : i32
      %max3A_160 = vector.broadcast %max3A_159 : i32 to vector<16xi32>
      %max3A_161 = arith.maxsi %sub3A_158, %max3A_160 : vector<16xi32>
      %min3A_162 = arith.constant 4095 : i32
      %min3A_163 = vector.broadcast %min3A_162 : i32 to vector<16xi32>
      %min3A_164 = arith.minsi %max3A_161, %min3A_163 : vector<16xi32>
      %shift_left3A = arith.constant 7 : i32
      %shift_left3A_165 = vector.broadcast %shift_left3A : i32 to vector<16xi32>
      %shift_left3A_166 = arith.shli %min3A_164, %shift_left3A_165 : vector<16xi32>
      %shift_right_arithmetic3A_167 = arith.constant 3 : i32
      %shift_right_arithmetic3A_168 = vector.broadcast %shift_right_arithmetic3A_167 : i32 to vector<16xi32>
      %shift_right_arithmetic3A_169 = arith.shrsi %min3A_164, %shift_right_arithmetic3A_168 : vector<16xi32>
      %mul3A_170 = arith.constant 64512 : i32
      %mul3A_171 = vector.broadcast %mul3A_170 : i32 to vector<16xi32>
      %mul3A_172 = arith.muli %shift_right_arithmetic3A_169, %mul3A_171 : vector<16xi32>
      %add3A_173 = arith.addi %shift_left3A_166, %mul3A_172 : vector<16xi32>
      %add3A_174 = arith.addi %add3A_173, %min3A_148 : vector<16xi32>
      %shift_right_arithmetic3A_175 = arith.constant 7 : i32
      %shift_right_arithmetic3A_176 = vector.broadcast %shift_right_arithmetic3A_175 : i32 to vector<16xi32>
      %shift_right_arithmetic3A_177 = arith.shrsi %min3A_148, %shift_right_arithmetic3A_176 : vector<16xi32>
      %mul3A_178 = arith.constant 896 : i32
      %mul3A_179 = vector.broadcast %mul3A_178 : i32 to vector<16xi32>
      %mul3A_180 = arith.muli %shift_right_arithmetic3A_177, %mul3A_179 : vector<16xi32>
      %add3A_181 = arith.addi %add3A_174, %mul3A_180 : vector<16xi32>
      %mul3A_182 = arith.constant 16 : i32
      %mul3A_183 = arith.muli %scan3A_122, %mul3A_182 : i32
      %swap3A = arith.index_cast %mul3A_183 : i32 to index
      %swap3A_184 = tpu.vector_load %arg8[%swap3A] {strides = array<i32>} : memref<4096xi32, #tpu.memory_space<vmem>>, vector<16xi32>,
      tpu.vector_store %arg8[%swap3A], %add3A_181 {strides = array<i32>} : memref<4096xi32, #tpu.memory_space<vmem>>, vector<16xi32>,
      %scan3A_185 = arith.constant 1 : i32
      %scan3A_186 = arith.addi %scan3A_122, %scan3A_185 : i32
      %add3A_187 = arith.constant 512 : i32
      %add3A_188 = arith.addi %add3A_187, %scan3A_186 : i32
      %shift_right_arithmetic3A_189 = arith.constant 3 : i32
      %shift_right_arithmetic3A_190 = arith.shrsi %add3A_188, %shift_right_arithmetic3A_189 : i32
      %mul3A_191 = arith.constant 256 : i32
      %mul3A_192 = arith.muli %shift_right_arithmetic3A_190, %mul3A_191 : i32
      %and3A_193 = arith.constant 7 : i32
      %and3A_194 = arith.andi %add3A_188, %and3A_193 : i32
      %mul3A_195 = arith.constant 16 : i32
      %mul3A_196 = arith.muli %and3A_194, %mul3A_195 : i32
      %add3A_197 = arith.addi %mul3A_192, %mul3A_196 : i32
      %get3A_198 = arith.index_cast %add3A_197 : i32 to index
      %get3A_199 = tpu.vector_load %arg5[%get3A_198] {strides = array<i32>} : memref<65536xf32, #tpu.memory_space<vmem>>, vector<16xf32>,
      %add3A_200 = arith.constant 128 : i32
      %add3A_201 = arith.addi %add3A_197, %add3A_200 : i32
      %get3A_202 = arith.index_cast %add3A_201 : i32 to index
      %get3A_203 = tpu.vector_load %arg5[%get3A_202] {strides = array<i32>} : memref<65536xf32, #tpu.memory_space<vmem>>, vector<16xf32>,
      %mul3A_204 = arith.constant 4.096000e+03 : f32
      %mul3A_205 = vector.broadcast %mul3A_204 : f32 to vector<16xf32>
      %mul3A_206 = arith.mulf %get3A_199, %mul3A_205 : vector<16xf32>
      %add3A_207 = arith.constant 0x4B401000 : f32
      %add3A_208 = vector.broadcast %add3A_207 : f32 to vector<16xf32>
      %add3A_209 = arith.addf %mul3A_206, %add3A_208 : vector<16xf32>
      %convert_element_type3A_210 = arith.fptosi %add3A_209 : vector<16xf32> to vector<16xi32>
      %sub3A_211 = arith.constant 12582912 : i32
      %sub3A_212 = vector.broadcast %sub3A_211 : i32 to vector<16xi32>
      %sub3A_213 = arith.subi %convert_element_type3A_210, %sub3A_212 : vector<16xi32>
      %max3A_214 = arith.constant 0 : i32
      %max3A_215 = vector.broadcast %max3A_214 : i32 to vector<16xi32>
      %max3A_216 = arith.maxsi %sub3A_213, %max3A_215 : vector<16xi32>
      %min3A_217 = arith.constant 8191 : i32
      %min3A_218 = vector.broadcast %min3A_217 : i32 to vector<16xi32>
      %min3A_219 = arith.minsi %max3A_216, %min3A_218 : vector<16xi32>
      %mul3A_220 = arith.constant 2.048000e+03 : f32
      %mul3A_221 = vector.broadcast %mul3A_220 : f32 to vector<16xf32>
      %mul3A_222 = arith.mulf %get3A_203, %mul3A_221 : vector<16xf32>
      %add3A_223 = arith.constant 0x4B400800 : f32
      %add3A_224 = vector.broadcast %add3A_223 : f32 to vector<16xf32>
      %add3A_225 = arith.addf %mul3A_222, %add3A_224 : vector<16xf32>
      %convert_element_type3A_226 = arith.fptosi %add3A_225 : vector<16xf32> to vector<16xi32>
      %sub3A_227 = arith.constant 12582912 : i32
      %sub3A_228 = vector.broadcast %sub3A_227 : i32 to vector<16xi32>
      %sub3A_229 = arith.subi %convert_element_type3A_226, %sub3A_228 : vector<16xi32>
      %max3A_230 = arith.constant 0 : i32
      %max3A_231 = vector.broadcast %max3A_230 : i32 to vector<16xi32>
      %max3A_232 = arith.maxsi %sub3A_229, %max3A_231 : vector<16xi32>
      %min3A_233 = arith.constant 4095 : i32
      %min3A_234 = vector.broadcast %min3A_233 : i32 to vector<16xi32>
      %min3A_235 = arith.minsi %max3A_232, %min3A_234 : vector<16xi32>
      %shift_left3A_236 = arith.constant 7 : i32
      %shift_left3A_237 = vector.broadcast %shift_left3A_236 : i32 to vector<16xi32>
      %shift_left3A_238 = arith.shli %min3A_235, %shift_left3A_237 : vector<16xi32>
      %shift_right_arithmetic3A_239 = arith.constant 3 : i32
      %shift_right_arithmetic3A_240 = vector.broadcast %shift_right_arithmetic3A_239 : i32 to vector<16xi32>
      %shift_right_arithmetic3A_241 = arith.shrsi %min3A_235, %shift_right_arithmetic3A_240 : vector<16xi32>
      %mul3A_242 = arith.constant 64512 : i32
      %mul3A_243 = vector.broadcast %mul3A_242 : i32 to vector<16xi32>
      %mul3A_244 = arith.muli %shift_right_arithmetic3A_241, %mul3A_243 : vector<16xi32>
      %add3A_245 = arith.addi %shift_left3A_238, %mul3A_244 : vector<16xi32>
      %add3A_246 = arith.addi %add3A_245, %min3A_219 : vector<16xi32>
      %shift_right_arithmetic3A_247 = arith.constant 7 : i32
      %shift_right_arithmetic3A_248 = vector.broadcast %shift_right_arithmetic3A_247 : i32 to vector<16xi32>
      %shift_right_arithmetic3A_249 = arith.shrsi %min3A_219, %shift_right_arithmetic3A_248 : vector<16xi32>
      %mul3A_250 = arith.constant 896 : i32
      %mul3A_251 = vector.broadcast %mul3A_250 : i32 to vector<16xi32>
      %mul3A_252 = arith.muli %shift_right_arithmetic3A_249, %mul3A_251 : vector<16xi32>
      %add3A_253 = arith.addi %add3A_246, %mul3A_252 : vector<16xi32>
      %mul3A_254 = arith.constant 16 : i32
      %mul3A_255 = arith.muli %scan3A_186, %mul3A_254 : i32
      %swap3A_256 = arith.index_cast %mul3A_255 : i32 to index
      %swap3A_257 = tpu.vector_load %arg8[%swap3A_256] {strides = array<i32>} : memref<4096xi32, #tpu.memory_space<vmem>>, vector<16xi32>,
      tpu.vector_store %arg8[%swap3A_256], %add3A_253 {strides = array<i32>} : memref<4096xi32, #tpu.memory_space<vmem>>, vector<16xi32>,
      %scan3A_258 = arith.constant 2 : i32
      %scan3A_259 = arith.addi %scan3A_122, %scan3A_258 : i32
      %add3A_260 = arith.constant 512 : i32
      %add3A_261 = arith.addi %add3A_260, %scan3A_259 : i32
      %shift_right_arithmetic3A_262 = arith.constant 3 : i32
      %shift_right_arithmetic3A_263 = arith.shrsi %add3A_261, %shift_right_arithmetic3A_262 : i32
      %mul3A_264 = arith.constant 256 : i32
      %mul3A_265 = arith.muli %shift_right_arithmetic3A_263, %mul3A_264 : i32
      %and3A_266 = arith.constant 7 : i32
      %and3A_267 = arith.andi %add3A_261, %and3A_266 : i32
      %mul3A_268 = arith.constant 16 : i32
      %mul3A_269 = arith.muli %and3A_267, %mul3A_268 : i32
      %add3A_270 = arith.addi %mul3A_265, %mul3A_269 : i32
      %get3A_271 = arith.index_cast %add3A_270 : i32 to index
      %get3A_272 = tpu.vector_load %arg5[%get3A_271] {strides = array<i32>} : memref<65536xf32, #tpu.memory_space<vmem>>, vector<16xf32>,
      %add3A_273 = arith.constant 128 : i32
      %add3A_274 = arith.addi %add3A_270, %add3A_273 : i32
      %get3A_275 = arith.index_cast %add3A_274 : i32 to index
      %get3A_276 = tpu.vector_load %arg5[%get3A_275] {strides = array<i32>} : memref<65536xf32, #tpu.memory_space<vmem>>, vector<16xf32>,
      %mul3A_277 = arith.constant 4.096000e+03 : f32
      %mul3A_278 = vector.broadcast %mul3A_277 : f32 to vector<16xf32>
      %mul3A_279 = arith.mulf %get3A_272, %mul3A_278 : vector<16xf32>
      %add3A_280 = arith.constant 0x4B401000 : f32
      %add3A_281 = vector.broadcast %add3A_280 : f32 to vector<16xf32>
      %add3A_282 = arith.addf %mul3A_279, %add3A_281 : vector<16xf32>
      %convert_element_type3A_283 = arith.fptosi %add3A_282 : vector<16xf32> to vector<16xi32>
      %sub3A_284 = arith.constant 12582912 : i32
      %sub3A_285 = vector.broadcast %sub3A_284 : i32 to vector<16xi32>
      %sub3A_286 = arith.subi %convert_element_type3A_283, %sub3A_285 : vector<16xi32>
      %max3A_287 = arith.constant 0 : i32
      %max3A_288 = vector.broadcast %max3A_287 : i32 to vector<16xi32>
      %max3A_289 = arith.maxsi %sub3A_286, %max3A_288 : vector<16xi32>
      %min3A_290 = arith.constant 8191 : i32
      %min3A_291 = vector.broadcast %min3A_290 : i32 to vector<16xi32>
      %min3A_292 = arith.minsi %max3A_289, %min3A_291 : vector<16xi32>
      %mul3A_293 = arith.constant 2.048000e+03 : f32
      %mul3A_294 = vector.broadcast %mul3A_293 : f32 to vector<16xf32>
      %mul3A_295 = arith.mulf %get3A_276, %mul3A_294 : vector<16xf32>
      %add3A_296 = arith.constant 0x4B400800 : f32
      %add3A_297 = vector.broadcast %add3A_296 : f32 to vector<16xf32>
      %add3A_298 = arith.addf %mul3A_295, %add3A_297 : vector<16xf32>
      %convert_element_type3A_299 = arith.fptosi %add3A_298 : vector<16xf32> to vector<16xi32>
      %sub3A_300 = arith.constant 12582912 : i32
      %sub3A_301 = vector.broadcast %sub3A_300 : i32 to vector<16xi32>
      %sub3A_302 = arith.subi %convert_element_type3A_299, %sub3A_301 : vector<16xi32>
      %max3A_303 = arith.constant 0 : i32
      %max3A_304 = vector.broadcast %max3A_303 : i32 to vector<16xi32>
      %max3A_305 = arith.maxsi %sub3A_302, %max3A_304 : vector<16xi32>
      %min3A_306 = arith.constant 4095 : i32
      %min3A_307 = vector.broadcast %min3A_306 : i32 to vector<16xi32>
      %min3A_308 = arith.minsi %max3A_305, %min3A_307 : vector<16xi32>
      %shift_left3A_309 = arith.constant 7 : i32
      %shift_left3A_310 = vector.broadcast %shift_left3A_309 : i32 to vector<16xi32>
      %shift_left3A_311 = arith.shli %min3A_308, %shift_left3A_310 : vector<16xi32>
      %shift_right_arithmetic3A_312 = arith.constant 3 : i32
      %shift_right_arithmetic3A_313 = vector.broadcast %shift_right_arithmetic3A_312 : i32 to vector<16xi32>
      %shift_right_arithmetic3A_314 = arith.shrsi %min3A_308, %shift_right_arithmetic3A_313 : vector<16xi32>
      %mul3A_315 = arith.constant 64512 : i32
      %mul3A_316 = vector.broadcast %mul3A_315 : i32 to vector<16xi32>
      %mul3A_317 = arith.muli %shift_right_arithmetic3A_314, %mul3A_316 : vector<16xi32>
      %add3A_318 = arith.addi %shift_left3A_311, %mul3A_317 : vector<16xi32>
      %add3A_319 = arith.addi %add3A_318, %min3A_292 : vector<16xi32>
      %shift_right_arithmetic3A_320 = arith.constant 7 : i32
      %shift_right_arithmetic3A_321 = vector.broadcast %shift_right_arithmetic3A_320 : i32 to vector<16xi32>
      %shift_right_arithmetic3A_322 = arith.shrsi %min3A_292, %shift_right_arithmetic3A_321 : vector<16xi32>
      %mul3A_323 = arith.constant 896 : i32
      %mul3A_324 = vector.broadcast %mul3A_323 : i32 to vector<16xi32>
      %mul3A_325 = arith.muli %shift_right_arithmetic3A_322, %mul3A_324 : vector<16xi32>
      %add3A_326 = arith.addi %add3A_319, %mul3A_325 : vector<16xi32>
      %mul3A_327 = arith.constant 16 : i32
      %mul3A_328 = arith.muli %scan3A_259, %mul3A_327 : i32
      %swap3A_329 = arith.index_cast %mul3A_328 : i32 to index
      %swap3A_330 = tpu.vector_load %arg8[%swap3A_329] {strides = array<i32>} : memref<4096xi32, #tpu.memory_space<vmem>>, vector<16xi32>,
      tpu.vector_store %arg8[%swap3A_329], %add3A_326 {strides = array<i32>} : memref<4096xi32, #tpu.memory_space<vmem>>, vector<16xi32>,
      %scan3A_331 = arith.constant 3 : i32
      %scan3A_332 = arith.addi %scan3A_122, %scan3A_331 : i32
      %add3A_333 = arith.constant 512 : i32
      %add3A_334 = arith.addi %add3A_333, %scan3A_332 : i32
      %shift_right_arithmetic3A_335 = arith.constant 3 : i32
      %shift_right_arithmetic3A_336 = arith.shrsi %add3A_334, %shift_right_arithmetic3A_335 : i32
      %mul3A_337 = arith.constant 256 : i32
      %mul3A_338 = arith.muli %shift_right_arithmetic3A_336, %mul3A_337 : i32
      %and3A_339 = arith.constant 7 : i32
      %and3A_340 = arith.andi %add3A_334, %and3A_339 : i32
      %mul3A_341 = arith.constant 16 : i32
      %mul3A_342 = arith.muli %and3A_340, %mul3A_341 : i32
      %add3A_343 = arith.addi %mul3A_338, %mul3A_342 : i32
      %get3A_344 = arith.index_cast %add3A_343 : i32 to index
      %get3A_345 = tpu.vector_load %arg5[%get3A_344] {strides = array<i32>} : memref<65536xf32, #tpu.memory_space<vmem>>, vector<16xf32>,
      %add3A_346 = arith.constant 128 : i32
      %add3A_347 = arith.addi %add3A_343, %add3A_346 : i32
      %get3A_348 = arith.index_cast %add3A_347 : i32 to index
      %get3A_349 = tpu.vector_load %arg5[%get3A_348] {strides = array<i32>} : memref<65536xf32, #tpu.memory_space<vmem>>, vector<16xf32>,
      %mul3A_350 = arith.constant 4.096000e+03 : f32
      %mul3A_351 = vector.broadcast %mul3A_350 : f32 to vector<16xf32>
      %mul3A_352 = arith.mulf %get3A_345, %mul3A_351 : vector<16xf32>
      %add3A_353 = arith.constant 0x4B401000 : f32
      %add3A_354 = vector.broadcast %add3A_353 : f32 to vector<16xf32>
      %add3A_355 = arith.addf %mul3A_352, %add3A_354 : vector<16xf32>
      %convert_element_type3A_356 = arith.fptosi %add3A_355 : vector<16xf32> to vector<16xi32>
      %sub3A_357 = arith.constant 12582912 : i32
      %sub3A_358 = vector.broadcast %sub3A_357 : i32 to vector<16xi32>
      %sub3A_359 = arith.subi %convert_element_type3A_356, %sub3A_358 : vector<16xi32>
      %max3A_360 = arith.constant 0 : i32
      %max3A_361 = vector.broadcast %max3A_360 : i32 to vector<16xi32>
      %max3A_362 = arith.maxsi %sub3A_359, %max3A_361 : vector<16xi32>
      %min3A_363 = arith.constant 8191 : i32
      %min3A_364 = vector.broadcast %min3A_363 : i32 to vector<16xi32>
      %min3A_365 = arith.minsi %max3A_362, %min3A_364 : vector<16xi32>
      %mul3A_366 = arith.constant 2.048000e+03 : f32
      %mul3A_367 = vector.broadcast %mul3A_366 : f32 to vector<16xf32>
      %mul3A_368 = arith.mulf %get3A_349, %mul3A_367 : vector<16xf32>
      %add3A_369 = arith.constant 0x4B400800 : f32
      %add3A_370 = vector.broadcast %add3A_369 : f32 to vector<16xf32>
      %add3A_371 = arith.addf %mul3A_368, %add3A_370 : vector<16xf32>
      %convert_element_type3A_372 = arith.fptosi %add3A_371 : vector<16xf32> to vector<16xi32>
      %sub3A_373 = arith.constant 12582912 : i32
      %sub3A_374 = vector.broadcast %sub3A_373 : i32 to vector<16xi32>
      %sub3A_375 = arith.subi %convert_element_type3A_372, %sub3A_374 : vector<16xi32>
      %max3A_376 = arith.constant 0 : i32
      %max3A_377 = vector.broadcast %max3A_376 : i32 to vector<16xi32>
      %max3A_378 = arith.maxsi %sub3A_375, %max3A_377 : vector<16xi32>
      %min3A_379 = arith.constant 4095 : i32
      %min3A_380 = vector.broadcast %min3A_379 : i32 to vector<16xi32>
      %min3A_381 = arith.minsi %max3A_378, %min3A_380 : vector<16xi32>
      %shift_left3A_382 = arith.constant 7 : i32
      %shift_left3A_383 = vector.broadcast %shift_left3A_382 : i32 to vector<16xi32>
      %shift_left3A_384 = arith.shli %min3A_381, %shift_left3A_383 : vector<16xi32>
      %shift_right_arithmetic3A_385 = arith.constant 3 : i32
      %shift_right_arithmetic3A_386 = vector.broadcast %shift_right_arithmetic3A_385 : i32 to vector<16xi32>
      %shift_right_arithmetic3A_387 = arith.shrsi %min3A_381, %shift_right_arithmetic3A_386 : vector<16xi32>
      %mul3A_388 = arith.constant 64512 : i32
      %mul3A_389 = vector.broadcast %mul3A_388 : i32 to vector<16xi32>
      %mul3A_390 = arith.muli %shift_right_arithmetic3A_387, %mul3A_389 : vector<16xi32>
      %add3A_391 = arith.addi %shift_left3A_384, %mul3A_390 : vector<16xi32>
      %add3A_392 = arith.addi %add3A_391, %min3A_365 : vector<16xi32>
      %shift_right_arithmetic3A_393 = arith.constant 7 : i32
      %shift_right_arithmetic3A_394 = vector.broadcast %shift_right_arithmetic3A_393 : i32 to vector<16xi32>
      %shift_right_arithmetic3A_395 = arith.shrsi %min3A_365, %shift_right_arithmetic3A_394 : vector<16xi32>
      %mul3A_396 = arith.constant 896 : i32
      %mul3A_397 = vector.broadcast %mul3A_396 : i32 to vector<16xi32>
      %mul3A_398 = arith.muli %shift_right_arithmetic3A_395, %mul3A_397 : vector<16xi32>
      %add3A_399 = arith.addi %add3A_392, %mul3A_398 : vector<16xi32>
      %mul3A_400 = arith.constant 16 : i32
      %mul3A_401 = arith.muli %scan3A_332, %mul3A_400 : i32
      %swap3A_402 = arith.index_cast %mul3A_401 : i32 to index
      %swap3A_403 = tpu.vector_load %arg8[%swap3A_402] {strides = array<i32>} : memref<4096xi32, #tpu.memory_space<vmem>>, vector<16xi32>,
      tpu.vector_store %arg8[%swap3A_402], %add3A_399 {strides = array<i32>} : memref<4096xi32, #tpu.memory_space<vmem>>, vector<16xi32>,
    }
    %scan3A_31 = arith.constant 256 : i32
    %dma_start3A_32 = arith.constant 8192 : i32
    %dma_start3A_33 = tpu.memref_slice %arg10[%dma_start3A_32] : memref<32768xf32, #tpu.memory_space<vmem>> -> memref<4096xf32, #tpu.memory_space<vmem>>
    %dma_start3A_34 = arith.constant 0 : i32
    %dma_start3A_35 = tpu.memref_slice %arg3[%dma_start3A_34] : memref<33554432xf32, #tpu.memory_space<hbm>> -> memref<33554432xf32, #tpu.memory_space<hbm>>
    tpu.enqueue_indirect_dma source(%dma_start3A_35 : memref<33554432xf32, #tpu.memory_space<hbm>>) target(%dma_start3A_33 : memref<4096xf32, #tpu.memory_space<vmem>>) offsets(%arg8 : memref<4096xi32, #tpu.memory_space<vmem>>) semaphore(%arg14 : memref<!tpu.dma_semaphore, #tpu.memory_space<semaphore_mem>>)
    %scan3A_36 = arith.constant 0 : i32
    %scan3A_37 = arith.constant 0 : i32
    %scan3A_38 = arith.constant 256 : i32
    %scan3A_39 = arith.addi %scan3A_37, %scan3A_38 : i32
    %scan3A_40 = arith.constant 4 : i32
    scf.for %scan3A_122 = %scan3A_37 to %scan3A_39 step %scan3A_40  : i32 {
      %add3A_123 = arith.constant 768 : i32
      %add3A_124 = arith.addi %add3A_123, %scan3A_122 : i32
      %shift_right_arithmetic3A = arith.constant 3 : i32
      %shift_right_arithmetic3A_125 = arith.shrsi %add3A_124, %shift_right_arithmetic3A : i32
      %mul3A_126 = arith.constant 256 : i32
      %mul3A_127 = arith.muli %shift_right_arithmetic3A_125, %mul3A_126 : i32
      %and3A = arith.constant 7 : i32
      %and3A_128 = arith.andi %add3A_124, %and3A : i32
      %mul3A_129 = arith.constant 16 : i32
      %mul3A_130 = arith.muli %and3A_128, %mul3A_129 : i32
      %add3A_131 = arith.addi %mul3A_127, %mul3A_130 : i32
      %get3A = arith.index_cast %add3A_131 : i32 to index
      %get3A_132 = tpu.vector_load %arg5[%get3A] {strides = array<i32>} : memref<65536xf32, #tpu.memory_space<vmem>>, vector<16xf32>,
      %add3A_133 = arith.constant 128 : i32
      %add3A_134 = arith.addi %add3A_131, %add3A_133 : i32
      %get3A_135 = arith.index_cast %add3A_134 : i32 to index
      %get3A_136 = tpu.vector_load %arg5[%get3A_135] {strides = array<i32>} : memref<65536xf32, #tpu.memory_space<vmem>>, vector<16xf32>,
      %mul3A_137 = arith.constant 4.096000e+03 : f32
      %mul3A_138 = vector.broadcast %mul3A_137 : f32 to vector<16xf32>
      %mul3A_139 = arith.mulf %get3A_132, %mul3A_138 : vector<16xf32>
      %add3A_140 = arith.constant 0x4B401000 : f32
      %add3A_141 = vector.broadcast %add3A_140 : f32 to vector<16xf32>
      %add3A_142 = arith.addf %mul3A_139, %add3A_141 : vector<16xf32>
      %convert_element_type3A = arith.fptosi %add3A_142 : vector<16xf32> to vector<16xi32>
      %sub3A = arith.constant 12582912 : i32
      %sub3A_143 = vector.broadcast %sub3A : i32 to vector<16xi32>
      %sub3A_144 = arith.subi %convert_element_type3A, %sub3A_143 : vector<16xi32>
      %max3A = arith.constant 0 : i32
      %max3A_145 = vector.broadcast %max3A : i32 to vector<16xi32>
      %max3A_146 = arith.maxsi %sub3A_144, %max3A_145 : vector<16xi32>
      %min3A = arith.constant 8191 : i32
      %min3A_147 = vector.broadcast %min3A : i32 to vector<16xi32>
      %min3A_148 = arith.minsi %max3A_146, %min3A_147 : vector<16xi32>
      %mul3A_149 = arith.constant 2.048000e+03 : f32
      %mul3A_150 = vector.broadcast %mul3A_149 : f32 to vector<16xf32>
      %mul3A_151 = arith.mulf %get3A_136, %mul3A_150 : vector<16xf32>
      %add3A_152 = arith.constant 0x4B400800 : f32
      %add3A_153 = vector.broadcast %add3A_152 : f32 to vector<16xf32>
      %add3A_154 = arith.addf %mul3A_151, %add3A_153 : vector<16xf32>
      %convert_element_type3A_155 = arith.fptosi %add3A_154 : vector<16xf32> to vector<16xi32>
      %sub3A_156 = arith.constant 12582912 : i32
      %sub3A_157 = vector.broadcast %sub3A_156 : i32 to vector<16xi32>
      %sub3A_158 = arith.subi %convert_element_type3A_155, %sub3A_157 : vector<16xi32>
      %max3A_159 = arith.constant 0 : i32
      %max3A_160 = vector.broadcast %max3A_159 : i32 to vector<16xi32>
      %max3A_161 = arith.maxsi %sub3A_158, %max3A_160 : vector<16xi32>
      %min3A_162 = arith.constant 4095 : i32
      %min3A_163 = vector.broadcast %min3A_162 : i32 to vector<16xi32>
      %min3A_164 = arith.minsi %max3A_161, %min3A_163 : vector<16xi32>
      %shift_left3A = arith.constant 7 : i32
      %shift_left3A_165 = vector.broadcast %shift_left3A : i32 to vector<16xi32>
      %shift_left3A_166 = arith.shli %min3A_164, %shift_left3A_165 : vector<16xi32>
      %shift_right_arithmetic3A_167 = arith.constant 3 : i32
      %shift_right_arithmetic3A_168 = vector.broadcast %shift_right_arithmetic3A_167 : i32 to vector<16xi32>
      %shift_right_arithmetic3A_169 = arith.shrsi %min3A_164, %shift_right_arithmetic3A_168 : vector<16xi32>
      %mul3A_170 = arith.constant 64512 : i32
      %mul3A_171 = vector.broadcast %mul3A_170 : i32 to vector<16xi32>
      %mul3A_172 = arith.muli %shift_right_arithmetic3A_169, %mul3A_171 : vector<16xi32>
      %add3A_173 = arith.addi %shift_left3A_166, %mul3A_172 : vector<16xi32>
      %add3A_174 = arith.addi %add3A_173, %min3A_148 : vector<16xi32>
      %shift_right_arithmetic3A_175 = arith.constant 7 : i32
      %shift_right_arithmetic3A_176 = vector.broadcast %shift_right_arithmetic3A_175 : i32 to vector<16xi32>
      %shift_right_arithmetic3A_177 = arith.shrsi %min3A_148, %shift_right_arithmetic3A_176 : vector<16xi32>
      %mul3A_178 = arith.constant 896 : i32
      %mul3A_179 = vector.broadcast %mul3A_178 : i32 to vector<16xi32>
      %mul3A_180 = arith.muli %shift_right_arithmetic3A_177, %mul3A_179 : vector<16xi32>
      %add3A_181 = arith.addi %add3A_174, %mul3A_180 : vector<16xi32>
      %mul3A_182 = arith.constant 16 : i32
      %mul3A_183 = arith.muli %scan3A_122, %mul3A_182 : i32
      %swap3A = arith.index_cast %mul3A_183 : i32 to index
      %swap3A_184 = tpu.vector_load %arg9[%swap3A] {strides = array<i32>} : memref<4096xi32, #tpu.memory_space<vmem>>, vector<16xi32>,
      tpu.vector_store %arg9[%swap3A], %add3A_181 {strides = array<i32>} : memref<4096xi32, #tpu.memory_space<vmem>>, vector<16xi32>,
      %scan3A_185 = arith.constant 1 : i32
      %scan3A_186 = arith.addi %scan3A_122, %scan3A_185 : i32
      %add3A_187 = arith.constant 768 : i32
      %add3A_188 = arith.addi %add3A_187, %scan3A_186 : i32
      %shift_right_arithmetic3A_189 = arith.constant 3 : i32
      %shift_right_arithmetic3A_190 = arith.shrsi %add3A_188, %shift_right_arithmetic3A_189 : i32
      %mul3A_191 = arith.constant 256 : i32
      %mul3A_192 = arith.muli %shift_right_arithmetic3A_190, %mul3A_191 : i32
      %and3A_193 = arith.constant 7 : i32
      %and3A_194 = arith.andi %add3A_188, %and3A_193 : i32
      %mul3A_195 = arith.constant 16 : i32
      %mul3A_196 = arith.muli %and3A_194, %mul3A_195 : i32
      %add3A_197 = arith.addi %mul3A_192, %mul3A_196 : i32
      %get3A_198 = arith.index_cast %add3A_197 : i32 to index
      %get3A_199 = tpu.vector_load %arg5[%get3A_198] {strides = array<i32>} : memref<65536xf32, #tpu.memory_space<vmem>>, vector<16xf32>,
      %add3A_200 = arith.constant 128 : i32
      %add3A_201 = arith.addi %add3A_197, %add3A_200 : i32
      %get3A_202 = arith.index_cast %add3A_201 : i32 to index
      %get3A_203 = tpu.vector_load %arg5[%get3A_202] {strides = array<i32>} : memref<65536xf32, #tpu.memory_space<vmem>>, vector<16xf32>,
      %mul3A_204 = arith.constant 4.096000e+03 : f32
      %mul3A_205 = vector.broadcast %mul3A_204 : f32 to vector<16xf32>
      %mul3A_206 = arith.mulf %get3A_199, %mul3A_205 : vector<16xf32>
      %add3A_207 = arith.constant 0x4B401000 : f32
      %add3A_208 = vector.broadcast %add3A_207 : f32 to vector<16xf32>
      %add3A_209 = arith.addf %mul3A_206, %add3A_208 : vector<16xf32>
      %convert_element_type3A_210 = arith.fptosi %add3A_209 : vector<16xf32> to vector<16xi32>
      %sub3A_211 = arith.constant 12582912 : i32
      %sub3A_212 = vector.broadcast %sub3A_211 : i32 to vector<16xi32>
      %sub3A_213 = arith.subi %convert_element_type3A_210, %sub3A_212 : vector<16xi32>
      %max3A_214 = arith.constant 0 : i32
      %max3A_215 = vector.broadcast %max3A_214 : i32 to vector<16xi32>
      %max3A_216 = arith.maxsi %sub3A_213, %max3A_215 : vector<16xi32>
      %min3A_217 = arith.constant 8191 : i32
      %min3A_218 = vector.broadcast %min3A_217 : i32 to vector<16xi32>
      %min3A_219 = arith.minsi %max3A_216, %min3A_218 : vector<16xi32>
      %mul3A_220 = arith.constant 2.048000e+03 : f32
      %mul3A_221 = vector.broadcast %mul3A_220 : f32 to vector<16xf32>
      %mul3A_222 = arith.mulf %get3A_203, %mul3A_221 : vector<16xf32>
      %add3A_223 = arith.constant 0x4B400800 : f32
      %add3A_224 = vector.broadcast %add3A_223 : f32 to vector<16xf32>
      %add3A_225 = arith.addf %mul3A_222, %add3A_224 : vector<16xf32>
      %convert_element_type3A_226 = arith.fptosi %add3A_225 : vector<16xf32> to vector<16xi32>
      %sub3A_227 = arith.constant 12582912 : i32
      %sub3A_228 = vector.broadcast %sub3A_227 : i32 to vector<16xi32>
      %sub3A_229 = arith.subi %convert_element_type3A_226, %sub3A_228 : vector<16xi32>
      %max3A_230 = arith.constant 0 : i32
      %max3A_231 = vector.broadcast %max3A_230 : i32 to vector<16xi32>
      %max3A_232 = arith.maxsi %sub3A_229, %max3A_231 : vector<16xi32>
      %min3A_233 = arith.constant 4095 : i32
      %min3A_234 = vector.broadcast %min3A_233 : i32 to vector<16xi32>
      %min3A_235 = arith.minsi %max3A_232, %min3A_234 : vector<16xi32>
      %shift_left3A_236 = arith.constant 7 : i32
      %shift_left3A_237 = vector.broadcast %shift_left3A_236 : i32 to vector<16xi32>
      %shift_left3A_238 = arith.shli %min3A_235, %shift_left3A_237 : vector<16xi32>
      %shift_right_arithmetic3A_239 = arith.constant 3 : i32
      %shift_right_arithmetic3A_240 = vector.broadcast %shift_right_arithmetic3A_239 : i32 to vector<16xi32>
      %shift_right_arithmetic3A_241 = arith.shrsi %min3A_235, %shift_right_arithmetic3A_240 : vector<16xi32>
      %mul3A_242 = arith.constant 64512 : i32
      %mul3A_243 = vector.broadcast %mul3A_242 : i32 to vector<16xi32>
      %mul3A_244 = arith.muli %shift_right_arithmetic3A_241, %mul3A_243 : vector<16xi32>
      %add3A_245 = arith.addi %shift_left3A_238, %mul3A_244 : vector<16xi32>
      %add3A_246 = arith.addi %add3A_245, %min3A_219 : vector<16xi32>
      %shift_right_arithmetic3A_247 = arith.constant 7 : i32
      %shift_right_arithmetic3A_248 = vector.broadcast %shift_right_arithmetic3A_247 : i32 to vector<16xi32>
      %shift_right_arithmetic3A_249 = arith.shrsi %min3A_219, %shift_right_arithmetic3A_248 : vector<16xi32>
      %mul3A_250 = arith.constant 896 : i32
      %mul3A_251 = vector.broadcast %mul3A_250 : i32 to vector<16xi32>
      %mul3A_252 = arith.muli %shift_right_arithmetic3A_249, %mul3A_251 : vector<16xi32>
      %add3A_253 = arith.addi %add3A_246, %mul3A_252 : vector<16xi32>
      %mul3A_254 = arith.constant 16 : i32
      %mul3A_255 = arith.muli %scan3A_186, %mul3A_254 : i32
      %swap3A_256 = arith.index_cast %mul3A_255 : i32 to index
      %swap3A_257 = tpu.vector_load %arg9[%swap3A_256] {strides = array<i32>} : memref<4096xi32, #tpu.memory_space<vmem>>, vector<16xi32>,
      tpu.vector_store %arg9[%swap3A_256], %add3A_253 {strides = array<i32>} : memref<4096xi32, #tpu.memory_space<vmem>>, vector<16xi32>,
      %scan3A_258 = arith.constant 2 : i32
      %scan3A_259 = arith.addi %scan3A_122, %scan3A_258 : i32
      %add3A_260 = arith.constant 768 : i32
      %add3A_261 = arith.addi %add3A_260, %scan3A_259 : i32
      %shift_right_arithmetic3A_262 = arith.constant 3 : i32
      %shift_right_arithmetic3A_263 = arith.shrsi %add3A_261, %shift_right_arithmetic3A_262 : i32
      %mul3A_264 = arith.constant 256 : i32
      %mul3A_265 = arith.muli %shift_right_arithmetic3A_263, %mul3A_264 : i32
      %and3A_266 = arith.constant 7 : i32
      %and3A_267 = arith.andi %add3A_261, %and3A_266 : i32
      %mul3A_268 = arith.constant 16 : i32
      %mul3A_269 = arith.muli %and3A_267, %mul3A_268 : i32
      %add3A_270 = arith.addi %mul3A_265, %mul3A_269 : i32
      %get3A_271 = arith.index_cast %add3A_270 : i32 to index
      %get3A_272 = tpu.vector_load %arg5[%get3A_271] {strides = array<i32>} : memref<65536xf32, #tpu.memory_space<vmem>>, vector<16xf32>,
      %add3A_273 = arith.constant 128 : i32
      %add3A_274 = arith.addi %add3A_270, %add3A_273 : i32
      %get3A_275 = arith.index_cast %add3A_274 : i32 to index
      %get3A_276 = tpu.vector_load %arg5[%get3A_275] {strides = array<i32>} : memref<65536xf32, #tpu.memory_space<vmem>>, vector<16xf32>,
      %mul3A_277 = arith.constant 4.096000e+03 : f32
      %mul3A_278 = vector.broadcast %mul3A_277 : f32 to vector<16xf32>
      %mul3A_279 = arith.mulf %get3A_272, %mul3A_278 : vector<16xf32>
      %add3A_280 = arith.constant 0x4B401000 : f32
      %add3A_281 = vector.broadcast %add3A_280 : f32 to vector<16xf32>
      %add3A_282 = arith.addf %mul3A_279, %add3A_281 : vector<16xf32>
      %convert_element_type3A_283 = arith.fptosi %add3A_282 : vector<16xf32> to vector<16xi32>
      %sub3A_284 = arith.constant 12582912 : i32
      %sub3A_285 = vector.broadcast %sub3A_284 : i32 to vector<16xi32>
      %sub3A_286 = arith.subi %convert_element_type3A_283, %sub3A_285 : vector<16xi32>
      %max3A_287 = arith.constant 0 : i32
      %max3A_288 = vector.broadcast %max3A_287 : i32 to vector<16xi32>
      %max3A_289 = arith.maxsi %sub3A_286, %max3A_288 : vector<16xi32>
      %min3A_290 = arith.constant 8191 : i32
      %min3A_291 = vector.broadcast %min3A_290 : i32 to vector<16xi32>
      %min3A_292 = arith.minsi %max3A_289, %min3A_291 : vector<16xi32>
      %mul3A_293 = arith.constant 2.048000e+03 : f32
      %mul3A_294 = vector.broadcast %mul3A_293 : f32 to vector<16xf32>
      %mul3A_295 = arith.mulf %get3A_276, %mul3A_294 : vector<16xf32>
      %add3A_296 = arith.constant 0x4B400800 : f32
      %add3A_297 = vector.broadcast %add3A_296 : f32 to vector<16xf32>
      %add3A_298 = arith.addf %mul3A_295, %add3A_297 : vector<16xf32>
      %convert_element_type3A_299 = arith.fptosi %add3A_298 : vector<16xf32> to vector<16xi32>
      %sub3A_300 = arith.constant 12582912 : i32
      %sub3A_301 = vector.broadcast %sub3A_300 : i32 to vector<16xi32>
      %sub3A_302 = arith.subi %convert_element_type3A_299, %sub3A_301 : vector<16xi32>
      %max3A_303 = arith.constant 0 : i32
      %max3A_304 = vector.broadcast %max3A_303 : i32 to vector<16xi32>
      %max3A_305 = arith.maxsi %sub3A_302, %max3A_304 : vector<16xi32>
      %min3A_306 = arith.constant 4095 : i32
      %min3A_307 = vector.broadcast %min3A_306 : i32 to vector<16xi32>
      %min3A_308 = arith.minsi %max3A_305, %min3A_307 : vector<16xi32>
      %shift_left3A_309 = arith.constant 7 : i32
      %shift_left3A_310 = vector.broadcast %shift_left3A_309 : i32 to vector<16xi32>
      %shift_left3A_311 = arith.shli %min3A_308, %shift_left3A_310 : vector<16xi32>
      %shift_right_arithmetic3A_312 = arith.constant 3 : i32
      %shift_right_arithmetic3A_313 = vector.broadcast %shift_right_arithmetic3A_312 : i32 to vector<16xi32>
      %shift_right_arithmetic3A_314 = arith.shrsi %min3A_308, %shift_right_arithmetic3A_313 : vector<16xi32>
      %mul3A_315 = arith.constant 64512 : i32
      %mul3A_316 = vector.broadcast %mul3A_315 : i32 to vector<16xi32>
      %mul3A_317 = arith.muli %shift_right_arithmetic3A_314, %mul3A_316 : vector<16xi32>
      %add3A_318 = arith.addi %shift_left3A_311, %mul3A_317 : vector<16xi32>
      %add3A_319 = arith.addi %add3A_318, %min3A_292 : vector<16xi32>
      %shift_right_arithmetic3A_320 = arith.constant 7 : i32
      %shift_right_arithmetic3A_321 = vector.broadcast %shift_right_arithmetic3A_320 : i32 to vector<16xi32>
      %shift_right_arithmetic3A_322 = arith.shrsi %min3A_292, %shift_right_arithmetic3A_321 : vector<16xi32>
      %mul3A_323 = arith.constant 896 : i32
      %mul3A_324 = vector.broadcast %mul3A_323 : i32 to vector<16xi32>
      %mul3A_325 = arith.muli %shift_right_arithmetic3A_322, %mul3A_324 : vector<16xi32>
      %add3A_326 = arith.addi %add3A_319, %mul3A_325 : vector<16xi32>
      %mul3A_327 = arith.constant 16 : i32
      %mul3A_328 = arith.muli %scan3A_259, %mul3A_327 : i32
      %swap3A_329 = arith.index_cast %mul3A_328 : i32 to index
      %swap3A_330 = tpu.vector_load %arg9[%swap3A_329] {strides = array<i32>} : memref<4096xi32, #tpu.memory_space<vmem>>, vector<16xi32>,
      tpu.vector_store %arg9[%swap3A_329], %add3A_326 {strides = array<i32>} : memref<4096xi32, #tpu.memory_space<vmem>>, vector<16xi32>,
      %scan3A_331 = arith.constant 3 : i32
      %scan3A_332 = arith.addi %scan3A_122, %scan3A_331 : i32
      %add3A_333 = arith.constant 768 : i32
      %add3A_334 = arith.addi %add3A_333, %scan3A_332 : i32
      %shift_right_arithmetic3A_335 = arith.constant 3 : i32
      %shift_right_arithmetic3A_336 = arith.shrsi %add3A_334, %shift_right_arithmetic3A_335 : i32
      %mul3A_337 = arith.constant 256 : i32
      %mul3A_338 = arith.muli %shift_right_arithmetic3A_336, %mul3A_337 : i32
      %and3A_339 = arith.constant 7 : i32
      %and3A_340 = arith.andi %add3A_334, %and3A_339 : i32
      %mul3A_341 = arith.constant 16 : i32
      %mul3A_342 = arith.muli %and3A_340, %mul3A_341 : i32
      %add3A_343 = arith.addi %mul3A_338, %mul3A_342 : i32
      %get3A_344 = arith.index_cast %add3A_343 : i32 to index
      %get3A_345 = tpu.vector_load %arg5[%get3A_344] {strides = array<i32>} : memref<65536xf32, #tpu.memory_space<vmem>>, vector<16xf32>,
      %add3A_346 = arith.constant 128 : i32
      %add3A_347 = arith.addi %add3A_343, %add3A_346 : i32
      %get3A_348 = arith.index_cast %add3A_347 : i32 to index
      %get3A_349 = tpu.vector_load %arg5[%get3A_348] {strides = array<i32>} : memref<65536xf32, #tpu.memory_space<vmem>>, vector<16xf32>,
      %mul3A_350 = arith.constant 4.096000e+03 : f32
      %mul3A_351 = vector.broadcast %mul3A_350 : f32 to vector<16xf32>
      %mul3A_352 = arith.mulf %get3A_345, %mul3A_351 : vector<16xf32>
      %add3A_353 = arith.constant 0x4B401000 : f32
      %add3A_354 = vector.broadcast %add3A_353 : f32 to vector<16xf32>
      %add3A_355 = arith.addf %mul3A_352, %add3A_354 : vector<16xf32>
      %convert_element_type3A_356 = arith.fptosi %add3A_355 : vector<16xf32> to vector<16xi32>
      %sub3A_357 = arith.constant 12582912 : i32
      %sub3A_358 = vector.broadcast %sub3A_357 : i32 to vector<16xi32>
      %sub3A_359 = arith.subi %convert_element_type3A_356, %sub3A_358 : vector<16xi32>
      %max3A_360 = arith.constant 0 : i32
      %max3A_361 = vector.broadcast %max3A_360 : i32 to vector<16xi32>
      %max3A_362 = arith.maxsi %sub3A_359, %max3A_361 : vector<16xi32>
      %min3A_363 = arith.constant 8191 : i32
      %min3A_364 = vector.broadcast %min3A_363 : i32 to vector<16xi32>
      %min3A_365 = arith.minsi %max3A_362, %min3A_364 : vector<16xi32>
      %mul3A_366 = arith.constant 2.048000e+03 : f32
      %mul3A_367 = vector.broadcast %mul3A_366 : f32 to vector<16xf32>
      %mul3A_368 = arith.mulf %get3A_349, %mul3A_367 : vector<16xf32>
      %add3A_369 = arith.constant 0x4B400800 : f32
      %add3A_370 = vector.broadcast %add3A_369 : f32 to vector<16xf32>
      %add3A_371 = arith.addf %mul3A_368, %add3A_370 : vector<16xf32>
      %convert_element_type3A_372 = arith.fptosi %add3A_371 : vector<16xf32> to vector<16xi32>
      %sub3A_373 = arith.constant 12582912 : i32
      %sub3A_374 = vector.broadcast %sub3A_373 : i32 to vector<16xi32>
      %sub3A_375 = arith.subi %convert_element_type3A_372, %sub3A_374 : vector<16xi32>
      %max3A_376 = arith.constant 0 : i32
      %max3A_377 = vector.broadcast %max3A_376 : i32 to vector<16xi32>
      %max3A_378 = arith.maxsi %sub3A_375, %max3A_377 : vector<16xi32>
      %min3A_379 = arith.constant 4095 : i32
      %min3A_380 = vector.broadcast %min3A_379 : i32 to vector<16xi32>
      %min3A_381 = arith.minsi %max3A_378, %min3A_380 : vector<16xi32>
      %shift_left3A_382 = arith.constant 7 : i32
      %shift_left3A_383 = vector.broadcast %shift_left3A_382 : i32 to vector<16xi32>
      %shift_left3A_384 = arith.shli %min3A_381, %shift_left3A_383 : vector<16xi32>
      %shift_right_arithmetic3A_385 = arith.constant 3 : i32
      %shift_right_arithmetic3A_386 = vector.broadcast %shift_right_arithmetic3A_385 : i32 to vector<16xi32>
      %shift_right_arithmetic3A_387 = arith.shrsi %min3A_381, %shift_right_arithmetic3A_386 : vector<16xi32>
      %mul3A_388 = arith.constant 64512 : i32
      %mul3A_389 = vector.broadcast %mul3A_388 : i32 to vector<16xi32>
      %mul3A_390 = arith.muli %shift_right_arithmetic3A_387, %mul3A_389 : vector<16xi32>
      %add3A_391 = arith.addi %shift_left3A_384, %mul3A_390 : vector<16xi32>
      %add3A_392 = arith.addi %add3A_391, %min3A_365 : vector<16xi32>
      %shift_right_arithmetic3A_393 = arith.constant 7 : i32
      %shift_right_arithmetic3A_394 = vector.broadcast %shift_right_arithmetic3A_393 : i32 to vector<16xi32>
      %shift_right_arithmetic3A_395 = arith.shrsi %min3A_365, %shift_right_arithmetic3A_394 : vector<16xi32>
      %mul3A_396 = arith.constant 896 : i32
      %mul3A_397 = vector.broadcast %mul3A_396 : i32 to vector<16xi32>
      %mul3A_398 = arith.muli %shift_right_arithmetic3A_395, %mul3A_397 : vector<16xi32>
      %add3A_399 = arith.addi %add3A_392, %mul3A_398 : vector<16xi32>
      %mul3A_400 = arith.constant 16 : i32
      %mul3A_401 = arith.muli %scan3A_332, %mul3A_400 : i32
      %swap3A_402 = arith.index_cast %mul3A_401 : i32 to index
      %swap3A_403 = tpu.vector_load %arg9[%swap3A_402] {strides = array<i32>} : memref<4096xi32, #tpu.memory_space<vmem>>, vector<16xi32>,
      tpu.vector_store %arg9[%swap3A_402], %add3A_399 {strides = array<i32>} : memref<4096xi32, #tpu.memory_space<vmem>>, vector<16xi32>,
    }
    %scan3A_41 = arith.constant 256 : i32
    %dma_wait3A_42 = arith.constant 0 : i32
    %dma_wait3A_43 = tpu.memref_slice %arg10[%dma_wait3A_42] : memref<32768xf32, #tpu.memory_space<vmem>> -> memref<4096xf32, #tpu.memory_space<vmem>>
    %dma_wait3A_44 = arith.constant 0 : i32
    %dma_wait3A_45 = tpu.memref_slice %arg3[%dma_wait3A_44] : memref<33554432xf32, #tpu.memory_space<hbm>> -> memref<33554432xf32, #tpu.memory_space<hbm>>
    tpu.wait_indirect_dma semaphore(%arg12 : memref<!tpu.dma_semaphore, #tpu.memory_space<semaphore_mem>>) src(%dma_wait3A_45 : memref<33554432xf32, #tpu.memory_space<hbm>>) dst(%dma_wait3A_43 : memref<4096xf32, #tpu.memory_space<vmem>>)
    %dma_start3A_46 = arith.constant 12288 : i32
    %dma_start3A_47 = tpu.memref_slice %arg10[%dma_start3A_46] : memref<32768xf32, #tpu.memory_space<vmem>> -> memref<4096xf32, #tpu.memory_space<vmem>>
    %dma_start3A_48 = arith.constant 0 : i32
    %dma_start3A_49 = tpu.memref_slice %arg3[%dma_start3A_48] : memref<33554432xf32, #tpu.memory_space<hbm>> -> memref<33554432xf32, #tpu.memory_space<hbm>>
    tpu.enqueue_indirect_dma source(%dma_start3A_49 : memref<33554432xf32, #tpu.memory_space<hbm>>) target(%dma_start3A_47 : memref<4096xf32, #tpu.memory_space<vmem>>) offsets(%arg9 : memref<4096xi32, #tpu.memory_space<vmem>>) semaphore(%arg15 : memref<!tpu.dma_semaphore, #tpu.memory_space<semaphore_mem>>)
    %scan3A_50 = arith.constant 0 : i32
    %scan3A_51 = arith.constant 0 : i32
    %scan3A_52 = arith.constant 256 : i32
    %scan3A_53 = arith.addi %scan3A_51, %scan3A_52 : i32
    %scan3A_54 = arith.constant 4 : i32
    scf.for %scan3A_122 = %scan3A_51 to %scan3A_53 step %scan3A_54  : i32 {
      %add3A_123 = arith.constant 1024 : i32
      %add3A_124 = arith.addi %add3A_123, %scan3A_122 : i32
      %shift_right_arithmetic3A = arith.constant 3 : i32
      %shift_right_arithmetic3A_125 = arith.shrsi %add3A_124, %shift_right_arithmetic3A : i32
      %mul3A_126 = arith.constant 256 : i32
      %mul3A_127 = arith.muli %shift_right_arithmetic3A_125, %mul3A_126 : i32
      %and3A = arith.constant 7 : i32
      %and3A_128 = arith.andi %add3A_124, %and3A : i32
      %mul3A_129 = arith.constant 16 : i32
      %mul3A_130 = arith.muli %and3A_128, %mul3A_129 : i32
      %add3A_131 = arith.addi %mul3A_127, %mul3A_130 : i32
      %get3A = arith.index_cast %add3A_131 : i32 to index
      %get3A_132 = tpu.vector_load %arg5[%get3A] {strides = array<i32>} : memref<65536xf32, #tpu.memory_space<vmem>>, vector<16xf32>,
      %add3A_133 = arith.constant 128 : i32
      %add3A_134 = arith.addi %add3A_131, %add3A_133 : i32
      %get3A_135 = arith.index_cast %add3A_134 : i32 to index
      %get3A_136 = tpu.vector_load %arg5[%get3A_135] {strides = array<i32>} : memref<65536xf32, #tpu.memory_space<vmem>>, vector<16xf32>,
      %mul3A_137 = arith.constant 4.096000e+03 : f32
      %mul3A_138 = vector.broadcast %mul3A_137 : f32 to vector<16xf32>
      %mul3A_139 = arith.mulf %get3A_132, %mul3A_138 : vector<16xf32>
      %add3A_140 = arith.constant 0x4B401000 : f32
      %add3A_141 = vector.broadcast %add3A_140 : f32 to vector<16xf32>
      %add3A_142 = arith.addf %mul3A_139, %add3A_141 : vector<16xf32>
      %convert_element_type3A = arith.fptosi %add3A_142 : vector<16xf32> to vector<16xi32>
      %sub3A = arith.constant 12582912 : i32
      %sub3A_143 = vector.broadcast %sub3A : i32 to vector<16xi32>
      %sub3A_144 = arith.subi %convert_element_type3A, %sub3A_143 : vector<16xi32>
      %max3A = arith.constant 0 : i32
      %max3A_145 = vector.broadcast %max3A : i32 to vector<16xi32>
      %max3A_146 = arith.maxsi %sub3A_144, %max3A_145 : vector<16xi32>
      %min3A = arith.constant 8191 : i32
      %min3A_147 = vector.broadcast %min3A : i32 to vector<16xi32>
      %min3A_148 = arith.minsi %max3A_146, %min3A_147 : vector<16xi32>
      %mul3A_149 = arith.constant 2.048000e+03 : f32
      %mul3A_150 = vector.broadcast %mul3A_149 : f32 to vector<16xf32>
      %mul3A_151 = arith.mulf %get3A_136, %mul3A_150 : vector<16xf32>
      %add3A_152 = arith.constant 0x4B400800 : f32
      %add3A_153 = vector.broadcast %add3A_152 : f32 to vector<16xf32>
      %add3A_154 = arith.addf %mul3A_151, %add3A_153 : vector<16xf32>
      %convert_element_type3A_155 = arith.fptosi %add3A_154 : vector<16xf32> to vector<16xi32>
      %sub3A_156 = arith.constant 12582912 : i32
      %sub3A_157 = vector.broadcast %sub3A_156 : i32 to vector<16xi32>
      %sub3A_158 = arith.subi %convert_element_type3A_155, %sub3A_157 : vector<16xi32>
      %max3A_159 = arith.constant 0 : i32
      %max3A_160 = vector.broadcast %max3A_159 : i32 to vector<16xi32>
      %max3A_161 = arith.maxsi %sub3A_158, %max3A_160 : vector<16xi32>
      %min3A_162 = arith.constant 4095 : i32
      %min3A_163 = vector.broadcast %min3A_162 : i32 to vector<16xi32>
      %min3A_164 = arith.minsi %max3A_161, %min3A_163 : vector<16xi32>
      %shift_left3A = arith.constant 7 : i32
      %shift_left3A_165 = vector.broadcast %shift_left3A : i32 to vector<16xi32>
      %shift_left3A_166 = arith.shli %min3A_164, %shift_left3A_165 : vector<16xi32>
      %shift_right_arithmetic3A_167 = arith.constant 3 : i32
      %shift_right_arithmetic3A_168 = vector.broadcast %shift_right_arithmetic3A_167 : i32 to vector<16xi32>
      %shift_right_arithmetic3A_169 = arith.shrsi %min3A_164, %shift_right_arithmetic3A_168 : vector<16xi32>
      %mul3A_170 = arith.constant 64512 : i32
      %mul3A_171 = vector.broadcast %mul3A_170 : i32 to vector<16xi32>
      %mul3A_172 = arith.muli %shift_right_arithmetic3A_169, %mul3A_171 : vector<16xi32>
      %add3A_173 = arith.addi %shift_left3A_166, %mul3A_172 : vector<16xi32>
      %add3A_174 = arith.addi %add3A_173, %min3A_148 : vector<16xi32>
      %shift_right_arithmetic3A_175 = arith.constant 7 : i32
      %shift_right_arithmetic3A_176 = vector.broadcast %shift_right_arithmetic3A_175 : i32 to vector<16xi32>
      %shift_right_arithmetic3A_177 = arith.shrsi %min3A_148, %shift_right_arithmetic3A_176 : vector<16xi32>
      %mul3A_178 = arith.constant 896 : i32
      %mul3A_179 = vector.broadcast %mul3A_178 : i32 to vector<16xi32>
      %mul3A_180 = arith.muli %shift_right_arithmetic3A_177, %mul3A_179 : vector<16xi32>
      %add3A_181 = arith.addi %add3A_174, %mul3A_180 : vector<16xi32>
      %mul3A_182 = arith.constant 16 : i32
      %mul3A_183 = arith.muli %scan3A_122, %mul3A_182 : i32
      %swap3A = arith.index_cast %mul3A_183 : i32 to index
      %swap3A_184 = tpu.vector_load %arg6[%swap3A] {strides = array<i32>} : memref<4096xi32, #tpu.memory_space<vmem>>, vector<16xi32>,
      tpu.vector_store %arg6[%swap3A], %add3A_181 {strides = array<i32>} : memref<4096xi32, #tpu.memory_space<vmem>>, vector<16xi32>,
      %scan3A_185 = arith.constant 1 : i32
      %scan3A_186 = arith.addi %scan3A_122, %scan3A_185 : i32
      %add3A_187 = arith.constant 1024 : i32
      %add3A_188 = arith.addi %add3A_187, %scan3A_186 : i32
      %shift_right_arithmetic3A_189 = arith.constant 3 : i32
      %shift_right_arithmetic3A_190 = arith.shrsi %add3A_188, %shift_right_arithmetic3A_189 : i32
      %mul3A_191 = arith.constant 256 : i32
      %mul3A_192 = arith.muli %shift_right_arithmetic3A_190, %mul3A_191 : i32
      %and3A_193 = arith.constant 7 : i32
      %and3A_194 = arith.andi %add3A_188, %and3A_193 : i32
      %mul3A_195 = arith.constant 16 : i32
      %mul3A_196 = arith.muli %and3A_194, %mul3A_195 : i32
      %add3A_197 = arith.addi %mul3A_192, %mul3A_196 : i32
      %get3A_198 = arith.index_cast %add3A_197 : i32 to index
      %get3A_199 = tpu.vector_load %arg5[%get3A_198] {strides = array<i32>} : memref<65536xf32, #tpu.memory_space<vmem>>, vector<16xf32>,
      %add3A_200 = arith.constant 128 : i32
      %add3A_201 = arith.addi %add3A_197, %add3A_200 : i32
      %get3A_202 = arith.index_cast %add3A_201 : i32 to index
      %get3A_203 = tpu.vector_load %arg5[%get3A_202] {strides = array<i32>} : memref<65536xf32, #tpu.memory_space<vmem>>, vector<16xf32>,
      %mul3A_204 = arith.constant 4.096000e+03 : f32
      %mul3A_205 = vector.broadcast %mul3A_204 : f32 to vector<16xf32>
      %mul3A_206 = arith.mulf %get3A_199, %mul3A_205 : vector<16xf32>
      %add3A_207 = arith.constant 0x4B401000 : f32
      %add3A_208 = vector.broadcast %add3A_207 : f32 to vector<16xf32>
      %add3A_209 = arith.addf %mul3A_206, %add3A_208 : vector<16xf32>
      %convert_element_type3A_210 = arith.fptosi %add3A_209 : vector<16xf32> to vector<16xi32>
      %sub3A_211 = arith.constant 12582912 : i32
      %sub3A_212 = vector.broadcast %sub3A_211 : i32 to vector<16xi32>
      %sub3A_213 = arith.subi %convert_element_type3A_210, %sub3A_212 : vector<16xi32>
      %max3A_214 = arith.constant 0 : i32
      %max3A_215 = vector.broadcast %max3A_214 : i32 to vector<16xi32>
      %max3A_216 = arith.maxsi %sub3A_213, %max3A_215 : vector<16xi32>
      %min3A_217 = arith.constant 8191 : i32
      %min3A_218 = vector.broadcast %min3A_217 : i32 to vector<16xi32>
      %min3A_219 = arith.minsi %max3A_216, %min3A_218 : vector<16xi32>
      %mul3A_220 = arith.constant 2.048000e+03 : f32
      %mul3A_221 = vector.broadcast %mul3A_220 : f32 to vector<16xf32>
      %mul3A_222 = arith.mulf %get3A_203, %mul3A_221 : vector<16xf32>
      %add3A_223 = arith.constant 0x4B400800 : f32
      %add3A_224 = vector.broadcast %add3A_223 : f32 to vector<16xf32>
      %add3A_225 = arith.addf %mul3A_222, %add3A_224 : vector<16xf32>
      %convert_element_type3A_226 = arith.fptosi %add3A_225 : vector<16xf32> to vector<16xi32>
      %sub3A_227 = arith.constant 12582912 : i32
      %sub3A_228 = vector.broadcast %sub3A_227 : i32 to vector<16xi32>
      %sub3A_229 = arith.subi %convert_element_type3A_226, %sub3A_228 : vector<16xi32>
      %max3A_230 = arith.constant 0 : i32
      %max3A_231 = vector.broadcast %max3A_230 : i32 to vector<16xi32>
      %max3A_232 = arith.maxsi %sub3A_229, %max3A_231 : vector<16xi32>
      %min3A_233 = arith.constant 4095 : i32
      %min3A_234 = vector.broadcast %min3A_233 : i32 to vector<16xi32>
      %min3A_235 = arith.minsi %max3A_232, %min3A_234 : vector<16xi32>
      %shift_left3A_236 = arith.constant 7 : i32
      %shift_left3A_237 = vector.broadcast %shift_left3A_236 : i32 to vector<16xi32>
      %shift_left3A_238 = arith.shli %min3A_235, %shift_left3A_237 : vector<16xi32>
      %shift_right_arithmetic3A_239 = arith.constant 3 : i32
      %shift_right_arithmetic3A_240 = vector.broadcast %shift_right_arithmetic3A_239 : i32 to vector<16xi32>
      %shift_right_arithmetic3A_241 = arith.shrsi %min3A_235, %shift_right_arithmetic3A_240 : vector<16xi32>
      %mul3A_242 = arith.constant 64512 : i32
      %mul3A_243 = vector.broadcast %mul3A_242 : i32 to vector<16xi32>
      %mul3A_244 = arith.muli %shift_right_arithmetic3A_241, %mul3A_243 : vector<16xi32>
      %add3A_245 = arith.addi %shift_left3A_238, %mul3A_244 : vector<16xi32>
      %add3A_246 = arith.addi %add3A_245, %min3A_219 : vector<16xi32>
      %shift_right_arithmetic3A_247 = arith.constant 7 : i32
      %shift_right_arithmetic3A_248 = vector.broadcast %shift_right_arithmetic3A_247 : i32 to vector<16xi32>
      %shift_right_arithmetic3A_249 = arith.shrsi %min3A_219, %shift_right_arithmetic3A_248 : vector<16xi32>
      %mul3A_250 = arith.constant 896 : i32
      %mul3A_251 = vector.broadcast %mul3A_250 : i32 to vector<16xi32>
      %mul3A_252 = arith.muli %shift_right_arithmetic3A_249, %mul3A_251 : vector<16xi32>
      %add3A_253 = arith.addi %add3A_246, %mul3A_252 : vector<16xi32>
      %mul3A_254 = arith.constant 16 : i32
      %mul3A_255 = arith.muli %scan3A_186, %mul3A_254 : i32
      %swap3A_256 = arith.index_cast %mul3A_255 : i32 to index
      %swap3A_257 = tpu.vector_load %arg6[%swap3A_256] {strides = array<i32>} : memref<4096xi32, #tpu.memory_space<vmem>>, vector<16xi32>,
      tpu.vector_store %arg6[%swap3A_256], %add3A_253 {strides = array<i32>} : memref<4096xi32, #tpu.memory_space<vmem>>, vector<16xi32>,
      %scan3A_258 = arith.constant 2 : i32
      %scan3A_259 = arith.addi %scan3A_122, %scan3A_258 : i32
      %add3A_260 = arith.constant 1024 : i32
      %add3A_261 = arith.addi %add3A_260, %scan3A_259 : i32
      %shift_right_arithmetic3A_262 = arith.constant 3 : i32
      %shift_right_arithmetic3A_263 = arith.shrsi %add3A_261, %shift_right_arithmetic3A_262 : i32
      %mul3A_264 = arith.constant 256 : i32
      %mul3A_265 = arith.muli %shift_right_arithmetic3A_263, %mul3A_264 : i32
      %and3A_266 = arith.constant 7 : i32
      %and3A_267 = arith.andi %add3A_261, %and3A_266 : i32
      %mul3A_268 = arith.constant 16 : i32
      %mul3A_269 = arith.muli %and3A_267, %mul3A_268 : i32
      %add3A_270 = arith.addi %mul3A_265, %mul3A_269 : i32
      %get3A_271 = arith.index_cast %add3A_270 : i32 to index
      %get3A_272 = tpu.vector_load %arg5[%get3A_271] {strides = array<i32>} : memref<65536xf32, #tpu.memory_space<vmem>>, vector<16xf32>,
      %add3A_273 = arith.constant 128 : i32
      %add3A_274 = arith.addi %add3A_270, %add3A_273 : i32
      %get3A_275 = arith.index_cast %add3A_274 : i32 to index
      %get3A_276 = tpu.vector_load %arg5[%get3A_275] {strides = array<i32>} : memref<65536xf32, #tpu.memory_space<vmem>>, vector<16xf32>,
      %mul3A_277 = arith.constant 4.096000e+03 : f32
      %mul3A_278 = vector.broadcast %mul3A_277 : f32 to vector<16xf32>
      %mul3A_279 = arith.mulf %get3A_272, %mul3A_278 : vector<16xf32>
      %add3A_280 = arith.constant 0x4B401000 : f32
      %add3A_281 = vector.broadcast %add3A_280 : f32 to vector<16xf32>
      %add3A_282 = arith.addf %mul3A_279, %add3A_281 : vector<16xf32>
      %convert_element_type3A_283 = arith.fptosi %add3A_282 : vector<16xf32> to vector<16xi32>
      %sub3A_284 = arith.constant 12582912 : i32
      %sub3A_285 = vector.broadcast %sub3A_284 : i32 to vector<16xi32>
      %sub3A_286 = arith.subi %convert_element_type3A_283, %sub3A_285 : vector<16xi32>
      %max3A_287 = arith.constant 0 : i32
      %max3A_288 = vector.broadcast %max3A_287 : i32 to vector<16xi32>
      %max3A_289 = arith.maxsi %sub3A_286, %max3A_288 : vector<16xi32>
      %min3A_290 = arith.constant 8191 : i32
      %min3A_291 = vector.broadcast %min3A_290 : i32 to vector<16xi32>
      %min3A_292 = arith.minsi %max3A_289, %min3A_291 : vector<16xi32>
      %mul3A_293 = arith.constant 2.048000e+03 : f32
      %mul3A_294 = vector.broadcast %mul3A_293 : f32 to vector<16xf32>
      %mul3A_295 = arith.mulf %get3A_276, %mul3A_294 : vector<16xf32>
      %add3A_296 = arith.constant 0x4B400800 : f32
      %add3A_297 = vector.broadcast %add3A_296 : f32 to vector<16xf32>
      %add3A_298 = arith.addf %mul3A_295, %add3A_297 : vector<16xf32>
      %convert_element_type3A_299 = arith.fptosi %add3A_298 : vector<16xf32> to vector<16xi32>
      %sub3A_300 = arith.constant 12582912 : i32
      %sub3A_301 = vector.broadcast %sub3A_300 : i32 to vector<16xi32>
      %sub3A_302 = arith.subi %convert_element_type3A_299, %sub3A_301 : vector<16xi32>
      %max3A_303 = arith.constant 0 : i32
      %max3A_304 = vector.broadcast %max3A_303 : i32 to vector<16xi32>
      %max3A_305 = arith.maxsi %sub3A_302, %max3A_304 : vector<16xi32>
      %min3A_306 = arith.constant 4095 : i32
      %min3A_307 = vector.broadcast %min3A_306 : i32 to vector<16xi32>
      %min3A_308 = arith.minsi %max3A_305, %min3A_307 : vector<16xi32>
      %shift_left3A_309 = arith.constant 7 : i32
      %shift_left3A_310 = vector.broadcast %shift_left3A_309 : i32 to vector<16xi32>
      %shift_left3A_311 = arith.shli %min3A_308, %shift_left3A_310 : vector<16xi32>
      %shift_right_arithmetic3A_312 = arith.constant 3 : i32
      %shift_right_arithmetic3A_313 = vector.broadcast %shift_right_arithmetic3A_312 : i32 to vector<16xi32>
      %shift_right_arithmetic3A_314 = arith.shrsi %min3A_308, %shift_right_arithmetic3A_313 : vector<16xi32>
      %mul3A_315 = arith.constant 64512 : i32
      %mul3A_316 = vector.broadcast %mul3A_315 : i32 to vector<16xi32>
      %mul3A_317 = arith.muli %shift_right_arithmetic3A_314, %mul3A_316 : vector<16xi32>
      %add3A_318 = arith.addi %shift_left3A_311, %mul3A_317 : vector<16xi32>
      %add3A_319 = arith.addi %add3A_318, %min3A_292 : vector<16xi32>
      %shift_right_arithmetic3A_320 = arith.constant 7 : i32
      %shift_right_arithmetic3A_321 = vector.broadcast %shift_right_arithmetic3A_320 : i32 to vector<16xi32>
      %shift_right_arithmetic3A_322 = arith.shrsi %min3A_292, %shift_right_arithmetic3A_321 : vector<16xi32>
      %mul3A_323 = arith.constant 896 : i32
      %mul3A_324 = vector.broadcast %mul3A_323 : i32 to vector<16xi32>
      %mul3A_325 = arith.muli %shift_right_arithmetic3A_322, %mul3A_324 : vector<16xi32>
      %add3A_326 = arith.addi %add3A_319, %mul3A_325 : vector<16xi32>
      %mul3A_327 = arith.constant 16 : i32
      %mul3A_328 = arith.muli %scan3A_259, %mul3A_327 : i32
      %swap3A_329 = arith.index_cast %mul3A_328 : i32 to index
      %swap3A_330 = tpu.vector_load %arg6[%swap3A_329] {strides = array<i32>} : memref<4096xi32, #tpu.memory_space<vmem>>, vector<16xi32>,
      tpu.vector_store %arg6[%swap3A_329], %add3A_326 {strides = array<i32>} : memref<4096xi32, #tpu.memory_space<vmem>>, vector<16xi32>,
      %scan3A_331 = arith.constant 3 : i32
      %scan3A_332 = arith.addi %scan3A_122, %scan3A_331 : i32
      %add3A_333 = arith.constant 1024 : i32
      %add3A_334 = arith.addi %add3A_333, %scan3A_332 : i32
      %shift_right_arithmetic3A_335 = arith.constant 3 : i32
      %shift_right_arithmetic3A_336 = arith.shrsi %add3A_334, %shift_right_arithmetic3A_335 : i32
      %mul3A_337 = arith.constant 256 : i32
      %mul3A_338 = arith.muli %shift_right_arithmetic3A_336, %mul3A_337 : i32
      %and3A_339 = arith.constant 7 : i32
      %and3A_340 = arith.andi %add3A_334, %and3A_339 : i32
      %mul3A_341 = arith.constant 16 : i32
      %mul3A_342 = arith.muli %and3A_340, %mul3A_341 : i32
      %add3A_343 = arith.addi %mul3A_338, %mul3A_342 : i32
      %get3A_344 = arith.index_cast %add3A_343 : i32 to index
      %get3A_345 = tpu.vector_load %arg5[%get3A_344] {strides = array<i32>} : memref<65536xf32, #tpu.memory_space<vmem>>, vector<16xf32>,
      %add3A_346 = arith.constant 128 : i32
      %add3A_347 = arith.addi %add3A_343, %add3A_346 : i32
      %get3A_348 = arith.index_cast %add3A_347 : i32 to index
      %get3A_349 = tpu.vector_load %arg5[%get3A_348] {strides = array<i32>} : memref<65536xf32, #tpu.memory_space<vmem>>, vector<16xf32>,
      %mul3A_350 = arith.constant 4.096000e+03 : f32
      %mul3A_351 = vector.broadcast %mul3A_350 : f32 to vector<16xf32>
      %mul3A_352 = arith.mulf %get3A_345, %mul3A_351 : vector<16xf32>
      %add3A_353 = arith.constant 0x4B401000 : f32
      %add3A_354 = vector.broadcast %add3A_353 : f32 to vector<16xf32>
      %add3A_355 = arith.addf %mul3A_352, %add3A_354 : vector<16xf32>
      %convert_element_type3A_356 = arith.fptosi %add3A_355 : vector<16xf32> to vector<16xi32>
      %sub3A_357 = arith.constant 12582912 : i32
      %sub3A_358 = vector.broadcast %sub3A_357 : i32 to vector<16xi32>
      %sub3A_359 = arith.subi %convert_element_type3A_356, %sub3A_358 : vector<16xi32>
      %max3A_360 = arith.constant 0 : i32
      %max3A_361 = vector.broadcast %max3A_360 : i32 to vector<16xi32>
      %max3A_362 = arith.maxsi %sub3A_359, %max3A_361 : vector<16xi32>
      %min3A_363 = arith.constant 8191 : i32
      %min3A_364 = vector.broadcast %min3A_363 : i32 to vector<16xi32>
      %min3A_365 = arith.minsi %max3A_362, %min3A_364 : vector<16xi32>
      %mul3A_366 = arith.constant 2.048000e+03 : f32
      %mul3A_367 = vector.broadcast %mul3A_366 : f32 to vector<16xf32>
      %mul3A_368 = arith.mulf %get3A_349, %mul3A_367 : vector<16xf32>
      %add3A_369 = arith.constant 0x4B400800 : f32
      %add3A_370 = vector.broadcast %add3A_369 : f32 to vector<16xf32>
      %add3A_371 = arith.addf %mul3A_368, %add3A_370 : vector<16xf32>
      %convert_element_type3A_372 = arith.fptosi %add3A_371 : vector<16xf32> to vector<16xi32>
      %sub3A_373 = arith.constant 12582912 : i32
      %sub3A_374 = vector.broadcast %sub3A_373 : i32 to vector<16xi32>
      %sub3A_375 = arith.subi %convert_element_type3A_372, %sub3A_374 : vector<16xi32>
      %max3A_376 = arith.constant 0 : i32
      %max3A_377 = vector.broadcast %max3A_376 : i32 to vector<16xi32>
      %max3A_378 = arith.maxsi %sub3A_375, %max3A_377 : vector<16xi32>
      %min3A_379 = arith.constant 4095 : i32
      %min3A_380 = vector.broadcast %min3A_379 : i32 to vector<16xi32>
      %min3A_381 = arith.minsi %max3A_378, %min3A_380 : vector<16xi32>
      %shift_left3A_382 = arith.constant 7 : i32
      %shift_left3A_383 = vector.broadcast %shift_left3A_382 : i32 to vector<16xi32>
      %shift_left3A_384 = arith.shli %min3A_381, %shift_left3A_383 : vector<16xi32>
      %shift_right_arithmetic3A_385 = arith.constant 3 : i32
      %shift_right_arithmetic3A_386 = vector.broadcast %shift_right_arithmetic3A_385 : i32 to vector<16xi32>
      %shift_right_arithmetic3A_387 = arith.shrsi %min3A_381, %shift_right_arithmetic3A_386 : vector<16xi32>
      %mul3A_388 = arith.constant 64512 : i32
      %mul3A_389 = vector.broadcast %mul3A_388 : i32 to vector<16xi32>
      %mul3A_390 = arith.muli %shift_right_arithmetic3A_387, %mul3A_389 : vector<16xi32>
      %add3A_391 = arith.addi %shift_left3A_384, %mul3A_390 : vector<16xi32>
      %add3A_392 = arith.addi %add3A_391, %min3A_365 : vector<16xi32>
      %shift_right_arithmetic3A_393 = arith.constant 7 : i32
      %shift_right_arithmetic3A_394 = vector.broadcast %shift_right_arithmetic3A_393 : i32 to vector<16xi32>
      %shift_right_arithmetic3A_395 = arith.shrsi %min3A_365, %shift_right_arithmetic3A_394 : vector<16xi32>
      %mul3A_396 = arith.constant 896 : i32
      %mul3A_397 = vector.broadcast %mul3A_396 : i32 to vector<16xi32>
      %mul3A_398 = arith.muli %shift_right_arithmetic3A_395, %mul3A_397 : vector<16xi32>
      %add3A_399 = arith.addi %add3A_392, %mul3A_398 : vector<16xi32>
      %mul3A_400 = arith.constant 16 : i32
      %mul3A_401 = arith.muli %scan3A_332, %mul3A_400 : i32
      %swap3A_402 = arith.index_cast %mul3A_401 : i32 to index
      %swap3A_403 = tpu.vector_load %arg6[%swap3A_402] {strides = array<i32>} : memref<4096xi32, #tpu.memory_space<vmem>>, vector<16xi32>,
      tpu.vector_store %arg6[%swap3A_402], %add3A_399 {strides = array<i32>} : memref<4096xi32, #tpu.memory_space<vmem>>, vector<16xi32>,
    }
    %scan3A_55 = arith.constant 256 : i32
    %dma_wait3A_56 = arith.constant 4096 : i32
    %dma_wait3A_57 = tpu.memref_slice %arg10[%dma_wait3A_56] : memref<32768xf32, #tpu.memory_space<vmem>> -> memref<4096xf32, #tpu.memory_space<vmem>>
    %dma_wait3A_58 = arith.constant 0 : i32
    %dma_wait3A_59 = tpu.memref_slice %arg3[%dma_wait3A_58] : memref<33554432xf32, #tpu.memory_space<hbm>> -> memref<33554432xf32, #tpu.memory_space<hbm>>
    tpu.wait_indirect_dma semaphore(%arg13 : memref<!tpu.dma_semaphore, #tpu.memory_space<semaphore_mem>>) src(%dma_wait3A_59 : memref<33554432xf32, #tpu.memory_space<hbm>>) dst(%dma_wait3A_57 : memref<4096xf32, #tpu.memory_space<vmem>>)
    %dma_start3A_60 = arith.constant 16384 : i32
    %dma_start3A_61 = tpu.memref_slice %arg10[%dma_start3A_60] : memref<32768xf32, #tpu.memory_space<vmem>> -> memref<4096xf32, #tpu.memory_space<vmem>>
    %dma_start3A_62 = arith.constant 0 : i32
    %dma_start3A_63 = tpu.memref_slice %arg3[%dma_start3A_62] : memref<33554432xf32, #tpu.memory_space<hbm>> -> memref<33554432xf32, #tpu.memory_space<hbm>>
    tpu.enqueue_indirect_dma source(%dma_start3A_63 : memref<33554432xf32, #tpu.memory_space<hbm>>) target(%dma_start3A_61 : memref<4096xf32, #tpu.memory_space<vmem>>) offsets(%arg6 : memref<4096xi32, #tpu.memory_space<vmem>>) semaphore(%arg12 : memref<!tpu.dma_semaphore, #tpu.memory_space<semaphore_mem>>)
    %scan3A_64 = arith.constant 0 : i32
    %scan3A_65 = arith.constant 0 : i32
    %scan3A_66 = arith.constant 256 : i32
    %scan3A_67 = arith.addi %scan3A_65, %scan3A_66 : i32
    %scan3A_68 = arith.constant 4 : i32
    scf.for %scan3A_122 = %scan3A_65 to %scan3A_67 step %scan3A_68  : i32 {
      %add3A_123 = arith.constant 1280 : i32
      %add3A_124 = arith.addi %add3A_123, %scan3A_122 : i32
      %shift_right_arithmetic3A = arith.constant 3 : i32
      %shift_right_arithmetic3A_125 = arith.shrsi %add3A_124, %shift_right_arithmetic3A : i32
      %mul3A_126 = arith.constant 256 : i32
      %mul3A_127 = arith.muli %shift_right_arithmetic3A_125, %mul3A_126 : i32
      %and3A = arith.constant 7 : i32
      %and3A_128 = arith.andi %add3A_124, %and3A : i32
      %mul3A_129 = arith.constant 16 : i32
      %mul3A_130 = arith.muli %and3A_128, %mul3A_129 : i32
      %add3A_131 = arith.addi %mul3A_127, %mul3A_130 : i32
      %get3A = arith.index_cast %add3A_131 : i32 to index
      %get3A_132 = tpu.vector_load %arg5[%get3A] {strides = array<i32>} : memref<65536xf32, #tpu.memory_space<vmem>>, vector<16xf32>,
      %add3A_133 = arith.constant 128 : i32
      %add3A_134 = arith.addi %add3A_131, %add3A_133 : i32
      %get3A_135 = arith.index_cast %add3A_134 : i32 to index
      %get3A_136 = tpu.vector_load %arg5[%get3A_135] {strides = array<i32>} : memref<65536xf32, #tpu.memory_space<vmem>>, vector<16xf32>,
      %mul3A_137 = arith.constant 4.096000e+03 : f32
      %mul3A_138 = vector.broadcast %mul3A_137 : f32 to vector<16xf32>
      %mul3A_139 = arith.mulf %get3A_132, %mul3A_138 : vector<16xf32>
      %add3A_140 = arith.constant 0x4B401000 : f32
      %add3A_141 = vector.broadcast %add3A_140 : f32 to vector<16xf32>
      %add3A_142 = arith.addf %mul3A_139, %add3A_141 : vector<16xf32>
      %convert_element_type3A = arith.fptosi %add3A_142 : vector<16xf32> to vector<16xi32>
      %sub3A = arith.constant 12582912 : i32
      %sub3A_143 = vector.broadcast %sub3A : i32 to vector<16xi32>
      %sub3A_144 = arith.subi %convert_element_type3A, %sub3A_143 : vector<16xi32>
      %max3A = arith.constant 0 : i32
      %max3A_145 = vector.broadcast %max3A : i32 to vector<16xi32>
      %max3A_146 = arith.maxsi %sub3A_144, %max3A_145 : vector<16xi32>
      %min3A = arith.constant 8191 : i32
      %min3A_147 = vector.broadcast %min3A : i32 to vector<16xi32>
      %min3A_148 = arith.minsi %max3A_146, %min3A_147 : vector<16xi32>
      %mul3A_149 = arith.constant 2.048000e+03 : f32
      %mul3A_150 = vector.broadcast %mul3A_149 : f32 to vector<16xf32>
      %mul3A_151 = arith.mulf %get3A_136, %mul3A_150 : vector<16xf32>
      %add3A_152 = arith.constant 0x4B400800 : f32
      %add3A_153 = vector.broadcast %add3A_152 : f32 to vector<16xf32>
      %add3A_154 = arith.addf %mul3A_151, %add3A_153 : vector<16xf32>
      %convert_element_type3A_155 = arith.fptosi %add3A_154 : vector<16xf32> to vector<16xi32>
      %sub3A_156 = arith.constant 12582912 : i32
      %sub3A_157 = vector.broadcast %sub3A_156 : i32 to vector<16xi32>
      %sub3A_158 = arith.subi %convert_element_type3A_155, %sub3A_157 : vector<16xi32>
      %max3A_159 = arith.constant 0 : i32
      %max3A_160 = vector.broadcast %max3A_159 : i32 to vector<16xi32>
      %max3A_161 = arith.maxsi %sub3A_158, %max3A_160 : vector<16xi32>
      %min3A_162 = arith.constant 4095 : i32
      %min3A_163 = vector.broadcast %min3A_162 : i32 to vector<16xi32>
      %min3A_164 = arith.minsi %max3A_161, %min3A_163 : vector<16xi32>
      %shift_left3A = arith.constant 7 : i32
      %shift_left3A_165 = vector.broadcast %shift_left3A : i32 to vector<16xi32>
      %shift_left3A_166 = arith.shli %min3A_164, %shift_left3A_165 : vector<16xi32>
      %shift_right_arithmetic3A_167 = arith.constant 3 : i32
      %shift_right_arithmetic3A_168 = vector.broadcast %shift_right_arithmetic3A_167 : i32 to vector<16xi32>
      %shift_right_arithmetic3A_169 = arith.shrsi %min3A_164, %shift_right_arithmetic3A_168 : vector<16xi32>
      %mul3A_170 = arith.constant 64512 : i32
      %mul3A_171 = vector.broadcast %mul3A_170 : i32 to vector<16xi32>
      %mul3A_172 = arith.muli %shift_right_arithmetic3A_169, %mul3A_171 : vector<16xi32>
      %add3A_173 = arith.addi %shift_left3A_166, %mul3A_172 : vector<16xi32>
      %add3A_174 = arith.addi %add3A_173, %min3A_148 : vector<16xi32>
      %shift_right_arithmetic3A_175 = arith.constant 7 : i32
      %shift_right_arithmetic3A_176 = vector.broadcast %shift_right_arithmetic3A_175 : i32 to vector<16xi32>
      %shift_right_arithmetic3A_177 = arith.shrsi %min3A_148, %shift_right_arithmetic3A_176 : vector<16xi32>
      %mul3A_178 = arith.constant 896 : i32
      %mul3A_179 = vector.broadcast %mul3A_178 : i32 to vector<16xi32>
      %mul3A_180 = arith.muli %shift_right_arithmetic3A_177, %mul3A_179 : vector<16xi32>
      %add3A_181 = arith.addi %add3A_174, %mul3A_180 : vector<16xi32>
      %mul3A_182 = arith.constant 16 : i32
      %mul3A_183 = arith.muli %scan3A_122, %mul3A_182 : i32
      %swap3A = arith.index_cast %mul3A_183 : i32 to index
      %swap3A_184 = tpu.vector_load %arg7[%swap3A] {strides = array<i32>} : memref<4096xi32, #tpu.memory_space<vmem>>, vector<16xi32>,
      tpu.vector_store %arg7[%swap3A], %add3A_181 {strides = array<i32>} : memref<4096xi32, #tpu.memory_space<vmem>>, vector<16xi32>,
      %scan3A_185 = arith.constant 1 : i32
      %scan3A_186 = arith.addi %scan3A_122, %scan3A_185 : i32
      %add3A_187 = arith.constant 1280 : i32
      %add3A_188 = arith.addi %add3A_187, %scan3A_186 : i32
      %shift_right_arithmetic3A_189 = arith.constant 3 : i32
      %shift_right_arithmetic3A_190 = arith.shrsi %add3A_188, %shift_right_arithmetic3A_189 : i32
      %mul3A_191 = arith.constant 256 : i32
      %mul3A_192 = arith.muli %shift_right_arithmetic3A_190, %mul3A_191 : i32
      %and3A_193 = arith.constant 7 : i32
      %and3A_194 = arith.andi %add3A_188, %and3A_193 : i32
      %mul3A_195 = arith.constant 16 : i32
      %mul3A_196 = arith.muli %and3A_194, %mul3A_195 : i32
      %add3A_197 = arith.addi %mul3A_192, %mul3A_196 : i32
      %get3A_198 = arith.index_cast %add3A_197 : i32 to index
      %get3A_199 = tpu.vector_load %arg5[%get3A_198] {strides = array<i32>} : memref<65536xf32, #tpu.memory_space<vmem>>, vector<16xf32>,
      %add3A_200 = arith.constant 128 : i32
      %add3A_201 = arith.addi %add3A_197, %add3A_200 : i32
      %get3A_202 = arith.index_cast %add3A_201 : i32 to index
      %get3A_203 = tpu.vector_load %arg5[%get3A_202] {strides = array<i32>} : memref<65536xf32, #tpu.memory_space<vmem>>, vector<16xf32>,
      %mul3A_204 = arith.constant 4.096000e+03 : f32
      %mul3A_205 = vector.broadcast %mul3A_204 : f32 to vector<16xf32>
      %mul3A_206 = arith.mulf %get3A_199, %mul3A_205 : vector<16xf32>
      %add3A_207 = arith.constant 0x4B401000 : f32
      %add3A_208 = vector.broadcast %add3A_207 : f32 to vector<16xf32>
      %add3A_209 = arith.addf %mul3A_206, %add3A_208 : vector<16xf32>
      %convert_element_type3A_210 = arith.fptosi %add3A_209 : vector<16xf32> to vector<16xi32>
      %sub3A_211 = arith.constant 12582912 : i32
      %sub3A_212 = vector.broadcast %sub3A_211 : i32 to vector<16xi32>
      %sub3A_213 = arith.subi %convert_element_type3A_210, %sub3A_212 : vector<16xi32>
      %max3A_214 = arith.constant 0 : i32
      %max3A_215 = vector.broadcast %max3A_214 : i32 to vector<16xi32>
      %max3A_216 = arith.maxsi %sub3A_213, %max3A_215 : vector<16xi32>
      %min3A_217 = arith.constant 8191 : i32
      %min3A_218 = vector.broadcast %min3A_217 : i32 to vector<16xi32>
      %min3A_219 = arith.minsi %max3A_216, %min3A_218 : vector<16xi32>
      %mul3A_220 = arith.constant 2.048000e+03 : f32
      %mul3A_221 = vector.broadcast %mul3A_220 : f32 to vector<16xf32>
      %mul3A_222 = arith.mulf %get3A_203, %mul3A_221 : vector<16xf32>
      %add3A_223 = arith.constant 0x4B400800 : f32
      %add3A_224 = vector.broadcast %add3A_223 : f32 to vector<16xf32>
      %add3A_225 = arith.addf %mul3A_222, %add3A_224 : vector<16xf32>
      %convert_element_type3A_226 = arith.fptosi %add3A_225 : vector<16xf32> to vector<16xi32>
      %sub3A_227 = arith.constant 12582912 : i32
      %sub3A_228 = vector.broadcast %sub3A_227 : i32 to vector<16xi32>
      %sub3A_229 = arith.subi %convert_element_type3A_226, %sub3A_228 : vector<16xi32>
      %max3A_230 = arith.constant 0 : i32
      %max3A_231 = vector.broadcast %max3A_230 : i32 to vector<16xi32>
      %max3A_232 = arith.maxsi %sub3A_229, %max3A_231 : vector<16xi32>
      %min3A_233 = arith.constant 4095 : i32
      %min3A_234 = vector.broadcast %min3A_233 : i32 to vector<16xi32>
      %min3A_235 = arith.minsi %max3A_232, %min3A_234 : vector<16xi32>
      %shift_left3A_236 = arith.constant 7 : i32
      %shift_left3A_237 = vector.broadcast %shift_left3A_236 : i32 to vector<16xi32>
      %shift_left3A_238 = arith.shli %min3A_235, %shift_left3A_237 : vector<16xi32>
      %shift_right_arithmetic3A_239 = arith.constant 3 : i32
      %shift_right_arithmetic3A_240 = vector.broadcast %shift_right_arithmetic3A_239 : i32 to vector<16xi32>
      %shift_right_arithmetic3A_241 = arith.shrsi %min3A_235, %shift_right_arithmetic3A_240 : vector<16xi32>
      %mul3A_242 = arith.constant 64512 : i32
      %mul3A_243 = vector.broadcast %mul3A_242 : i32 to vector<16xi32>
      %mul3A_244 = arith.muli %shift_right_arithmetic3A_241, %mul3A_243 : vector<16xi32>
      %add3A_245 = arith.addi %shift_left3A_238, %mul3A_244 : vector<16xi32>
      %add3A_246 = arith.addi %add3A_245, %min3A_219 : vector<16xi32>
      %shift_right_arithmetic3A_247 = arith.constant 7 : i32
      %shift_right_arithmetic3A_248 = vector.broadcast %shift_right_arithmetic3A_247 : i32 to vector<16xi32>
      %shift_right_arithmetic3A_249 = arith.shrsi %min3A_219, %shift_right_arithmetic3A_248 : vector<16xi32>
      %mul3A_250 = arith.constant 896 : i32
      %mul3A_251 = vector.broadcast %mul3A_250 : i32 to vector<16xi32>
      %mul3A_252 = arith.muli %shift_right_arithmetic3A_249, %mul3A_251 : vector<16xi32>
      %add3A_253 = arith.addi %add3A_246, %mul3A_252 : vector<16xi32>
      %mul3A_254 = arith.constant 16 : i32
      %mul3A_255 = arith.muli %scan3A_186, %mul3A_254 : i32
      %swap3A_256 = arith.index_cast %mul3A_255 : i32 to index
      %swap3A_257 = tpu.vector_load %arg7[%swap3A_256] {strides = array<i32>} : memref<4096xi32, #tpu.memory_space<vmem>>, vector<16xi32>,
      tpu.vector_store %arg7[%swap3A_256], %add3A_253 {strides = array<i32>} : memref<4096xi32, #tpu.memory_space<vmem>>, vector<16xi32>,
      %scan3A_258 = arith.constant 2 : i32
      %scan3A_259 = arith.addi %scan3A_122, %scan3A_258 : i32
      %add3A_260 = arith.constant 1280 : i32
      %add3A_261 = arith.addi %add3A_260, %scan3A_259 : i32
      %shift_right_arithmetic3A_262 = arith.constant 3 : i32
      %shift_right_arithmetic3A_263 = arith.shrsi %add3A_261, %shift_right_arithmetic3A_262 : i32
      %mul3A_264 = arith.constant 256 : i32
      %mul3A_265 = arith.muli %shift_right_arithmetic3A_263, %mul3A_264 : i32
      %and3A_266 = arith.constant 7 : i32
      %and3A_267 = arith.andi %add3A_261, %and3A_266 : i32
      %mul3A_268 = arith.constant 16 : i32
      %mul3A_269 = arith.muli %and3A_267, %mul3A_268 : i32
      %add3A_270 = arith.addi %mul3A_265, %mul3A_269 : i32
      %get3A_271 = arith.index_cast %add3A_270 : i32 to index
      %get3A_272 = tpu.vector_load %arg5[%get3A_271] {strides = array<i32>} : memref<65536xf32, #tpu.memory_space<vmem>>, vector<16xf32>,
      %add3A_273 = arith.constant 128 : i32
      %add3A_274 = arith.addi %add3A_270, %add3A_273 : i32
      %get3A_275 = arith.index_cast %add3A_274 : i32 to index
      %get3A_276 = tpu.vector_load %arg5[%get3A_275] {strides = array<i32>} : memref<65536xf32, #tpu.memory_space<vmem>>, vector<16xf32>,
      %mul3A_277 = arith.constant 4.096000e+03 : f32
      %mul3A_278 = vector.broadcast %mul3A_277 : f32 to vector<16xf32>
      %mul3A_279 = arith.mulf %get3A_272, %mul3A_278 : vector<16xf32>
      %add3A_280 = arith.constant 0x4B401000 : f32
      %add3A_281 = vector.broadcast %add3A_280 : f32 to vector<16xf32>
      %add3A_282 = arith.addf %mul3A_279, %add3A_281 : vector<16xf32>
      %convert_element_type3A_283 = arith.fptosi %add3A_282 : vector<16xf32> to vector<16xi32>
      %sub3A_284 = arith.constant 12582912 : i32
      %sub3A_285 = vector.broadcast %sub3A_284 : i32 to vector<16xi32>
      %sub3A_286 = arith.subi %convert_element_type3A_283, %sub3A_285 : vector<16xi32>
      %max3A_287 = arith.constant 0 : i32
      %max3A_288 = vector.broadcast %max3A_287 : i32 to vector<16xi32>
      %max3A_289 = arith.maxsi %sub3A_286, %max3A_288 : vector<16xi32>
      %min3A_290 = arith.constant 8191 : i32
      %min3A_291 = vector.broadcast %min3A_290 : i32 to vector<16xi32>
      %min3A_292 = arith.minsi %max3A_289, %min3A_291 : vector<16xi32>
      %mul3A_293 = arith.constant 2.048000e+03 : f32
      %mul3A_294 = vector.broadcast %mul3A_293 : f32 to vector<16xf32>
      %mul3A_295 = arith.mulf %get3A_276, %mul3A_294 : vector<16xf32>
      %add3A_296 = arith.constant 0x4B400800 : f32
      %add3A_297 = vector.broadcast %add3A_296 : f32 to vector<16xf32>
      %add3A_298 = arith.addf %mul3A_295, %add3A_297 : vector<16xf32>
      %convert_element_type3A_299 = arith.fptosi %add3A_298 : vector<16xf32> to vector<16xi32>
      %sub3A_300 = arith.constant 12582912 : i32
      %sub3A_301 = vector.broadcast %sub3A_300 : i32 to vector<16xi32>
      %sub3A_302 = arith.subi %convert_element_type3A_299, %sub3A_301 : vector<16xi32>
      %max3A_303 = arith.constant 0 : i32
      %max3A_304 = vector.broadcast %max3A_303 : i32 to vector<16xi32>
      %max3A_305 = arith.maxsi %sub3A_302, %max3A_304 : vector<16xi32>
      %min3A_306 = arith.constant 4095 : i32
      %min3A_307 = vector.broadcast %min3A_306 : i32 to vector<16xi32>
      %min3A_308 = arith.minsi %max3A_305, %min3A_307 : vector<16xi32>
      %shift_left3A_309 = arith.constant 7 : i32
      %shift_left3A_310 = vector.broadcast %shift_left3A_309 : i32 to vector<16xi32>
      %shift_left3A_311 = arith.shli %min3A_308, %shift_left3A_310 : vector<16xi32>
      %shift_right_arithmetic3A_312 = arith.constant 3 : i32
      %shift_right_arithmetic3A_313 = vector.broadcast %shift_right_arithmetic3A_312 : i32 to vector<16xi32>
      %shift_right_arithmetic3A_314 = arith.shrsi %min3A_308, %shift_right_arithmetic3A_313 : vector<16xi32>
      %mul3A_315 = arith.constant 64512 : i32
      %mul3A_316 = vector.broadcast %mul3A_315 : i32 to vector<16xi32>
      %mul3A_317 = arith.muli %shift_right_arithmetic3A_314, %mul3A_316 : vector<16xi32>
      %add3A_318 = arith.addi %shift_left3A_311, %mul3A_317 : vector<16xi32>
      %add3A_319 = arith.addi %add3A_318, %min3A_292 : vector<16xi32>
      %shift_right_arithmetic3A_320 = arith.constant 7 : i32
      %shift_right_arithmetic3A_321 = vector.broadcast %shift_right_arithmetic3A_320 : i32 to vector<16xi32>
      %shift_right_arithmetic3A_322 = arith.shrsi %min3A_292, %shift_right_arithmetic3A_321 : vector<16xi32>
      %mul3A_323 = arith.constant 896 : i32
      %mul3A_324 = vector.broadcast %mul3A_323 : i32 to vector<16xi32>
      %mul3A_325 = arith.muli %shift_right_arithmetic3A_322, %mul3A_324 : vector<16xi32>
      %add3A_326 = arith.addi %add3A_319, %mul3A_325 : vector<16xi32>
      %mul3A_327 = arith.constant 16 : i32
      %mul3A_328 = arith.muli %scan3A_259, %mul3A_327 : i32
      %swap3A_329 = arith.index_cast %mul3A_328 : i32 to index
      %swap3A_330 = tpu.vector_load %arg7[%swap3A_329] {strides = array<i32>} : memref<4096xi32, #tpu.memory_space<vmem>>, vector<16xi32>,
      tpu.vector_store %arg7[%swap3A_329], %add3A_326 {strides = array<i32>} : memref<4096xi32, #tpu.memory_space<vmem>>, vector<16xi32>,
      %scan3A_331 = arith.constant 3 : i32
      %scan3A_332 = arith.addi %scan3A_122, %scan3A_331 : i32
      %add3A_333 = arith.constant 1280 : i32
      %add3A_334 = arith.addi %add3A_333, %scan3A_332 : i32
      %shift_right_arithmetic3A_335 = arith.constant 3 : i32
      %shift_right_arithmetic3A_336 = arith.shrsi %add3A_334, %shift_right_arithmetic3A_335 : i32
      %mul3A_337 = arith.constant 256 : i32
      %mul3A_338 = arith.muli %shift_right_arithmetic3A_336, %mul3A_337 : i32
      %and3A_339 = arith.constant 7 : i32
      %and3A_340 = arith.andi %add3A_334, %and3A_339 : i32
      %mul3A_341 = arith.constant 16 : i32
      %mul3A_342 = arith.muli %and3A_340, %mul3A_341 : i32
      %add3A_343 = arith.addi %mul3A_338, %mul3A_342 : i32
      %get3A_344 = arith.index_cast %add3A_343 : i32 to index
      %get3A_345 = tpu.vector_load %arg5[%get3A_344] {strides = array<i32>} : memref<65536xf32, #tpu.memory_space<vmem>>, vector<16xf32>,
      %add3A_346 = arith.constant 128 : i32
      %add3A_347 = arith.addi %add3A_343, %add3A_346 : i32
      %get3A_348 = arith.index_cast %add3A_347 : i32 to index
      %get3A_349 = tpu.vector_load %arg5[%get3A_348] {strides = array<i32>} : memref<65536xf32, #tpu.memory_space<vmem>>, vector<16xf32>,
      %mul3A_350 = arith.constant 4.096000e+03 : f32
      %mul3A_351 = vector.broadcast %mul3A_350 : f32 to vector<16xf32>
      %mul3A_352 = arith.mulf %get3A_345, %mul3A_351 : vector<16xf32>
      %add3A_353 = arith.constant 0x4B401000 : f32
      %add3A_354 = vector.broadcast %add3A_353 : f32 to vector<16xf32>
      %add3A_355 = arith.addf %mul3A_352, %add3A_354 : vector<16xf32>
      %convert_element_type3A_356 = arith.fptosi %add3A_355 : vector<16xf32> to vector<16xi32>
      %sub3A_357 = arith.constant 12582912 : i32
      %sub3A_358 = vector.broadcast %sub3A_357 : i32 to vector<16xi32>
      %sub3A_359 = arith.subi %convert_element_type3A_356, %sub3A_358 : vector<16xi32>
      %max3A_360 = arith.constant 0 : i32
      %max3A_361 = vector.broadcast %max3A_360 : i32 to vector<16xi32>
      %max3A_362 = arith.maxsi %sub3A_359, %max3A_361 : vector<16xi32>
      %min3A_363 = arith.constant 8191 : i32
      %min3A_364 = vector.broadcast %min3A_363 : i32 to vector<16xi32>
      %min3A_365 = arith.minsi %max3A_362, %min3A_364 : vector<16xi32>
      %mul3A_366 = arith.constant 2.048000e+03 : f32
      %mul3A_367 = vector.broadcast %mul3A_366 : f32 to vector<16xf32>
      %mul3A_368 = arith.mulf %get3A_349, %mul3A_367 : vector<16xf32>
      %add3A_369 = arith.constant 0x4B400800 : f32
      %add3A_370 = vector.broadcast %add3A_369 : f32 to vector<16xf32>
      %add3A_371 = arith.addf %mul3A_368, %add3A_370 : vector<16xf32>
      %convert_element_type3A_372 = arith.fptosi %add3A_371 : vector<16xf32> to vector<16xi32>
      %sub3A_373 = arith.constant 12582912 : i32
      %sub3A_374 = vector.broadcast %sub3A_373 : i32 to vector<16xi32>
      %sub3A_375 = arith.subi %convert_element_type3A_372, %sub3A_374 : vector<16xi32>
      %max3A_376 = arith.constant 0 : i32
      %max3A_377 = vector.broadcast %max3A_376 : i32 to vector<16xi32>
      %max3A_378 = arith.maxsi %sub3A_375, %max3A_377 : vector<16xi32>
      %min3A_379 = arith.constant 4095 : i32
      %min3A_380 = vector.broadcast %min3A_379 : i32 to vector<16xi32>
      %min3A_381 = arith.minsi %max3A_378, %min3A_380 : vector<16xi32>
      %shift_left3A_382 = arith.constant 7 : i32
      %shift_left3A_383 = vector.broadcast %shift_left3A_382 : i32 to vector<16xi32>
      %shift_left3A_384 = arith.shli %min3A_381, %shift_left3A_383 : vector<16xi32>
      %shift_right_arithmetic3A_385 = arith.constant 3 : i32
      %shift_right_arithmetic3A_386 = vector.broadcast %shift_right_arithmetic3A_385 : i32 to vector<16xi32>
      %shift_right_arithmetic3A_387 = arith.shrsi %min3A_381, %shift_right_arithmetic3A_386 : vector<16xi32>
      %mul3A_388 = arith.constant 64512 : i32
      %mul3A_389 = vector.broadcast %mul3A_388 : i32 to vector<16xi32>
      %mul3A_390 = arith.muli %shift_right_arithmetic3A_387, %mul3A_389 : vector<16xi32>
      %add3A_391 = arith.addi %shift_left3A_384, %mul3A_390 : vector<16xi32>
      %add3A_392 = arith.addi %add3A_391, %min3A_365 : vector<16xi32>
      %shift_right_arithmetic3A_393 = arith.constant 7 : i32
      %shift_right_arithmetic3A_394 = vector.broadcast %shift_right_arithmetic3A_393 : i32 to vector<16xi32>
      %shift_right_arithmetic3A_395 = arith.shrsi %min3A_365, %shift_right_arithmetic3A_394 : vector<16xi32>
      %mul3A_396 = arith.constant 896 : i32
      %mul3A_397 = vector.broadcast %mul3A_396 : i32 to vector<16xi32>
      %mul3A_398 = arith.muli %shift_right_arithmetic3A_395, %mul3A_397 : vector<16xi32>
      %add3A_399 = arith.addi %add3A_392, %mul3A_398 : vector<16xi32>
      %mul3A_400 = arith.constant 16 : i32
      %mul3A_401 = arith.muli %scan3A_332, %mul3A_400 : i32
      %swap3A_402 = arith.index_cast %mul3A_401 : i32 to index
      %swap3A_403 = tpu.vector_load %arg7[%swap3A_402] {strides = array<i32>} : memref<4096xi32, #tpu.memory_space<vmem>>, vector<16xi32>,
      tpu.vector_store %arg7[%swap3A_402], %add3A_399 {strides = array<i32>} : memref<4096xi32, #tpu.memory_space<vmem>>, vector<16xi32>,
    }
    %scan3A_69 = arith.constant 256 : i32
    %dma_wait3A_70 = arith.constant 8192 : i32
    %dma_wait3A_71 = tpu.memref_slice %arg10[%dma_wait3A_70] : memref<32768xf32, #tpu.memory_space<vmem>> -> memref<4096xf32, #tpu.memory_space<vmem>>
    %dma_wait3A_72 = arith.constant 0 : i32
    %dma_wait3A_73 = tpu.memref_slice %arg3[%dma_wait3A_72] : memref<33554432xf32, #tpu.memory_space<hbm>> -> memref<33554432xf32, #tpu.memory_space<hbm>>
    tpu.wait_indirect_dma semaphore(%arg14 : memref<!tpu.dma_semaphore, #tpu.memory_space<semaphore_mem>>) src(%dma_wait3A_73 : memref<33554432xf32, #tpu.memory_space<hbm>>) dst(%dma_wait3A_71 : memref<4096xf32, #tpu.memory_space<vmem>>)
    %dma_start3A_74 = arith.constant 20480 : i32
    %dma_start3A_75 = tpu.memref_slice %arg10[%dma_start3A_74] : memref<32768xf32, #tpu.memory_space<vmem>> -> memref<4096xf32, #tpu.memory_space<vmem>>
    %dma_start3A_76 = arith.constant 0 : i32
    %dma_start3A_77 = tpu.memref_slice %arg3[%dma_start3A_76] : memref<33554432xf32, #tpu.memory_space<hbm>> -> memref<33554432xf32, #tpu.memory_space<hbm>>
    tpu.enqueue_indirect_dma source(%dma_start3A_77 : memref<33554432xf32, #tpu.memory_space<hbm>>) target(%dma_start3A_75 : memref<4096xf32, #tpu.memory_space<vmem>>) offsets(%arg7 : memref<4096xi32, #tpu.memory_space<vmem>>) semaphore(%arg13 : memref<!tpu.dma_semaphore, #tpu.memory_space<semaphore_mem>>)
    %scan3A_78 = arith.constant 0 : i32
    %scan3A_79 = arith.constant 0 : i32
    %scan3A_80 = arith.constant 256 : i32
    %scan3A_81 = arith.addi %scan3A_79, %scan3A_80 : i32
    %scan3A_82 = arith.constant 4 : i32
    scf.for %scan3A_122 = %scan3A_79 to %scan3A_81 step %scan3A_82  : i32 {
      %add3A_123 = arith.constant 1536 : i32
      %add3A_124 = arith.addi %add3A_123, %scan3A_122 : i32
      %shift_right_arithmetic3A = arith.constant 3 : i32
      %shift_right_arithmetic3A_125 = arith.shrsi %add3A_124, %shift_right_arithmetic3A : i32
      %mul3A_126 = arith.constant 256 : i32
      %mul3A_127 = arith.muli %shift_right_arithmetic3A_125, %mul3A_126 : i32
      %and3A = arith.constant 7 : i32
      %and3A_128 = arith.andi %add3A_124, %and3A : i32
      %mul3A_129 = arith.constant 16 : i32
      %mul3A_130 = arith.muli %and3A_128, %mul3A_129 : i32
      %add3A_131 = arith.addi %mul3A_127, %mul3A_130 : i32
      %get3A = arith.index_cast %add3A_131 : i32 to index
      %get3A_132 = tpu.vector_load %arg5[%get3A] {strides = array<i32>} : memref<65536xf32, #tpu.memory_space<vmem>>, vector<16xf32>,
      %add3A_133 = arith.constant 128 : i32
      %add3A_134 = arith.addi %add3A_131, %add3A_133 : i32
      %get3A_135 = arith.index_cast %add3A_134 : i32 to index
      %get3A_136 = tpu.vector_load %arg5[%get3A_135] {strides = array<i32>} : memref<65536xf32, #tpu.memory_space<vmem>>, vector<16xf32>,
      %mul3A_137 = arith.constant 4.096000e+03 : f32
      %mul3A_138 = vector.broadcast %mul3A_137 : f32 to vector<16xf32>
      %mul3A_139 = arith.mulf %get3A_132, %mul3A_138 : vector<16xf32>
      %add3A_140 = arith.constant 0x4B401000 : f32
      %add3A_141 = vector.broadcast %add3A_140 : f32 to vector<16xf32>
      %add3A_142 = arith.addf %mul3A_139, %add3A_141 : vector<16xf32>
      %convert_element_type3A = arith.fptosi %add3A_142 : vector<16xf32> to vector<16xi32>
      %sub3A = arith.constant 12582912 : i32
      %sub3A_143 = vector.broadcast %sub3A : i32 to vector<16xi32>
      %sub3A_144 = arith.subi %convert_element_type3A, %sub3A_143 : vector<16xi32>
      %max3A = arith.constant 0 : i32
      %max3A_145 = vector.broadcast %max3A : i32 to vector<16xi32>
      %max3A_146 = arith.maxsi %sub3A_144, %max3A_145 : vector<16xi32>
      %min3A = arith.constant 8191 : i32
      %min3A_147 = vector.broadcast %min3A : i32 to vector<16xi32>
      %min3A_148 = arith.minsi %max3A_146, %min3A_147 : vector<16xi32>
      %mul3A_149 = arith.constant 2.048000e+03 : f32
      %mul3A_150 = vector.broadcast %mul3A_149 : f32 to vector<16xf32>
      %mul3A_151 = arith.mulf %get3A_136, %mul3A_150 : vector<16xf32>
      %add3A_152 = arith.constant 0x4B400800 : f32
      %add3A_153 = vector.broadcast %add3A_152 : f32 to vector<16xf32>
      %add3A_154 = arith.addf %mul3A_151, %add3A_153 : vector<16xf32>
      %convert_element_type3A_155 = arith.fptosi %add3A_154 : vector<16xf32> to vector<16xi32>
      %sub3A_156 = arith.constant 12582912 : i32
      %sub3A_157 = vector.broadcast %sub3A_156 : i32 to vector<16xi32>
      %sub3A_158 = arith.subi %convert_element_type3A_155, %sub3A_157 : vector<16xi32>
      %max3A_159 = arith.constant 0 : i32
      %max3A_160 = vector.broadcast %max3A_159 : i32 to vector<16xi32>
      %max3A_161 = arith.maxsi %sub3A_158, %max3A_160 : vector<16xi32>
      %min3A_162 = arith.constant 4095 : i32
      %min3A_163 = vector.broadcast %min3A_162 : i32 to vector<16xi32>
      %min3A_164 = arith.minsi %max3A_161, %min3A_163 : vector<16xi32>
      %shift_left3A = arith.constant 7 : i32
      %shift_left3A_165 = vector.broadcast %shift_left3A : i32 to vector<16xi32>
      %shift_left3A_166 = arith.shli %min3A_164, %shift_left3A_165 : vector<16xi32>
      %shift_right_arithmetic3A_167 = arith.constant 3 : i32
      %shift_right_arithmetic3A_168 = vector.broadcast %shift_right_arithmetic3A_167 : i32 to vector<16xi32>
      %shift_right_arithmetic3A_169 = arith.shrsi %min3A_164, %shift_right_arithmetic3A_168 : vector<16xi32>
      %mul3A_170 = arith.constant 64512 : i32
      %mul3A_171 = vector.broadcast %mul3A_170 : i32 to vector<16xi32>
      %mul3A_172 = arith.muli %shift_right_arithmetic3A_169, %mul3A_171 : vector<16xi32>
      %add3A_173 = arith.addi %shift_left3A_166, %mul3A_172 : vector<16xi32>
      %add3A_174 = arith.addi %add3A_173, %min3A_148 : vector<16xi32>
      %shift_right_arithmetic3A_175 = arith.constant 7 : i32
      %shift_right_arithmetic3A_176 = vector.broadcast %shift_right_arithmetic3A_175 : i32 to vector<16xi32>
      %shift_right_arithmetic3A_177 = arith.shrsi %min3A_148, %shift_right_arithmetic3A_176 : vector<16xi32>
      %mul3A_178 = arith.constant 896 : i32
      %mul3A_179 = vector.broadcast %mul3A_178 : i32 to vector<16xi32>
      %mul3A_180 = arith.muli %shift_right_arithmetic3A_177, %mul3A_179 : vector<16xi32>
      %add3A_181 = arith.addi %add3A_174, %mul3A_180 : vector<16xi32>
      %mul3A_182 = arith.constant 16 : i32
      %mul3A_183 = arith.muli %scan3A_122, %mul3A_182 : i32
      %swap3A = arith.index_cast %mul3A_183 : i32 to index
      %swap3A_184 = tpu.vector_load %arg8[%swap3A] {strides = array<i32>} : memref<4096xi32, #tpu.memory_space<vmem>>, vector<16xi32>,
      tpu.vector_store %arg8[%swap3A], %add3A_181 {strides = array<i32>} : memref<4096xi32, #tpu.memory_space<vmem>>, vector<16xi32>,
      %scan3A_185 = arith.constant 1 : i32
      %scan3A_186 = arith.addi %scan3A_122, %scan3A_185 : i32
      %add3A_187 = arith.constant 1536 : i32
      %add3A_188 = arith.addi %add3A_187, %scan3A_186 : i32
      %shift_right_arithmetic3A_189 = arith.constant 3 : i32
      %shift_right_arithmetic3A_190 = arith.shrsi %add3A_188, %shift_right_arithmetic3A_189 : i32
      %mul3A_191 = arith.constant 256 : i32
      %mul3A_192 = arith.muli %shift_right_arithmetic3A_190, %mul3A_191 : i32
      %and3A_193 = arith.constant 7 : i32
      %and3A_194 = arith.andi %add3A_188, %and3A_193 : i32
      %mul3A_195 = arith.constant 16 : i32
      %mul3A_196 = arith.muli %and3A_194, %mul3A_195 : i32
      %add3A_197 = arith.addi %mul3A_192, %mul3A_196 : i32
      %get3A_198 = arith.index_cast %add3A_197 : i32 to index
      %get3A_199 = tpu.vector_load %arg5[%get3A_198] {strides = array<i32>} : memref<65536xf32, #tpu.memory_space<vmem>>, vector<16xf32>,
      %add3A_200 = arith.constant 128 : i32
      %add3A_201 = arith.addi %add3A_197, %add3A_200 : i32
      %get3A_202 = arith.index_cast %add3A_201 : i32 to index
      %get3A_203 = tpu.vector_load %arg5[%get3A_202] {strides = array<i32>} : memref<65536xf32, #tpu.memory_space<vmem>>, vector<16xf32>,
      %mul3A_204 = arith.constant 4.096000e+03 : f32
      %mul3A_205 = vector.broadcast %mul3A_204 : f32 to vector<16xf32>
      %mul3A_206 = arith.mulf %get3A_199, %mul3A_205 : vector<16xf32>
      %add3A_207 = arith.constant 0x4B401000 : f32
      %add3A_208 = vector.broadcast %add3A_207 : f32 to vector<16xf32>
      %add3A_209 = arith.addf %mul3A_206, %add3A_208 : vector<16xf32>
      %convert_element_type3A_210 = arith.fptosi %add3A_209 : vector<16xf32> to vector<16xi32>
      %sub3A_211 = arith.constant 12582912 : i32
      %sub3A_212 = vector.broadcast %sub3A_211 : i32 to vector<16xi32>
      %sub3A_213 = arith.subi %convert_element_type3A_210, %sub3A_212 : vector<16xi32>
      %max3A_214 = arith.constant 0 : i32
      %max3A_215 = vector.broadcast %max3A_214 : i32 to vector<16xi32>
      %max3A_216 = arith.maxsi %sub3A_213, %max3A_215 : vector<16xi32>
      %min3A_217 = arith.constant 8191 : i32
      %min3A_218 = vector.broadcast %min3A_217 : i32 to vector<16xi32>
      %min3A_219 = arith.minsi %max3A_216, %min3A_218 : vector<16xi32>
      %mul3A_220 = arith.constant 2.048000e+03 : f32
      %mul3A_221 = vector.broadcast %mul3A_220 : f32 to vector<16xf32>
      %mul3A_222 = arith.mulf %get3A_203, %mul3A_221 : vector<16xf32>
      %add3A_223 = arith.constant 0x4B400800 : f32
      %add3A_224 = vector.broadcast %add3A_223 : f32 to vector<16xf32>
      %add3A_225 = arith.addf %mul3A_222, %add3A_224 : vector<16xf32>
      %convert_element_type3A_226 = arith.fptosi %add3A_225 : vector<16xf32> to vector<16xi32>
      %sub3A_227 = arith.constant 12582912 : i32
      %sub3A_228 = vector.broadcast %sub3A_227 : i32 to vector<16xi32>
      %sub3A_229 = arith.subi %convert_element_type3A_226, %sub3A_228 : vector<16xi32>
      %max3A_230 = arith.constant 0 : i32
      %max3A_231 = vector.broadcast %max3A_230 : i32 to vector<16xi32>
      %max3A_232 = arith.maxsi %sub3A_229, %max3A_231 : vector<16xi32>
      %min3A_233 = arith.constant 4095 : i32
      %min3A_234 = vector.broadcast %min3A_233 : i32 to vector<16xi32>
      %min3A_235 = arith.minsi %max3A_232, %min3A_234 : vector<16xi32>
      %shift_left3A_236 = arith.constant 7 : i32
      %shift_left3A_237 = vector.broadcast %shift_left3A_236 : i32 to vector<16xi32>
      %shift_left3A_238 = arith.shli %min3A_235, %shift_left3A_237 : vector<16xi32>
      %shift_right_arithmetic3A_239 = arith.constant 3 : i32
      %shift_right_arithmetic3A_240 = vector.broadcast %shift_right_arithmetic3A_239 : i32 to vector<16xi32>
      %shift_right_arithmetic3A_241 = arith.shrsi %min3A_235, %shift_right_arithmetic3A_240 : vector<16xi32>
      %mul3A_242 = arith.constant 64512 : i32
      %mul3A_243 = vector.broadcast %mul3A_242 : i32 to vector<16xi32>
      %mul3A_244 = arith.muli %shift_right_arithmetic3A_241, %mul3A_243 : vector<16xi32>
      %add3A_245 = arith.addi %shift_left3A_238, %mul3A_244 : vector<16xi32>
      %add3A_246 = arith.addi %add3A_245, %min3A_219 : vector<16xi32>
      %shift_right_arithmetic3A_247 = arith.constant 7 : i32
      %shift_right_arithmetic3A_248 = vector.broadcast %shift_right_arithmetic3A_247 : i32 to vector<16xi32>
      %shift_right_arithmetic3A_249 = arith.shrsi %min3A_219, %shift_right_arithmetic3A_248 : vector<16xi32>
      %mul3A_250 = arith.constant 896 : i32
      %mul3A_251 = vector.broadcast %mul3A_250 : i32 to vector<16xi32>
      %mul3A_252 = arith.muli %shift_right_arithmetic3A_249, %mul3A_251 : vector<16xi32>
      %add3A_253 = arith.addi %add3A_246, %mul3A_252 : vector<16xi32>
      %mul3A_254 = arith.constant 16 : i32
      %mul3A_255 = arith.muli %scan3A_186, %mul3A_254 : i32
      %swap3A_256 = arith.index_cast %mul3A_255 : i32 to index
      %swap3A_257 = tpu.vector_load %arg8[%swap3A_256] {strides = array<i32>} : memref<4096xi32, #tpu.memory_space<vmem>>, vector<16xi32>,
      tpu.vector_store %arg8[%swap3A_256], %add3A_253 {strides = array<i32>} : memref<4096xi32, #tpu.memory_space<vmem>>, vector<16xi32>,
      %scan3A_258 = arith.constant 2 : i32
      %scan3A_259 = arith.addi %scan3A_122, %scan3A_258 : i32
      %add3A_260 = arith.constant 1536 : i32
      %add3A_261 = arith.addi %add3A_260, %scan3A_259 : i32
      %shift_right_arithmetic3A_262 = arith.constant 3 : i32
      %shift_right_arithmetic3A_263 = arith.shrsi %add3A_261, %shift_right_arithmetic3A_262 : i32
      %mul3A_264 = arith.constant 256 : i32
      %mul3A_265 = arith.muli %shift_right_arithmetic3A_263, %mul3A_264 : i32
      %and3A_266 = arith.constant 7 : i32
      %and3A_267 = arith.andi %add3A_261, %and3A_266 : i32
      %mul3A_268 = arith.constant 16 : i32
      %mul3A_269 = arith.muli %and3A_267, %mul3A_268 : i32
      %add3A_270 = arith.addi %mul3A_265, %mul3A_269 : i32
      %get3A_271 = arith.index_cast %add3A_270 : i32 to index
      %get3A_272 = tpu.vector_load %arg5[%get3A_271] {strides = array<i32>} : memref<65536xf32, #tpu.memory_space<vmem>>, vector<16xf32>,
      %add3A_273 = arith.constant 128 : i32
      %add3A_274 = arith.addi %add3A_270, %add3A_273 : i32
      %get3A_275 = arith.index_cast %add3A_274 : i32 to index
      %get3A_276 = tpu.vector_load %arg5[%get3A_275] {strides = array<i32>} : memref<65536xf32, #tpu.memory_space<vmem>>, vector<16xf32>,
      %mul3A_277 = arith.constant 4.096000e+03 : f32
      %mul3A_278 = vector.broadcast %mul3A_277 : f32 to vector<16xf32>
      %mul3A_279 = arith.mulf %get3A_272, %mul3A_278 : vector<16xf32>
      %add3A_280 = arith.constant 0x4B401000 : f32
      %add3A_281 = vector.broadcast %add3A_280 : f32 to vector<16xf32>
      %add3A_282 = arith.addf %mul3A_279, %add3A_281 : vector<16xf32>
      %convert_element_type3A_283 = arith.fptosi %add3A_282 : vector<16xf32> to vector<16xi32>
      %sub3A_284 = arith.constant 12582912 : i32
      %sub3A_285 = vector.broadcast %sub3A_284 : i32 to vector<16xi32>
      %sub3A_286 = arith.subi %convert_element_type3A_283, %sub3A_285 : vector<16xi32>
      %max3A_287 = arith.constant 0 : i32
      %max3A_288 = vector.broadcast %max3A_287 : i32 to vector<16xi32>
      %max3A_289 = arith.maxsi %sub3A_286, %max3A_288 : vector<16xi32>
      %min3A_290 = arith.constant 8191 : i32
      %min3A_291 = vector.broadcast %min3A_290 : i32 to vector<16xi32>
      %min3A_292 = arith.minsi %max3A_289, %min3A_291 : vector<16xi32>
      %mul3A_293 = arith.constant 2.048000e+03 : f32
      %mul3A_294 = vector.broadcast %mul3A_293 : f32 to vector<16xf32>
      %mul3A_295 = arith.mulf %get3A_276, %mul3A_294 : vector<16xf32>
      %add3A_296 = arith.constant 0x4B400800 : f32
      %add3A_297 = vector.broadcast %add3A_296 : f32 to vector<16xf32>
      %add3A_298 = arith.addf %mul3A_295, %add3A_297 : vector<16xf32>
      %convert_element_type3A_299 = arith.fptosi %add3A_298 : vector<16xf32> to vector<16xi32>
      %sub3A_300 = arith.constant 12582912 : i32
      %sub3A_301 = vector.broadcast %sub3A_300 : i32 to vector<16xi32>
      %sub3A_302 = arith.subi %convert_element_type3A_299, %sub3A_301 : vector<16xi32>
      %max3A_303 = arith.constant 0 : i32
      %max3A_304 = vector.broadcast %max3A_303 : i32 to vector<16xi32>
      %max3A_305 = arith.maxsi %sub3A_302, %max3A_304 : vector<16xi32>
      %min3A_306 = arith.constant 4095 : i32
      %min3A_307 = vector.broadcast %min3A_306 : i32 to vector<16xi32>
      %min3A_308 = arith.minsi %max3A_305, %min3A_307 : vector<16xi32>
      %shift_left3A_309 = arith.constant 7 : i32
      %shift_left3A_310 = vector.broadcast %shift_left3A_309 : i32 to vector<16xi32>
      %shift_left3A_311 = arith.shli %min3A_308, %shift_left3A_310 : vector<16xi32>
      %shift_right_arithmetic3A_312 = arith.constant 3 : i32
      %shift_right_arithmetic3A_313 = vector.broadcast %shift_right_arithmetic3A_312 : i32 to vector<16xi32>
      %shift_right_arithmetic3A_314 = arith.shrsi %min3A_308, %shift_right_arithmetic3A_313 : vector<16xi32>
      %mul3A_315 = arith.constant 64512 : i32
      %mul3A_316 = vector.broadcast %mul3A_315 : i32 to vector<16xi32>
      %mul3A_317 = arith.muli %shift_right_arithmetic3A_314, %mul3A_316 : vector<16xi32>
      %add3A_318 = arith.addi %shift_left3A_311, %mul3A_317 : vector<16xi32>
      %add3A_319 = arith.addi %add3A_318, %min3A_292 : vector<16xi32>
      %shift_right_arithmetic3A_320 = arith.constant 7 : i32
      %shift_right_arithmetic3A_321 = vector.broadcast %shift_right_arithmetic3A_320 : i32 to vector<16xi32>
      %shift_right_arithmetic3A_322 = arith.shrsi %min3A_292, %shift_right_arithmetic3A_321 : vector<16xi32>
      %mul3A_323 = arith.constant 896 : i32
      %mul3A_324 = vector.broadcast %mul3A_323 : i32 to vector<16xi32>
      %mul3A_325 = arith.muli %shift_right_arithmetic3A_322, %mul3A_324 : vector<16xi32>
      %add3A_326 = arith.addi %add3A_319, %mul3A_325 : vector<16xi32>
      %mul3A_327 = arith.constant 16 : i32
      %mul3A_328 = arith.muli %scan3A_259, %mul3A_327 : i32
      %swap3A_329 = arith.index_cast %mul3A_328 : i32 to index
      %swap3A_330 = tpu.vector_load %arg8[%swap3A_329] {strides = array<i32>} : memref<4096xi32, #tpu.memory_space<vmem>>, vector<16xi32>,
      tpu.vector_store %arg8[%swap3A_329], %add3A_326 {strides = array<i32>} : memref<4096xi32, #tpu.memory_space<vmem>>, vector<16xi32>,
      %scan3A_331 = arith.constant 3 : i32
      %scan3A_332 = arith.addi %scan3A_122, %scan3A_331 : i32
      %add3A_333 = arith.constant 1536 : i32
      %add3A_334 = arith.addi %add3A_333, %scan3A_332 : i32
      %shift_right_arithmetic3A_335 = arith.constant 3 : i32
      %shift_right_arithmetic3A_336 = arith.shrsi %add3A_334, %shift_right_arithmetic3A_335 : i32
      %mul3A_337 = arith.constant 256 : i32
      %mul3A_338 = arith.muli %shift_right_arithmetic3A_336, %mul3A_337 : i32
      %and3A_339 = arith.constant 7 : i32
      %and3A_340 = arith.andi %add3A_334, %and3A_339 : i32
      %mul3A_341 = arith.constant 16 : i32
      %mul3A_342 = arith.muli %and3A_340, %mul3A_341 : i32
      %add3A_343 = arith.addi %mul3A_338, %mul3A_342 : i32
      %get3A_344 = arith.index_cast %add3A_343 : i32 to index
      %get3A_345 = tpu.vector_load %arg5[%get3A_344] {strides = array<i32>} : memref<65536xf32, #tpu.memory_space<vmem>>, vector<16xf32>,
      %add3A_346 = arith.constant 128 : i32
      %add3A_347 = arith.addi %add3A_343, %add3A_346 : i32
      %get3A_348 = arith.index_cast %add3A_347 : i32 to index
      %get3A_349 = tpu.vector_load %arg5[%get3A_348] {strides = array<i32>} : memref<65536xf32, #tpu.memory_space<vmem>>, vector<16xf32>,
      %mul3A_350 = arith.constant 4.096000e+03 : f32
      %mul3A_351 = vector.broadcast %mul3A_350 : f32 to vector<16xf32>
      %mul3A_352 = arith.mulf %get3A_345, %mul3A_351 : vector<16xf32>
      %add3A_353 = arith.constant 0x4B401000 : f32
      %add3A_354 = vector.broadcast %add3A_353 : f32 to vector<16xf32>
      %add3A_355 = arith.addf %mul3A_352, %add3A_354 : vector<16xf32>
      %convert_element_type3A_356 = arith.fptosi %add3A_355 : vector<16xf32> to vector<16xi32>
      %sub3A_357 = arith.constant 12582912 : i32
      %sub3A_358 = vector.broadcast %sub3A_357 : i32 to vector<16xi32>
      %sub3A_359 = arith.subi %convert_element_type3A_356, %sub3A_358 : vector<16xi32>
      %max3A_360 = arith.constant 0 : i32
      %max3A_361 = vector.broadcast %max3A_360 : i32 to vector<16xi32>
      %max3A_362 = arith.maxsi %sub3A_359, %max3A_361 : vector<16xi32>
      %min3A_363 = arith.constant 8191 : i32
      %min3A_364 = vector.broadcast %min3A_363 : i32 to vector<16xi32>
      %min3A_365 = arith.minsi %max3A_362, %min3A_364 : vector<16xi32>
      %mul3A_366 = arith.constant 2.048000e+03 : f32
      %mul3A_367 = vector.broadcast %mul3A_366 : f32 to vector<16xf32>
      %mul3A_368 = arith.mulf %get3A_349, %mul3A_367 : vector<16xf32>
      %add3A_369 = arith.constant 0x4B400800 : f32
      %add3A_370 = vector.broadcast %add3A_369 : f32 to vector<16xf32>
      %add3A_371 = arith.addf %mul3A_368, %add3A_370 : vector<16xf32>
      %convert_element_type3A_372 = arith.fptosi %add3A_371 : vector<16xf32> to vector<16xi32>
      %sub3A_373 = arith.constant 12582912 : i32
      %sub3A_374 = vector.broadcast %sub3A_373 : i32 to vector<16xi32>
      %sub3A_375 = arith.subi %convert_element_type3A_372, %sub3A_374 : vector<16xi32>
      %max3A_376 = arith.constant 0 : i32
      %max3A_377 = vector.broadcast %max3A_376 : i32 to vector<16xi32>
      %max3A_378 = arith.maxsi %sub3A_375, %max3A_377 : vector<16xi32>
      %min3A_379 = arith.constant 4095 : i32
      %min3A_380 = vector.broadcast %min3A_379 : i32 to vector<16xi32>
      %min3A_381 = arith.minsi %max3A_378, %min3A_380 : vector<16xi32>
      %shift_left3A_382 = arith.constant 7 : i32
      %shift_left3A_383 = vector.broadcast %shift_left3A_382 : i32 to vector<16xi32>
      %shift_left3A_384 = arith.shli %min3A_381, %shift_left3A_383 : vector<16xi32>
      %shift_right_arithmetic3A_385 = arith.constant 3 : i32
      %shift_right_arithmetic3A_386 = vector.broadcast %shift_right_arithmetic3A_385 : i32 to vector<16xi32>
      %shift_right_arithmetic3A_387 = arith.shrsi %min3A_381, %shift_right_arithmetic3A_386 : vector<16xi32>
      %mul3A_388 = arith.constant 64512 : i32
      %mul3A_389 = vector.broadcast %mul3A_388 : i32 to vector<16xi32>
      %mul3A_390 = arith.muli %shift_right_arithmetic3A_387, %mul3A_389 : vector<16xi32>
      %add3A_391 = arith.addi %shift_left3A_384, %mul3A_390 : vector<16xi32>
      %add3A_392 = arith.addi %add3A_391, %min3A_365 : vector<16xi32>
      %shift_right_arithmetic3A_393 = arith.constant 7 : i32
      %shift_right_arithmetic3A_394 = vector.broadcast %shift_right_arithmetic3A_393 : i32 to vector<16xi32>
      %shift_right_arithmetic3A_395 = arith.shrsi %min3A_365, %shift_right_arithmetic3A_394 : vector<16xi32>
      %mul3A_396 = arith.constant 896 : i32
      %mul3A_397 = vector.broadcast %mul3A_396 : i32 to vector<16xi32>
      %mul3A_398 = arith.muli %shift_right_arithmetic3A_395, %mul3A_397 : vector<16xi32>
      %add3A_399 = arith.addi %add3A_392, %mul3A_398 : vector<16xi32>
      %mul3A_400 = arith.constant 16 : i32
      %mul3A_401 = arith.muli %scan3A_332, %mul3A_400 : i32
      %swap3A_402 = arith.index_cast %mul3A_401 : i32 to index
      %swap3A_403 = tpu.vector_load %arg8[%swap3A_402] {strides = array<i32>} : memref<4096xi32, #tpu.memory_space<vmem>>, vector<16xi32>,
      tpu.vector_store %arg8[%swap3A_402], %add3A_399 {strides = array<i32>} : memref<4096xi32, #tpu.memory_space<vmem>>, vector<16xi32>,
    }
    %scan3A_83 = arith.constant 256 : i32
    %dma_wait3A_84 = arith.constant 12288 : i32
    %dma_wait3A_85 = tpu.memref_slice %arg10[%dma_wait3A_84] : memref<32768xf32, #tpu.memory_space<vmem>> -> memref<4096xf32, #tpu.memory_space<vmem>>
    %dma_wait3A_86 = arith.constant 0 : i32
    %dma_wait3A_87 = tpu.memref_slice %arg3[%dma_wait3A_86] : memref<33554432xf32, #tpu.memory_space<hbm>> -> memref<33554432xf32, #tpu.memory_space<hbm>>
    tpu.wait_indirect_dma semaphore(%arg15 : memref<!tpu.dma_semaphore, #tpu.memory_space<semaphore_mem>>) src(%dma_wait3A_87 : memref<33554432xf32, #tpu.memory_space<hbm>>) dst(%dma_wait3A_85 : memref<4096xf32, #tpu.memory_space<vmem>>)
    %dma_start3A_88 = arith.constant 24576 : i32
    %dma_start3A_89 = tpu.memref_slice %arg10[%dma_start3A_88] : memref<32768xf32, #tpu.memory_space<vmem>> -> memref<4096xf32, #tpu.memory_space<vmem>>
    %dma_start3A_90 = arith.constant 0 : i32
    %dma_start3A_91 = tpu.memref_slice %arg3[%dma_start3A_90] : memref<33554432xf32, #tpu.memory_space<hbm>> -> memref<33554432xf32, #tpu.memory_space<hbm>>
    tpu.enqueue_indirect_dma source(%dma_start3A_91 : memref<33554432xf32, #tpu.memory_space<hbm>>) target(%dma_start3A_89 : memref<4096xf32, #tpu.memory_space<vmem>>) offsets(%arg8 : memref<4096xi32, #tpu.memory_space<vmem>>) semaphore(%arg14 : memref<!tpu.dma_semaphore, #tpu.memory_space<semaphore_mem>>)
    %scan3A_92 = arith.constant 0 : i32
    %scan3A_93 = arith.constant 0 : i32
    %scan3A_94 = arith.constant 256 : i32
    %scan3A_95 = arith.addi %scan3A_93, %scan3A_94 : i32
    %scan3A_96 = arith.constant 4 : i32
    scf.for %scan3A_122 = %scan3A_93 to %scan3A_95 step %scan3A_96  : i32 {
      %add3A_123 = arith.constant 1792 : i32
      %add3A_124 = arith.addi %add3A_123, %scan3A_122 : i32
      %shift_right_arithmetic3A = arith.constant 3 : i32
      %shift_right_arithmetic3A_125 = arith.shrsi %add3A_124, %shift_right_arithmetic3A : i32
      %mul3A_126 = arith.constant 256 : i32
      %mul3A_127 = arith.muli %shift_right_arithmetic3A_125, %mul3A_126 : i32
      %and3A = arith.constant 7 : i32
      %and3A_128 = arith.andi %add3A_124, %and3A : i32
      %mul3A_129 = arith.constant 16 : i32
      %mul3A_130 = arith.muli %and3A_128, %mul3A_129 : i32
      %add3A_131 = arith.addi %mul3A_127, %mul3A_130 : i32
      %get3A = arith.index_cast %add3A_131 : i32 to index
      %get3A_132 = tpu.vector_load %arg5[%get3A] {strides = array<i32>} : memref<65536xf32, #tpu.memory_space<vmem>>, vector<16xf32>,
      %add3A_133 = arith.constant 128 : i32
      %add3A_134 = arith.addi %add3A_131, %add3A_133 : i32
      %get3A_135 = arith.index_cast %add3A_134 : i32 to index
      %get3A_136 = tpu.vector_load %arg5[%get3A_135] {strides = array<i32>} : memref<65536xf32, #tpu.memory_space<vmem>>, vector<16xf32>,
      %mul3A_137 = arith.constant 4.096000e+03 : f32
      %mul3A_138 = vector.broadcast %mul3A_137 : f32 to vector<16xf32>
      %mul3A_139 = arith.mulf %get3A_132, %mul3A_138 : vector<16xf32>
      %add3A_140 = arith.constant 0x4B401000 : f32
      %add3A_141 = vector.broadcast %add3A_140 : f32 to vector<16xf32>
      %add3A_142 = arith.addf %mul3A_139, %add3A_141 : vector<16xf32>
      %convert_element_type3A = arith.fptosi %add3A_142 : vector<16xf32> to vector<16xi32>
      %sub3A = arith.constant 12582912 : i32
      %sub3A_143 = vector.broadcast %sub3A : i32 to vector<16xi32>
      %sub3A_144 = arith.subi %convert_element_type3A, %sub3A_143 : vector<16xi32>
      %max3A = arith.constant 0 : i32
      %max3A_145 = vector.broadcast %max3A : i32 to vector<16xi32>
      %max3A_146 = arith.maxsi %sub3A_144, %max3A_145 : vector<16xi32>
      %min3A = arith.constant 8191 : i32
      %min3A_147 = vector.broadcast %min3A : i32 to vector<16xi32>
      %min3A_148 = arith.minsi %max3A_146, %min3A_147 : vector<16xi32>
      %mul3A_149 = arith.constant 2.048000e+03 : f32
      %mul3A_150 = vector.broadcast %mul3A_149 : f32 to vector<16xf32>
      %mul3A_151 = arith.mulf %get3A_136, %mul3A_150 : vector<16xf32>
      %add3A_152 = arith.constant 0x4B400800 : f32
      %add3A_153 = vector.broadcast %add3A_152 : f32 to vector<16xf32>
      %add3A_154 = arith.addf %mul3A_151, %add3A_153 : vector<16xf32>
      %convert_element_type3A_155 = arith.fptosi %add3A_154 : vector<16xf32> to vector<16xi32>
      %sub3A_156 = arith.constant 12582912 : i32
      %sub3A_157 = vector.broadcast %sub3A_156 : i32 to vector<16xi32>
      %sub3A_158 = arith.subi %convert_element_type3A_155, %sub3A_157 : vector<16xi32>
      %max3A_159 = arith.constant 0 : i32
      %max3A_160 = vector.broadcast %max3A_159 : i32 to vector<16xi32>
      %max3A_161 = arith.maxsi %sub3A_158, %max3A_160 : vector<16xi32>
      %min3A_162 = arith.constant 4095 : i32
      %min3A_163 = vector.broadcast %min3A_162 : i32 to vector<16xi32>
      %min3A_164 = arith.minsi %max3A_161, %min3A_163 : vector<16xi32>
      %shift_left3A = arith.constant 7 : i32
      %shift_left3A_165 = vector.broadcast %shift_left3A : i32 to vector<16xi32>
      %shift_left3A_166 = arith.shli %min3A_164, %shift_left3A_165 : vector<16xi32>
      %shift_right_arithmetic3A_167 = arith.constant 3 : i32
      %shift_right_arithmetic3A_168 = vector.broadcast %shift_right_arithmetic3A_167 : i32 to vector<16xi32>
      %shift_right_arithmetic3A_169 = arith.shrsi %min3A_164, %shift_right_arithmetic3A_168 : vector<16xi32>
      %mul3A_170 = arith.constant 64512 : i32
      %mul3A_171 = vector.broadcast %mul3A_170 : i32 to vector<16xi32>
      %mul3A_172 = arith.muli %shift_right_arithmetic3A_169, %mul3A_171 : vector<16xi32>
      %add3A_173 = arith.addi %shift_left3A_166, %mul3A_172 : vector<16xi32>
      %add3A_174 = arith.addi %add3A_173, %min3A_148 : vector<16xi32>
      %shift_right_arithmetic3A_175 = arith.constant 7 : i32
      %shift_right_arithmetic3A_176 = vector.broadcast %shift_right_arithmetic3A_175 : i32 to vector<16xi32>
      %shift_right_arithmetic3A_177 = arith.shrsi %min3A_148, %shift_right_arithmetic3A_176 : vector<16xi32>
      %mul3A_178 = arith.constant 896 : i32
      %mul3A_179 = vector.broadcast %mul3A_178 : i32 to vector<16xi32>
      %mul3A_180 = arith.muli %shift_right_arithmetic3A_177, %mul3A_179 : vector<16xi32>
      %add3A_181 = arith.addi %add3A_174, %mul3A_180 : vector<16xi32>
      %mul3A_182 = arith.constant 16 : i32
      %mul3A_183 = arith.muli %scan3A_122, %mul3A_182 : i32
      %swap3A = arith.index_cast %mul3A_183 : i32 to index
      %swap3A_184 = tpu.vector_load %arg9[%swap3A] {strides = array<i32>} : memref<4096xi32, #tpu.memory_space<vmem>>, vector<16xi32>,
      tpu.vector_store %arg9[%swap3A], %add3A_181 {strides = array<i32>} : memref<4096xi32, #tpu.memory_space<vmem>>, vector<16xi32>,
      %scan3A_185 = arith.constant 1 : i32
      %scan3A_186 = arith.addi %scan3A_122, %scan3A_185 : i32
      %add3A_187 = arith.constant 1792 : i32
      %add3A_188 = arith.addi %add3A_187, %scan3A_186 : i32
      %shift_right_arithmetic3A_189 = arith.constant 3 : i32
      %shift_right_arithmetic3A_190 = arith.shrsi %add3A_188, %shift_right_arithmetic3A_189 : i32
      %mul3A_191 = arith.constant 256 : i32
      %mul3A_192 = arith.muli %shift_right_arithmetic3A_190, %mul3A_191 : i32
      %and3A_193 = arith.constant 7 : i32
      %and3A_194 = arith.andi %add3A_188, %and3A_193 : i32
      %mul3A_195 = arith.constant 16 : i32
      %mul3A_196 = arith.muli %and3A_194, %mul3A_195 : i32
      %add3A_197 = arith.addi %mul3A_192, %mul3A_196 : i32
      %get3A_198 = arith.index_cast %add3A_197 : i32 to index
      %get3A_199 = tpu.vector_load %arg5[%get3A_198] {strides = array<i32>} : memref<65536xf32, #tpu.memory_space<vmem>>, vector<16xf32>,
      %add3A_200 = arith.constant 128 : i32
      %add3A_201 = arith.addi %add3A_197, %add3A_200 : i32
      %get3A_202 = arith.index_cast %add3A_201 : i32 to index
      %get3A_203 = tpu.vector_load %arg5[%get3A_202] {strides = array<i32>} : memref<65536xf32, #tpu.memory_space<vmem>>, vector<16xf32>,
      %mul3A_204 = arith.constant 4.096000e+03 : f32
      %mul3A_205 = vector.broadcast %mul3A_204 : f32 to vector<16xf32>
      %mul3A_206 = arith.mulf %get3A_199, %mul3A_205 : vector<16xf32>
      %add3A_207 = arith.constant 0x4B401000 : f32
      %add3A_208 = vector.broadcast %add3A_207 : f32 to vector<16xf32>
      %add3A_209 = arith.addf %mul3A_206, %add3A_208 : vector<16xf32>
      %convert_element_type3A_210 = arith.fptosi %add3A_209 : vector<16xf32> to vector<16xi32>
      %sub3A_211 = arith.constant 12582912 : i32
      %sub3A_212 = vector.broadcast %sub3A_211 : i32 to vector<16xi32>
      %sub3A_213 = arith.subi %convert_element_type3A_210, %sub3A_212 : vector<16xi32>
      %max3A_214 = arith.constant 0 : i32
      %max3A_215 = vector.broadcast %max3A_214 : i32 to vector<16xi32>
      %max3A_216 = arith.maxsi %sub3A_213, %max3A_215 : vector<16xi32>
      %min3A_217 = arith.constant 8191 : i32
      %min3A_218 = vector.broadcast %min3A_217 : i32 to vector<16xi32>
      %min3A_219 = arith.minsi %max3A_216, %min3A_218 : vector<16xi32>
      %mul3A_220 = arith.constant 2.048000e+03 : f32
      %mul3A_221 = vector.broadcast %mul3A_220 : f32 to vector<16xf32>
      %mul3A_222 = arith.mulf %get3A_203, %mul3A_221 : vector<16xf32>
      %add3A_223 = arith.constant 0x4B400800 : f32
      %add3A_224 = vector.broadcast %add3A_223 : f32 to vector<16xf32>
      %add3A_225 = arith.addf %mul3A_222, %add3A_224 : vector<16xf32>
      %convert_element_type3A_226 = arith.fptosi %add3A_225 : vector<16xf32> to vector<16xi32>
      %sub3A_227 = arith.constant 12582912 : i32
      %sub3A_228 = vector.broadcast %sub3A_227 : i32 to vector<16xi32>
      %sub3A_229 = arith.subi %convert_element_type3A_226, %sub3A_228 : vector<16xi32>
      %max3A_230 = arith.constant 0 : i32
      %max3A_231 = vector.broadcast %max3A_230 : i32 to vector<16xi32>
      %max3A_232 = arith.maxsi %sub3A_229, %max3A_231 : vector<16xi32>
      %min3A_233 = arith.constant 4095 : i32
      %min3A_234 = vector.broadcast %min3A_233 : i32 to vector<16xi32>
      %min3A_235 = arith.minsi %max3A_232, %min3A_234 : vector<16xi32>
      %shift_left3A_236 = arith.constant 7 : i32
      %shift_left3A_237 = vector.broadcast %shift_left3A_236 : i32 to vector<16xi32>
      %shift_left3A_238 = arith.shli %min3A_235, %shift_left3A_237 : vector<16xi32>
      %shift_right_arithmetic3A_239 = arith.constant 3 : i32
      %shift_right_arithmetic3A_240 = vector.broadcast %shift_right_arithmetic3A_239 : i32 to vector<16xi32>
      %shift_right_arithmetic3A_241 = arith.shrsi %min3A_235, %shift_right_arithmetic3A_240 : vector<16xi32>
      %mul3A_242 = arith.constant 64512 : i32
      %mul3A_243 = vector.broadcast %mul3A_242 : i32 to vector<16xi32>
      %mul3A_244 = arith.muli %shift_right_arithmetic3A_241, %mul3A_243 : vector<16xi32>
      %add3A_245 = arith.addi %shift_left3A_238, %mul3A_244 : vector<16xi32>
      %add3A_246 = arith.addi %add3A_245, %min3A_219 : vector<16xi32>
      %shift_right_arithmetic3A_247 = arith.constant 7 : i32
      %shift_right_arithmetic3A_248 = vector.broadcast %shift_right_arithmetic3A_247 : i32 to vector<16xi32>
      %shift_right_arithmetic3A_249 = arith.shrsi %min3A_219, %shift_right_arithmetic3A_248 : vector<16xi32>
      %mul3A_250 = arith.constant 896 : i32
      %mul3A_251 = vector.broadcast %mul3A_250 : i32 to vector<16xi32>
      %mul3A_252 = arith.muli %shift_right_arithmetic3A_249, %mul3A_251 : vector<16xi32>
      %add3A_253 = arith.addi %add3A_246, %mul3A_252 : vector<16xi32>
      %mul3A_254 = arith.constant 16 : i32
      %mul3A_255 = arith.muli %scan3A_186, %mul3A_254 : i32
      %swap3A_256 = arith.index_cast %mul3A_255 : i32 to index
      %swap3A_257 = tpu.vector_load %arg9[%swap3A_256] {strides = array<i32>} : memref<4096xi32, #tpu.memory_space<vmem>>, vector<16xi32>,
      tpu.vector_store %arg9[%swap3A_256], %add3A_253 {strides = array<i32>} : memref<4096xi32, #tpu.memory_space<vmem>>, vector<16xi32>,
      %scan3A_258 = arith.constant 2 : i32
      %scan3A_259 = arith.addi %scan3A_122, %scan3A_258 : i32
      %add3A_260 = arith.constant 1792 : i32
      %add3A_261 = arith.addi %add3A_260, %scan3A_259 : i32
      %shift_right_arithmetic3A_262 = arith.constant 3 : i32
      %shift_right_arithmetic3A_263 = arith.shrsi %add3A_261, %shift_right_arithmetic3A_262 : i32
      %mul3A_264 = arith.constant 256 : i32
      %mul3A_265 = arith.muli %shift_right_arithmetic3A_263, %mul3A_264 : i32
      %and3A_266 = arith.constant 7 : i32
      %and3A_267 = arith.andi %add3A_261, %and3A_266 : i32
      %mul3A_268 = arith.constant 16 : i32
      %mul3A_269 = arith.muli %and3A_267, %mul3A_268 : i32
      %add3A_270 = arith.addi %mul3A_265, %mul3A_269 : i32
      %get3A_271 = arith.index_cast %add3A_270 : i32 to index
      %get3A_272 = tpu.vector_load %arg5[%get3A_271] {strides = array<i32>} : memref<65536xf32, #tpu.memory_space<vmem>>, vector<16xf32>,
      %add3A_273 = arith.constant 128 : i32
      %add3A_274 = arith.addi %add3A_270, %add3A_273 : i32
      %get3A_275 = arith.index_cast %add3A_274 : i32 to index
      %get3A_276 = tpu.vector_load %arg5[%get3A_275] {strides = array<i32>} : memref<65536xf32, #tpu.memory_space<vmem>>, vector<16xf32>,
      %mul3A_277 = arith.constant 4.096000e+03 : f32
      %mul3A_278 = vector.broadcast %mul3A_277 : f32 to vector<16xf32>
      %mul3A_279 = arith.mulf %get3A_272, %mul3A_278 : vector<16xf32>
      %add3A_280 = arith.constant 0x4B401000 : f32
      %add3A_281 = vector.broadcast %add3A_280 : f32 to vector<16xf32>
      %add3A_282 = arith.addf %mul3A_279, %add3A_281 : vector<16xf32>
      %convert_element_type3A_283 = arith.fptosi %add3A_282 : vector<16xf32> to vector<16xi32>
      %sub3A_284 = arith.constant 12582912 : i32
      %sub3A_285 = vector.broadcast %sub3A_284 : i32 to vector<16xi32>
      %sub3A_286 = arith.subi %convert_element_type3A_283, %sub3A_285 : vector<16xi32>
      %max3A_287 = arith.constant 0 : i32
      %max3A_288 = vector.broadcast %max3A_287 : i32 to vector<16xi32>
      %max3A_289 = arith.maxsi %sub3A_286, %max3A_288 : vector<16xi32>
      %min3A_290 = arith.constant 8191 : i32
      %min3A_291 = vector.broadcast %min3A_290 : i32 to vector<16xi32>
      %min3A_292 = arith.minsi %max3A_289, %min3A_291 : vector<16xi32>
      %mul3A_293 = arith.constant 2.048000e+03 : f32
      %mul3A_294 = vector.broadcast %mul3A_293 : f32 to vector<16xf32>
      %mul3A_295 = arith.mulf %get3A_276, %mul3A_294 : vector<16xf32>
      %add3A_296 = arith.constant 0x4B400800 : f32
      %add3A_297 = vector.broadcast %add3A_296 : f32 to vector<16xf32>
      %add3A_298 = arith.addf %mul3A_295, %add3A_297 : vector<16xf32>
      %convert_element_type3A_299 = arith.fptosi %add3A_298 : vector<16xf32> to vector<16xi32>
      %sub3A_300 = arith.constant 12582912 : i32
      %sub3A_301 = vector.broadcast %sub3A_300 : i32 to vector<16xi32>
      %sub3A_302 = arith.subi %convert_element_type3A_299, %sub3A_301 : vector<16xi32>
      %max3A_303 = arith.constant 0 : i32
      %max3A_304 = vector.broadcast %max3A_303 : i32 to vector<16xi32>
      %max3A_305 = arith.maxsi %sub3A_302, %max3A_304 : vector<16xi32>
      %min3A_306 = arith.constant 4095 : i32
      %min3A_307 = vector.broadcast %min3A_306 : i32 to vector<16xi32>
      %min3A_308 = arith.minsi %max3A_305, %min3A_307 : vector<16xi32>
      %shift_left3A_309 = arith.constant 7 : i32
      %shift_left3A_310 = vector.broadcast %shift_left3A_309 : i32 to vector<16xi32>
      %shift_left3A_311 = arith.shli %min3A_308, %shift_left3A_310 : vector<16xi32>
      %shift_right_arithmetic3A_312 = arith.constant 3 : i32
      %shift_right_arithmetic3A_313 = vector.broadcast %shift_right_arithmetic3A_312 : i32 to vector<16xi32>
      %shift_right_arithmetic3A_314 = arith.shrsi %min3A_308, %shift_right_arithmetic3A_313 : vector<16xi32>
      %mul3A_315 = arith.constant 64512 : i32
      %mul3A_316 = vector.broadcast %mul3A_315 : i32 to vector<16xi32>
      %mul3A_317 = arith.muli %shift_right_arithmetic3A_314, %mul3A_316 : vector<16xi32>
      %add3A_318 = arith.addi %shift_left3A_311, %mul3A_317 : vector<16xi32>
      %add3A_319 = arith.addi %add3A_318, %min3A_292 : vector<16xi32>
      %shift_right_arithmetic3A_320 = arith.constant 7 : i32
      %shift_right_arithmetic3A_321 = vector.broadcast %shift_right_arithmetic3A_320 : i32 to vector<16xi32>
      %shift_right_arithmetic3A_322 = arith.shrsi %min3A_292, %shift_right_arithmetic3A_321 : vector<16xi32>
      %mul3A_323 = arith.constant 896 : i32
      %mul3A_324 = vector.broadcast %mul3A_323 : i32 to vector<16xi32>
      %mul3A_325 = arith.muli %shift_right_arithmetic3A_322, %mul3A_324 : vector<16xi32>
      %add3A_326 = arith.addi %add3A_319, %mul3A_325 : vector<16xi32>
      %mul3A_327 = arith.constant 16 : i32
      %mul3A_328 = arith.muli %scan3A_259, %mul3A_327 : i32
      %swap3A_329 = arith.index_cast %mul3A_328 : i32 to index
      %swap3A_330 = tpu.vector_load %arg9[%swap3A_329] {strides = array<i32>} : memref<4096xi32, #tpu.memory_space<vmem>>, vector<16xi32>,
      tpu.vector_store %arg9[%swap3A_329], %add3A_326 {strides = array<i32>} : memref<4096xi32, #tpu.memory_space<vmem>>, vector<16xi32>,
      %scan3A_331 = arith.constant 3 : i32
      %scan3A_332 = arith.addi %scan3A_122, %scan3A_331 : i32
      %add3A_333 = arith.constant 1792 : i32
      %add3A_334 = arith.addi %add3A_333, %scan3A_332 : i32
      %shift_right_arithmetic3A_335 = arith.constant 3 : i32
      %shift_right_arithmetic3A_336 = arith.shrsi %add3A_334, %shift_right_arithmetic3A_335 : i32
      %mul3A_337 = arith.constant 256 : i32
      %mul3A_338 = arith.muli %shift_right_arithmetic3A_336, %mul3A_337 : i32
      %and3A_339 = arith.constant 7 : i32
      %and3A_340 = arith.andi %add3A_334, %and3A_339 : i32
      %mul3A_341 = arith.constant 16 : i32
      %mul3A_342 = arith.muli %and3A_340, %mul3A_341 : i32
      %add3A_343 = arith.addi %mul3A_338, %mul3A_342 : i32
      %get3A_344 = arith.index_cast %add3A_343 : i32 to index
      %get3A_345 = tpu.vector_load %arg5[%get3A_344] {strides = array<i32>} : memref<65536xf32, #tpu.memory_space<vmem>>, vector<16xf32>,
      %add3A_346 = arith.constant 128 : i32
      %add3A_347 = arith.addi %add3A_343, %add3A_346 : i32
      %get3A_348 = arith.index_cast %add3A_347 : i32 to index
      %get3A_349 = tpu.vector_load %arg5[%get3A_348] {strides = array<i32>} : memref<65536xf32, #tpu.memory_space<vmem>>, vector<16xf32>,
      %mul3A_350 = arith.constant 4.096000e+03 : f32
      %mul3A_351 = vector.broadcast %mul3A_350 : f32 to vector<16xf32>
      %mul3A_352 = arith.mulf %get3A_345, %mul3A_351 : vector<16xf32>
      %add3A_353 = arith.constant 0x4B401000 : f32
      %add3A_354 = vector.broadcast %add3A_353 : f32 to vector<16xf32>
      %add3A_355 = arith.addf %mul3A_352, %add3A_354 : vector<16xf32>
      %convert_element_type3A_356 = arith.fptosi %add3A_355 : vector<16xf32> to vector<16xi32>
      %sub3A_357 = arith.constant 12582912 : i32
      %sub3A_358 = vector.broadcast %sub3A_357 : i32 to vector<16xi32>
      %sub3A_359 = arith.subi %convert_element_type3A_356, %sub3A_358 : vector<16xi32>
      %max3A_360 = arith.constant 0 : i32
      %max3A_361 = vector.broadcast %max3A_360 : i32 to vector<16xi32>
      %max3A_362 = arith.maxsi %sub3A_359, %max3A_361 : vector<16xi32>
      %min3A_363 = arith.constant 8191 : i32
      %min3A_364 = vector.broadcast %min3A_363 : i32 to vector<16xi32>
      %min3A_365 = arith.minsi %max3A_362, %min3A_364 : vector<16xi32>
      %mul3A_366 = arith.constant 2.048000e+03 : f32
      %mul3A_367 = vector.broadcast %mul3A_366 : f32 to vector<16xf32>
      %mul3A_368 = arith.mulf %get3A_349, %mul3A_367 : vector<16xf32>
      %add3A_369 = arith.constant 0x4B400800 : f32
      %add3A_370 = vector.broadcast %add3A_369 : f32 to vector<16xf32>
      %add3A_371 = arith.addf %mul3A_368, %add3A_370 : vector<16xf32>
      %convert_element_type3A_372 = arith.fptosi %add3A_371 : vector<16xf32> to vector<16xi32>
      %sub3A_373 = arith.constant 12582912 : i32
      %sub3A_374 = vector.broadcast %sub3A_373 : i32 to vector<16xi32>
      %sub3A_375 = arith.subi %convert_element_type3A_372, %sub3A_374 : vector<16xi32>
      %max3A_376 = arith.constant 0 : i32
      %max3A_377 = vector.broadcast %max3A_376 : i32 to vector<16xi32>
      %max3A_378 = arith.maxsi %sub3A_375, %max3A_377 : vector<16xi32>
      %min3A_379 = arith.constant 4095 : i32
      %min3A_380 = vector.broadcast %min3A_379 : i32 to vector<16xi32>
      %min3A_381 = arith.minsi %max3A_378, %min3A_380 : vector<16xi32>
      %shift_left3A_382 = arith.constant 7 : i32
      %shift_left3A_383 = vector.broadcast %shift_left3A_382 : i32 to vector<16xi32>
      %shift_left3A_384 = arith.shli %min3A_381, %shift_left3A_383 : vector<16xi32>
      %shift_right_arithmetic3A_385 = arith.constant 3 : i32
      %shift_right_arithmetic3A_386 = vector.broadcast %shift_right_arithmetic3A_385 : i32 to vector<16xi32>
      %shift_right_arithmetic3A_387 = arith.shrsi %min3A_381, %shift_right_arithmetic3A_386 : vector<16xi32>
      %mul3A_388 = arith.constant 64512 : i32
      %mul3A_389 = vector.broadcast %mul3A_388 : i32 to vector<16xi32>
      %mul3A_390 = arith.muli %shift_right_arithmetic3A_387, %mul3A_389 : vector<16xi32>
      %add3A_391 = arith.addi %shift_left3A_384, %mul3A_390 : vector<16xi32>
      %add3A_392 = arith.addi %add3A_391, %min3A_365 : vector<16xi32>
      %shift_right_arithmetic3A_393 = arith.constant 7 : i32
      %shift_right_arithmetic3A_394 = vector.broadcast %shift_right_arithmetic3A_393 : i32 to vector<16xi32>
      %shift_right_arithmetic3A_395 = arith.shrsi %min3A_365, %shift_right_arithmetic3A_394 : vector<16xi32>
      %mul3A_396 = arith.constant 896 : i32
      %mul3A_397 = vector.broadcast %mul3A_396 : i32 to vector<16xi32>
      %mul3A_398 = arith.muli %shift_right_arithmetic3A_395, %mul3A_397 : vector<16xi32>
      %add3A_399 = arith.addi %add3A_392, %mul3A_398 : vector<16xi32>
      %mul3A_400 = arith.constant 16 : i32
      %mul3A_401 = arith.muli %scan3A_332, %mul3A_400 : i32
      %swap3A_402 = arith.index_cast %mul3A_401 : i32 to index
      %swap3A_403 = tpu.vector_load %arg9[%swap3A_402] {strides = array<i32>} : memref<4096xi32, #tpu.memory_space<vmem>>, vector<16xi32>,
      tpu.vector_store %arg9[%swap3A_402], %add3A_399 {strides = array<i32>} : memref<4096xi32, #tpu.memory_space<vmem>>, vector<16xi32>,
    }
    %scan3A_97 = arith.constant 256 : i32
    %dma_wait3A_98 = arith.constant 16384 : i32
    %dma_wait3A_99 = tpu.memref_slice %arg10[%dma_wait3A_98] : memref<32768xf32, #tpu.memory_space<vmem>> -> memref<4096xf32, #tpu.memory_space<vmem>>
    %dma_wait3A_100 = arith.constant 0 : i32
    %dma_wait3A_101 = tpu.memref_slice %arg3[%dma_wait3A_100] : memref<33554432xf32, #tpu.memory_space<hbm>> -> memref<33554432xf32, #tpu.memory_space<hbm>>
    tpu.wait_indirect_dma semaphore(%arg12 : memref<!tpu.dma_semaphore, #tpu.memory_space<semaphore_mem>>) src(%dma_wait3A_101 : memref<33554432xf32, #tpu.memory_space<hbm>>) dst(%dma_wait3A_99 : memref<4096xf32, #tpu.memory_space<vmem>>)
    %dma_start3A_102 = arith.constant 28672 : i32
    %dma_start3A_103 = tpu.memref_slice %arg10[%dma_start3A_102] : memref<32768xf32, #tpu.memory_space<vmem>> -> memref<4096xf32, #tpu.memory_space<vmem>>
    %dma_start3A_104 = arith.constant 0 : i32
    %dma_start3A_105 = tpu.memref_slice %arg3[%dma_start3A_104] : memref<33554432xf32, #tpu.memory_space<hbm>> -> memref<33554432xf32, #tpu.memory_space<hbm>>
    tpu.enqueue_indirect_dma source(%dma_start3A_105 : memref<33554432xf32, #tpu.memory_space<hbm>>) target(%dma_start3A_103 : memref<4096xf32, #tpu.memory_space<vmem>>) offsets(%arg9 : memref<4096xi32, #tpu.memory_space<vmem>>) semaphore(%arg15 : memref<!tpu.dma_semaphore, #tpu.memory_space<semaphore_mem>>)
    %dma_wait3A_106 = arith.constant 20480 : i32
    %dma_wait3A_107 = tpu.memref_slice %arg10[%dma_wait3A_106] : memref<32768xf32, #tpu.memory_space<vmem>> -> memref<4096xf32, #tpu.memory_space<vmem>>
    %dma_wait3A_108 = arith.constant 0 : i32
    %dma_wait3A_109 = tpu.memref_slice %arg3[%dma_wait3A_108] : memref<33554432xf32, #tpu.memory_space<hbm>> -> memref<33554432xf32, #tpu.memory_space<hbm>>
    tpu.wait_indirect_dma semaphore(%arg13 : memref<!tpu.dma_semaphore, #tpu.memory_space<semaphore_mem>>) src(%dma_wait3A_109 : memref<33554432xf32, #tpu.memory_space<hbm>>) dst(%dma_wait3A_107 : memref<4096xf32, #tpu.memory_space<vmem>>)
    %dma_wait3A_110 = arith.constant 24576 : i32
    %dma_wait3A_111 = tpu.memref_slice %arg10[%dma_wait3A_110] : memref<32768xf32, #tpu.memory_space<vmem>> -> memref<4096xf32, #tpu.memory_space<vmem>>
    %dma_wait3A_112 = arith.constant 0 : i32
    %dma_wait3A_113 = tpu.memref_slice %arg3[%dma_wait3A_112] : memref<33554432xf32, #tpu.memory_space<hbm>> -> memref<33554432xf32, #tpu.memory_space<hbm>>
    tpu.wait_indirect_dma semaphore(%arg14 : memref<!tpu.dma_semaphore, #tpu.memory_space<semaphore_mem>>) src(%dma_wait3A_113 : memref<33554432xf32, #tpu.memory_space<hbm>>) dst(%dma_wait3A_111 : memref<4096xf32, #tpu.memory_space<vmem>>)
    %dma_wait3A_114 = arith.constant 28672 : i32
    %dma_wait3A_115 = tpu.memref_slice %arg10[%dma_wait3A_114] : memref<32768xf32, #tpu.memory_space<vmem>> -> memref<4096xf32, #tpu.memory_space<vmem>>
    %dma_wait3A_116 = arith.constant 0 : i32
    %dma_wait3A_117 = tpu.memref_slice %arg3[%dma_wait3A_116] : memref<33554432xf32, #tpu.memory_space<hbm>> -> memref<33554432xf32, #tpu.memory_space<hbm>>
    tpu.wait_indirect_dma semaphore(%arg15 : memref<!tpu.dma_semaphore, #tpu.memory_space<semaphore_mem>>) src(%dma_wait3A_117 : memref<33554432xf32, #tpu.memory_space<hbm>>) dst(%dma_wait3A_115 : memref<4096xf32, #tpu.memory_space<vmem>>)
    %dma_start3A_118 = tpu.memref_slice %arg4[%mul3A_2] : memref<1048576xf32, #tpu.memory_space<hbm>> -> memref<32768xf32, #tpu.memory_space<hbm>>
    %dma_start3A_119 = tpu.memref_slice %arg4[%mul3A_2] : memref<1048576xf32, #tpu.memory_space<hbm>> -> memref<32768xf32, #tpu.memory_space<hbm>>
    tpu.enqueue_dma source(%arg10 : memref<32768xf32, #tpu.memory_space<vmem>>) target(%dma_start3A_119 : memref<32768xf32, #tpu.memory_space<hbm>>) target_semaphore(%arg16 : memref<!tpu.dma_semaphore, #tpu.memory_space<semaphore_mem>>)
    %dma_wait3A_120 = tpu.memref_slice %arg4[%mul3A_2] : memref<1048576xf32, #tpu.memory_space<hbm>> -> memref<32768xf32, #tpu.memory_space<hbm>>
    %dma_wait3A_121 = tpu.memref_slice %arg4[%mul3A_2] : memref<1048576xf32, #tpu.memory_space<hbm>> -> memref<32768xf32, #tpu.memory_space<hbm>>
    tpu.wait_dma2 semaphore(%arg16 : memref<!tpu.dma_semaphore, #tpu.memory_space<semaphore_mem>>) src(%arg10 : memref<32768xf32, #tpu.memory_space<vmem>>) dst(%dma_wait3A_121 : memref<32768xf32, #tpu.memory_space<hbm>>)
    return
  }
}

</mosaic_0001>

<sc_bundles>
// kernel: kernel.3.cloned.1.call-start
scs
__scs_entry_jumppad:
0x0: {  	(pc) =	sbr.rel $0x88, $3  }
0x1: {  	(tag) =	ssettag $0x0;
	lr =	simm.s32 $0x1  }
0x2: {  	[smem:$0x3F9F] =	sst lr;
	_ =	strace $0xD0000000  }
0x3: {  	_ = 	snop  }
0x4: {  	_ = 	snop  }
0x5: {  	_ = 	snop  }
0x6: {  	_ = 	snop  }
0x7: {  	_ = 	snop  }
__scs_overlays_trampoline_lowered:
0x8: {  	[smem:$0x3FAE] =	sst s0  }
0x9: {  	[smem:$0x3FAF] =	sst s1  }
0xa: {  	[smem:$0x3FB0] =	sst s2  }
0xb: {  	[smem:$0x3FB1] =	sst s3  }
0xc: {  	[smem:$0x3FB2] =	sst s4  }
0xd: {  	[smem:$0x3FB3] =	sst s5  }
0xe: {  	[smem:$0x3FB4] =	sst s6  }
0xf: {  	[smem:$0x3FB5] =	sst s7  }
0x10: {  	[smem:$0x3FB6] =	sst s8  }
0x11: {  	[smem:$0x3FB7] =	sst s9;
	s0 =	simm.s32 @!p0 $0x0  }
0x12: {  	s1 =	sld [smem:$0x3F9D];
	s0 =	simm.s32 @p0 $0x1  }
0x13: {  	[smem:$0x3FB8] =	sst s0;
	s0 =	simm.s32 @!p1 $0x0  }
0x14: {  	s2 =	sld [smem:$0x3F9C];
	s0 =	simm.s32 @p1 $0x1  }
0x15: {  	[smem:$0x3FB9] =	sst s0;
	s0 =	simm.s32 @!p2 $0x0  }
0x16: {  	s3 =	sld [smem:$0x3FDB];
	s0 =	simm.s32 @p2 $0x1  }
0x17: {  	s4 =	simm.s32 $0x1BF5;
	[smem:$0x3FBB] =	sst s0  }
0x18: {  	s0 =	sld [smem:$0x3F9E];
	_ =	swait.ge [sflag:s4], $0x0  }
0x19: {  	s7 =	sld [smem:$0x3F9F]  }
0x1a: {  	s8 =	sadd.s32 $0xFFFFE003, lr  }
0x1b: {  	s9 =	sadd.s32 $0xFFFFFEF7, lr;
	s5 =	simm.s32 $0xFFFFFFFF;
	p2 =	slt.u32 s8, $0xFFFFF086  }
0x1c: {  	p1 =	slt.u32 s9, $0xF7A;
	s5 =	simm.s32 @!p2 $0x0  }
0x1d: {  	s5 =	simm.s32 @p1 $0x1;
	p0 =	seq.s32 s7, s2  }
0x1e: {  	s7 =	smul.u32 @!p0 $0xF7A, s2;
	p2 =	seq.s32 @!p0 s5, $0x0  }
0x1f: {  	s9 =	smul.u32 $0xF7A, s1;
	s8 =	simm.s32 @!p0 $0x1BF5;
	p2 =	por !p2, p0  }
0x20: {  	[sflag:s8] =	ssyncset.s32 @!p0 $0xFFFFF086;
	s6 =	sadd.s32 @!p0 s3, s7;
	s7 =	simm.s32 @!p0 $0x108  }
0x21: {  	s3 =	sadd.s32 s3, s9;
	s6 =	sadd.s32 @!p0 $0x88, s6;
	s7 =	simm.s32 @p2 $0x1082  }
0x22: {  	[simem:s7], [sflag:s8] =	dma.local @!p0 [hbm:s6], $0xF7A  }
0x23: {  	s9 =	sor.u32 $0xD0000000, s2;
	s6 =	simm.s32 $0x108;
	_ =	swait.ge @!p0 [sflag:s8], $0x0  }
0x24: {  	s3 =	sadd.s32 $0x88, s3;
	s6 =	simm.s32 @!p1 $0x1082;
	[sflag:s4] =	ssyncset.s32 $0xFFFFF086  }
0x25: {  	[simem:s6], [sflag:s4] =	dma.local [hbm:s3], $0xF7A  }
0x26: {  	[smem:$0x3F9F] =	sst s1;
	(tag) =	ssettag s2;
	_ =	strace s9  }
0x27: {  	s1 =	sld [smem:$0x3FAF]  }
0x28: {  	s2 =	sld [smem:$0x3FB0]  }
0x29: {  	s4 =	sld [smem:$0x3FB2]  }
0x2a: {  	p0 =	seq.s32 s5, $0x0;
	s5 =	sld [smem:$0x3FB3]  }
0x2b: {  	s6 =	sld [smem:$0x3FB4]  }
0x2c: {  	s7 =	sld [smem:$0x3FB5]  }
0x2d: {  	s3 =	simm.s32 $0x108;
	s8 =	sld [smem:$0x3FB6]  }
0x2e: {  	s3 =	simm.s32 @!p0 $0x1082;
	s9 =	sld [smem:$0x3FB7]  }
0x2f: {  	lr =	sadd.s32 s0, s3;
	s0 =	sld [smem:$0x3FAE]  }
0x30: {  	s3 =	sld [smem:$0x3FB1]  }
0x31: {  	[smem:$0x3FBA] =	sst s10  }
0x32: {  	s10 =	sld [smem:$0x3FB8];
	_ =	sdelay $0x3  }
0x33: {  	p0 =	seq.s32 s10, $0x1;
	s10 =	sld [smem:$0x3FBA];
	_ =	sdelay $0x3  }
0x34: {  	[smem:$0x3FBA] =	sst s10  }
0x35: {  	s10 =	sld [smem:$0x3FB9];
	_ =	sdelay $0x3  }
0x36: {  	p1 =	seq.s32 s10, $0x1;
	s10 =	sld [smem:$0x3FBA];
	_ =	sdelay $0x3  }
0x37: {  	[smem:$0x3FBA] =	sst s10  }
0x38: {  	s10 =	sld [smem:$0x3FBB]  }
0x39: {  	_ = 	snop;
	(pc) =	sbr.ind lr, $3  }
0x3a: {  	_ = 	snop  }
0x3b: {  	_ = 	snop  }
0x3c: {  	p2 =	seq.s32 s10, $0x1;
	s10 =	sld [smem:$0x3FBA]  }
0x3d: {  	_ =	shalt  }
0x3e: {  	_ =	shalt  }
0x3f: {  	_ =	shalt  }
0x40: {  	_ =	shalt  }
0x41: {  	_ =	shalt  }
0x42: {  	_ =	shalt  }
0x43: {  	_ =	shalt  }
0x44: {  	_ =	shalt  }
0x45: {  	_ =	shalt  }
0x46: {  	_ =	shalt  }
0x47: {  	_ =	shalt  }
0x48: {  	_ =	shalt  }
0x49: {  	_ =	shalt  }
0x4a: {  	_ =	shalt  }
0x4b: {  	_ =	shalt  }
0x4c: {  	_ =	shalt  }
0x4d: {  	_ =	shalt  }
0x4e: {  	_ =	shalt  }
0x4f: {  	_ =	shalt  }
0x50: {  	_ =	shalt  }
0x51: {  	_ =	shalt  }
0x52: {  	_ =	shalt  }
0x53: {  	_ =	shalt  }
0x54: {  	_ =	shalt  }
0x55: {  	_ =	shalt  }
0x56: {  	_ =	shalt  }
0x57: {  	_ =	shalt  }
0x58: {  	_ =	shalt  }
0x59: {  	_ =	shalt  }
0x5a: {  	_ =	shalt  }
0x5b: {  	_ =	shalt  }
0x5c: {  	_ =	shalt  }
0x5d: {  	_ =	shalt  }
0x5e: {  	_ =	shalt  }
0x5f: {  	_ =	shalt  }
0x60: {  	_ =	shalt  }
0x61: {  	_ =	shalt  }
0x62: {  	_ =	shalt  }
0x63: {  	_ =	shalt  }
0x64: {  	_ =	shalt  }
0x65: {  	_ =	shalt  }
0x66: {  	_ =	shalt  }
0x67: {  	_ =	shalt  }
0x68: {  	_ =	shalt  }
0x69: {  	_ =	shalt  }
0x6a: {  	_ =	shalt  }
0x6b: {  	_ =	shalt  }
0x6c: {  	_ =	shalt  }
0x6d: {  	_ =	shalt  }
0x6e: {  	_ =	shalt  }
0x6f: {  	_ =	shalt  }
0x70: {  	_ =	shalt  }
0x71: {  	_ =	shalt  }
0x72: {  	_ =	shalt  }
0x73: {  	_ =	shalt  }
0x74: {  	_ =	shalt  }
0x75: {  	_ =	shalt  }
0x76: {  	_ =	shalt  }
0x77: {  	_ =	shalt  }
0x78: {  	_ =	shalt  }
0x79: {  	_ =	shalt  }
0x7a: {  	_ =	shalt  }
0x7b: {  	_ =	shalt  }
0x7c: {  	_ =	shalt  }
0x7d: {  	_ =	shalt  }
0x7e: {  	_ =	shalt  }
0x7f: {  	_ =	shalt  }
0x80: {  	_ =	shalt  }
0x81: {  	_ =	shalt  }
0x82: {  	_ =	shalt  }
0x83: {  	_ =	shalt  }
0x84: {  	_ =	shalt  }
0x85: {  	_ =	shalt  }
0x86: {  	_ =	shalt  }
0x87: {  	_ =	shalt  }
.Lfunc_end0:
.L_simem_size_0:
called_computation_lowered:
.L_overlay_start_0:
0x88: {  	s2 =	sld [smem:$0x3FD9]  }
0x89: {  	s3 =	sld [smem:$0x3FFE];
	_ =	sdelay $0x1  }
0x8a: {  	s1 =	srdreg.scid  }
0x8b: {  	s0 =	sand.u32 $0x1, s1  }
0x8c: {  	s18 =	sshll.u32 s0, $0xA;
	s2 =	sadd.s32 s3, s2  }
0x8d: {  	s2 =	sadd.s32 s2, s18  }
0x8e: {  	[smem:$0x3FC6] =	sst s2  }
0x8f: {  	_ = 	snop  }
0x90: {  	s2 =	sld [smem:$0x3FC9]  }
0x91: {  	s19 =	sld [smem:$0x3FC8]  }
0x92: {  	s4 =	sld [smem:$0x3FD0];
	(tm) =	ssettm $0x1  }
0x93: {  	s5 =	sld [smem:$0x3FFB];
	_ =	sdelay $0x3  }
0x94: {  	_ =	strace s5  }
0x95: {  	s5 =	sld [smem:$0x3FFC];
	_ =	sdelay $0x3  }
0x96: {  	_ =	strace s5  }
0x97: {  	s5 =	sld [smem:$0x3FFD];
	_ =	sdelay $0x3  }
0x98: {  	_ =	strace s5  }
0x99: {  	_ =	strace $0x8FFFFFFF  }
0x9a: {  	s20 =	sld [smem:$0x3FDB];
	_ =	sdelay $0x1  }
0x9b: {  	s6 =	simm.s32 $_scs_section_size  }
0x9c: {  	s7 =	simm.s32 $_size__tile_overlayer_lowered;
	s8 =	simm.s32 $_tile_overlayer_lowered  }
0x9d: {  	s23 =	simm.s32 $0x1BFF;
	s22 =	sshll.u32 s8, $0x1;
	s5 =	sadd.s32 s6, s20  }
0x9e: {  	s9 =	simm.s32 $0x0;
	s21 =	sshll.u32 s7, $0x1;
	s7 =	sadd.s32 s22, s5  }
0x9f: {  	[timem:s9], [sflag:s23] =	dma.local [hbm:s7], s21  }
0xa0: {  	_ =	swait.ge [sflag:s23], s21  }
0xa1: {  	s6 =	ssub.s32 $0x0, s21;
	[sflag:s23] =	ssyncset.done $0x0  }
0xa2: {  	[sflag:s23] =	ssyncadd.s32 s6;
	_ =	sdelay $0x1  }
0xa3: {  	s24 =	simm.s32 $0x1B8B  }
0xa4: {  	_ =	swait.ge [sflag:s24], $0x1  }
0xa5: {  	[sflag:s24] =	ssyncset.done $0x0  }
0xa6: {  	s25 =	simm.s32 $0x1B8E;
	[sflag:s24] =	ssyncadd.s32 $0xFFFFFFFF  }
0xa7: {  	s26 =	simm.s32 $execute0_lowered;
	[smem:$0x3FD2] =	sst s25  }
0xa8: {  	s6 =	sshll.u32 s26, $0x1;
	_ =	strace $0x80000046;
	[dreg:$0x1] =	wrdreg $0xFFFFFFFF  }
0xa9: {  	s28 =	simm.s32 $_size_execute0_lowered;
	s5 =	sadd.s32 s5, s6;
	[dreg:$0x0] =	wrdreg $0x0  }
0xaa: {  	s6 =	sshll.u32 s28, $0x1;
	[dreg:$0x2] =	wrdreg s5  }
0xab: {  	[dreg:$0x3] =	wrdreg s6  }
0xac: {  	[dreg:$0x4] =	wrdreg $0xC0  }
0xad: {  	_ =	task [dreg:s9], $0x5FFFF  }
0xae: {  	[dreg:$0x1] =	wrdreg $0xFFFFFFFF  }
0xaf: {  	[dreg:$0x0] =	wrdreg $0x60  }
0xb0: {  	[dreg:$0x2] =	wrdreg s2  }
0xb1: {  	[dreg:$0x3] =	wrdreg s19  }
0xb2: {  	[dreg:$0x4] =	wrdreg s4  }
0xb3: {  	[dreg:$0x5] =	wrdreg $0x9  }
0xb4: {  	_ =	task.clear_ibuf [dreg:s9], $0x6FFFF;
	_ =	strace $0x90000046  }
0xb5: {  	s29 =	simm.s32 $0x9;
	_ =	strace $0x80000048  }
0xb6: {  	_ =	swait.ge [sflag:s29], $0x1  }
0xb7: {  	[sflag:s29] =	ssyncadd.s32 $0xFFFFFFFF  }
0xb8: {  	_ =	strace $0x90000048  }
0xb9: {  	_ =	sfence  }
0xba: {  	s30 =	sld [smem:$0x0];
	_ =	sdelay $0x2  }
0xbb: {  	s31 =	sshll.u32 s1, $0xD;
	s1 =	sshrl.u32 s1, $0x2  }
0xbc: {  	s3 =	sand.u32 $0x4000, s31;
	s1 =	sadd.s32 s1, s30  }
0xbd: {  	s0 =	sor.u32 s3, s0;
	s1 =	sshll.u32 s1, $0x11  }
0xbe: {  	s0 =	sor.u32 s1, s0  }
0xbf: {  	s0 =	sadd.s32 $0x8F2B, s0  }
0xc0: {  	[sflag:s0] =	ssyncadd.remote.s32 $0x1  }
0xc1: {  	_ =	sfence.sel $0xFFFF  }
0xc2: {  	[dreg:$0x0] =	wrdreg $0xFFFFFFFF;
	(pc) =	sbr.abs _section_cstart, $3  }
0xc3: {  	[dreg:$0x1] =	wrdreg $0xFFFFFFFF  }
0xc4: {  	_ =	task.clear_ibuf [dreg:s9], $0x2FFFF;
	_ =	strace $0x9FFFFFFF  }
0xc5: {  	(tm) =	ssettm $0x7FFFFFFF  }
tec
execute0_lowered:
.L_overlay_start_1:
0x0: {  	(tag) =	ssettag $0x1  }
0x1: {  	s0 =	rddreg [dreg:$0x0]  }
0x2: {  	s1 =	rddreg [dreg:$0x1]  }
0x3: {  	s2 =	rddreg [dreg:$0x2];
	s3 =	simm.s32 $0x0  }
0x4: {  	s4 =	srdreg.scid;
	s5 =	stileid.u32;
	s9 =	simm.s32 $0x10000  }
0x5: {  	s10 =	simm.s32 $0x14000;
	s11 =	simm.s32 $0x11000;
	s13 =	simm.s32 $0x12000  }
0x6: {  	s15 =	simm.s32 $0x2;
	s16 =	simm.s32 $0x13000;
	s18 =	simm.s32 $0x3  }
0x7: {  	s20 =	simm.s32 $0x4;
	s22 =	simm.s32 $0x5;
	s23 =	simm.s32 $0x1A000  }
0x8: {  	s24 =	simm.s32 $0x1B000;
	s25 =	simm.s32 $0x6;
	s26 =	simm.s32 $0x0  }
0x9: {  	[smem:$0x7FF] =	sst s3;
	s4 =	sand.u32 $0x1, s4;
	s5 =	sshll.u32 s5, $0x1  }
0xa: {  	_ =	strace $0x80000047;
	s6 =	ssub.s32 $0x2, s4;
	s4 =	sor.u32 s4, s5  }
0xb: {  	s31 =	sshrl.u32 s6, $0x1;
	s7 =	sshll.u32 s4, $0xD;
	s8 =	sshll.u32 s4, $0xC  }
0xc: {  	s6 =	ssub.s32 s6, s31;
	s4 =	sadd.s32 s0, s7;
	s5 =	sadd.s32 s2, s8  }
0xd: {  	s7 =	simm.s32 $0x1;
	s8 =	simm.s32 $0x1000;
	s6 =	smax.u32 s6, $0x1  }
.LBB2_1:
0xe: {  	[tilespmem:s3], [sflag:$0x1] =	stream.linear.gather [hbm4b:s4+s3], $0x10000, $0x38;
	[tilespmem:$0x1C000] =	vst v63  }
0xf: {  	p0 =	por $0x0, $0x0;
	s0 =	simm.s32 $0x1;
	s2 =	simm.s32 $0x0  }
0x10: {  	_ =	swait.ge [sflag:s7], $0x10000;
	s0 =	simm.s32 @!p0 $0x0;
	s2 =	sand.u32 $0x40, s2  }
0x11: {  	[sflag:s7] =	ssyncset.done $0x0;
	s12 =	sshll.u32 s0, $0x6;
	s0 =	sand.u32 $0x1F00, s3  }
0x12: {  	[sflag:s7] =	ssyncadd.s32 $0xFFFF0000;
	s2 =	sor.u32 s2, s0;
	s12 =	sadd.s32 $0x0, s12  }
0x13: {  	v0 =	vld [tilespmem:s2+$0x0];
	s14 =	sor.u32 $0x80, s12  }
0x14: {  	v1 =	vld [tilespmem:s14+$0x0];
	_ =	sdelay $0x3  }
0x15: {  	v0 =	vmul.f32 $4.096000000e+03, v0  }
0x16: {  	v1 =	vmul.f32 $2.048000000e+03, v1  }
0x17: {  	v0 =	vadd.f32 $1.258700800e+07, v0  }
0x18: {  	v1 =	vadd.f32 $1.258496000e+07, v1  }
0x19: {  	v0 =	vtrunc.f32 v0  }
0x1a: {  	v0 =	vcvt.f32.s32 v0;
	v1 =	vtrunc.f32 v1  }
0x1b: {  	v1 =	vcvt.f32.s32 v1  }
0x1c: {  	v0 =	vadd.s32 $0xFF400000, v0  }
0x1d: {  	vm0 =	vgt.s32 v0, $0x0;
	v1 =	vadd.s32 $0xFF400000, v1  }
0x1e: {  	v0 =	vnsel vm0, $0x0, v0;
	vm9 =	vgt.s32 v1, $0x0  }
0x1f: {  	v0 =	vmin.u32 v0, $0x1FFF;
	v1 =	vnsel vm9, $0x0, v1  }
0x20: {  	v1 =	vmin.u32 v1, $0xFFF;
	v2 =	vshrl.u32 v0, $0x7  }
0x21: {  	v3 =	vshll.u32 v1, $0x7;
	v1 =	vshrl.u32 v1, $0x3;
	v2 =	vmul.u32 $0x380, v2  }
0x22: {  	s17 =	sand.u32 $0x7, s3;
	v1 =	vmul.u32 $0xFC00, v1;
	v0 =	vadd.s32 v0, v3  }
0x23: {  	s19 =	simm.s32 $0x10;
	s2 =	sshll.u32 s17, $0x4;
	v0 =	vadd.s32 v2, v0  }
0x24: {  	s30 =	simm.s32 $0x10020;
	s12 =	sand.u32 $0x50, s19;
	s2 =	sadd.s32 $0x0, s2;
	v0 =	vadd.s32 v1, v0  }
0x25: {  	s12 =	sor.u32 s12, s0;
	s14 =	sadd.s32 $0x10, s2;
	[tilespmem:s30+$0xFFFFFFE0] =	vst v0  }
0x26: {  	s21 =	sor.u32 $0x80, s14;
	v0 =	vld [tilespmem:s12+$0x0]  }
0x27: {  	v1 =	vld [tilespmem:s21+$0x0];
	_ =	sdelay $0x3  }
0x28: {  	v0 =	vmul.f32 $4.096000000e+03, v0  }
0x29: {  	v1 =	vmul.f32 $2.048000000e+03, v1  }
0x2a: {  	v0 =	vadd.f32 $1.258700800e+07, v0  }
0x2b: {  	v1 =	vadd.f32 $1.258496000e+07, v1  }
0x2c: {  	v0 =	vtrunc.f32 v0  }
0x2d: {  	v1 =	vtrunc.f32 v1;
	v0 =	vcvt.f32.s32 v0  }
0x2e: {  	v1 =	vcvt.f32.s32 v1  }
0x2f: {  	v0 =	vadd.s32 $0xFF400000, v0  }
0x30: {  	v1 =	vadd.s32 $0xFF400000, v1;
	vm10 =	vgt.s32 v0, $0x0  }
0x31: {  	vm11 =	vgt.s32 v1, $0x0;
	v0 =	vnsel vm10, $0x0, v0  }
0x32: {  	v1 =	vnsel vm11, $0x0, v1;
	v0 =	vmin.u32 v0, $0x1FFF  }
0x33: {  	v1 =	vmin.u32 v1, $0xFFF;
	v2 =	vshrl.u32 v0, $0x7  }
0x34: {  	v3 =	vshll.u32 v1, $0x7;
	v1 =	vshrl.u32 v1, $0x3;
	v2 =	vmul.u32 $0x380, v2  }
0x35: {  	s14 =	sand.u32 $0x3, s3;
	v1 =	vmul.u32 $0xFC00, v1;
	v0 =	vadd.s32 v0, v3  }
0x36: {  	s17 =	simm.s32 $0x20;
	s12 =	sshll.u32 s14, $0x5;
	v0 =	vadd.s32 v2, v0  }
0x37: {  	s14 =	sand.u32 $0x60, s17;
	s12 =	sadd.s32 $0x0, s12;
	v0 =	vadd.s32 v1, v0  }
0x38: {  	s14 =	sor.u32 s14, s0;
	s12 =	sadd.s32 $0x20, s12;
	[tilespmem:s30+$0xFFFFFFF0] =	vst v0  }
0x39: {  	s12 =	sor.u32 $0x80, s12;
	v0 =	vld [tilespmem:s14+$0x0]  }
0x3a: {  	v1 =	vld [tilespmem:s12+$0x0];
	_ =	sdelay $0x3  }
0x3b: {  	v0 =	vmul.f32 $4.096000000e+03, v0  }
0x3c: {  	v1 =	vmul.f32 $2.048000000e+03, v1  }
0x3d: {  	v0 =	vadd.f32 $1.258700800e+07, v0  }
0x3e: {  	v1 =	vadd.f32 $1.258496000e+07, v1  }
0x3f: {  	v0 =	vtrunc.f32 v0  }
0x40: {  	v1 =	vtrunc.f32 v1;
	v0 =	vcvt.f32.s32 v0  }
0x41: {  	v1 =	vcvt.f32.s32 v1  }
0x42: {  	v0 =	vadd.s32 $0xFF400000, v0  }
0x43: {  	v1 =	vadd.s32 $0xFF400000, v1;
	vm12 =	vgt.s32 v0, $0x0  }
0x44: {  	vm13 =	vgt.s32 v1, $0x0;
	v0 =	vnsel vm12, $0x0, v0  }
0x45: {  	v1 =	vnsel vm13, $0x0, v1;
	v0 =	vmin.u32 v0, $0x1FFF  }
0x46: {  	v1 =	vmin.u32 v1, $0xFFF;
	v2 =	vshrl.u32 v0, $0x7  }
0x47: {  	v3 =	vshll.u32 v1, $0x7;
	v1 =	vshrl.u32 v1, $0x3;
	v2 =	vmul.u32 $0x380, v2  }
0x48: {  	v1 =	vmul.u32 $0xFC00, v1;
	v0 =	vadd.s32 v0, v3  }
0x49: {  	s19 =	simm.s32 $0x30;
	v0 =	vadd.s32 v2, v0  }
0x4a: {  	s12 =	sand.u32 $0x70, s19;
	v0 =	vadd.s32 v1, v0  }
0x4b: {  	s2 =	sadd.s32 $0x30, s2;
	s0 =	sor.u32 s12, s0;
	[tilespmem:s30+$0x0] =	vst v0  }
0x4c: {  	s21 =	sor.u32 $0x80, s2;
	v0 =	vld [tilespmem:s0+$0x0]  }
0x4d: {  	v1 =	vld [tilespmem:s21+$0x0];
	_ =	sdelay $0x3  }
0x4e: {  	v0 =	vmul.f32 $4.096000000e+03, v0  }
0x4f: {  	v1 =	vmul.f32 $2.048000000e+03, v1  }
0x50: {  	v0 =	vadd.f32 $1.258700800e+07, v0  }
0x51: {  	v1 =	vadd.f32 $1.258496000e+07, v1  }
0x52: {  	v0 =	vtrunc.f32 v0  }
0x53: {  	v1 =	vtrunc.f32 v1;
	v0 =	vcvt.f32.s32 v0  }
0x54: {  	v1 =	vcvt.f32.s32 v1  }
0x55: {  	v0 =	vadd.s32 $0xFF400000, v0  }
0x56: {  	v1 =	vadd.s32 $0xFF400000, v1;
	vm14 =	vgt.s32 v0, $0x0  }
0x57: {  	vm15 =	vgt.s32 v1, $0x0;
	v0 =	vnsel vm14, $0x0, v0  }
0x58: {  	v1 =	vnsel vm15, $0x0, v1;
	v0 =	vmin.u32 v0, $0x1FFF  }
0x59: {  	p0 =	por !p0, !p0;
	s2 =	simm.s32 $0x1;
	v1 =	vmin.u32 v1, $0xFFF;
	v2 =	vshrl.u32 v0, $0x7  }
0x5a: {  	s28 =	simm.s32 $0x10060;
	s2 =	simm.s32 @!p0 $0x0;
	v3 =	vshll.u32 v1, $0x7;
	v1 =	vshrl.u32 v1, $0x3;
	v2 =	vmul.u32 $0x380, v2  }
0x5b: {  	s31 =	simm.s32 $0x2;
	s29 =	simm.s32 $0x70;
	s17 =	sshll.u32 s2, $0x6;
	v1 =	vmul.u32 $0xFC00, v1;
	v0 =	vadd.s32 v0, v3  }
0x5c: {  	s14 =	simm.s32 $0x4;
	s19 =	simm.s32 $0x40;
	s0 =	simm.s32 $0x80;
	v0 =	vadd.s32 v2, v0  }
0x5d: {  	s12 =	simm.s32 $0x4;
	s19 =	sand.u32 $0x40, s19;
	s2 =	sand.u32 $0x1F00, s0;
	v0 =	vadd.s32 v1, v0  }
.LBB2_2:
0x5e: {  	s14 =	sadd.s32 $0x4, s14;
	s19 =	sor.u32 s19, s2;
	s17 =	sadd.s32 s17, s0;
	[tilespmem:s30+$0x10] =	vst v0  }
0x5f: {  	s30 =	smov.u32 s28;
	p1 =	slt.u32 s14, $0xFC;
	v0 =	vld [tilespmem:s19+$0x0];
	s17 =	sor.u32 $0x80, s17  }
0x60: {  	v1 =	vld [tilespmem:s17+$0x0];
	_ =	sdelay $0x3  }
0x61: {  	v0 =	vmul.f32 $4.096000000e+03, v0  }
0x62: {  	v1 =	vmul.f32 $2.048000000e+03, v1  }
0x63: {  	v0 =	vadd.f32 $1.258700800e+07, v0  }
0x64: {  	v1 =	vadd.f32 $1.258496000e+07, v1  }
0x65: {  	v0 =	vtrunc.f32 v0  }
0x66: {  	v0 =	vcvt.f32.s32 v0;
	v1 =	vtrunc.f32 v1  }
0x67: {  	v1 =	vcvt.f32.s32 v1  }
0x68: {  	v0 =	vadd.s32 $0xFF400000, v0  }
0x69: {  	vm0 =	vgt.s32 v0, $0x0;
	v1 =	vadd.s32 $0xFF400000, v1  }
0x6a: {  	v0 =	vnsel vm0, $0x0, v0;
	vm0 =	vgt.s32 v1, $0x0  }
0x6b: {  	v0 =	vmin.u32 v0, $0x1FFF;
	v1 =	vnsel vm0, $0x0, v1  }
0x6c: {  	v1 =	vmin.u32 v1, $0xFFF;
	v2 =	vshrl.u32 v0, $0x7  }
0x6d: {  	v3 =	vshll.u32 v1, $0x7;
	v1 =	vshrl.u32 v1, $0x3;
	v2 =	vmul.u32 $0x380, v2  }
0x6e: {  	s17 =	sand.u32 $0x7, s12;
	v1 =	vmul.u32 $0xFC00, v1;
	v0 =	vadd.s32 v0, v3  }
0x6f: {  	s19 =	sadd.s32 $0xFFFFFFE0, s29;
	s17 =	sshll.u32 s17, $0x4;
	v0 =	vadd.s32 v2, v0  }
0x70: {  	s19 =	sand.u32 $0x50, s19;
	s17 =	sadd.s32 s17, s0;
	v0 =	vadd.s32 v1, v0  }
0x71: {  	s19 =	sor.u32 s19, s2;
	s21 =	sadd.s32 $0x10, s17;
	s17 =	sadd.s32 $0x30, s17;
	[tilespmem:s28+$0xFFFFFFE0] =	vst v0  }
0x72: {  	v0 =	vld [tilespmem:s19+$0x0];
	s19 =	sor.u32 $0x80, s21  }
0x73: {  	v1 =	vld [tilespmem:s19+$0x0];
	_ =	sdelay $0x3  }
0x74: {  	v0 =	vmul.f32 $4.096000000e+03, v0  }
0x75: {  	v1 =	vmul.f32 $2.048000000e+03, v1  }
0x76: {  	v0 =	vadd.f32 $1.258700800e+07, v0  }
0x77: {  	v1 =	vadd.f32 $1.258496000e+07, v1  }
0x78: {  	v0 =	vtrunc.f32 v0  }
0x79: {  	v0 =	vcvt.f32.s32 v0;
	v1 =	vtrunc.f32 v1  }
0x7a: {  	v1 =	vcvt.f32.s32 v1  }
0x7b: {  	v0 =	vadd.s32 $0xFF400000, v0  }
0x7c: {  	vm0 =	vgt.s32 v0, $0x0;
	v1 =	vadd.s32 $0xFF400000, v1  }
0x7d: {  	v0 =	vnsel vm0, $0x0, v0;
	vm0 =	vgt.s32 v1, $0x0  }
0x7e: {  	v0 =	vmin.u32 v0, $0x1FFF;
	v1 =	vnsel vm0, $0x0, v1  }
0x7f: {  	v1 =	vmin.u32 v1, $0xFFF;
	v2 =	vshrl.u32 v0, $0x7  }
0x80: {  	v3 =	vshll.u32 v1, $0x7;
	v1 =	vshrl.u32 v1, $0x3;
	v2 =	vmul.u32 $0x380, v2  }
0x81: {  	s19 =	sand.u32 $0x3, s31;
	v1 =	vmul.u32 $0xFC00, v1;
	v0 =	vadd.s32 v0, v3  }
0x82: {  	s21 =	sadd.s32 $0xFFFFFFF0, s29;
	s19 =	sshll.u32 s19, $0x5;
	v0 =	vadd.s32 v2, v0  }
0x83: {  	s21 =	sand.u32 $0x60, s21;
	s19 =	sadd.s32 s0, s19;
	v0 =	vadd.s32 v1, v0  }
0x84: {  	s21 =	sor.u32 s21, s2;
	s19 =	sadd.s32 $0x20, s19;
	[tilespmem:s28+$0xFFFFFFF0] =	vst v0  }
0x85: {  	s19 =	sor.u32 $0x80, s19;
	v0 =	vld [tilespmem:s21+$0x0]  }
0x86: {  	v1 =	vld [tilespmem:s19+$0x0];
	_ =	sdelay $0x3  }
0x87: {  	v0 =	vmul.f32 $4.096000000e+03, v0  }
0x88: {  	v1 =	vmul.f32 $2.048000000e+03, v1  }
0x89: {  	v0 =	vadd.f32 $1.258700800e+07, v0  }
0x8a: {  	v1 =	vadd.f32 $1.258496000e+07, v1  }
0x8b: {  	v0 =	vtrunc.f32 v0  }
0x8c: {  	v0 =	vcvt.f32.s32 v0;
	v1 =	vtrunc.f32 v1  }
0x8d: {  	v1 =	vcvt.f32.s32 v1  }
0x8e: {  	v0 =	vadd.s32 $0xFF400000, v0  }
0x8f: {  	vm0 =	vgt.s32 v0, $0x0;
	v1 =	vadd.s32 $0xFF400000, v1  }
0x90: {  	v0 =	vnsel vm0, $0x0, v0;
	vm0 =	vgt.s32 v1, $0x0  }
0x91: {  	v0 =	vmin.u32 v0, $0x1FFF;
	v1 =	vnsel vm0, $0x0, v1  }
0x92: {  	v1 =	vmin.u32 v1, $0xFFF;
	v2 =	vshrl.u32 v0, $0x7  }
0x93: {  	v3 =	vshll.u32 v1, $0x7;
	v1 =	vshrl.u32 v1, $0x3;
	v2 =	vmul.u32 $0x380, v2  }
0x94: {  	v1 =	vmul.u32 $0xFC00, v1;
	v0 =	vadd.s32 v0, v3  }
0x95: {  	v0 =	vadd.s32 v2, v0  }
0x96: {  	s19 =	sand.u32 $0x70, s29;
	v0 =	vadd.s32 v1, v0  }
0x97: {  	s2 =	sor.u32 s19, s2;
	[tilespmem:s28+$0x0] =	vst v0  }
0x98: {  	v0 =	vld [tilespmem:s2+$0x0];
	s2 =	sor.u32 $0x80, s17  }
0x99: {  	v1 =	vld [tilespmem:s2+$0x0];
	_ =	sdelay $0x3  }
0x9a: {  	v0 =	vmul.f32 $4.096000000e+03, v0  }
0x9b: {  	v1 =	vmul.f32 $2.048000000e+03, v1  }
0x9c: {  	v0 =	vadd.f32 $1.258700800e+07, v0  }
0x9d: {  	v1 =	vadd.f32 $1.258496000e+07, v1  }
0x9e: {  	v0 =	vtrunc.f32 v0  }
0x9f: {  	v0 =	vcvt.f32.s32 v0;
	v1 =	vtrunc.f32 v1  }
0xa0: {  	v1 =	vcvt.f32.s32 v1  }
0xa1: {  	v0 =	vadd.s32 $0xFF400000, v0  }
0xa2: {  	vm0 =	vgt.s32 v0, $0x0;
	v1 =	vadd.s32 $0xFF400000, v1  }
0xa3: {  	v0 =	vnsel vm0, $0x0, v0;
	vm0 =	vgt.s32 v1, $0x0  }
0xa4: {  	v0 =	vmin.u32 v0, $0x1FFF;
	v1 =	vnsel vm0, $0x0, v1  }
.Ltmp0:
0xa5: {  	v1 =	vmin.u32 v1, $0xFFF;
	v2 =	vshrl.u32 v0, $0x7;
	(pc) =	sbr.rel @p1 .LBB2_2-.Ltmp0, $4  }
0xa6: {  	p0 =	por !p0, !p0;
	s31 =	sadd.s32 $0x2, s31;
	s28 =	sadd.s32 $0x40, s28;
	v3 =	vshll.u32 v1, $0x7;
	v1 =	vshrl.u32 v1, $0x3;
	v2 =	vmul.u32 $0x380, v2  }
0xa7: {  	s12 =	sadd.s32 $0x4, s12;
	s29 =	sadd.s32 $0x40, s29;
	s2 =	simm.s32 $0x1;
	v1 =	vmul.u32 $0xFC00, v1;
	v0 =	vadd.s32 v0, v3  }
0xa8: {  	s0 =	sadd.s32 $0x80, s0;
	s19 =	sadd.s32 $0xFFFFFFD0, s29;
	s2 =	simm.s32 @!p0 $0x0;
	v0 =	vadd.s32 v2, v0  }
0xa9: {  	s19 =	sand.u32 $0x40, s19;
	s17 =	sshll.u32 s2, $0x6;
	s2 =	sand.u32 $0x1F00, s0;
	v0 =	vadd.s32 v1, v0  }
0xaa: {  	s14 =	sor.u32 s19, s2;
	s17 =	sadd.s32 s17, s0;
	[tilespmem:s30+$0x10] =	vst v0  }
0xab: {  	v0 =	vld [tilespmem:s14+$0x0];
	s17 =	sor.u32 $0x80, s17  }
0xac: {  	v1 =	vld [tilespmem:s17+$0x0];
	_ =	sdelay $0x3  }
0xad: {  	v0 =	vmul.f32 $4.096000000e+03, v0  }
0xae: {  	v1 =	vmul.f32 $2.048000000e+03, v1  }
0xaf: {  	v0 =	vadd.f32 $1.258700800e+07, v0  }
0xb0: {  	v1 =	vadd.f32 $1.258496000e+07, v1  }
0xb1: {  	v0 =	vtrunc.f32 v0  }
0xb2: {  	v0 =	vcvt.f32.s32 v0;
	v1 =	vtrunc.f32 v1  }
0xb3: {  	v1 =	vcvt.f32.s32 v1  }
0xb4: {  	v0 =	vadd.s32 $0xFF400000, v0  }
0xb5: {  	vm0 =	vgt.s32 v0, $0x0;
	v1 =	vadd.s32 $0xFF400000, v1  }
0xb6: {  	v0 =	vnsel vm0, $0x0, v0;
	vm13 =	vgt.s32 v1, $0x0  }
0xb7: {  	v0 =	vmin.u32 v0, $0x1FFF;
	v1 =	vnsel vm13, $0x0, v1  }
0xb8: {  	v1 =	vmin.u32 v1, $0xFFF;
	v2 =	vshrl.u32 v0, $0x7  }
0xb9: {  	v3 =	vshll.u32 v1, $0x7;
	v1 =	vshrl.u32 v1, $0x3;
	v2 =	vmul.u32 $0x380, v2  }
0xba: {  	s12 =	sand.u32 $0x7, s12;
	v1 =	vmul.u32 $0xFC00, v1;
	v0 =	vadd.s32 v0, v3  }
0xbb: {  	s19 =	sadd.s32 $0xFFFFFFE0, s29;
	s12 =	sshll.u32 s12, $0x4;
	v0 =	vadd.s32 v2, v0  }
0xbc: {  	s14 =	sand.u32 $0x50, s19;
	s12 =	sadd.s32 s12, s0;
	v0 =	vadd.s32 v1, v0  }
0xbd: {  	s14 =	sor.u32 s14, s2;
	s21 =	sadd.s32 $0x10, s12;
	[tilespmem:s28+$0xFFFFFFE0] =	vst v0  }
0xbe: {  	s19 =	sor.u32 $0x80, s21;
	v0 =	vld [tilespmem:s14+$0x0]  }
0xbf: {  	v1 =	vld [tilespmem:s19+$0x0];
	_ =	sdelay $0x3  }
0xc0: {  	v0 =	vmul.f32 $4.096000000e+03, v0  }
0xc1: {  	v1 =	vmul.f32 $2.048000000e+03, v1  }
0xc2: {  	v0 =	vadd.f32 $1.258700800e+07, v0  }
0xc3: {  	v1 =	vadd.f32 $1.258496000e+07, v1  }
0xc4: {  	v0 =	vtrunc.f32 v0  }
0xc5: {  	v1 =	vtrunc.f32 v1;
	v0 =	vcvt.f32.s32 v0  }
0xc6: {  	v1 =	vcvt.f32.s32 v1  }
0xc7: {  	v0 =	vadd.s32 $0xFF400000, v0  }
0xc8: {  	v1 =	vadd.s32 $0xFF400000, v1;
	vm14 =	vgt.s32 v0, $0x0  }
0xc9: {  	vm15 =	vgt.s32 v1, $0x0;
	v0 =	vnsel vm14, $0x0, v0  }
0xca: {  	v1 =	vnsel vm15, $0x0, v1;
	v0 =	vmin.u32 v0, $0x1FFF  }
0xcb: {  	v1 =	vmin.u32 v1, $0xFFF;
	v2 =	vshrl.u32 v0, $0x7  }
0xcc: {  	v3 =	vshll.u32 v1, $0x7;
	v1 =	vshrl.u32 v1, $0x3;
	v2 =	vmul.u32 $0x380, v2  }
0xcd: {  	s21 =	sand.u32 $0x3, s31;
	v1 =	vmul.u32 $0xFC00, v1;
	v0 =	vadd.s32 v0, v3  }
0xce: {  	s31 =	sadd.s32 $0xFFFFFFF0, s29;
	s14 =	sshll.u32 s21, $0x5;
	v0 =	vadd.s32 v2, v0  }
0xcf: {  	s21 =	sand.u32 $0x60, s31;
	s19 =	sadd.s32 s0, s14;
	v0 =	vadd.s32 v1, v0  }
0xd0: {  	s14 =	sor.u32 s21, s2;
	s0 =	sadd.s32 $0x20, s19;
	[tilespmem:s28+$0xFFFFFFF0] =	vst v0  }
0xd1: {  	s0 =	sor.u32 $0x80, s0;
	v0 =	vld [tilespmem:s14+$0x0]  }
0xd2: {  	v1 =	vld [tilespmem:s0+$0x0];
	_ =	sdelay $0x3  }
0xd3: {  	v0 =	vmul.f32 $4.096000000e+03, v0  }
0xd4: {  	v1 =	vmul.f32 $2.048000000e+03, v1  }
0xd5: {  	v0 =	vadd.f32 $1.258700800e+07, v0  }
0xd6: {  	v1 =	vadd.f32 $1.258496000e+07, v1  }
0xd7: {  	v0 =	vtrunc.f32 v0  }
0xd8: {  	v1 =	vtrunc.f32 v1;
	v0 =	vcvt.f32.s32 v0  }
0xd9: {  	v1 =	vcvt.f32.s32 v1  }
0xda: {  	v0 =	vadd.s32 $0xFF400000, v0  }
0xdb: {  	v1 =	vadd.s32 $0xFF400000, v1;
	vm4 =	vgt.s32 v0, $0x0  }
0xdc: {  	vm5 =	vgt.s32 v1, $0x0;
	v0 =	vnsel vm4, $0x0, v0  }
0xdd: {  	v1 =	vnsel vm5, $0x0, v1;
	v0 =	vmin.u32 v0, $0x1FFF  }
0xde: {  	v1 =	vmin.u32 v1, $0xFFF;
	v2 =	vshrl.u32 v0, $0x7  }
0xdf: {  	v3 =	vshll.u32 v1, $0x7;
	v1 =	vshrl.u32 v1, $0x3;
	v2 =	vmul.u32 $0x380, v2  }
0xe0: {  	v1 =	vmul.u32 $0xFC00, v1;
	v0 =	vadd.s32 v0, v3  }
0xe1: {  	v0 =	vadd.s32 v2, v0  }
0xe2: {  	s31 =	sand.u32 $0x70, s29;
	v0 =	vadd.s32 v1, v0  }
0xe3: {  	s12 =	sadd.s32 $0x30, s12;
	s0 =	sor.u32 s31, s2;
	[tilespmem:s28+$0x0] =	vst v0  }
0xe4: {  	s14 =	sor.u32 $0x80, s12;
	v0 =	vld [tilespmem:s0+$0x0]  }
0xe5: {  	v1 =	vld [tilespmem:s14+$0x0];
	_ =	sdelay $0x3  }
0xe6: {  	v0 =	vmul.f32 $4.096000000e+03, v0  }
0xe7: {  	v1 =	vmul.f32 $2.048000000e+03, v1  }
0xe8: {  	v0 =	vadd.f32 $1.258700800e+07, v0  }
0xe9: {  	v1 =	vadd.f32 $1.258496000e+07, v1  }
0xea: {  	v0 =	vtrunc.f32 v0  }
0xeb: {  	v1 =	vtrunc.f32 v1;
	v0 =	vcvt.f32.s32 v0  }
0xec: {  	v1 =	vcvt.f32.s32 v1  }
0xed: {  	v0 =	vadd.s32 $0xFF400000, v0  }
0xee: {  	v1 =	vadd.s32 $0xFF400000, v1;
	vm6 =	vgt.s32 v0, $0x0  }
0xef: {  	vm7 =	vgt.s32 v1, $0x0;
	v0 =	vnsel vm6, $0x0, v0  }
0xf0: {  	v1 =	vnsel vm7, $0x0, v1;
	v0 =	vmin.u32 v0, $0x1FFF  }
0xf1: {  	v1 =	vmin.u32 v1, $0xFFF;
	v2 =	vshrl.u32 v0, $0x7  }
0xf2: {  	v3 =	vshll.u32 v1, $0x7;
	v1 =	vshrl.u32 v1, $0x3;
	v2 =	vmul.u32 $0x380, v2  }
0xf3: {  	v1 =	vmul.u32 $0xFC00, v1;
	v0 =	vadd.s32 v0, v3  }
0xf4: {  	s17 =	simm.s32 $0x0;
	s19 =	simm.s32 $0x0;
	v0 =	vadd.s32 v2, v0  }
0xf5: {  	s2 =	sand.u32 $0x40, s19;
	s0 =	sand.u32 $0x1F00, s17;
	v0 =	vadd.s32 v1, v0  }
0xf6: {  	s0 =	sor.u32 s2, s0;
	[tilespmem:s28+$0x10] =	vst v0  }
0xf7: {  	[tilespmem:s10], [sflag:$0x2] =	stream.indirect.gather [hbm4b:s1+s8], $0x1, s9, s8, $0xb8;
	[tilespmem:$0x1C000] =	vst v63  }
0xf8: {  	v0 =	vld [tilespmem:s0+$0x2000]  }
0xf9: {  	v1 =	vld [tilespmem:s0+$0x2080];
	_ =	sdelay $0x3  }
0xfa: {  	v0 =	vmul.f32 $4.096000000e+03, v0  }
0xfb: {  	v1 =	vmul.f32 $2.048000000e+03, v1  }
0xfc: {  	v0 =	vadd.f32 $1.258700800e+07, v0  }
0xfd: {  	v1 =	vadd.f32 $1.258496000e+07, v1  }
0xfe: {  	v0 =	vtrunc.f32 v0  }
0xff: {  	v1 =	vtrunc.f32 v1;
	v0 =	vcvt.f32.s32 v0  }
0x100: {  	v1 =	vcvt.f32.s32 v1  }
0x101: {  	v0 =	vadd.s32 $0xFF400000, v0  }
0x102: {  	v1 =	vadd.s32 $0xFF400000, v1;
	vm8 =	vgt.s32 v0, $0x0  }
0x103: {  	vm9 =	vgt.s32 v1, $0x0;
	v0 =	vnsel vm8, $0x0, v0  }
0x104: {  	v1 =	vnsel vm9, $0x0, v1;
	v0 =	vmin.u32 v0, $0x1FFF  }
0x105: {  	v1 =	vmin.u32 v1, $0xFFF;
	v2 =	vshrl.u32 v0, $0x7  }
0x106: {  	v3 =	vshll.u32 v1, $0x7;
	v1 =	vshrl.u32 v1, $0x3;
	v2 =	vmul.u32 $0x380, v2  }
0x107: {  	v1 =	vmul.u32 $0xFC00, v1;
	v0 =	vadd.s32 v0, v3  }
0x108: {  	s21 =	simm.s32 $0x2020;
	s31 =	simm.s32 $0x1010;
	v0 =	vadd.s32 v2, v0  }
0x109: {  	s2 =	sand.u32 $0x50, s31;
	s28 =	simm.s32 $0x11020;
	s0 =	sand.u32 $0x3F00, s21;
	v0 =	vadd.s32 v1, v0  }
0x10a: {  	s0 =	sor.u32 s2, s0;
	[tilespmem:s28+$0xFFFFFFE0] =	vst v0  }
0x10b: {  	v0 =	vld [tilespmem:s0+$0x0]  }
0x10c: {  	v1 =	vld [tilespmem:s0+$0x80];
	_ =	sdelay $0x3  }
0x10d: {  	v0 =	vmul.f32 $4.096000000e+03, v0  }
0x10e: {  	v1 =	vmul.f32 $2.048000000e+03, v1  }
0x10f: {  	v0 =	vadd.f32 $1.258700800e+07, v0  }
0x110: {  	v1 =	vadd.f32 $1.258496000e+07, v1  }
0x111: {  	v0 =	vtrunc.f32 v0  }
0x112: {  	v1 =	vtrunc.f32 v1;
	v0 =	vcvt.f32.s32 v0  }
0x113: {  	v1 =	vcvt.f32.s32 v1  }
0x114: {  	v0 =	vadd.s32 $0xFF400000, v0  }
0x115: {  	v1 =	vadd.s32 $0xFF400000, v1;
	vm10 =	vgt.s32 v0, $0x0  }
0x116: {  	vm11 =	vgt.s32 v1, $0x0;
	v0 =	vnsel vm10, $0x0, v0  }
0x117: {  	v1 =	vnsel vm11, $0x0, v1;
	v0 =	vmin.u32 v0, $0x1FFF  }
0x118: {  	v1 =	vmin.u32 v1, $0xFFF;
	v2 =	vshrl.u32 v0, $0x7  }
0x119: {  	v3 =	vshll.u32 v1, $0x7;
	v1 =	vshrl.u32 v1, $0x3;
	v2 =	vmul.u32 $0x380, v2  }
0x11a: {  	v1 =	vmul.u32 $0xFC00, v1;
	v0 =	vadd.s32 v0, v3  }
0x11b: {  	s12 =	simm.s32 $0x2040;
	s14 =	simm.s32 $0x1020;
	v0 =	vadd.s32 v2, v0  }
0x11c: {  	s2 =	sand.u32 $0x60, s14;
	s0 =	sand.u32 $0x3F00, s12;
	v0 =	vadd.s32 v1, v0  }
0x11d: {  	s0 =	sor.u32 s2, s0;
	[tilespmem:s28+$0xFFFFFFF0] =	vst v0  }
0x11e: {  	v0 =	vld [tilespmem:s0+$0x0]  }
0x11f: {  	v1 =	vld [tilespmem:s0+$0x80];
	_ =	sdelay $0x3  }
0x120: {  	v0 =	vmul.f32 $4.096000000e+03, v0  }
0x121: {  	v1 =	vmul.f32 $2.048000000e+03, v1  }
0x122: {  	v0 =	vadd.f32 $1.258700800e+07, v0  }
0x123: {  	v1 =	vadd.f32 $1.258496000e+07, v1  }
0x124: {  	v0 =	vtrunc.f32 v0  }
0x125: {  	v1 =	vtrunc.f32 v1;
	v0 =	vcvt.f32.s32 v0  }
0x126: {  	v1 =	vcvt.f32.s32 v1  }
0x127: {  	v0 =	vadd.s32 $0xFF400000, v0  }
0x128: {  	v1 =	vadd.s32 $0xFF400000, v1;
	vm12 =	vgt.s32 v0, $0x0  }
0x129: {  	vm13 =	vgt.s32 v1, $0x0;
	v0 =	vnsel vm12, $0x0, v0  }
0x12a: {  	v1 =	vnsel vm13, $0x0, v1;
	v0 =	vmin.u32 v0, $0x1FFF  }
0x12b: {  	v1 =	vmin.u32 v1, $0xFFF;
	v2 =	vshrl.u32 v0, $0x7  }
0x12c: {  	v3 =	vshll.u32 v1, $0x7;
	v1 =	vshrl.u32 v1, $0x3;
	v2 =	vmul.u32 $0x380, v2  }
0x12d: {  	v1 =	vmul.u32 $0xFC00, v1;
	v0 =	vadd.s32 v0, v3  }
0x12e: {  	s19 =	simm.s32 $0x2060;
	s17 =	simm.s32 $0x1030;
	v0 =	vadd.s32 v2, v0  }
0x12f: {  	s2 =	sand.u32 $0x3F00, s19;
	s0 =	sand.u32 $0x70, s17;
	v0 =	vadd.s32 v1, v0  }
0x130: {  	s0 =	sor.u32 s0, s2;
	[tilespmem:s28+$0x0] =	vst v0  }
0x131: {  	v0 =	vld [tilespmem:s0+$0x0]  }
0x132: {  	v1 =	vld [tilespmem:s0+$0x80];
	_ =	sdelay $0x3  }
0x133: {  	v0 =	vmul.f32 $4.096000000e+03, v0  }
0x134: {  	v1 =	vmul.f32 $2.048000000e+03, v1  }
0x135: {  	v0 =	vadd.f32 $1.258700800e+07, v0  }
0x136: {  	v1 =	vadd.f32 $1.258496000e+07, v1  }
0x137: {  	v0 =	vtrunc.f32 v0  }
0x138: {  	v1 =	vtrunc.f32 v1;
	v0 =	vcvt.f32.s32 v0  }
0x139: {  	v1 =	vcvt.f32.s32 v1  }
0x13a: {  	v0 =	vadd.s32 $0xFF400000, v0  }
0x13b: {  	v1 =	vadd.s32 $0xFF400000, v1;
	vm14 =	vgt.s32 v0, $0x0  }
0x13c: {  	vm15 =	vgt.s32 v1, $0x0;
	v0 =	vnsel vm14, $0x0, v0  }
0x13d: {  	v1 =	vnsel vm15, $0x0, v1;
	v0 =	vmin.u32 v0, $0x1FFF  }
0x13e: {  	v1 =	vmin.u32 v1, $0xFFF;
	v2 =	vshrl.u32 v0, $0x7  }
0x13f: {  	v3 =	vshll.u32 v1, $0x7;
	v1 =	vshrl.u32 v1, $0x3;
	v2 =	vmul.u32 $0x380, v2  }
0x140: {  	s30 =	simm.s32 $0x20E0;
	v1 =	vmul.u32 $0xFC00, v1;
	v0 =	vadd.s32 v0, v3  }
0x141: {  	s29 =	simm.s32 $0x1070;
	s31 =	simm.s32 $0x40;
	s21 =	simm.s32 $0x80;
	v0 =	vadd.s32 v2, v0  }
0x142: {  	s12 =	sand.u32 $0x40, s31;
	s2 =	sand.u32 $0x1F00, s21;
	s0 =	simm.s32 $0x4;
	v0 =	vadd.s32 v1, v0  }
.LBB2_4:
0x143: {  	s0 =	sadd.s32 $0x4, s0;
	s2 =	sor.u32 s12, s2;
	[tilespmem:s28+$0x10] =	vst v0;
	s28 =	sadd.s32 $0x40, s28  }
0x144: {  	p0 =	slt.u32 s0, $0xFC;
	v0 =	vld [tilespmem:s2+$0x2000]  }
0x145: {  	v1 =	vld [tilespmem:s2+$0x2080];
	_ =	sdelay $0x3  }
0x146: {  	v0 =	vmul.f32 $4.096000000e+03, v0  }
0x147: {  	v1 =	vmul.f32 $2.048000000e+03, v1  }
0x148: {  	v0 =	vadd.f32 $1.258700800e+07, v0  }
0x149: {  	v1 =	vadd.f32 $1.258496000e+07, v1  }
0x14a: {  	v0 =	vtrunc.f32 v0  }
0x14b: {  	v0 =	vcvt.f32.s32 v0;
	v1 =	vtrunc.f32 v1  }
0x14c: {  	v1 =	vcvt.f32.s32 v1  }
0x14d: {  	v0 =	vadd.s32 $0xFF400000, v0  }
0x14e: {  	vm0 =	vgt.s32 v0, $0x0;
	v1 =	vadd.s32 $0xFF400000, v1  }
0x14f: {  	v0 =	vnsel vm0, $0x0, v0;
	vm0 =	vgt.s32 v1, $0x0  }
0x150: {  	v0 =	vmin.u32 v0, $0x1FFF;
	v1 =	vnsel vm0, $0x0, v1  }
0x151: {  	v1 =	vmin.u32 v1, $0xFFF;
	v2 =	vshrl.u32 v0, $0x7  }
0x152: {  	v3 =	vshll.u32 v1, $0x7;
	v1 =	vshrl.u32 v1, $0x3;
	v2 =	vmul.u32 $0x380, v2  }
0x153: {  	v1 =	vmul.u32 $0xFC00, v1;
	v0 =	vadd.s32 v0, v3  }
0x154: {  	s12 =	sadd.s32 $0xFFFFFFE0, s29;
	s2 =	sadd.s32 $0xFFFFFFC0, s30;
	v0 =	vadd.s32 v2, v0  }
0x155: {  	s12 =	sand.u32 $0x50, s12;
	s2 =	sand.u32 $0x3F00, s2;
	v0 =	vadd.s32 v1, v0  }
0x156: {  	s2 =	sor.u32 s12, s2;
	[tilespmem:s28+$0xFFFFFFE0] =	vst v0  }
0x157: {  	v0 =	vld [tilespmem:s2+$0x0]  }
0x158: {  	v1 =	vld [tilespmem:s2+$0x80];
	_ =	sdelay $0x3  }
0x159: {  	v0 =	vmul.f32 $4.096000000e+03, v0  }
0x15a: {  	v1 =	vmul.f32 $2.048000000e+03, v1  }
0x15b: {  	v0 =	vadd.f32 $1.258700800e+07, v0  }
0x15c: {  	v1 =	vadd.f32 $1.258496000e+07, v1  }
0x15d: {  	v0 =	vtrunc.f32 v0  }
0x15e: {  	v0 =	vcvt.f32.s32 v0;
	v1 =	vtrunc.f32 v1  }
0x15f: {  	v1 =	vcvt.f32.s32 v1  }
0x160: {  	v0 =	vadd.s32 $0xFF400000, v0  }
0x161: {  	vm0 =	vgt.s32 v0, $0x0;
	v1 =	vadd.s32 $0xFF400000, v1  }
0x162: {  	v0 =	vnsel vm0, $0x0, v0;
	vm0 =	vgt.s32 v1, $0x0  }
0x163: {  	v0 =	vmin.u32 v0, $0x1FFF;
	v1 =	vnsel vm0, $0x0, v1  }
0x164: {  	v1 =	vmin.u32 v1, $0xFFF;
	v2 =	vshrl.u32 v0, $0x7  }
0x165: {  	v3 =	vshll.u32 v1, $0x7;
	v1 =	vshrl.u32 v1, $0x3;
	v2 =	vmul.u32 $0x380, v2  }
0x166: {  	v1 =	vmul.u32 $0xFC00, v1;
	v0 =	vadd.s32 v0, v3  }
0x167: {  	s12 =	sadd.s32 $0xFFFFFFF0, s29;
	s2 =	sadd.s32 $0xFFFFFFE0, s30;
	v0 =	vadd.s32 v2, v0  }
0x168: {  	s12 =	sand.u32 $0x60, s12;
	s2 =	sand.u32 $0x3F00, s2;
	v0 =	vadd.s32 v1, v0  }
0x169: {  	s2 =	sor.u32 s12, s2;
	[tilespmem:s28+$0xFFFFFFF0] =	vst v0  }
0x16a: {  	v0 =	vld [tilespmem:s2+$0x0]  }
0x16b: {  	v1 =	vld [tilespmem:s2+$0x80];
	_ =	sdelay $0x3  }
0x16c: {  	v0 =	vmul.f32 $4.096000000e+03, v0  }
0x16d: {  	v1 =	vmul.f32 $2.048000000e+03, v1  }
0x16e: {  	v0 =	vadd.f32 $1.258700800e+07, v0  }
0x16f: {  	v1 =	vadd.f32 $1.258496000e+07, v1  }
0x170: {  	v0 =	vtrunc.f32 v0  }
0x171: {  	v0 =	vcvt.f32.s32 v0;
	v1 =	vtrunc.f32 v1  }
0x172: {  	v1 =	vcvt.f32.s32 v1  }
0x173: {  	v0 =	vadd.s32 $0xFF400000, v0  }
0x174: {  	vm0 =	vgt.s32 v0, $0x0;
	v1 =	vadd.s32 $0xFF400000, v1  }
0x175: {  	v0 =	vnsel vm0, $0x0, v0;
	vm0 =	vgt.s32 v1, $0x0  }
0x176: {  	v0 =	vmin.u32 v0, $0x1FFF;
	v1 =	vnsel vm0, $0x0, v1  }
0x177: {  	v1 =	vmin.u32 v1, $0xFFF;
	v2 =	vshrl.u32 v0, $0x7  }
0x178: {  	v3 =	vshll.u32 v1, $0x7;
	v1 =	vshrl.u32 v1, $0x3;
	v2 =	vmul.u32 $0x380, v2  }
0x179: {  	v1 =	vmul.u32 $0xFC00, v1;
	v0 =	vadd.s32 v0, v3  }
0x17a: {  	v0 =	vadd.s32 v2, v0  }
0x17b: {  	s12 =	sand.u32 $0x70, s29;
	s2 =	sand.u32 $0x3F00, s30;
	v0 =	vadd.s32 v1, v0  }
0x17c: {  	s2 =	sor.u32 s12, s2;
	[tilespmem:s28+$0x0] =	vst v0  }
0x17d: {  	v0 =	vld [tilespmem:s2+$0x0]  }
0x17e: {  	v1 =	vld [tilespmem:s2+$0x80];
	_ =	sdelay $0x3  }
0x17f: {  	v0 =	vmul.f32 $4.096000000e+03, v0  }
0x180: {  	v1 =	vmul.f32 $2.048000000e+03, v1  }
0x181: {  	v0 =	vadd.f32 $1.258700800e+07, v0  }
0x182: {  	v1 =	vadd.f32 $1.258496000e+07, v1  }
0x183: {  	v0 =	vtrunc.f32 v0  }
0x184: {  	v0 =	vcvt.f32.s32 v0;
	v1 =	vtrunc.f32 v1  }
0x185: {  	v1 =	vcvt.f32.s32 v1  }
0x186: {  	v0 =	vadd.s32 $0xFF400000, v0  }
0x187: {  	vm0 =	vgt.s32 v0, $0x0;
	v1 =	vadd.s32 $0xFF400000, v1  }
0x188: {  	v0 =	vnsel vm0, $0x0, v0;
	vm0 =	vgt.s32 v1, $0x0  }
0x189: {  	v0 =	vmin.u32 v0, $0x1FFF;
	v1 =	vnsel vm0, $0x0, v1  }
.Ltmp1:
0x18a: {  	v1 =	vmin.u32 v1, $0xFFF;
	v2 =	vshrl.u32 v0, $0x7;
	(pc) =	sbr.rel @p0 .LBB2_4-.Ltmp1, $4  }
0x18b: {  	v3 =	vshll.u32 v1, $0x7;
	v1 =	vshrl.u32 v1, $0x3;
	v2 =	vmul.u32 $0x380, v2  }
0x18c: {  	s29 =	sadd.s32 $0x40, s29;
	s30 =	sadd.s32 $0x80, s30;
	v1 =	vmul.u32 $0xFC00, v1;
	v0 =	vadd.s32 v0, v3  }
0x18d: {  	s12 =	sadd.s32 $0xFFFFEFD0, s29;
	s2 =	sadd.s32 $0xFFFFDFA0, s30;
	v0 =	vadd.s32 v2, v0  }
0x18e: {  	s12 =	sand.u32 $0x40, s12;
	s2 =	sand.u32 $0x1F00, s2;
	v0 =	vadd.s32 v1, v0  }
0x18f: {  	s0 =	sor.u32 s12, s2;
	[tilespmem:s28+$0x10] =	vst v0  }
0x190: {  	v0 =	vld [tilespmem:s0+$0x2000]  }
0x191: {  	v1 =	vld [tilespmem:s0+$0x2080];
	_ =	sdelay $0x3  }
0x192: {  	v0 =	vmul.f32 $4.096000000e+03, v0  }
0x193: {  	v1 =	vmul.f32 $2.048000000e+03, v1  }
0x194: {  	v0 =	vadd.f32 $1.258700800e+07, v0  }
0x195: {  	v1 =	vadd.f32 $1.258496000e+07, v1  }
0x196: {  	v0 =	vtrunc.f32 v0  }
0x197: {  	v1 =	vtrunc.f32 v1;
	v0 =	vcvt.f32.s32 v0  }
0x198: {  	v1 =	vcvt.f32.s32 v1  }
0x199: {  	v0 =	vadd.s32 $0xFF400000, v0  }
0x19a: {  	v1 =	vadd.s32 $0xFF400000, v1;
	vm0 =	vgt.s32 v0, $0x0  }
0x19b: {  	vm13 =	vgt.s32 v1, $0x0;
	v0 =	vnsel vm0, $0x0, v0  }
0x19c: {  	v1 =	vnsel vm13, $0x0, v1;
	v0 =	vmin.u32 v0, $0x1FFF  }
0x19d: {  	v1 =	vmin.u32 v1, $0xFFF;
	v2 =	vshrl.u32 v0, $0x7  }
0x19e: {  	v3 =	vshll.u32 v1, $0x7;
	v1 =	vshrl.u32 v1, $0x3;
	v2 =	vmul.u32 $0x380, v2  }
0x19f: {  	v1 =	vmul.u32 $0xFC00, v1;
	v0 =	vadd.s32 v0, v3  }
0x1a0: {  	s31 =	sadd.s32 $0xFFFFFFC0, s30;
	s0 =	sadd.s32 $0xFFFFFFE0, s29;
	v0 =	vadd.s32 v2, v0  }
0x1a1: {  	s14 =	sadd.s32 $0x40, s28;
	s2 =	sand.u32 $0x3F00, s31;
	s12 =	sand.u32 $0x50, s0;
	v0 =	vadd.s32 v1, v0  }
0x1a2: {  	s2 =	sor.u32 s12, s2;
	[tilespmem:s14+$0xFFFFFFE0] =	vst v0  }
0x1a3: {  	v0 =	vld [tilespmem:s2+$0x0]  }
0x1a4: {  	v1 =	vld [tilespmem:s2+$0x80];
	_ =	sdelay $0x3  }
0x1a5: {  	v0 =	vmul.f32 $4.096000000e+03, v0  }
0x1a6: {  	v1 =	vmul.f32 $2.048000000e+03, v1  }
0x1a7: {  	v0 =	vadd.f32 $1.258700800e+07, v0  }
0x1a8: {  	v1 =	vadd.f32 $1.258496000e+07, v1  }
0x1a9: {  	v0 =	vtrunc.f32 v0  }
0x1aa: {  	v1 =	vtrunc.f32 v1;
	v0 =	vcvt.f32.s32 v0  }
0x1ab: {  	v1 =	vcvt.f32.s32 v1  }
0x1ac: {  	v0 =	vadd.s32 $0xFF400000, v0  }
0x1ad: {  	v1 =	vadd.s32 $0xFF400000, v1;
	vm14 =	vgt.s32 v0, $0x0  }
0x1ae: {  	vm15 =	vgt.s32 v1, $0x0;
	v0 =	vnsel vm14, $0x0, v0  }
0x1af: {  	v1 =	vnsel vm15, $0x0, v1;
	v0 =	vmin.u32 v0, $0x1FFF  }
0x1b0: {  	v1 =	vmin.u32 v1, $0xFFF;
	v2 =	vshrl.u32 v0, $0x7  }
0x1b1: {  	v3 =	vshll.u32 v1, $0x7;
	v1 =	vshrl.u32 v1, $0x3;
	v2 =	vmul.u32 $0x380, v2  }
0x1b2: {  	v1 =	vmul.u32 $0xFC00, v1;
	v0 =	vadd.s32 v0, v3  }
0x1b3: {  	s17 =	sadd.s32 $0xFFFFFFE0, s30;
	s19 =	sadd.s32 $0xFFFFFFF0, s29;
	v0 =	vadd.s32 v2, v0  }
0x1b4: {  	s12 =	sand.u32 $0x60, s19;
	s2 =	sand.u32 $0x3F00, s17;
	v0 =	vadd.s32 v1, v0  }
0x1b5: {  	s2 =	sor.u32 s12, s2;
	[tilespmem:s14+$0xFFFFFFF0] =	vst v0  }
0x1b6: {  	v0 =	vld [tilespmem:s2+$0x0]  }
0x1b7: {  	v1 =	vld [tilespmem:s2+$0x80];
	_ =	sdelay $0x3  }
0x1b8: {  	v0 =	vmul.f32 $4.096000000e+03, v0  }
0x1b9: {  	v1 =	vmul.f32 $2.048000000e+03, v1  }
0x1ba: {  	v0 =	vadd.f32 $1.258700800e+07, v0  }
0x1bb: {  	v1 =	vadd.f32 $1.258496000e+07, v1  }
0x1bc: {  	v0 =	vtrunc.f32 v0  }
0x1bd: {  	v1 =	vtrunc.f32 v1;
	v0 =	vcvt.f32.s32 v0  }
0x1be: {  	v1 =	vcvt.f32.s32 v1  }
0x1bf: {  	v0 =	vadd.s32 $0xFF400000, v0  }
0x1c0: {  	v1 =	vadd.s32 $0xFF400000, v1;
	vm4 =	vgt.s32 v0, $0x0  }
0x1c1: {  	vm5 =	vgt.s32 v1, $0x0;
	v0 =	vnsel vm4, $0x0, v0  }
0x1c2: {  	v1 =	vnsel vm5, $0x0, v1;
	v0 =	vmin.u32 v0, $0x1FFF  }
0x1c3: {  	v1 =	vmin.u32 v1, $0xFFF;
	v2 =	vshrl.u32 v0, $0x7  }
0x1c4: {  	v3 =	vshll.u32 v1, $0x7;
	v1 =	vshrl.u32 v1, $0x3;
	v2 =	vmul.u32 $0x380, v2  }
0x1c5: {  	v1 =	vmul.u32 $0xFC00, v1;
	v0 =	vadd.s32 v0, v3  }
0x1c6: {  	v0 =	vadd.s32 v2, v0  }
0x1c7: {  	s21 =	sand.u32 $0x3F00, s30;
	s31 =	sand.u32 $0x70, s29;
	v0 =	vadd.s32 v1, v0  }
0x1c8: {  	s2 =	sor.u32 s31, s21;
	[tilespmem:s14+$0x0] =	vst v0  }
0x1c9: {  	v0 =	vld [tilespmem:s2+$0x0]  }
0x1ca: {  	v1 =	vld [tilespmem:s2+$0x80];
	_ =	sdelay $0x3  }
0x1cb: {  	v0 =	vmul.f32 $4.096000000e+03, v0  }
0x1cc: {  	v1 =	vmul.f32 $2.048000000e+03, v1  }
0x1cd: {  	v0 =	vadd.f32 $1.258700800e+07, v0  }
0x1ce: {  	v1 =	vadd.f32 $1.258496000e+07, v1  }
0x1cf: {  	v0 =	vtrunc.f32 v0  }
0x1d0: {  	v1 =	vtrunc.f32 v1;
	v0 =	vcvt.f32.s32 v0  }
0x1d1: {  	v1 =	vcvt.f32.s32 v1  }
0x1d2: {  	v0 =	vadd.s32 $0xFF400000, v0  }
0x1d3: {  	v1 =	vadd.s32 $0xFF400000, v1;
	vm6 =	vgt.s32 v0, $0x0  }
0x1d4: {  	vm7 =	vgt.s32 v1, $0x0;
	v0 =	vnsel vm6, $0x0, v0  }
0x1d5: {  	v1 =	vnsel vm7, $0x0, v1;
	v0 =	vmin.u32 v0, $0x1FFF  }
0x1d6: {  	v1 =	vmin.u32 v1, $0xFFF;
	v2 =	vshrl.u32 v0, $0x7  }
0x1d7: {  	v3 =	vshll.u32 v1, $0x7;
	v1 =	vshrl.u32 v1, $0x3;
	v2 =	vmul.u32 $0x380, v2  }
0x1d8: {  	v1 =	vmul.u32 $0xFC00, v1;
	v0 =	vadd.s32 v0, v3  }
0x1d9: {  	s19 =	simm.s32 $0x0;
	s17 =	simm.s32 $0x0;
	v0 =	vadd.s32 v2, v0  }
0x1da: {  	s0 =	sand.u32 $0x1F00, s17;
	s2 =	sand.u32 $0x40, s19;
	v0 =	vadd.s32 v1, v0  }
0x1db: {  	s0 =	sor.u32 s2, s0;
	[tilespmem:s14+$0x10] =	vst v0;
	s14 =	simm.s32 $0x15000  }
0x1dc: {  	[tilespmem:s14], [sflag:$0x3] =	stream.indirect.gather [hbm4b:s1+s8], $0x1, s11, s8, $0xb8;
	[tilespmem:$0x1C000] =	vst v63  }
0x1dd: {  	v0 =	vld [tilespmem:s0+$0x4000]  }
0x1de: {  	v1 =	vld [tilespmem:s0+$0x4080];
	_ =	sdelay $0x3  }
0x1df: {  	v0 =	vmul.f32 $4.096000000e+03, v0  }
0x1e0: {  	v1 =	vmul.f32 $2.048000000e+03, v1  }
0x1e1: {  	v0 =	vadd.f32 $1.258700800e+07, v0  }
0x1e2: {  	v1 =	vadd.f32 $1.258496000e+07, v1  }
0x1e3: {  	v0 =	vtrunc.f32 v0  }
0x1e4: {  	v1 =	vtrunc.f32 v1;
	v0 =	vcvt.f32.s32 v0  }
0x1e5: {  	v1 =	vcvt.f32.s32 v1  }
0x1e6: {  	v0 =	vadd.s32 $0xFF400000, v0  }
0x1e7: {  	v1 =	vadd.s32 $0xFF400000, v1;
	vm8 =	vgt.s32 v0, $0x0  }
0x1e8: {  	vm9 =	vgt.s32 v1, $0x0;
	v0 =	vnsel vm8, $0x0, v0  }
0x1e9: {  	v1 =	vnsel vm9, $0x0, v1;
	v0 =	vmin.u32 v0, $0x1FFF  }
0x1ea: {  	v1 =	vmin.u32 v1, $0xFFF;
	v2 =	vshrl.u32 v0, $0x7  }
0x1eb: {  	v3 =	vshll.u32 v1, $0x7;
	v1 =	vshrl.u32 v1, $0x3;
	v2 =	vmul.u32 $0x380, v2  }
0x1ec: {  	v1 =	vmul.u32 $0xFC00, v1;
	v0 =	vadd.s32 v0, v3  }
0x1ed: {  	s21 =	simm.s32 $0x4020;
	s31 =	simm.s32 $0x2010;
	v0 =	vadd.s32 v2, v0  }
0x1ee: {  	s28 =	simm.s32 $0x12020;
	s2 =	sand.u32 $0x50, s31;
	s0 =	sand.u32 $0x5F00, s21;
	v0 =	vadd.s32 v1, v0  }
0x1ef: {  	s0 =	sor.u32 s2, s0;
	[tilespmem:s28+$0xFFFFFFE0] =	vst v0  }
0x1f0: {  	v0 =	vld [tilespmem:s0+$0x0]  }
0x1f1: {  	v1 =	vld [tilespmem:s0+$0x80];
	_ =	sdelay $0x3  }
0x1f2: {  	v0 =	vmul.f32 $4.096000000e+03, v0  }
0x1f3: {  	v1 =	vmul.f32 $2.048000000e+03, v1  }
0x1f4: {  	v0 =	vadd.f32 $1.258700800e+07, v0  }
0x1f5: {  	v1 =	vadd.f32 $1.258496000e+07, v1  }
0x1f6: {  	v0 =	vtrunc.f32 v0  }
0x1f7: {  	v1 =	vtrunc.f32 v1;
	v0 =	vcvt.f32.s32 v0  }
0x1f8: {  	v1 =	vcvt.f32.s32 v1  }
0x1f9: {  	v0 =	vadd.s32 $0xFF400000, v0  }
0x1fa: {  	v1 =	vadd.s32 $0xFF400000, v1;
	vm10 =	vgt.s32 v0, $0x0  }
0x1fb: {  	vm11 =	vgt.s32 v1, $0x0;
	v0 =	vnsel vm10, $0x0, v0  }
0x1fc: {  	v1 =	vnsel vm11, $0x0, v1;
	v0 =	vmin.u32 v0, $0x1FFF  }
0x1fd: {  	v1 =	vmin.u32 v1, $0xFFF;
	v2 =	vshrl.u32 v0, $0x7  }
0x1fe: {  	v3 =	vshll.u32 v1, $0x7;
	v1 =	vshrl.u32 v1, $0x3;
	v2 =	vmul.u32 $0x380, v2  }
0x1ff: {  	v1 =	vmul.u32 $0xFC00, v1;
	v0 =	vadd.s32 v0, v3  }
0x200: {  	s12 =	simm.s32 $0x4040;
	s14 =	simm.s32 $0x2020;
	v0 =	vadd.s32 v2, v0  }
0x201: {  	s2 =	sand.u32 $0x60, s14;
	s0 =	sand.u32 $0x5F00, s12;
	v0 =	vadd.s32 v1, v0  }
0x202: {  	s0 =	sor.u32 s2, s0;
	[tilespmem:s28+$0xFFFFFFF0] =	vst v0  }
0x203: {  	v0 =	vld [tilespmem:s0+$0x0]  }
0x204: {  	v1 =	vld [tilespmem:s0+$0x80];
	_ =	sdelay $0x3  }
0x205: {  	v0 =	vmul.f32 $4.096000000e+03, v0  }
0x206: {  	v1 =	vmul.f32 $2.048000000e+03, v1  }
0x207: {  	v0 =	vadd.f32 $1.258700800e+07, v0  }
0x208: {  	v1 =	vadd.f32 $1.258496000e+07, v1  }
0x209: {  	v0 =	vtrunc.f32 v0  }
0x20a: {  	v1 =	vtrunc.f32 v1;
	v0 =	vcvt.f32.s32 v0  }
0x20b: {  	v1 =	vcvt.f32.s32 v1  }
0x20c: {  	v0 =	vadd.s32 $0xFF400000, v0  }
0x20d: {  	v1 =	vadd.s32 $0xFF400000, v1;
	vm12 =	vgt.s32 v0, $0x0  }
0x20e: {  	vm13 =	vgt.s32 v1, $0x0;
	v0 =	vnsel vm12, $0x0, v0  }
0x20f: {  	v1 =	vnsel vm13, $0x0, v1;
	v0 =	vmin.u32 v0, $0x1FFF  }
0x210: {  	v1 =	vmin.u32 v1, $0xFFF;
	v2 =	vshrl.u32 v0, $0x7  }
0x211: {  	v3 =	vshll.u32 v1, $0x7;
	v1 =	vshrl.u32 v1, $0x3;
	v2 =	vmul.u32 $0x380, v2  }
0x212: {  	v1 =	vmul.u32 $0xFC00, v1;
	v0 =	vadd.s32 v0, v3  }
0x213: {  	s17 =	simm.s32 $0x2030;
	s19 =	simm.s32 $0x4060;
	v0 =	vadd.s32 v2, v0  }
0x214: {  	s2 =	sand.u32 $0x5F00, s19;
	s0 =	sand.u32 $0x70, s17;
	v0 =	vadd.s32 v1, v0  }
0x215: {  	s0 =	sor.u32 s0, s2;
	[tilespmem:s28+$0x0] =	vst v0  }
0x216: {  	v0 =	vld [tilespmem:s0+$0x0]  }
0x217: {  	v1 =	vld [tilespmem:s0+$0x80];
	_ =	sdelay $0x3  }
0x218: {  	v0 =	vmul.f32 $4.096000000e+03, v0  }
0x219: {  	v1 =	vmul.f32 $2.048000000e+03, v1  }
0x21a: {  	v0 =	vadd.f32 $1.258700800e+07, v0  }
0x21b: {  	v1 =	vadd.f32 $1.258496000e+07, v1  }
0x21c: {  	v0 =	vtrunc.f32 v0  }
0x21d: {  	v1 =	vtrunc.f32 v1;
	v0 =	vcvt.f32.s32 v0  }
0x21e: {  	v1 =	vcvt.f32.s32 v1  }
0x21f: {  	v0 =	vadd.s32 $0xFF400000, v0  }
0x220: {  	v1 =	vadd.s32 $0xFF400000, v1;
	vm14 =	vgt.s32 v0, $0x0  }
0x221: {  	vm15 =	vgt.s32 v1, $0x0;
	v0 =	vnsel vm14, $0x0, v0  }
0x222: {  	v1 =	vnsel vm15, $0x0, v1;
	v0 =	vmin.u32 v0, $0x1FFF  }
0x223: {  	v1 =	vmin.u32 v1, $0xFFF;
	v2 =	vshrl.u32 v0, $0x7  }
0x224: {  	v3 =	vshll.u32 v1, $0x7;
	v1 =	vshrl.u32 v1, $0x3;
	v2 =	vmul.u32 $0x380, v2  }
0x225: {  	s30 =	simm.s32 $0x40E0;
	v1 =	vmul.u32 $0xFC00, v1;
	v0 =	vadd.s32 v0, v3  }
0x226: {  	s29 =	simm.s32 $0x2070;
	s31 =	simm.s32 $0x40;
	s21 =	simm.s32 $0x80;
	v0 =	vadd.s32 v2, v0  }
0x227: {  	s12 =	sand.u32 $0x40, s31;
	s2 =	sand.u32 $0x1F00, s21;
	s0 =	simm.s32 $0x4;
	v0 =	vadd.s32 v1, v0  }
.LBB2_6:
0x228: {  	s0 =	sadd.s32 $0x4, s0;
	s2 =	sor.u32 s12, s2;
	[tilespmem:s28+$0x10] =	vst v0;
	s28 =	sadd.s32 $0x40, s28  }
0x229: {  	p0 =	slt.u32 s0, $0xFC;
	v0 =	vld [tilespmem:s2+$0x4000]  }
0x22a: {  	v1 =	vld [tilespmem:s2+$0x4080];
	_ =	sdelay $0x3  }
0x22b: {  	v0 =	vmul.f32 $4.096000000e+03, v0  }
0x22c: {  	v1 =	vmul.f32 $2.048000000e+03, v1  }
0x22d: {  	v0 =	vadd.f32 $1.258700800e+07, v0  }
0x22e: {  	v1 =	vadd.f32 $1.258496000e+07, v1  }
0x22f: {  	v0 =	vtrunc.f32 v0  }
0x230: {  	v0 =	vcvt.f32.s32 v0;
	v1 =	vtrunc.f32 v1  }
0x231: {  	v1 =	vcvt.f32.s32 v1  }
0x232: {  	v0 =	vadd.s32 $0xFF400000, v0  }
0x233: {  	vm0 =	vgt.s32 v0, $0x0;
	v1 =	vadd.s32 $0xFF400000, v1  }
0x234: {  	v0 =	vnsel vm0, $0x0, v0;
	vm0 =	vgt.s32 v1, $0x0  }
0x235: {  	v0 =	vmin.u32 v0, $0x1FFF;
	v1 =	vnsel vm0, $0x0, v1  }
0x236: {  	v1 =	vmin.u32 v1, $0xFFF;
	v2 =	vshrl.u32 v0, $0x7  }
0x237: {  	v3 =	vshll.u32 v1, $0x7;
	v1 =	vshrl.u32 v1, $0x3;
	v2 =	vmul.u32 $0x380, v2  }
0x238: {  	v1 =	vmul.u32 $0xFC00, v1;
	v0 =	vadd.s32 v0, v3  }
0x239: {  	s12 =	sadd.s32 $0xFFFFFFE0, s29;
	s2 =	sadd.s32 $0xFFFFFFC0, s30;
	v0 =	vadd.s32 v2, v0  }
0x23a: {  	s12 =	sand.u32 $0x50, s12;
	s2 =	sand.u32 $0x5F00, s2;
	v0 =	vadd.s32 v1, v0  }
0x23b: {  	s2 =	sor.u32 s12, s2;
	[tilespmem:s28+$0xFFFFFFE0] =	vst v0  }
0x23c: {  	v0 =	vld [tilespmem:s2+$0x0]  }
0x23d: {  	v1 =	vld [tilespmem:s2+$0x80];
	_ =	sdelay $0x3  }
0x23e: {  	v0 =	vmul.f32 $4.096000000e+03, v0  }
0x23f: {  	v1 =	vmul.f32 $2.048000000e+03, v1  }
0x240: {  	v0 =	vadd.f32 $1.258700800e+07, v0  }
0x241: {  	v1 =	vadd.f32 $1.258496000e+07, v1  }
0x242: {  	v0 =	vtrunc.f32 v0  }
0x243: {  	v0 =	vcvt.f32.s32 v0;
	v1 =	vtrunc.f32 v1  }
0x244: {  	v1 =	vcvt.f32.s32 v1  }
0x245: {  	v0 =	vadd.s32 $0xFF400000, v0  }
0x246: {  	vm0 =	vgt.s32 v0, $0x0;
	v1 =	vadd.s32 $0xFF400000, v1  }
0x247: {  	v0 =	vnsel vm0, $0x0, v0;
	vm0 =	vgt.s32 v1, $0x0  }
0x248: {  	v0 =	vmin.u32 v0, $0x1FFF;
	v1 =	vnsel vm0, $0x0, v1  }
0x249: {  	v1 =	vmin.u32 v1, $0xFFF;
	v2 =	vshrl.u32 v0, $0x7  }
0x24a: {  	v3 =	vshll.u32 v1, $0x7;
	v1 =	vshrl.u32 v1, $0x3;
	v2 =	vmul.u32 $0x380, v2  }
0x24b: {  	v1 =	vmul.u32 $0xFC00, v1;
	v0 =	vadd.s32 v0, v3  }
0x24c: {  	s12 =	sadd.s32 $0xFFFFFFF0, s29;
	s2 =	sadd.s32 $0xFFFFFFE0, s30;
	v0 =	vadd.s32 v2, v0  }
0x24d: {  	s12 =	sand.u32 $0x60, s12;
	s2 =	sand.u32 $0x5F00, s2;
	v0 =	vadd.s32 v1, v0  }
0x24e: {  	s2 =	sor.u32 s12, s2;
	[tilespmem:s28+$0xFFFFFFF0] =	vst v0  }
0x24f: {  	v0 =	vld [tilespmem:s2+$0x0]  }
0x250: {  	v1 =	vld [tilespmem:s2+$0x80];
	_ =	sdelay $0x3  }
0x251: {  	v0 =	vmul.f32 $4.096000000e+03, v0  }
0x252: {  	v1 =	vmul.f32 $2.048000000e+03, v1  }
0x253: {  	v0 =	vadd.f32 $1.258700800e+07, v0  }
0x254: {  	v1 =	vadd.f32 $1.258496000e+07, v1  }
0x255: {  	v0 =	vtrunc.f32 v0  }
0x256: {  	v0 =	vcvt.f32.s32 v0;
	v1 =	vtrunc.f32 v1  }
0x257: {  	v1 =	vcvt.f32.s32 v1  }
0x258: {  	v0 =	vadd.s32 $0xFF400000, v0  }
0x259: {  	vm0 =	vgt.s32 v0, $0x0;
	v1 =	vadd.s32 $0xFF400000, v1  }
0x25a: {  	v0 =	vnsel vm0, $0x0, v0;
	vm0 =	vgt.s32 v1, $0x0  }
0x25b: {  	v0 =	vmin.u32 v0, $0x1FFF;
	v1 =	vnsel vm0, $0x0, v1  }
0x25c: {  	v1 =	vmin.u32 v1, $0xFFF;
	v2 =	vshrl.u32 v0, $0x7  }
0x25d: {  	v3 =	vshll.u32 v1, $0x7;
	v1 =	vshrl.u32 v1, $0x3;
	v2 =	vmul.u32 $0x380, v2  }
0x25e: {  	v1 =	vmul.u32 $0xFC00, v1;
	v0 =	vadd.s32 v0, v3  }
0x25f: {  	v0 =	vadd.s32 v2, v0  }
0x260: {  	s12 =	sand.u32 $0x70, s29;
	s2 =	sand.u32 $0x5F00, s30;
	v0 =	vadd.s32 v1, v0  }
0x261: {  	s2 =	sor.u32 s12, s2;
	[tilespmem:s28+$0x0] =	vst v0  }
0x262: {  	v0 =	vld [tilespmem:s2+$0x0]  }
0x263: {  	v1 =	vld [tilespmem:s2+$0x80];
	_ =	sdelay $0x3  }
0x264: {  	v0 =	vmul.f32 $4.096000000e+03, v0  }
0x265: {  	v1 =	vmul.f32 $2.048000000e+03, v1  }
0x266: {  	v0 =	vadd.f32 $1.258700800e+07, v0  }
0x267: {  	v1 =	vadd.f32 $1.258496000e+07, v1  }
0x268: {  	v0 =	vtrunc.f32 v0  }
0x269: {  	v0 =	vcvt.f32.s32 v0;
	v1 =	vtrunc.f32 v1  }
0x26a: {  	v1 =	vcvt.f32.s32 v1  }
0x26b: {  	v0 =	vadd.s32 $0xFF400000, v0  }
0x26c: {  	vm0 =	vgt.s32 v0, $0x0;
	v1 =	vadd.s32 $0xFF400000, v1  }
0x26d: {  	v0 =	vnsel vm0, $0x0, v0;
	vm0 =	vgt.s32 v1, $0x0  }
0x26e: {  	v0 =	vmin.u32 v0, $0x1FFF;
	v1 =	vnsel vm0, $0x0, v1  }
.Ltmp2:
0x26f: {  	v1 =	vmin.u32 v1, $0xFFF;
	v2 =	vshrl.u32 v0, $0x7;
	(pc) =	sbr.rel @p0 .LBB2_6-.Ltmp2, $4  }
0x270: {  	v3 =	vshll.u32 v1, $0x7;
	v1 =	vshrl.u32 v1, $0x3;
	v2 =	vmul.u32 $0x380, v2  }
0x271: {  	s29 =	sadd.s32 $0x40, s29;
	s30 =	sadd.s32 $0x80, s30;
	v1 =	vmul.u32 $0xFC00, v1;
	v0 =	vadd.s32 v0, v3  }
0x272: {  	s12 =	sadd.s32 $0xFFFFDFD0, s29;
	s2 =	sadd.s32 $0xFFFFBFA0, s30;
	v0 =	vadd.s32 v2, v0  }
0x273: {  	s12 =	sand.u32 $0x40, s12;
	s2 =	sand.u32 $0x1F00, s2;
	v0 =	vadd.s32 v1, v0  }
0x274: {  	s0 =	sor.u32 s12, s2;
	[tilespmem:s28+$0x10] =	vst v0  }
0x275: {  	v0 =	vld [tilespmem:s0+$0x4000]  }
0x276: {  	v1 =	vld [tilespmem:s0+$0x4080];
	_ =	sdelay $0x3  }
0x277: {  	v0 =	vmul.f32 $4.096000000e+03, v0  }
0x278: {  	v1 =	vmul.f32 $2.048000000e+03, v1  }
0x279: {  	v0 =	vadd.f32 $1.258700800e+07, v0  }
0x27a: {  	v1 =	vadd.f32 $1.258496000e+07, v1  }
0x27b: {  	v0 =	vtrunc.f32 v0  }
0x27c: {  	v1 =	vtrunc.f32 v1;
	v0 =	vcvt.f32.s32 v0  }
0x27d: {  	v1 =	vcvt.f32.s32 v1  }
0x27e: {  	v0 =	vadd.s32 $0xFF400000, v0  }
0x27f: {  	v1 =	vadd.s32 $0xFF400000, v1;
	vm0 =	vgt.s32 v0, $0x0  }
0x280: {  	vm13 =	vgt.s32 v1, $0x0;
	v0 =	vnsel vm0, $0x0, v0  }
0x281: {  	v1 =	vnsel vm13, $0x0, v1;
	v0 =	vmin.u32 v0, $0x1FFF  }
0x282: {  	v1 =	vmin.u32 v1, $0xFFF;
	v2 =	vshrl.u32 v0, $0x7  }
0x283: {  	v3 =	vshll.u32 v1, $0x7;
	v1 =	vshrl.u32 v1, $0x3;
	v2 =	vmul.u32 $0x380, v2  }
0x284: {  	v1 =	vmul.u32 $0xFC00, v1;
	v0 =	vadd.s32 v0, v3  }
0x285: {  	s31 =	sadd.s32 $0xFFFFFFC0, s30;
	s0 =	sadd.s32 $0xFFFFFFE0, s29;
	v0 =	vadd.s32 v2, v0  }
0x286: {  	s14 =	sadd.s32 $0x40, s28;
	s2 =	sand.u32 $0x5F00, s31;
	s12 =	sand.u32 $0x50, s0;
	v0 =	vadd.s32 v1, v0  }
0x287: {  	s2 =	sor.u32 s12, s2;
	[tilespmem:s14+$0xFFFFFFE0] =	vst v0  }
0x288: {  	v0 =	vld [tilespmem:s2+$0x0]  }
0x289: {  	v1 =	vld [tilespmem:s2+$0x80];
	_ =	sdelay $0x3  }
0x28a: {  	v0 =	vmul.f32 $4.096000000e+03, v0  }
0x28b: {  	v1 =	vmul.f32 $2.048000000e+03, v1  }
0x28c: {  	v0 =	vadd.f32 $1.258700800e+07, v0  }
0x28d: {  	v1 =	vadd.f32 $1.258496000e+07, v1  }
0x28e: {  	v0 =	vtrunc.f32 v0  }
0x28f: {  	v1 =	vtrunc.f32 v1;
	v0 =	vcvt.f32.s32 v0  }
0x290: {  	v1 =	vcvt.f32.s32 v1  }
0x291: {  	v0 =	vadd.s32 $0xFF400000, v0  }
0x292: {  	v1 =	vadd.s32 $0xFF400000, v1;
	vm14 =	vgt.s32 v0, $0x0  }
0x293: {  	vm15 =	vgt.s32 v1, $0x0;
	v0 =	vnsel vm14, $0x0, v0  }
0x294: {  	v1 =	vnsel vm15, $0x0, v1;
	v0 =	vmin.u32 v0, $0x1FFF  }
0x295: {  	v1 =	vmin.u32 v1, $0xFFF;
	v2 =	vshrl.u32 v0, $0x7  }
0x296: {  	v3 =	vshll.u32 v1, $0x7;
	v1 =	vshrl.u32 v1, $0x3;
	v2 =	vmul.u32 $0x380, v2  }
0x297: {  	v1 =	vmul.u32 $0xFC00, v1;
	v0 =	vadd.s32 v0, v3  }
0x298: {  	s17 =	sadd.s32 $0xFFFFFFE0, s30;
	s19 =	sadd.s32 $0xFFFFFFF0, s29;
	v0 =	vadd.s32 v2, v0  }
0x299: {  	s12 =	sand.u32 $0x60, s19;
	s2 =	sand.u32 $0x5F00, s17;
	v0 =	vadd.s32 v1, v0  }
0x29a: {  	s2 =	sor.u32 s12, s2;
	[tilespmem:s14+$0xFFFFFFF0] =	vst v0  }
0x29b: {  	v0 =	vld [tilespmem:s2+$0x0]  }
0x29c: {  	v1 =	vld [tilespmem:s2+$0x80];
	_ =	sdelay $0x3  }
0x29d: {  	v0 =	vmul.f32 $4.096000000e+03, v0  }
0x29e: {  	v1 =	vmul.f32 $2.048000000e+03, v1  }
0x29f: {  	v0 =	vadd.f32 $1.258700800e+07, v0  }
0x2a0: {  	v1 =	vadd.f32 $1.258496000e+07, v1  }
0x2a1: {  	v0 =	vtrunc.f32 v0  }
0x2a2: {  	v1 =	vtrunc.f32 v1;
	v0 =	vcvt.f32.s32 v0  }
0x2a3: {  	v1 =	vcvt.f32.s32 v1  }
0x2a4: {  	v0 =	vadd.s32 $0xFF400000, v0  }
0x2a5: {  	v1 =	vadd.s32 $0xFF400000, v1;
	vm4 =	vgt.s32 v0, $0x0  }
0x2a6: {  	vm5 =	vgt.s32 v1, $0x0;
	v0 =	vnsel vm4, $0x0, v0  }
0x2a7: {  	v1 =	vnsel vm5, $0x0, v1;
	v0 =	vmin.u32 v0, $0x1FFF  }
0x2a8: {  	v1 =	vmin.u32 v1, $0xFFF;
	v2 =	vshrl.u32 v0, $0x7  }
0x2a9: {  	v3 =	vshll.u32 v1, $0x7;
	v1 =	vshrl.u32 v1, $0x3;
	v2 =	vmul.u32 $0x380, v2  }
0x2aa: {  	v1 =	vmul.u32 $0xFC00, v1;
	v0 =	vadd.s32 v0, v3  }
0x2ab: {  	v0 =	vadd.s32 v2, v0  }
0x2ac: {  	s21 =	sand.u32 $0x5F00, s30;
	s31 =	sand.u32 $0x70, s29;
	v0 =	vadd.s32 v1, v0  }
0x2ad: {  	s2 =	sor.u32 s31, s21;
	[tilespmem:s14+$0x0] =	vst v0  }
0x2ae: {  	v0 =	vld [tilespmem:s2+$0x0]  }
0x2af: {  	v1 =	vld [tilespmem:s2+$0x80];
	_ =	sdelay $0x3  }
0x2b0: {  	v0 =	vmul.f32 $4.096000000e+03, v0  }
0x2b1: {  	v1 =	vmul.f32 $2.048000000e+03, v1  }
0x2b2: {  	v0 =	vadd.f32 $1.258700800e+07, v0  }
0x2b3: {  	v1 =	vadd.f32 $1.258496000e+07, v1  }
0x2b4: {  	v0 =	vtrunc.f32 v0  }
0x2b5: {  	v1 =	vtrunc.f32 v1;
	v0 =	vcvt.f32.s32 v0  }
0x2b6: {  	v1 =	vcvt.f32.s32 v1  }
0x2b7: {  	v0 =	vadd.s32 $0xFF400000, v0  }
0x2b8: {  	v1 =	vadd.s32 $0xFF400000, v1;
	vm6 =	vgt.s32 v0, $0x0  }
0x2b9: {  	vm7 =	vgt.s32 v1, $0x0;
	v0 =	vnsel vm6, $0x0, v0  }
0x2ba: {  	v1 =	vnsel vm7, $0x0, v1;
	v0 =	vmin.u32 v0, $0x1FFF  }
0x2bb: {  	v1 =	vmin.u32 v1, $0xFFF;
	v2 =	vshrl.u32 v0, $0x7  }
0x2bc: {  	v3 =	vshll.u32 v1, $0x7;
	v1 =	vshrl.u32 v1, $0x3;
	v2 =	vmul.u32 $0x380, v2  }
0x2bd: {  	v1 =	vmul.u32 $0xFC00, v1;
	v0 =	vadd.s32 v0, v3  }
0x2be: {  	s19 =	simm.s32 $0x0;
	s17 =	simm.s32 $0x0;
	v0 =	vadd.s32 v2, v0  }
0x2bf: {  	s0 =	sand.u32 $0x1F00, s17;
	s2 =	sand.u32 $0x40, s19;
	v0 =	vadd.s32 v1, v0  }
0x2c0: {  	s0 =	sor.u32 s2, s0;
	[tilespmem:s14+$0x10] =	vst v0;
	s14 =	simm.s32 $0x16000  }
0x2c1: {  	[tilespmem:s14], [sflag:$0x4] =	stream.indirect.gather [hbm4b:s1+s8], $0x1, s13, s8, $0xb8;
	[tilespmem:$0x1C000] =	vst v63  }
0x2c2: {  	v0 =	vld [tilespmem:s0+$0x6000]  }
0x2c3: {  	v1 =	vld [tilespmem:s0+$0x6080];
	_ =	sdelay $0x3  }
0x2c4: {  	v0 =	vmul.f32 $4.096000000e+03, v0  }
0x2c5: {  	v1 =	vmul.f32 $2.048000000e+03, v1  }
0x2c6: {  	v0 =	vadd.f32 $1.258700800e+07, v0  }
0x2c7: {  	v1 =	vadd.f32 $1.258496000e+07, v1  }
0x2c8: {  	v0 =	vtrunc.f32 v0  }
0x2c9: {  	v1 =	vtrunc.f32 v1;
	v0 =	vcvt.f32.s32 v0  }
0x2ca: {  	v1 =	vcvt.f32.s32 v1  }
0x2cb: {  	v0 =	vadd.s32 $0xFF400000, v0  }
0x2cc: {  	v1 =	vadd.s32 $0xFF400000, v1;
	vm8 =	vgt.s32 v0, $0x0  }
0x2cd: {  	vm9 =	vgt.s32 v1, $0x0;
	v0 =	vnsel vm8, $0x0, v0  }
0x2ce: {  	v1 =	vnsel vm9, $0x0, v1;
	v0 =	vmin.u32 v0, $0x1FFF  }
0x2cf: {  	v1 =	vmin.u32 v1, $0xFFF;
	v2 =	vshrl.u32 v0, $0x7  }
0x2d0: {  	v3 =	vshll.u32 v1, $0x7;
	v1 =	vshrl.u32 v1, $0x3;
	v2 =	vmul.u32 $0x380, v2  }
0x2d1: {  	v1 =	vmul.u32 $0xFC00, v1;
	v0 =	vadd.s32 v0, v3  }
0x2d2: {  	s21 =	simm.s32 $0x6020;
	s31 =	simm.s32 $0x3010;
	v0 =	vadd.s32 v2, v0  }
0x2d3: {  	s28 =	simm.s32 $0x13020;
	s2 =	sand.u32 $0x50, s31;
	s0 =	sand.u32 $0x7F00, s21;
	v0 =	vadd.s32 v1, v0  }
0x2d4: {  	s0 =	sor.u32 s2, s0;
	[tilespmem:s28+$0xFFFFFFE0] =	vst v0  }
0x2d5: {  	v0 =	vld [tilespmem:s0+$0x0]  }
0x2d6: {  	v1 =	vld [tilespmem:s0+$0x80];
	_ =	sdelay $0x3  }
0x2d7: {  	v0 =	vmul.f32 $4.096000000e+03, v0  }
0x2d8: {  	v1 =	vmul.f32 $2.048000000e+03, v1  }
0x2d9: {  	v0 =	vadd.f32 $1.258700800e+07, v0  }
0x2da: {  	v1 =	vadd.f32 $1.258496000e+07, v1  }
0x2db: {  	v0 =	vtrunc.f32 v0  }
0x2dc: {  	v1 =	vtrunc.f32 v1;
	v0 =	vcvt.f32.s32 v0  }
0x2dd: {  	v1 =	vcvt.f32.s32 v1  }
0x2de: {  	v0 =	vadd.s32 $0xFF400000, v0  }
0x2df: {  	v1 =	vadd.s32 $0xFF400000, v1;
	vm10 =	vgt.s32 v0, $0x0  }
0x2e0: {  	vm11 =	vgt.s32 v1, $0x0;
	v0 =	vnsel vm10, $0x0, v0  }
0x2e1: {  	v1 =	vnsel vm11, $0x0, v1;
	v0 =	vmin.u32 v0, $0x1FFF  }
0x2e2: {  	v1 =	vmin.u32 v1, $0xFFF;
	v2 =	vshrl.u32 v0, $0x7  }
0x2e3: {  	v3 =	vshll.u32 v1, $0x7;
	v1 =	vshrl.u32 v1, $0x3;
	v2 =	vmul.u32 $0x380, v2  }
0x2e4: {  	v1 =	vmul.u32 $0xFC00, v1;
	v0 =	vadd.s32 v0, v3  }
0x2e5: {  	s12 =	simm.s32 $0x6040;
	s14 =	simm.s32 $0x3020;
	v0 =	vadd.s32 v2, v0  }
0x2e6: {  	s2 =	sand.u32 $0x60, s14;
	s0 =	sand.u32 $0x7F00, s12;
	v0 =	vadd.s32 v1, v0  }
0x2e7: {  	s0 =	sor.u32 s2, s0;
	[tilespmem:s28+$0xFFFFFFF0] =	vst v0  }
0x2e8: {  	v0 =	vld [tilespmem:s0+$0x0]  }
0x2e9: {  	v1 =	vld [tilespmem:s0+$0x80];
	_ =	sdelay $0x3  }
0x2ea: {  	v0 =	vmul.f32 $4.096000000e+03, v0  }
0x2eb: {  	v1 =	vmul.f32 $2.048000000e+03, v1  }
0x2ec: {  	v0 =	vadd.f32 $1.258700800e+07, v0  }
0x2ed: {  	v1 =	vadd.f32 $1.258496000e+07, v1  }
0x2ee: {  	v0 =	vtrunc.f32 v0  }
0x2ef: {  	v1 =	vtrunc.f32 v1;
	v0 =	vcvt.f32.s32 v0  }
0x2f0: {  	v1 =	vcvt.f32.s32 v1  }
0x2f1: {  	v0 =	vadd.s32 $0xFF400000, v0  }
0x2f2: {  	v1 =	vadd.s32 $0xFF400000, v1;
	vm12 =	vgt.s32 v0, $0x0  }
0x2f3: {  	vm13 =	vgt.s32 v1, $0x0;
	v0 =	vnsel vm12, $0x0, v0  }
0x2f4: {  	v1 =	vnsel vm13, $0x0, v1;
	v0 =	vmin.u32 v0, $0x1FFF  }
0x2f5: {  	v1 =	vmin.u32 v1, $0xFFF;
	v2 =	vshrl.u32 v0, $0x7  }
0x2f6: {  	v3 =	vshll.u32 v1, $0x7;
	v1 =	vshrl.u32 v1, $0x3;
	v2 =	vmul.u32 $0x380, v2  }
0x2f7: {  	v1 =	vmul.u32 $0xFC00, v1;
	v0 =	vadd.s32 v0, v3  }
0x2f8: {  	s17 =	simm.s32 $0x3030;
	s19 =	simm.s32 $0x6060;
	v0 =	vadd.s32 v2, v0  }
0x2f9: {  	s2 =	sand.u32 $0x7F00, s19;
	s0 =	sand.u32 $0x70, s17;
	v0 =	vadd.s32 v1, v0  }
0x2fa: {  	s0 =	sor.u32 s0, s2;
	[tilespmem:s28+$0x0] =	vst v0  }
0x2fb: {  	v0 =	vld [tilespmem:s0+$0x0]  }
0x2fc: {  	v1 =	vld [tilespmem:s0+$0x80];
	_ =	sdelay $0x3  }
0x2fd: {  	v0 =	vmul.f32 $4.096000000e+03, v0  }
0x2fe: {  	v1 =	vmul.f32 $2.048000000e+03, v1  }
0x2ff: {  	v0 =	vadd.f32 $1.258700800e+07, v0  }
0x300: {  	v1 =	vadd.f32 $1.258496000e+07, v1  }
0x301: {  	v0 =	vtrunc.f32 v0  }
0x302: {  	v1 =	vtrunc.f32 v1;
	v0 =	vcvt.f32.s32 v0  }
0x303: {  	v1 =	vcvt.f32.s32 v1  }
0x304: {  	v0 =	vadd.s32 $0xFF400000, v0  }
0x305: {  	v1 =	vadd.s32 $0xFF400000, v1;
	vm14 =	vgt.s32 v0, $0x0  }
0x306: {  	vm15 =	vgt.s32 v1, $0x0;
	v0 =	vnsel vm14, $0x0, v0  }
0x307: {  	v1 =	vnsel vm15, $0x0, v1;
	v0 =	vmin.u32 v0, $0x1FFF  }
0x308: {  	v1 =	vmin.u32 v1, $0xFFF;
	v2 =	vshrl.u32 v0, $0x7  }
0x309: {  	v3 =	vshll.u32 v1, $0x7;
	v1 =	vshrl.u32 v1, $0x3;
	v2 =	vmul.u32 $0x380, v2  }
0x30a: {  	s30 =	simm.s32 $0x60E0;
	v1 =	vmul.u32 $0xFC00, v1;
	v0 =	vadd.s32 v0, v3  }
0x30b: {  	s29 =	simm.s32 $0x3070;
	s31 =	simm.s32 $0x40;
	s21 =	simm.s32 $0x80;
	v0 =	vadd.s32 v2, v0  }
0x30c: {  	s12 =	sand.u32 $0x40, s31;
	s2 =	sand.u32 $0x1F00, s21;
	s0 =	simm.s32 $0x4;
	v0 =	vadd.s32 v1, v0  }
.LBB2_8:
0x30d: {  	s0 =	sadd.s32 $0x4, s0;
	s2 =	sor.u32 s12, s2;
	[tilespmem:s28+$0x10] =	vst v0;
	s28 =	sadd.s32 $0x40, s28  }
0x30e: {  	p0 =	slt.u32 s0, $0xFC;
	v0 =	vld [tilespmem:s2+$0x6000]  }
0x30f: {  	v1 =	vld [tilespmem:s2+$0x6080];
	_ =	sdelay $0x3  }
0x310: {  	v0 =	vmul.f32 $4.096000000e+03, v0  }
0x311: {  	v1 =	vmul.f32 $2.048000000e+03, v1  }
0x312: {  	v0 =	vadd.f32 $1.258700800e+07, v0  }
0x313: {  	v1 =	vadd.f32 $1.258496000e+07, v1  }
0x314: {  	v0 =	vtrunc.f32 v0  }
0x315: {  	v0 =	vcvt.f32.s32 v0;
	v1 =	vtrunc.f32 v1  }
0x316: {  	v1 =	vcvt.f32.s32 v1  }
0x317: {  	v0 =	vadd.s32 $0xFF400000, v0  }
0x318: {  	vm0 =	vgt.s32 v0, $0x0;
	v1 =	vadd.s32 $0xFF400000, v1  }
0x319: {  	v0 =	vnsel vm0, $0x0, v0;
	vm0 =	vgt.s32 v1, $0x0  }
0x31a: {  	v0 =	vmin.u32 v0, $0x1FFF;
	v1 =	vnsel vm0, $0x0, v1  }
0x31b: {  	v1 =	vmin.u32 v1, $0xFFF;
	v2 =	vshrl.u32 v0, $0x7  }
0x31c: {  	v3 =	vshll.u32 v1, $0x7;
	v1 =	vshrl.u32 v1, $0x3;
	v2 =	vmul.u32 $0x380, v2  }
0x31d: {  	v1 =	vmul.u32 $0xFC00, v1;
	v0 =	vadd.s32 v0, v3  }
0x31e: {  	s12 =	sadd.s32 $0xFFFFFFE0, s29;
	s2 =	sadd.s32 $0xFFFFFFC0, s30;
	v0 =	vadd.s32 v2, v0  }
0x31f: {  	s12 =	sand.u32 $0x50, s12;
	s2 =	sand.u32 $0x7F00, s2;
	v0 =	vadd.s32 v1, v0  }
0x320: {  	s2 =	sor.u32 s12, s2;
	[tilespmem:s28+$0xFFFFFFE0] =	vst v0  }
0x321: {  	v0 =	vld [tilespmem:s2+$0x0]  }
0x322: {  	v1 =	vld [tilespmem:s2+$0x80];
	_ =	sdelay $0x3  }
0x323: {  	v0 =	vmul.f32 $4.096000000e+03, v0  }
0x324: {  	v1 =	vmul.f32 $2.048000000e+03, v1  }
0x325: {  	v0 =	vadd.f32 $1.258700800e+07, v0  }
0x326: {  	v1 =	vadd.f32 $1.258496000e+07, v1  }
0x327: {  	v0 =	vtrunc.f32 v0  }
0x328: {  	v0 =	vcvt.f32.s32 v0;
	v1 =	vtrunc.f32 v1  }
0x329: {  	v1 =	vcvt.f32.s32 v1  }
0x32a: {  	v0 =	vadd.s32 $0xFF400000, v0  }
0x32b: {  	vm0 =	vgt.s32 v0, $0x0;
	v1 =	vadd.s32 $0xFF400000, v1  }
0x32c: {  	v0 =	vnsel vm0, $0x0, v0;
	vm0 =	vgt.s32 v1, $0x0  }
0x32d: {  	v0 =	vmin.u32 v0, $0x1FFF;
	v1 =	vnsel vm0, $0x0, v1  }
0x32e: {  	v1 =	vmin.u32 v1, $0xFFF;
	v2 =	vshrl.u32 v0, $0x7  }
0x32f: {  	v3 =	vshll.u32 v1, $0x7;
	v1 =	vshrl.u32 v1, $0x3;
	v2 =	vmul.u32 $0x380, v2  }
0x330: {  	v1 =	vmul.u32 $0xFC00, v1;
	v0 =	vadd.s32 v0, v3  }
0x331: {  	s12 =	sadd.s32 $0xFFFFFFF0, s29;
	s2 =	sadd.s32 $0xFFFFFFE0, s30;
	v0 =	vadd.s32 v2, v0  }
0x332: {  	s12 =	sand.u32 $0x60, s12;
	s2 =	sand.u32 $0x7F00, s2;
	v0 =	vadd.s32 v1, v0  }
0x333: {  	s2 =	sor.u32 s12, s2;
	[tilespmem:s28+$0xFFFFFFF0] =	vst v0  }
0x334: {  	v0 =	vld [tilespmem:s2+$0x0]  }
0x335: {  	v1 =	vld [tilespmem:s2+$0x80];
	_ =	sdelay $0x3  }
0x336: {  	v0 =	vmul.f32 $4.096000000e+03, v0  }
0x337: {  	v1 =	vmul.f32 $2.048000000e+03, v1  }
0x338: {  	v0 =	vadd.f32 $1.258700800e+07, v0  }
0x339: {  	v1 =	vadd.f32 $1.258496000e+07, v1  }
0x33a: {  	v0 =	vtrunc.f32 v0  }
0x33b: {  	v0 =	vcvt.f32.s32 v0;
	v1 =	vtrunc.f32 v1  }
0x33c: {  	v1 =	vcvt.f32.s32 v1  }
0x33d: {  	v0 =	vadd.s32 $0xFF400000, v0  }
0x33e: {  	vm0 =	vgt.s32 v0, $0x0;
	v1 =	vadd.s32 $0xFF400000, v1  }
0x33f: {  	v0 =	vnsel vm0, $0x0, v0;
	vm0 =	vgt.s32 v1, $0x0  }
0x340: {  	v0 =	vmin.u32 v0, $0x1FFF;
	v1 =	vnsel vm0, $0x0, v1  }
0x341: {  	v1 =	vmin.u32 v1, $0xFFF;
	v2 =	vshrl.u32 v0, $0x7  }
0x342: {  	v3 =	vshll.u32 v1, $0x7;
	v1 =	vshrl.u32 v1, $0x3;
	v2 =	vmul.u32 $0x380, v2  }
0x343: {  	v1 =	vmul.u32 $0xFC00, v1;
	v0 =	vadd.s32 v0, v3  }
0x344: {  	v0 =	vadd.s32 v2, v0  }
0x345: {  	s12 =	sand.u32 $0x70, s29;
	s2 =	sand.u32 $0x7F00, s30;
	v0 =	vadd.s32 v1, v0  }
0x346: {  	s2 =	sor.u32 s12, s2;
	[tilespmem:s28+$0x0] =	vst v0  }
0x347: {  	v0 =	vld [tilespmem:s2+$0x0]  }
0x348: {  	v1 =	vld [tilespmem:s2+$0x80];
	_ =	sdelay $0x3  }
0x349: {  	v0 =	vmul.f32 $4.096000000e+03, v0  }
0x34a: {  	v1 =	vmul.f32 $2.048000000e+03, v1  }
0x34b: {  	v0 =	vadd.f32 $1.258700800e+07, v0  }
0x34c: {  	v1 =	vadd.f32 $1.258496000e+07, v1  }
0x34d: {  	v0 =	vtrunc.f32 v0  }
0x34e: {  	v0 =	vcvt.f32.s32 v0;
	v1 =	vtrunc.f32 v1  }
0x34f: {  	v1 =	vcvt.f32.s32 v1  }
0x350: {  	v0 =	vadd.s32 $0xFF400000, v0  }
0x351: {  	vm0 =	vgt.s32 v0, $0x0;
	v1 =	vadd.s32 $0xFF400000, v1  }
0x352: {  	v0 =	vnsel vm0, $0x0, v0;
	vm0 =	vgt.s32 v1, $0x0  }
0x353: {  	v0 =	vmin.u32 v0, $0x1FFF;
	v1 =	vnsel vm0, $0x0, v1  }
.Ltmp3:
0x354: {  	v1 =	vmin.u32 v1, $0xFFF;
	v2 =	vshrl.u32 v0, $0x7;
	(pc) =	sbr.rel @p0 .LBB2_8-.Ltmp3, $4  }
0x355: {  	v3 =	vshll.u32 v1, $0x7;
	v1 =	vshrl.u32 v1, $0x3;
	v2 =	vmul.u32 $0x380, v2  }
0x356: {  	s29 =	sadd.s32 $0x40, s29;
	s30 =	sadd.s32 $0x80, s30;
	v1 =	vmul.u32 $0xFC00, v1;
	v0 =	vadd.s32 v0, v3  }
0x357: {  	s12 =	sadd.s32 $0xFFFFCFD0, s29;
	s2 =	sadd.s32 $0xFFFF9FA0, s30;
	v0 =	vadd.s32 v2, v0  }
0x358: {  	s12 =	sand.u32 $0x40, s12;
	s2 =	sand.u32 $0x1F00, s2;
	v0 =	vadd.s32 v1, v0  }
0x359: {  	s0 =	sor.u32 s12, s2;
	[tilespmem:s28+$0x10] =	vst v0  }
0x35a: {  	v0 =	vld [tilespmem:s0+$0x6000]  }
0x35b: {  	v1 =	vld [tilespmem:s0+$0x6080];
	_ =	sdelay $0x3  }
0x35c: {  	v0 =	vmul.f32 $4.096000000e+03, v0  }
0x35d: {  	v1 =	vmul.f32 $2.048000000e+03, v1  }
0x35e: {  	v0 =	vadd.f32 $1.258700800e+07, v0  }
0x35f: {  	v1 =	vadd.f32 $1.258496000e+07, v1  }
0x360: {  	v0 =	vtrunc.f32 v0  }
0x361: {  	v1 =	vtrunc.f32 v1;
	v0 =	vcvt.f32.s32 v0  }
0x362: {  	v1 =	vcvt.f32.s32 v1  }
0x363: {  	v0 =	vadd.s32 $0xFF400000, v0  }
0x364: {  	v1 =	vadd.s32 $0xFF400000, v1;
	vm0 =	vgt.s32 v0, $0x0  }
0x365: {  	vm13 =	vgt.s32 v1, $0x0;
	v0 =	vnsel vm0, $0x0, v0  }
0x366: {  	v1 =	vnsel vm13, $0x0, v1;
	v0 =	vmin.u32 v0, $0x1FFF  }
0x367: {  	v1 =	vmin.u32 v1, $0xFFF;
	v2 =	vshrl.u32 v0, $0x7  }
0x368: {  	v3 =	vshll.u32 v1, $0x7;
	v1 =	vshrl.u32 v1, $0x3;
	v2 =	vmul.u32 $0x380, v2  }
0x369: {  	v1 =	vmul.u32 $0xFC00, v1;
	v0 =	vadd.s32 v0, v3  }
0x36a: {  	s31 =	sadd.s32 $0xFFFFFFC0, s30;
	s0 =	sadd.s32 $0xFFFFFFE0, s29;
	v0 =	vadd.s32 v2, v0  }
0x36b: {  	s14 =	sadd.s32 $0x40, s28;
	s2 =	sand.u32 $0x7F00, s31;
	s12 =	sand.u32 $0x50, s0;
	v0 =	vadd.s32 v1, v0  }
0x36c: {  	s2 =	sor.u32 s12, s2;
	[tilespmem:s14+$0xFFFFFFE0] =	vst v0  }
0x36d: {  	v0 =	vld [tilespmem:s2+$0x0]  }
0x36e: {  	v1 =	vld [tilespmem:s2+$0x80];
	_ =	sdelay $0x3  }
0x36f: {  	v0 =	vmul.f32 $4.096000000e+03, v0  }
0x370: {  	v1 =	vmul.f32 $2.048000000e+03, v1  }
0x371: {  	v0 =	vadd.f32 $1.258700800e+07, v0  }
0x372: {  	v1 =	vadd.f32 $1.258496000e+07, v1  }
0x373: {  	v0 =	vtrunc.f32 v0  }
0x374: {  	v1 =	vtrunc.f32 v1;
	v0 =	vcvt.f32.s32 v0  }
0x375: {  	v1 =	vcvt.f32.s32 v1  }
0x376: {  	v0 =	vadd.s32 $0xFF400000, v0  }
0x377: {  	v1 =	vadd.s32 $0xFF400000, v1;
	vm14 =	vgt.s32 v0, $0x0  }
0x378: {  	vm15 =	vgt.s32 v1, $0x0;
	v0 =	vnsel vm14, $0x0, v0  }
0x379: {  	v1 =	vnsel vm15, $0x0, v1;
	v0 =	vmin.u32 v0, $0x1FFF  }
0x37a: {  	v1 =	vmin.u32 v1, $0xFFF;
	v2 =	vshrl.u32 v0, $0x7  }
0x37b: {  	v3 =	vshll.u32 v1, $0x7;
	v1 =	vshrl.u32 v1, $0x3;
	v2 =	vmul.u32 $0x380, v2  }
0x37c: {  	v1 =	vmul.u32 $0xFC00, v1;
	v0 =	vadd.s32 v0, v3  }
0x37d: {  	s17 =	sadd.s32 $0xFFFFFFE0, s30;
	s19 =	sadd.s32 $0xFFFFFFF0, s29;
	v0 =	vadd.s32 v2, v0  }
0x37e: {  	s12 =	sand.u32 $0x60, s19;
	s2 =	sand.u32 $0x7F00, s17;
	v0 =	vadd.s32 v1, v0  }
0x37f: {  	s2 =	sor.u32 s12, s2;
	[tilespmem:s14+$0xFFFFFFF0] =	vst v0  }
0x380: {  	v0 =	vld [tilespmem:s2+$0x0]  }
0x381: {  	v1 =	vld [tilespmem:s2+$0x80];
	_ =	sdelay $0x3  }
0x382: {  	v0 =	vmul.f32 $4.096000000e+03, v0  }
0x383: {  	v1 =	vmul.f32 $2.048000000e+03, v1  }
0x384: {  	v0 =	vadd.f32 $1.258700800e+07, v0  }
0x385: {  	v1 =	vadd.f32 $1.258496000e+07, v1  }
0x386: {  	v0 =	vtrunc.f32 v0  }
0x387: {  	v1 =	vtrunc.f32 v1;
	v0 =	vcvt.f32.s32 v0  }
0x388: {  	v1 =	vcvt.f32.s32 v1  }
0x389: {  	v0 =	vadd.s32 $0xFF400000, v0  }
0x38a: {  	v1 =	vadd.s32 $0xFF400000, v1;
	vm4 =	vgt.s32 v0, $0x0  }
0x38b: {  	vm5 =	vgt.s32 v1, $0x0;
	v0 =	vnsel vm4, $0x0, v0  }
0x38c: {  	v1 =	vnsel vm5, $0x0, v1;
	v0 =	vmin.u32 v0, $0x1FFF  }
0x38d: {  	v1 =	vmin.u32 v1, $0xFFF;
	v2 =	vshrl.u32 v0, $0x7  }
0x38e: {  	v3 =	vshll.u32 v1, $0x7;
	v1 =	vshrl.u32 v1, $0x3;
	v2 =	vmul.u32 $0x380, v2  }
0x38f: {  	v1 =	vmul.u32 $0xFC00, v1;
	v0 =	vadd.s32 v0, v3  }
0x390: {  	v0 =	vadd.s32 v2, v0  }
0x391: {  	s21 =	sand.u32 $0x7F00, s30;
	s31 =	sand.u32 $0x70, s29;
	v0 =	vadd.s32 v1, v0  }
0x392: {  	s2 =	sor.u32 s31, s21;
	[tilespmem:s14+$0x0] =	vst v0  }
0x393: {  	v0 =	vld [tilespmem:s2+$0x0]  }
0x394: {  	v1 =	vld [tilespmem:s2+$0x80];
	_ =	sdelay $0x3  }
0x395: {  	v0 =	vmul.f32 $4.096000000e+03, v0  }
0x396: {  	v1 =	vmul.f32 $2.048000000e+03, v1  }
0x397: {  	v0 =	vadd.f32 $1.258700800e+07, v0  }
0x398: {  	v1 =	vadd.f32 $1.258496000e+07, v1  }
0x399: {  	v0 =	vtrunc.f32 v0  }
0x39a: {  	v1 =	vtrunc.f32 v1;
	v0 =	vcvt.f32.s32 v0  }
0x39b: {  	v1 =	vcvt.f32.s32 v1  }
0x39c: {  	v0 =	vadd.s32 $0xFF400000, v0  }
0x39d: {  	v1 =	vadd.s32 $0xFF400000, v1;
	vm6 =	vgt.s32 v0, $0x0  }
0x39e: {  	vm7 =	vgt.s32 v1, $0x0;
	v0 =	vnsel vm6, $0x0, v0  }
0x39f: {  	v1 =	vnsel vm7, $0x0, v1;
	v0 =	vmin.u32 v0, $0x1FFF  }
0x3a0: {  	v1 =	vmin.u32 v1, $0xFFF;
	v2 =	vshrl.u32 v0, $0x7  }
0x3a1: {  	v3 =	vshll.u32 v1, $0x7;
	v1 =	vshrl.u32 v1, $0x3;
	v2 =	vmul.u32 $0x380, v2  }
0x3a2: {  	v1 =	vmul.u32 $0xFC00, v1;
	v0 =	vadd.s32 v0, v3  }
0x3a3: {  	v0 =	vadd.s32 v2, v0  }
0x3a4: {  	v0 =	vadd.s32 v1, v0  }
0x3a5: {  	[tilespmem:s14+$0x10] =	vst v0  }
0x3a6: {  	s19 =	simm.s32 $0x0;
	s17 =	simm.s32 $0x0;
	_ =	swait.ge [sflag:s15], $0x1000  }
0x3a7: {  	s0 =	sand.u32 $0x1F00, s17;
	s2 =	sand.u32 $0x40, s19;
	[sflag:s15] =	ssyncset.done $0x0  }
0x3a8: {  	s0 =	sor.u32 s2, s0;
	s14 =	simm.s32 $0x17000;
	[sflag:s15] =	ssyncadd.s32 $0xFFFFF000  }
0x3a9: {  	[tilespmem:s14], [sflag:$0x5] =	stream.indirect.gather [hbm4b:s1+s8], $0x1, s16, s8, $0xb8;
	[tilespmem:$0x1C000] =	vst v63  }
0x3aa: {  	v0 =	vld [tilespmem:s0+$0x8000]  }
0x3ab: {  	v1 =	vld [tilespmem:s0+$0x8080];
	_ =	sdelay $0x3  }
0x3ac: {  	v0 =	vmul.f32 $4.096000000e+03, v0  }
0x3ad: {  	v1 =	vmul.f32 $2.048000000e+03, v1  }
0x3ae: {  	v0 =	vadd.f32 $1.258700800e+07, v0  }
0x3af: {  	v1 =	vadd.f32 $1.258496000e+07, v1  }
0x3b0: {  	v0 =	vtrunc.f32 v0  }
0x3b1: {  	v1 =	vtrunc.f32 v1;
	v0 =	vcvt.f32.s32 v0  }
0x3b2: {  	v1 =	vcvt.f32.s32 v1  }
0x3b3: {  	v0 =	vadd.s32 $0xFF400000, v0  }
0x3b4: {  	v1 =	vadd.s32 $0xFF400000, v1;
	vm8 =	vgt.s32 v0, $0x0  }
0x3b5: {  	vm9 =	vgt.s32 v1, $0x0;
	v0 =	vnsel vm8, $0x0, v0  }
0x3b6: {  	v1 =	vnsel vm9, $0x0, v1;
	v0 =	vmin.u32 v0, $0x1FFF  }
0x3b7: {  	v1 =	vmin.u32 v1, $0xFFF;
	v2 =	vshrl.u32 v0, $0x7  }
0x3b8: {  	v3 =	vshll.u32 v1, $0x7;
	v1 =	vshrl.u32 v1, $0x3;
	v2 =	vmul.u32 $0x380, v2  }
0x3b9: {  	v1 =	vmul.u32 $0xFC00, v1;
	v0 =	vadd.s32 v0, v3  }
0x3ba: {  	s21 =	simm.s32 $0x8020;
	s31 =	simm.s32 $0x4010;
	v0 =	vadd.s32 v2, v0  }
0x3bb: {  	s28 =	simm.s32 $0x10020;
	s2 =	sand.u32 $0x50, s31;
	s0 =	sand.u32 $0x9F00, s21;
	v0 =	vadd.s32 v1, v0  }
0x3bc: {  	s0 =	sor.u32 s2, s0;
	[tilespmem:s28+$0xFFFFFFE0] =	vst v0  }
0x3bd: {  	v0 =	vld [tilespmem:s0+$0x0]  }
0x3be: {  	v1 =	vld [tilespmem:s0+$0x80];
	_ =	sdelay $0x3  }
0x3bf: {  	v0 =	vmul.f32 $4.096000000e+03, v0  }
0x3c0: {  	v1 =	vmul.f32 $2.048000000e+03, v1  }
0x3c1: {  	v0 =	vadd.f32 $1.258700800e+07, v0  }
0x3c2: {  	v1 =	vadd.f32 $1.258496000e+07, v1  }
0x3c3: {  	v0 =	vtrunc.f32 v0  }
0x3c4: {  	v1 =	vtrunc.f32 v1;
	v0 =	vcvt.f32.s32 v0  }
0x3c5: {  	v1 =	vcvt.f32.s32 v1  }
0x3c6: {  	v0 =	vadd.s32 $0xFF400000, v0  }
0x3c7: {  	v1 =	vadd.s32 $0xFF400000, v1;
	vm10 =	vgt.s32 v0, $0x0  }
0x3c8: {  	vm11 =	vgt.s32 v1, $0x0;
	v0 =	vnsel vm10, $0x0, v0  }
0x3c9: {  	v1 =	vnsel vm11, $0x0, v1;
	v0 =	vmin.u32 v0, $0x1FFF  }
0x3ca: {  	v1 =	vmin.u32 v1, $0xFFF;
	v2 =	vshrl.u32 v0, $0x7  }
0x3cb: {  	v3 =	vshll.u32 v1, $0x7;
	v1 =	vshrl.u32 v1, $0x3;
	v2 =	vmul.u32 $0x380, v2  }
0x3cc: {  	v1 =	vmul.u32 $0xFC00, v1;
	v0 =	vadd.s32 v0, v3  }
0x3cd: {  	s12 =	simm.s32 $0x8040;
	s14 =	simm.s32 $0x4020;
	v0 =	vadd.s32 v2, v0  }
0x3ce: {  	s2 =	sand.u32 $0x60, s14;
	s0 =	sand.u32 $0x9F00, s12;
	v0 =	vadd.s32 v1, v0  }
0x3cf: {  	s0 =	sor.u32 s2, s0;
	[tilespmem:s28+$0xFFFFFFF0] =	vst v0  }
0x3d0: {  	v0 =	vld [tilespmem:s0+$0x0]  }
0x3d1: {  	v1 =	vld [tilespmem:s0+$0x80];
	_ =	sdelay $0x3  }
0x3d2: {  	v0 =	vmul.f32 $4.096000000e+03, v0  }
0x3d3: {  	v1 =	vmul.f32 $2.048000000e+03, v1  }
0x3d4: {  	v0 =	vadd.f32 $1.258700800e+07, v0  }
0x3d5: {  	v1 =	vadd.f32 $1.258496000e+07, v1  }
0x3d6: {  	v0 =	vtrunc.f32 v0  }
0x3d7: {  	v1 =	vtrunc.f32 v1;
	v0 =	vcvt.f32.s32 v0  }
0x3d8: {  	v1 =	vcvt.f32.s32 v1  }
0x3d9: {  	v0 =	vadd.s32 $0xFF400000, v0  }
0x3da: {  	v1 =	vadd.s32 $0xFF400000, v1;
	vm12 =	vgt.s32 v0, $0x0  }
0x3db: {  	vm13 =	vgt.s32 v1, $0x0;
	v0 =	vnsel vm12, $0x0, v0  }
0x3dc: {  	v1 =	vnsel vm13, $0x0, v1;
	v0 =	vmin.u32 v0, $0x1FFF  }
0x3dd: {  	v1 =	vmin.u32 v1, $0xFFF;
	v2 =	vshrl.u32 v0, $0x7  }
0x3de: {  	v3 =	vshll.u32 v1, $0x7;
	v1 =	vshrl.u32 v1, $0x3;
	v2 =	vmul.u32 $0x380, v2  }
0x3df: {  	v1 =	vmul.u32 $0xFC00, v1;
	v0 =	vadd.s32 v0, v3  }
0x3e0: {  	s17 =	simm.s32 $0x4030;
	s19 =	simm.s32 $0x8060;
	v0 =	vadd.s32 v2, v0  }
0x3e1: {  	s2 =	sand.u32 $0x9F00, s19;
	s0 =	sand.u32 $0x70, s17;
	v0 =	vadd.s32 v1, v0  }
0x3e2: {  	s0 =	sor.u32 s0, s2;
	[tilespmem:s28+$0x0] =	vst v0  }
0x3e3: {  	v0 =	vld [tilespmem:s0+$0x0]  }
0x3e4: {  	v1 =	vld [tilespmem:s0+$0x80];
	_ =	sdelay $0x3  }
0x3e5: {  	v0 =	vmul.f32 $4.096000000e+03, v0  }
0x3e6: {  	v1 =	vmul.f32 $2.048000000e+03, v1  }
0x3e7: {  	v0 =	vadd.f32 $1.258700800e+07, v0  }
0x3e8: {  	v1 =	vadd.f32 $1.258496000e+07, v1  }
0x3e9: {  	v0 =	vtrunc.f32 v0  }
0x3ea: {  	v1 =	vtrunc.f32 v1;
	v0 =	vcvt.f32.s32 v0  }
0x3eb: {  	v1 =	vcvt.f32.s32 v1  }
0x3ec: {  	v0 =	vadd.s32 $0xFF400000, v0  }
0x3ed: {  	v1 =	vadd.s32 $0xFF400000, v1;
	vm14 =	vgt.s32 v0, $0x0  }
0x3ee: {  	vm15 =	vgt.s32 v1, $0x0;
	v0 =	vnsel vm14, $0x0, v0  }
0x3ef: {  	v1 =	vnsel vm15, $0x0, v1;
	v0 =	vmin.u32 v0, $0x1FFF  }
0x3f0: {  	v1 =	vmin.u32 v1, $0xFFF;
	v2 =	vshrl.u32 v0, $0x7  }
0x3f1: {  	v3 =	vshll.u32 v1, $0x7;
	v1 =	vshrl.u32 v1, $0x3;
	v2 =	vmul.u32 $0x380, v2  }
0x3f2: {  	s30 =	simm.s32 $0x80E0;
	v1 =	vmul.u32 $0xFC00, v1;
	v0 =	vadd.s32 v0, v3  }
0x3f3: {  	s29 =	simm.s32 $0x4070;
	s31 =	simm.s32 $0x40;
	s21 =	simm.s32 $0x80;
	v0 =	vadd.s32 v2, v0  }
0x3f4: {  	s12 =	sand.u32 $0x40, s31;
	s2 =	sand.u32 $0x1F00, s21;
	s0 =	simm.s32 $0x4;
	v0 =	vadd.s32 v1, v0  }
.LBB2_10:
0x3f5: {  	s0 =	sadd.s32 $0x4, s0;
	s2 =	sor.u32 s12, s2;
	[tilespmem:s28+$0x10] =	vst v0;
	s28 =	sadd.s32 $0x40, s28  }
0x3f6: {  	p0 =	slt.u32 s0, $0xFC;
	v0 =	vld [tilespmem:s2+$0x8000]  }
0x3f7: {  	v1 =	vld [tilespmem:s2+$0x8080];
	_ =	sdelay $0x3  }
0x3f8: {  	v0 =	vmul.f32 $4.096000000e+03, v0  }
0x3f9: {  	v1 =	vmul.f32 $2.048000000e+03, v1  }
0x3fa: {  	v0 =	vadd.f32 $1.258700800e+07, v0  }
0x3fb: {  	v1 =	vadd.f32 $1.258496000e+07, v1  }
0x3fc: {  	v0 =	vtrunc.f32 v0  }
0x3fd: {  	v0 =	vcvt.f32.s32 v0;
	v1 =	vtrunc.f32 v1  }
0x3fe: {  	v1 =	vcvt.f32.s32 v1  }
0x3ff: {  	v0 =	vadd.s32 $0xFF400000, v0  }
0x400: {  	vm0 =	vgt.s32 v0, $0x0;
	v1 =	vadd.s32 $0xFF400000, v1  }
0x401: {  	v0 =	vnsel vm0, $0x0, v0;
	vm0 =	vgt.s32 v1, $0x0  }
0x402: {  	v0 =	vmin.u32 v0, $0x1FFF;
	v1 =	vnsel vm0, $0x0, v1  }
0x403: {  	v1 =	vmin.u32 v1, $0xFFF;
	v2 =	vshrl.u32 v0, $0x7  }
0x404: {  	v3 =	vshll.u32 v1, $0x7;
	v1 =	vshrl.u32 v1, $0x3;
	v2 =	vmul.u32 $0x380, v2  }
0x405: {  	v1 =	vmul.u32 $0xFC00, v1;
	v0 =	vadd.s32 v0, v3  }
0x406: {  	s12 =	sadd.s32 $0xFFFFFFE0, s29;
	s2 =	sadd.s32 $0xFFFFFFC0, s30;
	v0 =	vadd.s32 v2, v0  }
0x407: {  	s12 =	sand.u32 $0x50, s12;
	s2 =	sand.u32 $0x9F00, s2;
	v0 =	vadd.s32 v1, v0  }
0x408: {  	s2 =	sor.u32 s12, s2;
	[tilespmem:s28+$0xFFFFFFE0] =	vst v0  }
0x409: {  	v0 =	vld [tilespmem:s2+$0x0]  }
0x40a: {  	v1 =	vld [tilespmem:s2+$0x80];
	_ =	sdelay $0x3  }
0x40b: {  	v0 =	vmul.f32 $4.096000000e+03, v0  }
0x40c: {  	v1 =	vmul.f32 $2.048000000e+03, v1  }
0x40d: {  	v0 =	vadd.f32 $1.258700800e+07, v0  }
0x40e: {  	v1 =	vadd.f32 $1.258496000e+07, v1  }
0x40f: {  	v0 =	vtrunc.f32 v0  }
0x410: {  	v0 =	vcvt.f32.s32 v0;
	v1 =	vtrunc.f32 v1  }
0x411: {  	v1 =	vcvt.f32.s32 v1  }
0x412: {  	v0 =	vadd.s32 $0xFF400000, v0  }
0x413: {  	vm0 =	vgt.s32 v0, $0x0;
	v1 =	vadd.s32 $0xFF400000, v1  }
0x414: {  	v0 =	vnsel vm0, $0x0, v0;
	vm0 =	vgt.s32 v1, $0x0  }
0x415: {  	v0 =	vmin.u32 v0, $0x1FFF;
	v1 =	vnsel vm0, $0x0, v1  }
0x416: {  	v1 =	vmin.u32 v1, $0xFFF;
	v2 =	vshrl.u32 v0, $0x7  }
0x417: {  	v3 =	vshll.u32 v1, $0x7;
	v1 =	vshrl.u32 v1, $0x3;
	v2 =	vmul.u32 $0x380, v2  }
0x418: {  	v1 =	vmul.u32 $0xFC00, v1;
	v0 =	vadd.s32 v0, v3  }
0x419: {  	s12 =	sadd.s32 $0xFFFFFFF0, s29;
	s2 =	sadd.s32 $0xFFFFFFE0, s30;
	v0 =	vadd.s32 v2, v0  }
0x41a: {  	s12 =	sand.u32 $0x60, s12;
	s2 =	sand.u32 $0x9F00, s2;
	v0 =	vadd.s32 v1, v0  }
0x41b: {  	s2 =	sor.u32 s12, s2;
	[tilespmem:s28+$0xFFFFFFF0] =	vst v0  }
0x41c: {  	v0 =	vld [tilespmem:s2+$0x0]  }
0x41d: {  	v1 =	vld [tilespmem:s2+$0x80];
	_ =	sdelay $0x3  }
0x41e: {  	v0 =	vmul.f32 $4.096000000e+03, v0  }
0x41f: {  	v1 =	vmul.f32 $2.048000000e+03, v1  }
0x420: {  	v0 =	vadd.f32 $1.258700800e+07, v0  }
0x421: {  	v1 =	vadd.f32 $1.258496000e+07, v1  }
0x422: {  	v0 =	vtrunc.f32 v0  }
0x423: {  	v0 =	vcvt.f32.s32 v0;
	v1 =	vtrunc.f32 v1  }
0x424: {  	v1 =	vcvt.f32.s32 v1  }
0x425: {  	v0 =	vadd.s32 $0xFF400000, v0  }
0x426: {  	vm0 =	vgt.s32 v0, $0x0;
	v1 =	vadd.s32 $0xFF400000, v1  }
0x427: {  	v0 =	vnsel vm0, $0x0, v0;
	vm0 =	vgt.s32 v1, $0x0  }
0x428: {  	v0 =	vmin.u32 v0, $0x1FFF;
	v1 =	vnsel vm0, $0x0, v1  }
0x429: {  	v1 =	vmin.u32 v1, $0xFFF;
	v2 =	vshrl.u32 v0, $0x7  }
0x42a: {  	v3 =	vshll.u32 v1, $0x7;
	v1 =	vshrl.u32 v1, $0x3;
	v2 =	vmul.u32 $0x380, v2  }
0x42b: {  	v1 =	vmul.u32 $0xFC00, v1;
	v0 =	vadd.s32 v0, v3  }
0x42c: {  	v0 =	vadd.s32 v2, v0  }
0x42d: {  	s12 =	sand.u32 $0x70, s29;
	s2 =	sand.u32 $0x9F00, s30;
	v0 =	vadd.s32 v1, v0  }
0x42e: {  	s2 =	sor.u32 s12, s2;
	[tilespmem:s28+$0x0] =	vst v0  }
0x42f: {  	v0 =	vld [tilespmem:s2+$0x0]  }
0x430: {  	v1 =	vld [tilespmem:s2+$0x80];
	_ =	sdelay $0x3  }
0x431: {  	v0 =	vmul.f32 $4.096000000e+03, v0  }
0x432: {  	v1 =	vmul.f32 $2.048000000e+03, v1  }
0x433: {  	v0 =	vadd.f32 $1.258700800e+07, v0  }
0x434: {  	v1 =	vadd.f32 $1.258496000e+07, v1  }
0x435: {  	v0 =	vtrunc.f32 v0  }
0x436: {  	v0 =	vcvt.f32.s32 v0;
	v1 =	vtrunc.f32 v1  }
0x437: {  	v1 =	vcvt.f32.s32 v1  }
0x438: {  	v0 =	vadd.s32 $0xFF400000, v0  }
0x439: {  	vm0 =	vgt.s32 v0, $0x0;
	v1 =	vadd.s32 $0xFF400000, v1  }
0x43a: {  	v0 =	vnsel vm0, $0x0, v0;
	vm0 =	vgt.s32 v1, $0x0  }
0x43b: {  	v0 =	vmin.u32 v0, $0x1FFF;
	v1 =	vnsel vm0, $0x0, v1  }
.Ltmp4:
0x43c: {  	v1 =	vmin.u32 v1, $0xFFF;
	v2 =	vshrl.u32 v0, $0x7;
	(pc) =	sbr.rel @p0 .LBB2_10-.Ltmp4, $4  }
0x43d: {  	v3 =	vshll.u32 v1, $0x7;
	v1 =	vshrl.u32 v1, $0x3;
	v2 =	vmul.u32 $0x380, v2  }
0x43e: {  	s29 =	sadd.s32 $0x40, s29;
	s30 =	sadd.s32 $0x80, s30;
	v1 =	vmul.u32 $0xFC00, v1;
	v0 =	vadd.s32 v0, v3  }
0x43f: {  	s12 =	sadd.s32 $0xFFFFBFD0, s29;
	s2 =	sadd.s32 $0xFFFF7FA0, s30;
	v0 =	vadd.s32 v2, v0  }
0x440: {  	s12 =	sand.u32 $0x40, s12;
	s2 =	sand.u32 $0x1F00, s2;
	v0 =	vadd.s32 v1, v0  }
0x441: {  	s0 =	sor.u32 s12, s2;
	[tilespmem:s28+$0x10] =	vst v0  }
0x442: {  	v0 =	vld [tilespmem:s0+$0x8000]  }
0x443: {  	v1 =	vld [tilespmem:s0+$0x8080];
	_ =	sdelay $0x3  }
0x444: {  	v0 =	vmul.f32 $4.096000000e+03, v0  }
0x445: {  	v1 =	vmul.f32 $2.048000000e+03, v1  }
0x446: {  	v0 =	vadd.f32 $1.258700800e+07, v0  }
0x447: {  	v1 =	vadd.f32 $1.258496000e+07, v1  }
0x448: {  	v0 =	vtrunc.f32 v0  }
0x449: {  	v1 =	vtrunc.f32 v1;
	v0 =	vcvt.f32.s32 v0  }
0x44a: {  	v1 =	vcvt.f32.s32 v1  }
0x44b: {  	v0 =	vadd.s32 $0xFF400000, v0  }
0x44c: {  	v1 =	vadd.s32 $0xFF400000, v1;
	vm0 =	vgt.s32 v0, $0x0  }
0x44d: {  	vm13 =	vgt.s32 v1, $0x0;
	v0 =	vnsel vm0, $0x0, v0  }
0x44e: {  	v1 =	vnsel vm13, $0x0, v1;
	v0 =	vmin.u32 v0, $0x1FFF  }
0x44f: {  	v1 =	vmin.u32 v1, $0xFFF;
	v2 =	vshrl.u32 v0, $0x7  }
0x450: {  	v3 =	vshll.u32 v1, $0x7;
	v1 =	vshrl.u32 v1, $0x3;
	v2 =	vmul.u32 $0x380, v2  }
0x451: {  	v1 =	vmul.u32 $0xFC00, v1;
	v0 =	vadd.s32 v0, v3  }
0x452: {  	s31 =	sadd.s32 $0xFFFFFFC0, s30;
	s0 =	sadd.s32 $0xFFFFFFE0, s29;
	v0 =	vadd.s32 v2, v0  }
0x453: {  	s14 =	sadd.s32 $0x40, s28;
	s2 =	sand.u32 $0x9F00, s31;
	s12 =	sand.u32 $0x50, s0;
	v0 =	vadd.s32 v1, v0  }
0x454: {  	s2 =	sor.u32 s12, s2;
	[tilespmem:s14+$0xFFFFFFE0] =	vst v0  }
0x455: {  	v0 =	vld [tilespmem:s2+$0x0]  }
0x456: {  	v1 =	vld [tilespmem:s2+$0x80];
	_ =	sdelay $0x3  }
0x457: {  	v0 =	vmul.f32 $4.096000000e+03, v0  }
0x458: {  	v1 =	vmul.f32 $2.048000000e+03, v1  }
0x459: {  	v0 =	vadd.f32 $1.258700800e+07, v0  }
0x45a: {  	v1 =	vadd.f32 $1.258496000e+07, v1  }
0x45b: {  	v0 =	vtrunc.f32 v0  }
0x45c: {  	v1 =	vtrunc.f32 v1;
	v0 =	vcvt.f32.s32 v0  }
0x45d: {  	v1 =	vcvt.f32.s32 v1  }
0x45e: {  	v0 =	vadd.s32 $0xFF400000, v0  }
0x45f: {  	v1 =	vadd.s32 $0xFF400000, v1;
	vm14 =	vgt.s32 v0, $0x0  }
0x460: {  	vm15 =	vgt.s32 v1, $0x0;
	v0 =	vnsel vm14, $0x0, v0  }
0x461: {  	v1 =	vnsel vm15, $0x0, v1;
	v0 =	vmin.u32 v0, $0x1FFF  }
0x462: {  	v1 =	vmin.u32 v1, $0xFFF;
	v2 =	vshrl.u32 v0, $0x7  }
0x463: {  	v3 =	vshll.u32 v1, $0x7;
	v1 =	vshrl.u32 v1, $0x3;
	v2 =	vmul.u32 $0x380, v2  }
0x464: {  	v1 =	vmul.u32 $0xFC00, v1;
	v0 =	vadd.s32 v0, v3  }
0x465: {  	s17 =	sadd.s32 $0xFFFFFFE0, s30;
	s19 =	sadd.s32 $0xFFFFFFF0, s29;
	v0 =	vadd.s32 v2, v0  }
0x466: {  	s12 =	sand.u32 $0x60, s19;
	s2 =	sand.u32 $0x9F00, s17;
	v0 =	vadd.s32 v1, v0  }
0x467: {  	s2 =	sor.u32 s12, s2;
	[tilespmem:s14+$0xFFFFFFF0] =	vst v0  }
0x468: {  	v0 =	vld [tilespmem:s2+$0x0]  }
0x469: {  	v1 =	vld [tilespmem:s2+$0x80];
	_ =	sdelay $0x3  }
0x46a: {  	v0 =	vmul.f32 $4.096000000e+03, v0  }
0x46b: {  	v1 =	vmul.f32 $2.048000000e+03, v1  }
0x46c: {  	v0 =	vadd.f32 $1.258700800e+07, v0  }
0x46d: {  	v1 =	vadd.f32 $1.258496000e+07, v1  }
0x46e: {  	v0 =	vtrunc.f32 v0  }
0x46f: {  	v1 =	vtrunc.f32 v1;
	v0 =	vcvt.f32.s32 v0  }
0x470: {  	v1 =	vcvt.f32.s32 v1  }
0x471: {  	v0 =	vadd.s32 $0xFF400000, v0  }
0x472: {  	v1 =	vadd.s32 $0xFF400000, v1;
	vm4 =	vgt.s32 v0, $0x0  }
0x473: {  	vm5 =	vgt.s32 v1, $0x0;
	v0 =	vnsel vm4, $0x0, v0  }
0x474: {  	v1 =	vnsel vm5, $0x0, v1;
	v0 =	vmin.u32 v0, $0x1FFF  }
0x475: {  	v1 =	vmin.u32 v1, $0xFFF;
	v2 =	vshrl.u32 v0, $0x7  }
0x476: {  	v3 =	vshll.u32 v1, $0x7;
	v1 =	vshrl.u32 v1, $0x3;
	v2 =	vmul.u32 $0x380, v2  }
0x477: {  	v1 =	vmul.u32 $0xFC00, v1;
	v0 =	vadd.s32 v0, v3  }
0x478: {  	v0 =	vadd.s32 v2, v0  }
0x479: {  	s21 =	sand.u32 $0x9F00, s30;
	s31 =	sand.u32 $0x70, s29;
	v0 =	vadd.s32 v1, v0  }
0x47a: {  	s2 =	sor.u32 s31, s21;
	[tilespmem:s14+$0x0] =	vst v0  }
0x47b: {  	v0 =	vld [tilespmem:s2+$0x0]  }
0x47c: {  	v1 =	vld [tilespmem:s2+$0x80];
	_ =	sdelay $0x3  }
0x47d: {  	v0 =	vmul.f32 $4.096000000e+03, v0  }
0x47e: {  	v1 =	vmul.f32 $2.048000000e+03, v1  }
0x47f: {  	v0 =	vadd.f32 $1.258700800e+07, v0  }
0x480: {  	v1 =	vadd.f32 $1.258496000e+07, v1  }
0x481: {  	v0 =	vtrunc.f32 v0  }
0x482: {  	v1 =	vtrunc.f32 v1;
	v0 =	vcvt.f32.s32 v0  }
0x483: {  	v1 =	vcvt.f32.s32 v1  }
0x484: {  	v0 =	vadd.s32 $0xFF400000, v0  }
0x485: {  	v1 =	vadd.s32 $0xFF400000, v1;
	vm6 =	vgt.s32 v0, $0x0  }
0x486: {  	vm7 =	vgt.s32 v1, $0x0;
	v0 =	vnsel vm6, $0x0, v0  }
0x487: {  	v1 =	vnsel vm7, $0x0, v1;
	v0 =	vmin.u32 v0, $0x1FFF  }
0x488: {  	v1 =	vmin.u32 v1, $0xFFF;
	v2 =	vshrl.u32 v0, $0x7  }
0x489: {  	v3 =	vshll.u32 v1, $0x7;
	v1 =	vshrl.u32 v1, $0x3;
	v2 =	vmul.u32 $0x380, v2  }
0x48a: {  	v1 =	vmul.u32 $0xFC00, v1;
	v0 =	vadd.s32 v0, v3  }
0x48b: {  	v0 =	vadd.s32 v2, v0  }
0x48c: {  	v0 =	vadd.s32 v1, v0  }
0x48d: {  	[tilespmem:s14+$0x10] =	vst v0  }
0x48e: {  	s19 =	simm.s32 $0x0;
	s17 =	simm.s32 $0x0;
	_ =	swait.ge [sflag:s18], $0x1000  }
0x48f: {  	s0 =	sand.u32 $0x1F00, s17;
	s2 =	sand.u32 $0x40, s19;
	[sflag:s18] =	ssyncset.done $0x0  }
0x490: {  	s0 =	sor.u32 s2, s0;
	s14 =	simm.s32 $0x18000;
	[sflag:s18] =	ssyncadd.s32 $0xFFFFF000  }
0x491: {  	[tilespmem:s14], [sflag:$0x2] =	stream.indirect.gather [hbm4b:s1+s8], $0x1, s9, s8, $0xb8;
	[tilespmem:$0x1C000] =	vst v63  }
0x492: {  	v0 =	vld [tilespmem:s0+$0xA000]  }
0x493: {  	v1 =	vld [tilespmem:s0+$0xA080];
	_ =	sdelay $0x3  }
0x494: {  	v0 =	vmul.f32 $4.096000000e+03, v0  }
0x495: {  	v1 =	vmul.f32 $2.048000000e+03, v1  }
0x496: {  	v0 =	vadd.f32 $1.258700800e+07, v0  }
0x497: {  	v1 =	vadd.f32 $1.258496000e+07, v1  }
0x498: {  	v0 =	vtrunc.f32 v0  }
0x499: {  	v1 =	vtrunc.f32 v1;
	v0 =	vcvt.f32.s32 v0  }
0x49a: {  	v1 =	vcvt.f32.s32 v1  }
0x49b: {  	v0 =	vadd.s32 $0xFF400000, v0  }
0x49c: {  	v1 =	vadd.s32 $0xFF400000, v1;
	vm8 =	vgt.s32 v0, $0x0  }
0x49d: {  	vm9 =	vgt.s32 v1, $0x0;
	v0 =	vnsel vm8, $0x0, v0  }
0x49e: {  	v1 =	vnsel vm9, $0x0, v1;
	v0 =	vmin.u32 v0, $0x1FFF  }
0x49f: {  	v1 =	vmin.u32 v1, $0xFFF;
	v2 =	vshrl.u32 v0, $0x7  }
0x4a0: {  	v3 =	vshll.u32 v1, $0x7;
	v1 =	vshrl.u32 v1, $0x3;
	v2 =	vmul.u32 $0x380, v2  }
0x4a1: {  	v1 =	vmul.u32 $0xFC00, v1;
	v0 =	vadd.s32 v0, v3  }
0x4a2: {  	s21 =	simm.s32 $0xA020;
	s31 =	simm.s32 $0x5010;
	v0 =	vadd.s32 v2, v0  }
0x4a3: {  	s28 =	simm.s32 $0x11020;
	s2 =	sand.u32 $0x50, s31;
	s0 =	sand.u32 $0xBF00, s21;
	v0 =	vadd.s32 v1, v0  }
0x4a4: {  	s0 =	sor.u32 s2, s0;
	[tilespmem:s28+$0xFFFFFFE0] =	vst v0  }
0x4a5: {  	v0 =	vld [tilespmem:s0+$0x0]  }
0x4a6: {  	v1 =	vld [tilespmem:s0+$0x80];
	_ =	sdelay $0x3  }
0x4a7: {  	v0 =	vmul.f32 $4.096000000e+03, v0  }
0x4a8: {  	v1 =	vmul.f32 $2.048000000e+03, v1  }
0x4a9: {  	v0 =	vadd.f32 $1.258700800e+07, v0  }
0x4aa: {  	v1 =	vadd.f32 $1.258496000e+07, v1  }
0x4ab: {  	v0 =	vtrunc.f32 v0  }
0x4ac: {  	v1 =	vtrunc.f32 v1;
	v0 =	vcvt.f32.s32 v0  }
0x4ad: {  	v1 =	vcvt.f32.s32 v1  }
0x4ae: {  	v0 =	vadd.s32 $0xFF400000, v0  }
0x4af: {  	v1 =	vadd.s32 $0xFF400000, v1;
	vm10 =	vgt.s32 v0, $0x0  }
0x4b0: {  	vm11 =	vgt.s32 v1, $0x0;
	v0 =	vnsel vm10, $0x0, v0  }
0x4b1: {  	v1 =	vnsel vm11, $0x0, v1;
	v0 =	vmin.u32 v0, $0x1FFF  }
0x4b2: {  	v1 =	vmin.u32 v1, $0xFFF;
	v2 =	vshrl.u32 v0, $0x7  }
0x4b3: {  	v3 =	vshll.u32 v1, $0x7;
	v1 =	vshrl.u32 v1, $0x3;
	v2 =	vmul.u32 $0x380, v2  }
0x4b4: {  	v1 =	vmul.u32 $0xFC00, v1;
	v0 =	vadd.s32 v0, v3  }
0x4b5: {  	s12 =	simm.s32 $0xA040;
	s14 =	simm.s32 $0x5020;
	v0 =	vadd.s32 v2, v0  }
0x4b6: {  	s2 =	sand.u32 $0x60, s14;
	s0 =	sand.u32 $0xBF00, s12;
	v0 =	vadd.s32 v1, v0  }
0x4b7: {  	s0 =	sor.u32 s2, s0;
	[tilespmem:s28+$0xFFFFFFF0] =	vst v0  }
0x4b8: {  	v0 =	vld [tilespmem:s0+$0x0]  }
0x4b9: {  	v1 =	vld [tilespmem:s0+$0x80];
	_ =	sdelay $0x3  }
0x4ba: {  	v0 =	vmul.f32 $4.096000000e+03, v0  }
0x4bb: {  	v1 =	vmul.f32 $2.048000000e+03, v1  }
0x4bc: {  	v0 =	vadd.f32 $1.258700800e+07, v0  }
0x4bd: {  	v1 =	vadd.f32 $1.258496000e+07, v1  }
0x4be: {  	v0 =	vtrunc.f32 v0  }
0x4bf: {  	v1 =	vtrunc.f32 v1;
	v0 =	vcvt.f32.s32 v0  }
0x4c0: {  	v1 =	vcvt.f32.s32 v1  }
0x4c1: {  	v0 =	vadd.s32 $0xFF400000, v0  }
0x4c2: {  	v1 =	vadd.s32 $0xFF400000, v1;
	vm12 =	vgt.s32 v0, $0x0  }
0x4c3: {  	vm13 =	vgt.s32 v1, $0x0;
	v0 =	vnsel vm12, $0x0, v0  }
0x4c4: {  	v1 =	vnsel vm13, $0x0, v1;
	v0 =	vmin.u32 v0, $0x1FFF  }
0x4c5: {  	v1 =	vmin.u32 v1, $0xFFF;
	v2 =	vshrl.u32 v0, $0x7  }
0x4c6: {  	v3 =	vshll.u32 v1, $0x7;
	v1 =	vshrl.u32 v1, $0x3;
	v2 =	vmul.u32 $0x380, v2  }
0x4c7: {  	v1 =	vmul.u32 $0xFC00, v1;
	v0 =	vadd.s32 v0, v3  }
0x4c8: {  	s17 =	simm.s32 $0x5030;
	s19 =	simm.s32 $0xA060;
	v0 =	vadd.s32 v2, v0  }
0x4c9: {  	s2 =	sand.u32 $0xBF00, s19;
	s0 =	sand.u32 $0x70, s17;
	v0 =	vadd.s32 v1, v0  }
0x4ca: {  	s0 =	sor.u32 s0, s2;
	[tilespmem:s28+$0x0] =	vst v0  }
0x4cb: {  	v0 =	vld [tilespmem:s0+$0x0]  }
0x4cc: {  	v1 =	vld [tilespmem:s0+$0x80];
	_ =	sdelay $0x3  }
0x4cd: {  	v0 =	vmul.f32 $4.096000000e+03, v0  }
0x4ce: {  	v1 =	vmul.f32 $2.048000000e+03, v1  }
0x4cf: {  	v0 =	vadd.f32 $1.258700800e+07, v0  }
0x4d0: {  	v1 =	vadd.f32 $1.258496000e+07, v1  }
0x4d1: {  	v0 =	vtrunc.f32 v0  }
0x4d2: {  	v1 =	vtrunc.f32 v1;
	v0 =	vcvt.f32.s32 v0  }
0x4d3: {  	v1 =	vcvt.f32.s32 v1  }
0x4d4: {  	v0 =	vadd.s32 $0xFF400000, v0  }
0x4d5: {  	v1 =	vadd.s32 $0xFF400000, v1;
	vm14 =	vgt.s32 v0, $0x0  }
0x4d6: {  	vm15 =	vgt.s32 v1, $0x0;
	v0 =	vnsel vm14, $0x0, v0  }
0x4d7: {  	v1 =	vnsel vm15, $0x0, v1;
	v0 =	vmin.u32 v0, $0x1FFF  }
0x4d8: {  	v1 =	vmin.u32 v1, $0xFFF;
	v2 =	vshrl.u32 v0, $0x7  }
0x4d9: {  	v3 =	vshll.u32 v1, $0x7;
	v1 =	vshrl.u32 v1, $0x3;
	v2 =	vmul.u32 $0x380, v2  }
0x4da: {  	s30 =	simm.s32 $0xA0E0;
	v1 =	vmul.u32 $0xFC00, v1;
	v0 =	vadd.s32 v0, v3  }
0x4db: {  	s29 =	simm.s32 $0x5070;
	s31 =	simm.s32 $0x40;
	s21 =	simm.s32 $0x80;
	v0 =	vadd.s32 v2, v0  }
0x4dc: {  	s12 =	sand.u32 $0x40, s31;
	s2 =	sand.u32 $0x1F00, s21;
	s0 =	simm.s32 $0x4;
	v0 =	vadd.s32 v1, v0  }
.LBB2_12:
0x4dd: {  	s0 =	sadd.s32 $0x4, s0;
	s2 =	sor.u32 s12, s2;
	[tilespmem:s28+$0x10] =	vst v0;
	s28 =	sadd.s32 $0x40, s28  }
0x4de: {  	p0 =	slt.u32 s0, $0xFC;
	v0 =	vld [tilespmem:s2+$0xA000]  }
0x4df: {  	v1 =	vld [tilespmem:s2+$0xA080];
	_ =	sdelay $0x3  }
0x4e0: {  	v0 =	vmul.f32 $4.096000000e+03, v0  }
0x4e1: {  	v1 =	vmul.f32 $2.048000000e+03, v1  }
0x4e2: {  	v0 =	vadd.f32 $1.258700800e+07, v0  }
0x4e3: {  	v1 =	vadd.f32 $1.258496000e+07, v1  }
0x4e4: {  	v0 =	vtrunc.f32 v0  }
0x4e5: {  	v0 =	vcvt.f32.s32 v0;
	v1 =	vtrunc.f32 v1  }
0x4e6: {  	v1 =	vcvt.f32.s32 v1  }
0x4e7: {  	v0 =	vadd.s32 $0xFF400000, v0  }
0x4e8: {  	vm0 =	vgt.s32 v0, $0x0;
	v1 =	vadd.s32 $0xFF400000, v1  }
0x4e9: {  	v0 =	vnsel vm0, $0x0, v0;
	vm0 =	vgt.s32 v1, $0x0  }
0x4ea: {  	v0 =	vmin.u32 v0, $0x1FFF;
	v1 =	vnsel vm0, $0x0, v1  }
0x4eb: {  	v1 =	vmin.u32 v1, $0xFFF;
	v2 =	vshrl.u32 v0, $0x7  }
0x4ec: {  	v3 =	vshll.u32 v1, $0x7;
	v1 =	vshrl.u32 v1, $0x3;
	v2 =	vmul.u32 $0x380, v2  }
0x4ed: {  	v1 =	vmul.u32 $0xFC00, v1;
	v0 =	vadd.s32 v0, v3  }
0x4ee: {  	s12 =	sadd.s32 $0xFFFFFFE0, s29;
	s2 =	sadd.s32 $0xFFFFFFC0, s30;
	v0 =	vadd.s32 v2, v0  }
0x4ef: {  	s12 =	sand.u32 $0x50, s12;
	s2 =	sand.u32 $0xBF00, s2;
	v0 =	vadd.s32 v1, v0  }
0x4f0: {  	s2 =	sor.u32 s12, s2;
	[tilespmem:s28+$0xFFFFFFE0] =	vst v0  }
0x4f1: {  	v0 =	vld [tilespmem:s2+$0x0]  }
0x4f2: {  	v1 =	vld [tilespmem:s2+$0x80];
	_ =	sdelay $0x3  }
0x4f3: {  	v0 =	vmul.f32 $4.096000000e+03, v0  }
0x4f4: {  	v1 =	vmul.f32 $2.048000000e+03, v1  }
0x4f5: {  	v0 =	vadd.f32 $1.258700800e+07, v0  }
0x4f6: {  	v1 =	vadd.f32 $1.258496000e+07, v1  }
0x4f7: {  	v0 =	vtrunc.f32 v0  }
0x4f8: {  	v0 =	vcvt.f32.s32 v0;
	v1 =	vtrunc.f32 v1  }
0x4f9: {  	v1 =	vcvt.f32.s32 v1  }
0x4fa: {  	v0 =	vadd.s32 $0xFF400000, v0  }
0x4fb: {  	vm0 =	vgt.s32 v0, $0x0;
	v1 =	vadd.s32 $0xFF400000, v1  }
0x4fc: {  	v0 =	vnsel vm0, $0x0, v0;
	vm0 =	vgt.s32 v1, $0x0  }
0x4fd: {  	v0 =	vmin.u32 v0, $0x1FFF;
	v1 =	vnsel vm0, $0x0, v1  }
0x4fe: {  	v1 =	vmin.u32 v1, $0xFFF;
	v2 =	vshrl.u32 v0, $0x7  }
0x4ff: {  	v3 =	vshll.u32 v1, $0x7;
	v1 =	vshrl.u32 v1, $0x3;
	v2 =	vmul.u32 $0x380, v2  }
0x500: {  	v1 =	vmul.u32 $0xFC00, v1;
	v0 =	vadd.s32 v0, v3  }
0x501: {  	s12 =	sadd.s32 $0xFFFFFFF0, s29;
	s2 =	sadd.s32 $0xFFFFFFE0, s30;
	v0 =	vadd.s32 v2, v0  }
0x502: {  	s12 =	sand.u32 $0x60, s12;
	s2 =	sand.u32 $0xBF00, s2;
	v0 =	vadd.s32 v1, v0  }
0x503: {  	s2 =	sor.u32 s12, s2;
	[tilespmem:s28+$0xFFFFFFF0] =	vst v0  }
0x504: {  	v0 =	vld [tilespmem:s2+$0x0]  }
0x505: {  	v1 =	vld [tilespmem:s2+$0x80];
	_ =	sdelay $0x3  }
0x506: {  	v0 =	vmul.f32 $4.096000000e+03, v0  }
0x507: {  	v1 =	vmul.f32 $2.048000000e+03, v1  }
0x508: {  	v0 =	vadd.f32 $1.258700800e+07, v0  }
0x509: {  	v1 =	vadd.f32 $1.258496000e+07, v1  }
0x50a: {  	v0 =	vtrunc.f32 v0  }
0x50b: {  	v0 =	vcvt.f32.s32 v0;
	v1 =	vtrunc.f32 v1  }
0x50c: {  	v1 =	vcvt.f32.s32 v1  }
0x50d: {  	v0 =	vadd.s32 $0xFF400000, v0  }
0x50e: {  	vm0 =	vgt.s32 v0, $0x0;
	v1 =	vadd.s32 $0xFF400000, v1  }
0x50f: {  	v0 =	vnsel vm0, $0x0, v0;
	vm0 =	vgt.s32 v1, $0x0  }
0x510: {  	v0 =	vmin.u32 v0, $0x1FFF;
	v1 =	vnsel vm0, $0x0, v1  }
0x511: {  	v1 =	vmin.u32 v1, $0xFFF;
	v2 =	vshrl.u32 v0, $0x7  }
0x512: {  	v3 =	vshll.u32 v1, $0x7;
	v1 =	vshrl.u32 v1, $0x3;
	v2 =	vmul.u32 $0x380, v2  }
0x513: {  	v1 =	vmul.u32 $0xFC00, v1;
	v0 =	vadd.s32 v0, v3  }
0x514: {  	v0 =	vadd.s32 v2, v0  }
0x515: {  	s12 =	sand.u32 $0x70, s29;
	s2 =	sand.u32 $0xBF00, s30;
	v0 =	vadd.s32 v1, v0  }
0x516: {  	s2 =	sor.u32 s12, s2;
	[tilespmem:s28+$0x0] =	vst v0  }
0x517: {  	v0 =	vld [tilespmem:s2+$0x0]  }
0x518: {  	v1 =	vld [tilespmem:s2+$0x80];
	_ =	sdelay $0x3  }
0x519: {  	v0 =	vmul.f32 $4.096000000e+03, v0  }
0x51a: {  	v1 =	vmul.f32 $2.048000000e+03, v1  }
0x51b: {  	v0 =	vadd.f32 $1.258700800e+07, v0  }
0x51c: {  	v1 =	vadd.f32 $1.258496000e+07, v1  }
0x51d: {  	v0 =	vtrunc.f32 v0  }
0x51e: {  	v0 =	vcvt.f32.s32 v0;
	v1 =	vtrunc.f32 v1  }
0x51f: {  	v1 =	vcvt.f32.s32 v1  }
0x520: {  	v0 =	vadd.s32 $0xFF400000, v0  }
0x521: {  	vm0 =	vgt.s32 v0, $0x0;
	v1 =	vadd.s32 $0xFF400000, v1  }
0x522: {  	v0 =	vnsel vm0, $0x0, v0;
	vm0 =	vgt.s32 v1, $0x0  }
0x523: {  	v0 =	vmin.u32 v0, $0x1FFF;
	v1 =	vnsel vm0, $0x0, v1  }
.Ltmp5:
0x524: {  	v1 =	vmin.u32 v1, $0xFFF;
	v2 =	vshrl.u32 v0, $0x7;
	(pc) =	sbr.rel @p0 .LBB2_12-.Ltmp5, $4  }
0x525: {  	v3 =	vshll.u32 v1, $0x7;
	v1 =	vshrl.u32 v1, $0x3;
	v2 =	vmul.u32 $0x380, v2  }
0x526: {  	s29 =	sadd.s32 $0x40, s29;
	s30 =	sadd.s32 $0x80, s30;
	v1 =	vmul.u32 $0xFC00, v1;
	v0 =	vadd.s32 v0, v3  }
0x527: {  	s12 =	sadd.s32 $0xFFFFAFD0, s29;
	s2 =	sadd.s32 $0xFFFF5FA0, s30;
	v0 =	vadd.s32 v2, v0  }
0x528: {  	s12 =	sand.u32 $0x40, s12;
	s2 =	sand.u32 $0x1F00, s2;
	v0 =	vadd.s32 v1, v0  }
0x529: {  	s0 =	sor.u32 s12, s2;
	[tilespmem:s28+$0x10] =	vst v0  }
0x52a: {  	v0 =	vld [tilespmem:s0+$0xA000]  }
0x52b: {  	v1 =	vld [tilespmem:s0+$0xA080];
	_ =	sdelay $0x3  }
0x52c: {  	v0 =	vmul.f32 $4.096000000e+03, v0  }
0x52d: {  	v1 =	vmul.f32 $2.048000000e+03, v1  }
0x52e: {  	v0 =	vadd.f32 $1.258700800e+07, v0  }
0x52f: {  	v1 =	vadd.f32 $1.258496000e+07, v1  }
0x530: {  	v0 =	vtrunc.f32 v0  }
0x531: {  	v1 =	vtrunc.f32 v1;
	v0 =	vcvt.f32.s32 v0  }
0x532: {  	v1 =	vcvt.f32.s32 v1  }
0x533: {  	v0 =	vadd.s32 $0xFF400000, v0  }
0x534: {  	v1 =	vadd.s32 $0xFF400000, v1;
	vm0 =	vgt.s32 v0, $0x0  }
0x535: {  	vm13 =	vgt.s32 v1, $0x0;
	v0 =	vnsel vm0, $0x0, v0  }
0x536: {  	v1 =	vnsel vm13, $0x0, v1;
	v0 =	vmin.u32 v0, $0x1FFF  }
0x537: {  	v1 =	vmin.u32 v1, $0xFFF;
	v2 =	vshrl.u32 v0, $0x7  }
0x538: {  	v3 =	vshll.u32 v1, $0x7;
	v1 =	vshrl.u32 v1, $0x3;
	v2 =	vmul.u32 $0x380, v2  }
0x539: {  	v1 =	vmul.u32 $0xFC00, v1;
	v0 =	vadd.s32 v0, v3  }
0x53a: {  	s31 =	sadd.s32 $0xFFFFFFC0, s30;
	s0 =	sadd.s32 $0xFFFFFFE0, s29;
	v0 =	vadd.s32 v2, v0  }
0x53b: {  	s14 =	sadd.s32 $0x40, s28;
	s2 =	sand.u32 $0xBF00, s31;
	s12 =	sand.u32 $0x50, s0;
	v0 =	vadd.s32 v1, v0  }
0x53c: {  	s2 =	sor.u32 s12, s2;
	[tilespmem:s14+$0xFFFFFFE0] =	vst v0  }
0x53d: {  	v0 =	vld [tilespmem:s2+$0x0]  }
0x53e: {  	v1 =	vld [tilespmem:s2+$0x80];
	_ =	sdelay $0x3  }
0x53f: {  	v0 =	vmul.f32 $4.096000000e+03, v0  }
0x540: {  	v1 =	vmul.f32 $2.048000000e+03, v1  }
0x541: {  	v0 =	vadd.f32 $1.258700800e+07, v0  }
0x542: {  	v1 =	vadd.f32 $1.258496000e+07, v1  }
0x543: {  	v0 =	vtrunc.f32 v0  }
0x544: {  	v1 =	vtrunc.f32 v1;
	v0 =	vcvt.f32.s32 v0  }
0x545: {  	v1 =	vcvt.f32.s32 v1  }
0x546: {  	v0 =	vadd.s32 $0xFF400000, v0  }
0x547: {  	v1 =	vadd.s32 $0xFF400000, v1;
	vm14 =	vgt.s32 v0, $0x0  }
0x548: {  	vm15 =	vgt.s32 v1, $0x0;
	v0 =	vnsel vm14, $0x0, v0  }
0x549: {  	v1 =	vnsel vm15, $0x0, v1;
	v0 =	vmin.u32 v0, $0x1FFF  }
0x54a: {  	v1 =	vmin.u32 v1, $0xFFF;
	v2 =	vshrl.u32 v0, $0x7  }
0x54b: {  	v3 =	vshll.u32 v1, $0x7;
	v1 =	vshrl.u32 v1, $0x3;
	v2 =	vmul.u32 $0x380, v2  }
0x54c: {  	v1 =	vmul.u32 $0xFC00, v1;
	v0 =	vadd.s32 v0, v3  }
0x54d: {  	s17 =	sadd.s32 $0xFFFFFFE0, s30;
	s19 =	sadd.s32 $0xFFFFFFF0, s29;
	v0 =	vadd.s32 v2, v0  }
0x54e: {  	s12 =	sand.u32 $0x60, s19;
	s2 =	sand.u32 $0xBF00, s17;
	v0 =	vadd.s32 v1, v0  }
0x54f: {  	s2 =	sor.u32 s12, s2;
	[tilespmem:s14+$0xFFFFFFF0] =	vst v0  }
0x550: {  	v0 =	vld [tilespmem:s2+$0x0]  }
0x551: {  	v1 =	vld [tilespmem:s2+$0x80];
	_ =	sdelay $0x3  }
0x552: {  	v0 =	vmul.f32 $4.096000000e+03, v0  }
0x553: {  	v1 =	vmul.f32 $2.048000000e+03, v1  }
0x554: {  	v0 =	vadd.f32 $1.258700800e+07, v0  }
0x555: {  	v1 =	vadd.f32 $1.258496000e+07, v1  }
0x556: {  	v0 =	vtrunc.f32 v0  }
0x557: {  	v1 =	vtrunc.f32 v1;
	v0 =	vcvt.f32.s32 v0  }
0x558: {  	v1 =	vcvt.f32.s32 v1  }
0x559: {  	v0 =	vadd.s32 $0xFF400000, v0  }
0x55a: {  	v1 =	vadd.s32 $0xFF400000, v1;
	vm4 =	vgt.s32 v0, $0x0  }
0x55b: {  	vm5 =	vgt.s32 v1, $0x0;
	v0 =	vnsel vm4, $0x0, v0  }
0x55c: {  	v1 =	vnsel vm5, $0x0, v1;
	v0 =	vmin.u32 v0, $0x1FFF  }
0x55d: {  	v1 =	vmin.u32 v1, $0xFFF;
	v2 =	vshrl.u32 v0, $0x7  }
0x55e: {  	v3 =	vshll.u32 v1, $0x7;
	v1 =	vshrl.u32 v1, $0x3;
	v2 =	vmul.u32 $0x380, v2  }
0x55f: {  	v1 =	vmul.u32 $0xFC00, v1;
	v0 =	vadd.s32 v0, v3  }
0x560: {  	v0 =	vadd.s32 v2, v0  }
0x561: {  	s21 =	sand.u32 $0xBF00, s30;
	s31 =	sand.u32 $0x70, s29;
	v0 =	vadd.s32 v1, v0  }
0x562: {  	s2 =	sor.u32 s31, s21;
	[tilespmem:s14+$0x0] =	vst v0  }
0x563: {  	v0 =	vld [tilespmem:s2+$0x0]  }
0x564: {  	v1 =	vld [tilespmem:s2+$0x80];
	_ =	sdelay $0x3  }
0x565: {  	v0 =	vmul.f32 $4.096000000e+03, v0  }
0x566: {  	v1 =	vmul.f32 $2.048000000e+03, v1  }
0x567: {  	v0 =	vadd.f32 $1.258700800e+07, v0  }
0x568: {  	v1 =	vadd.f32 $1.258496000e+07, v1  }
0x569: {  	v0 =	vtrunc.f32 v0  }
0x56a: {  	v1 =	vtrunc.f32 v1;
	v0 =	vcvt.f32.s32 v0  }
0x56b: {  	v1 =	vcvt.f32.s32 v1  }
0x56c: {  	v0 =	vadd.s32 $0xFF400000, v0  }
0x56d: {  	v1 =	vadd.s32 $0xFF400000, v1;
	vm6 =	vgt.s32 v0, $0x0  }
0x56e: {  	vm7 =	vgt.s32 v1, $0x0;
	v0 =	vnsel vm6, $0x0, v0  }
0x56f: {  	v1 =	vnsel vm7, $0x0, v1;
	v0 =	vmin.u32 v0, $0x1FFF  }
0x570: {  	v1 =	vmin.u32 v1, $0xFFF;
	v2 =	vshrl.u32 v0, $0x7  }
0x571: {  	v3 =	vshll.u32 v1, $0x7;
	v1 =	vshrl.u32 v1, $0x3;
	v2 =	vmul.u32 $0x380, v2  }
0x572: {  	v1 =	vmul.u32 $0xFC00, v1;
	v0 =	vadd.s32 v0, v3  }
0x573: {  	v0 =	vadd.s32 v2, v0  }
0x574: {  	v0 =	vadd.s32 v1, v0  }
0x575: {  	[tilespmem:s14+$0x10] =	vst v0  }
0x576: {  	s19 =	simm.s32 $0x0;
	s17 =	simm.s32 $0x0;
	_ =	swait.ge [sflag:s20], $0x1000  }
0x577: {  	s0 =	sand.u32 $0x1F00, s17;
	s2 =	sand.u32 $0x40, s19;
	[sflag:s20] =	ssyncset.done $0x0  }
0x578: {  	s0 =	sor.u32 s2, s0;
	s14 =	simm.s32 $0x19000;
	[sflag:s20] =	ssyncadd.s32 $0xFFFFF000  }
0x579: {  	[tilespmem:s14], [sflag:$0x3] =	stream.indirect.gather [hbm4b:s1+s8], $0x1, s11, s8, $0xb8;
	[tilespmem:$0x1C000] =	vst v63  }
0x57a: {  	v0 =	vld [tilespmem:s0+$0xC000]  }
0x57b: {  	v1 =	vld [tilespmem:s0+$0xC080];
	_ =	sdelay $0x3  }
0x57c: {  	v0 =	vmul.f32 $4.096000000e+03, v0  }
0x57d: {  	v1 =	vmul.f32 $2.048000000e+03, v1  }
0x57e: {  	v0 =	vadd.f32 $1.258700800e+07, v0  }
0x57f: {  	v1 =	vadd.f32 $1.258496000e+07, v1  }
0x580: {  	v0 =	vtrunc.f32 v0  }
0x581: {  	v1 =	vtrunc.f32 v1;
	v0 =	vcvt.f32.s32 v0  }
0x582: {  	v1 =	vcvt.f32.s32 v1  }
0x583: {  	v0 =	vadd.s32 $0xFF400000, v0  }
0x584: {  	v1 =	vadd.s32 $0xFF400000, v1;
	vm8 =	vgt.s32 v0, $0x0  }
0x585: {  	vm9 =	vgt.s32 v1, $0x0;
	v0 =	vnsel vm8, $0x0, v0  }
0x586: {  	v1 =	vnsel vm9, $0x0, v1;
	v0 =	vmin.u32 v0, $0x1FFF  }
0x587: {  	v1 =	vmin.u32 v1, $0xFFF;
	v2 =	vshrl.u32 v0, $0x7  }
0x588: {  	v3 =	vshll.u32 v1, $0x7;
	v1 =	vshrl.u32 v1, $0x3;
	v2 =	vmul.u32 $0x380, v2  }
0x589: {  	v1 =	vmul.u32 $0xFC00, v1;
	v0 =	vadd.s32 v0, v3  }
0x58a: {  	s21 =	simm.s32 $0xC020;
	s31 =	simm.s32 $0x6010;
	v0 =	vadd.s32 v2, v0  }
0x58b: {  	s28 =	simm.s32 $0x12020;
	s2 =	sand.u32 $0x50, s31;
	s0 =	sand.u32 $0xDF00, s21;
	v0 =	vadd.s32 v1, v0  }
0x58c: {  	s0 =	sor.u32 s2, s0;
	[tilespmem:s28+$0xFFFFFFE0] =	vst v0  }
0x58d: {  	v0 =	vld [tilespmem:s0+$0x0]  }
0x58e: {  	v1 =	vld [tilespmem:s0+$0x80];
	_ =	sdelay $0x3  }
0x58f: {  	v0 =	vmul.f32 $4.096000000e+03, v0  }
0x590: {  	v1 =	vmul.f32 $2.048000000e+03, v1  }
0x591: {  	v0 =	vadd.f32 $1.258700800e+07, v0  }
0x592: {  	v1 =	vadd.f32 $1.258496000e+07, v1  }
0x593: {  	v0 =	vtrunc.f32 v0  }
0x594: {  	v1 =	vtrunc.f32 v1;
	v0 =	vcvt.f32.s32 v0  }
0x595: {  	v1 =	vcvt.f32.s32 v1  }
0x596: {  	v0 =	vadd.s32 $0xFF400000, v0  }
0x597: {  	v1 =	vadd.s32 $0xFF400000, v1;
	vm10 =	vgt.s32 v0, $0x0  }
0x598: {  	vm11 =	vgt.s32 v1, $0x0;
	v0 =	vnsel vm10, $0x0, v0  }
0x599: {  	v1 =	vnsel vm11, $0x0, v1;
	v0 =	vmin.u32 v0, $0x1FFF  }
0x59a: {  	v1 =	vmin.u32 v1, $0xFFF;
	v2 =	vshrl.u32 v0, $0x7  }
0x59b: {  	v3 =	vshll.u32 v1, $0x7;
	v1 =	vshrl.u32 v1, $0x3;
	v2 =	vmul.u32 $0x380, v2  }
0x59c: {  	v1 =	vmul.u32 $0xFC00, v1;
	v0 =	vadd.s32 v0, v3  }
0x59d: {  	s12 =	simm.s32 $0xC040;
	s14 =	simm.s32 $0x6020;
	v0 =	vadd.s32 v2, v0  }
0x59e: {  	s2 =	sand.u32 $0x60, s14;
	s0 =	sand.u32 $0xDF00, s12;
	v0 =	vadd.s32 v1, v0  }
0x59f: {  	s0 =	sor.u32 s2, s0;
	[tilespmem:s28+$0xFFFFFFF0] =	vst v0  }
0x5a0: {  	v0 =	vld [tilespmem:s0+$0x0]  }
0x5a1: {  	v1 =	vld [tilespmem:s0+$0x80];
	_ =	sdelay $0x3  }
0x5a2: {  	v0 =	vmul.f32 $4.096000000e+03, v0  }
0x5a3: {  	v1 =	vmul.f32 $2.048000000e+03, v1  }
0x5a4: {  	v0 =	vadd.f32 $1.258700800e+07, v0  }
0x5a5: {  	v1 =	vadd.f32 $1.258496000e+07, v1  }
0x5a6: {  	v0 =	vtrunc.f32 v0  }
0x5a7: {  	v1 =	vtrunc.f32 v1;
	v0 =	vcvt.f32.s32 v0  }
0x5a8: {  	v1 =	vcvt.f32.s32 v1  }
0x5a9: {  	v0 =	vadd.s32 $0xFF400000, v0  }
0x5aa: {  	v1 =	vadd.s32 $0xFF400000, v1;
	vm12 =	vgt.s32 v0, $0x0  }
0x5ab: {  	vm13 =	vgt.s32 v1, $0x0;
	v0 =	vnsel vm12, $0x0, v0  }
0x5ac: {  	v1 =	vnsel vm13, $0x0, v1;
	v0 =	vmin.u32 v0, $0x1FFF  }
0x5ad: {  	v1 =	vmin.u32 v1, $0xFFF;
	v2 =	vshrl.u32 v0, $0x7  }
0x5ae: {  	v3 =	vshll.u32 v1, $0x7;
	v1 =	vshrl.u32 v1, $0x3;
	v2 =	vmul.u32 $0x380, v2  }
0x5af: {  	v1 =	vmul.u32 $0xFC00, v1;
	v0 =	vadd.s32 v0, v3  }
0x5b0: {  	s17 =	simm.s32 $0x6030;
	s19 =	simm.s32 $0xC060;
	v0 =	vadd.s32 v2, v0  }
0x5b1: {  	s2 =	sand.u32 $0xDF00, s19;
	s0 =	sand.u32 $0x70, s17;
	v0 =	vadd.s32 v1, v0  }
0x5b2: {  	s0 =	sor.u32 s0, s2;
	[tilespmem:s28+$0x0] =	vst v0  }
0x5b3: {  	v0 =	vld [tilespmem:s0+$0x0]  }
0x5b4: {  	v1 =	vld [tilespmem:s0+$0x80];
	_ =	sdelay $0x3  }
0x5b5: {  	v0 =	vmul.f32 $4.096000000e+03, v0  }
0x5b6: {  	v1 =	vmul.f32 $2.048000000e+03, v1  }
0x5b7: {  	v0 =	vadd.f32 $1.258700800e+07, v0  }
0x5b8: {  	v1 =	vadd.f32 $1.258496000e+07, v1  }
0x5b9: {  	v0 =	vtrunc.f32 v0  }
0x5ba: {  	v1 =	vtrunc.f32 v1;
	v0 =	vcvt.f32.s32 v0  }
0x5bb: {  	v1 =	vcvt.f32.s32 v1  }
0x5bc: {  	v0 =	vadd.s32 $0xFF400000, v0  }
0x5bd: {  	v1 =	vadd.s32 $0xFF400000, v1;
	vm14 =	vgt.s32 v0, $0x0  }
0x5be: {  	vm15 =	vgt.s32 v1, $0x0;
	v0 =	vnsel vm14, $0x0, v0  }
0x5bf: {  	v1 =	vnsel vm15, $0x0, v1;
	v0 =	vmin.u32 v0, $0x1FFF  }
0x5c0: {  	v1 =	vmin.u32 v1, $0xFFF;
	v2 =	vshrl.u32 v0, $0x7  }
0x5c1: {  	v3 =	vshll.u32 v1, $0x7;
	v1 =	vshrl.u32 v1, $0x3;
	v2 =	vmul.u32 $0x380, v2  }
0x5c2: {  	s30 =	simm.s32 $0xC0E0;
	v1 =	vmul.u32 $0xFC00, v1;
	v0 =	vadd.s32 v0, v3  }
0x5c3: {  	s29 =	simm.s32 $0x6070;
	s31 =	simm.s32 $0x40;
	s21 =	simm.s32 $0x80;
	v0 =	vadd.s32 v2, v0  }
0x5c4: {  	s12 =	sand.u32 $0x40, s31;
	s2 =	sand.u32 $0x1F00, s21;
	s0 =	simm.s32 $0x4;
	v0 =	vadd.s32 v1, v0  }
.LBB2_14:
0x5c5: {  	s0 =	sadd.s32 $0x4, s0;
	s2 =	sor.u32 s12, s2;
	[tilespmem:s28+$0x10] =	vst v0;
	s28 =	sadd.s32 $0x40, s28  }
0x5c6: {  	p0 =	slt.u32 s0, $0xFC;
	v0 =	vld [tilespmem:s2+$0xC000]  }
0x5c7: {  	v1 =	vld [tilespmem:s2+$0xC080];
	_ =	sdelay $0x3  }
0x5c8: {  	v0 =	vmul.f32 $4.096000000e+03, v0  }
0x5c9: {  	v1 =	vmul.f32 $2.048000000e+03, v1  }
0x5ca: {  	v0 =	vadd.f32 $1.258700800e+07, v0  }
0x5cb: {  	v1 =	vadd.f32 $1.258496000e+07, v1  }
0x5cc: {  	v0 =	vtrunc.f32 v0  }
0x5cd: {  	v0 =	vcvt.f32.s32 v0;
	v1 =	vtrunc.f32 v1  }
0x5ce: {  	v1 =	vcvt.f32.s32 v1  }
0x5cf: {  	v0 =	vadd.s32 $0xFF400000, v0  }
0x5d0: {  	vm0 =	vgt.s32 v0, $0x0;
	v1 =	vadd.s32 $0xFF400000, v1  }
0x5d1: {  	v0 =	vnsel vm0, $0x0, v0;
	vm0 =	vgt.s32 v1, $0x0  }
0x5d2: {  	v0 =	vmin.u32 v0, $0x1FFF;
	v1 =	vnsel vm0, $0x0, v1  }
0x5d3: {  	v1 =	vmin.u32 v1, $0xFFF;
	v2 =	vshrl.u32 v0, $0x7  }
0x5d4: {  	v3 =	vshll.u32 v1, $0x7;
	v1 =	vshrl.u32 v1, $0x3;
	v2 =	vmul.u32 $0x380, v2  }
0x5d5: {  	v1 =	vmul.u32 $0xFC00, v1;
	v0 =	vadd.s32 v0, v3  }
0x5d6: {  	s12 =	sadd.s32 $0xFFFFFFE0, s29;
	s2 =	sadd.s32 $0xFFFFFFC0, s30;
	v0 =	vadd.s32 v2, v0  }
0x5d7: {  	s12 =	sand.u32 $0x50, s12;
	s2 =	sand.u32 $0xDF00, s2;
	v0 =	vadd.s32 v1, v0  }
0x5d8: {  	s2 =	sor.u32 s12, s2;
	[tilespmem:s28+$0xFFFFFFE0] =	vst v0  }
0x5d9: {  	v0 =	vld [tilespmem:s2+$0x0]  }
0x5da: {  	v1 =	vld [tilespmem:s2+$0x80];
	_ =	sdelay $0x3  }
0x5db: {  	v0 =	vmul.f32 $4.096000000e+03, v0  }
0x5dc: {  	v1 =	vmul.f32 $2.048000000e+03, v1  }
0x5dd: {  	v0 =	vadd.f32 $1.258700800e+07, v0  }
0x5de: {  	v1 =	vadd.f32 $1.258496000e+07, v1  }
0x5df: {  	v0 =	vtrunc.f32 v0  }
0x5e0: {  	v0 =	vcvt.f32.s32 v0;
	v1 =	vtrunc.f32 v1  }
0x5e1: {  	v1 =	vcvt.f32.s32 v1  }
0x5e2: {  	v0 =	vadd.s32 $0xFF400000, v0  }
0x5e3: {  	vm0 =	vgt.s32 v0, $0x0;
	v1 =	vadd.s32 $0xFF400000, v1  }
0x5e4: {  	v0 =	vnsel vm0, $0x0, v0;
	vm0 =	vgt.s32 v1, $0x0  }
0x5e5: {  	v0 =	vmin.u32 v0, $0x1FFF;
	v1 =	vnsel vm0, $0x0, v1  }
0x5e6: {  	v1 =	vmin.u32 v1, $0xFFF;
	v2 =	vshrl.u32 v0, $0x7  }
0x5e7: {  	v3 =	vshll.u32 v1, $0x7;
	v1 =	vshrl.u32 v1, $0x3;
	v2 =	vmul.u32 $0x380, v2  }
0x5e8: {  	v1 =	vmul.u32 $0xFC00, v1;
	v0 =	vadd.s32 v0, v3  }
0x5e9: {  	s12 =	sadd.s32 $0xFFFFFFF0, s29;
	s2 =	sadd.s32 $0xFFFFFFE0, s30;
	v0 =	vadd.s32 v2, v0  }
0x5ea: {  	s12 =	sand.u32 $0x60, s12;
	s2 =	sand.u32 $0xDF00, s2;
	v0 =	vadd.s32 v1, v0  }
0x5eb: {  	s2 =	sor.u32 s12, s2;
	[tilespmem:s28+$0xFFFFFFF0] =	vst v0  }
0x5ec: {  	v0 =	vld [tilespmem:s2+$0x0]  }
0x5ed: {  	v1 =	vld [tilespmem:s2+$0x80];
	_ =	sdelay $0x3  }
0x5ee: {  	v0 =	vmul.f32 $4.096000000e+03, v0  }
0x5ef: {  	v1 =	vmul.f32 $2.048000000e+03, v1  }
0x5f0: {  	v0 =	vadd.f32 $1.258700800e+07, v0  }
0x5f1: {  	v1 =	vadd.f32 $1.258496000e+07, v1  }
0x5f2: {  	v0 =	vtrunc.f32 v0  }
0x5f3: {  	v0 =	vcvt.f32.s32 v0;
	v1 =	vtrunc.f32 v1  }
0x5f4: {  	v1 =	vcvt.f32.s32 v1  }
0x5f5: {  	v0 =	vadd.s32 $0xFF400000, v0  }
0x5f6: {  	vm0 =	vgt.s32 v0, $0x0;
	v1 =	vadd.s32 $0xFF400000, v1  }
0x5f7: {  	v0 =	vnsel vm0, $0x0, v0;
	vm0 =	vgt.s32 v1, $0x0  }
0x5f8: {  	v0 =	vmin.u32 v0, $0x1FFF;
	v1 =	vnsel vm0, $0x0, v1  }
0x5f9: {  	v1 =	vmin.u32 v1, $0xFFF;
	v2 =	vshrl.u32 v0, $0x7  }
0x5fa: {  	v3 =	vshll.u32 v1, $0x7;
	v1 =	vshrl.u32 v1, $0x3;
	v2 =	vmul.u32 $0x380, v2  }
0x5fb: {  	v1 =	vmul.u32 $0xFC00, v1;
	v0 =	vadd.s32 v0, v3  }
0x5fc: {  	v0 =	vadd.s32 v2, v0  }
0x5fd: {  	s12 =	sand.u32 $0x70, s29;
	s2 =	sand.u32 $0xDF00, s30;
	v0 =	vadd.s32 v1, v0  }
0x5fe: {  	s2 =	sor.u32 s12, s2;
	[tilespmem:s28+$0x0] =	vst v0  }
0x5ff: {  	v0 =	vld [tilespmem:s2+$0x0]  }
0x600: {  	v1 =	vld [tilespmem:s2+$0x80];
	_ =	sdelay $0x3  }
0x601: {  	v0 =	vmul.f32 $4.096000000e+03, v0  }
0x602: {  	v1 =	vmul.f32 $2.048000000e+03, v1  }
0x603: {  	v0 =	vadd.f32 $1.258700800e+07, v0  }
0x604: {  	v1 =	vadd.f32 $1.258496000e+07, v1  }
0x605: {  	v0 =	vtrunc.f32 v0  }
0x606: {  	v0 =	vcvt.f32.s32 v0;
	v1 =	vtrunc.f32 v1  }
0x607: {  	v1 =	vcvt.f32.s32 v1  }
0x608: {  	v0 =	vadd.s32 $0xFF400000, v0  }
0x609: {  	vm0 =	vgt.s32 v0, $0x0;
	v1 =	vadd.s32 $0xFF400000, v1  }
0x60a: {  	v0 =	vnsel vm0, $0x0, v0;
	vm0 =	vgt.s32 v1, $0x0  }
0x60b: {  	v0 =	vmin.u32 v0, $0x1FFF;
	v1 =	vnsel vm0, $0x0, v1  }
.Ltmp6:
0x60c: {  	v1 =	vmin.u32 v1, $0xFFF;
	v2 =	vshrl.u32 v0, $0x7;
	(pc) =	sbr.rel @p0 .LBB2_14-.Ltmp6, $4  }
0x60d: {  	v3 =	vshll.u32 v1, $0x7;
	v1 =	vshrl.u32 v1, $0x3;
	v2 =	vmul.u32 $0x380, v2  }
0x60e: {  	s29 =	sadd.s32 $0x40, s29;
	s30 =	sadd.s32 $0x80, s30;
	v1 =	vmul.u32 $0xFC00, v1;
	v0 =	vadd.s32 v0, v3  }
0x60f: {  	s12 =	sadd.s32 $0xFFFF9FD0, s29;
	s2 =	sadd.s32 $0xFFFF3FA0, s30;
	v0 =	vadd.s32 v2, v0  }
0x610: {  	s12 =	sand.u32 $0x40, s12;
	s2 =	sand.u32 $0x1F00, s2;
	v0 =	vadd.s32 v1, v0  }
0x611: {  	s0 =	sor.u32 s12, s2;
	[tilespmem:s28+$0x10] =	vst v0  }
0x612: {  	v0 =	vld [tilespmem:s0+$0xC000]  }
0x613: {  	v1 =	vld [tilespmem:s0+$0xC080];
	_ =	sdelay $0x3  }
0x614: {  	v0 =	vmul.f32 $4.096000000e+03, v0  }
0x615: {  	v1 =	vmul.f32 $2.048000000e+03, v1  }
0x616: {  	v0 =	vadd.f32 $1.258700800e+07, v0  }
0x617: {  	v1 =	vadd.f32 $1.258496000e+07, v1  }
0x618: {  	v0 =	vtrunc.f32 v0  }
0x619: {  	v1 =	vtrunc.f32 v1;
	v0 =	vcvt.f32.s32 v0  }
0x61a: {  	v1 =	vcvt.f32.s32 v1  }
0x61b: {  	v0 =	vadd.s32 $0xFF400000, v0  }
0x61c: {  	v1 =	vadd.s32 $0xFF400000, v1;
	vm0 =	vgt.s32 v0, $0x0  }
0x61d: {  	vm13 =	vgt.s32 v1, $0x0;
	v0 =	vnsel vm0, $0x0, v0  }
0x61e: {  	v1 =	vnsel vm13, $0x0, v1;
	v0 =	vmin.u32 v0, $0x1FFF  }
0x61f: {  	v1 =	vmin.u32 v1, $0xFFF;
	v2 =	vshrl.u32 v0, $0x7  }
0x620: {  	v3 =	vshll.u32 v1, $0x7;
	v1 =	vshrl.u32 v1, $0x3;
	v2 =	vmul.u32 $0x380, v2  }
0x621: {  	v1 =	vmul.u32 $0xFC00, v1;
	v0 =	vadd.s32 v0, v3  }
0x622: {  	s14 =	sadd.s32 $0xFFFFFFC0, s30;
	s17 =	sadd.s32 $0xFFFFFFE0, s29;
	v0 =	vadd.s32 v2, v0  }
0x623: {  	s19 =	sadd.s32 $0x40, s28;
	s2 =	sand.u32 $0xDF00, s14;
	s12 =	sand.u32 $0x50, s17;
	v0 =	vadd.s32 v1, v0  }
0x624: {  	s2 =	sor.u32 s12, s2;
	[tilespmem:s19+$0xFFFFFFE0] =	vst v0  }
0x625: {  	v0 =	vld [tilespmem:s2+$0x0]  }
0x626: {  	v1 =	vld [tilespmem:s2+$0x80];
	_ =	sdelay $0x3  }
0x627: {  	v0 =	vmul.f32 $4.096000000e+03, v0  }
0x628: {  	v1 =	vmul.f32 $2.048000000e+03, v1  }
0x629: {  	v0 =	vadd.f32 $1.258700800e+07, v0  }
0x62a: {  	v1 =	vadd.f32 $1.258496000e+07, v1  }
0x62b: {  	v0 =	vtrunc.f32 v0  }
0x62c: {  	v1 =	vtrunc.f32 v1;
	v0 =	vcvt.f32.s32 v0  }
0x62d: {  	v1 =	vcvt.f32.s32 v1  }
0x62e: {  	v0 =	vadd.s32 $0xFF400000, v0  }
0x62f: {  	v1 =	vadd.s32 $0xFF400000, v1;
	vm14 =	vgt.s32 v0, $0x0  }
0x630: {  	vm15 =	vgt.s32 v1, $0x0;
	v0 =	vnsel vm14, $0x0, v0  }
0x631: {  	v1 =	vnsel vm15, $0x0, v1;
	v0 =	vmin.u32 v0, $0x1FFF  }
0x632: {  	v1 =	vmin.u32 v1, $0xFFF;
	v2 =	vshrl.u32 v0, $0x7  }
0x633: {  	v3 =	vshll.u32 v1, $0x7;
	v1 =	vshrl.u32 v1, $0x3;
	v2 =	vmul.u32 $0x380, v2  }
0x634: {  	v1 =	vmul.u32 $0xFC00, v1;
	v0 =	vadd.s32 v0, v3  }
0x635: {  	s21 =	sadd.s32 $0xFFFFFFE0, s30;
	s31 =	sadd.s32 $0xFFFFFFF0, s29;
	v0 =	vadd.s32 v2, v0  }
0x636: {  	s12 =	sand.u32 $0x60, s31;
	s2 =	sand.u32 $0xDF00, s21;
	v0 =	vadd.s32 v1, v0  }
0x637: {  	s2 =	sor.u32 s12, s2;
	[tilespmem:s19+$0xFFFFFFF0] =	vst v0  }
0x638: {  	v0 =	vld [tilespmem:s2+$0x0]  }
0x639: {  	v1 =	vld [tilespmem:s2+$0x80];
	_ =	sdelay $0x3  }
0x63a: {  	v0 =	vmul.f32 $4.096000000e+03, v0  }
0x63b: {  	v1 =	vmul.f32 $2.048000000e+03, v1  }
0x63c: {  	v0 =	vadd.f32 $1.258700800e+07, v0  }
0x63d: {  	v1 =	vadd.f32 $1.258496000e+07, v1  }
0x63e: {  	v0 =	vtrunc.f32 v0  }
0x63f: {  	v1 =	vtrunc.f32 v1;
	v0 =	vcvt.f32.s32 v0  }
0x640: {  	v1 =	vcvt.f32.s32 v1  }
0x641: {  	v0 =	vadd.s32 $0xFF400000, v0  }
0x642: {  	v1 =	vadd.s32 $0xFF400000, v1;
	vm4 =	vgt.s32 v0, $0x0  }
0x643: {  	vm5 =	vgt.s32 v1, $0x0;
	v0 =	vnsel vm4, $0x0, v0  }
0x644: {  	v1 =	vnsel vm5, $0x0, v1;
	v0 =	vmin.u32 v0, $0x1FFF  }
0x645: {  	v1 =	vmin.u32 v1, $0xFFF;
	v2 =	vshrl.u32 v0, $0x7  }
0x646: {  	v3 =	vshll.u32 v1, $0x7;
	v1 =	vshrl.u32 v1, $0x3;
	v2 =	vmul.u32 $0x380, v2  }
0x647: {  	v1 =	vmul.u32 $0xFC00, v1;
	v0 =	vadd.s32 v0, v3  }
0x648: {  	v0 =	vadd.s32 v2, v0  }
0x649: {  	s14 =	sand.u32 $0x70, s29;
	s12 =	sand.u32 $0xDF00, s30;
	v0 =	vadd.s32 v1, v0  }
0x64a: {  	s2 =	sor.u32 s14, s12;
	[tilespmem:s19+$0x0] =	vst v0  }
0x64b: {  	v0 =	vld [tilespmem:s2+$0x0]  }
0x64c: {  	v1 =	vld [tilespmem:s2+$0x80];
	_ =	sdelay $0x3  }
0x64d: {  	v0 =	vmul.f32 $4.096000000e+03, v0  }
0x64e: {  	v1 =	vmul.f32 $2.048000000e+03, v1  }
0x64f: {  	v0 =	vadd.f32 $1.258700800e+07, v0  }
0x650: {  	v1 =	vadd.f32 $1.258496000e+07, v1  }
0x651: {  	v0 =	vtrunc.f32 v0  }
0x652: {  	v1 =	vtrunc.f32 v1;
	v0 =	vcvt.f32.s32 v0  }
0x653: {  	v1 =	vcvt.f32.s32 v1  }
0x654: {  	v0 =	vadd.s32 $0xFF400000, v0  }
0x655: {  	v1 =	vadd.s32 $0xFF400000, v1;
	vm6 =	vgt.s32 v0, $0x0  }
0x656: {  	vm7 =	vgt.s32 v1, $0x0;
	v0 =	vnsel vm6, $0x0, v0  }
0x657: {  	v1 =	vnsel vm7, $0x0, v1;
	v0 =	vmin.u32 v0, $0x1FFF  }
0x658: {  	v1 =	vmin.u32 v1, $0xFFF;
	v2 =	vshrl.u32 v0, $0x7  }
0x659: {  	v3 =	vshll.u32 v1, $0x7;
	v1 =	vshrl.u32 v1, $0x3;
	v2 =	vmul.u32 $0x380, v2  }
0x65a: {  	v1 =	vmul.u32 $0xFC00, v1;
	v0 =	vadd.s32 v0, v3  }
0x65b: {  	v0 =	vadd.s32 v2, v0  }
0x65c: {  	v0 =	vadd.s32 v1, v0  }
0x65d: {  	[tilespmem:s19+$0x10] =	vst v0  }
0x65e: {  	s17 =	simm.s32 $0x0;
	s19 =	simm.s32 $0x0;
	_ =	swait.ge [sflag:s22], $0x1000  }
0x65f: {  	s0 =	sand.u32 $0x1F00, s17;
	s2 =	sand.u32 $0x40, s19;
	[sflag:s22] =	ssyncset.done $0x0  }
0x660: {  	s0 =	sor.u32 s2, s0;
	[sflag:s22] =	ssyncadd.s32 $0xFFFFF000  }
0x661: {  	[tilespmem:s23], [sflag:$0x4] =	stream.indirect.gather [hbm4b:s1+s8], $0x1, s13, s8, $0xb8;
	[tilespmem:$0x1C000] =	vst v63  }
0x662: {  	v0 =	vld [tilespmem:s0+$0xE000]  }
0x663: {  	v1 =	vld [tilespmem:s0+$0xE080];
	_ =	sdelay $0x3  }
0x664: {  	v0 =	vmul.f32 $4.096000000e+03, v0  }
0x665: {  	v1 =	vmul.f32 $2.048000000e+03, v1  }
0x666: {  	v0 =	vadd.f32 $1.258700800e+07, v0  }
0x667: {  	v1 =	vadd.f32 $1.258496000e+07, v1  }
0x668: {  	v0 =	vtrunc.f32 v0  }
0x669: {  	v1 =	vtrunc.f32 v1;
	v0 =	vcvt.f32.s32 v0  }
0x66a: {  	v1 =	vcvt.f32.s32 v1  }
0x66b: {  	v0 =	vadd.s32 $0xFF400000, v0  }
0x66c: {  	v1 =	vadd.s32 $0xFF400000, v1;
	vm8 =	vgt.s32 v0, $0x0  }
0x66d: {  	vm9 =	vgt.s32 v1, $0x0;
	v0 =	vnsel vm8, $0x0, v0  }
0x66e: {  	v1 =	vnsel vm9, $0x0, v1;
	v0 =	vmin.u32 v0, $0x1FFF  }
0x66f: {  	v1 =	vmin.u32 v1, $0xFFF;
	v2 =	vshrl.u32 v0, $0x7  }
0x670: {  	v3 =	vshll.u32 v1, $0x7;
	v1 =	vshrl.u32 v1, $0x3;
	v2 =	vmul.u32 $0x380, v2  }
0x671: {  	v1 =	vmul.u32 $0xFC00, v1;
	v0 =	vadd.s32 v0, v3  }
0x672: {  	s31 =	simm.s32 $0x7010;
	s21 =	simm.s32 $0xE020;
	v0 =	vadd.s32 v2, v0  }
0x673: {  	s28 =	simm.s32 $0x13020;
	s2 =	sand.u32 $0x50, s31;
	s0 =	sand.u32 $0xFF00, s21;
	v0 =	vadd.s32 v1, v0  }
0x674: {  	s0 =	sor.u32 s2, s0;
	[tilespmem:s28+$0xFFFFFFE0] =	vst v0  }
0x675: {  	v0 =	vld [tilespmem:s0+$0x0]  }
0x676: {  	v1 =	vld [tilespmem:s0+$0x80];
	_ =	sdelay $0x3  }
0x677: {  	v0 =	vmul.f32 $4.096000000e+03, v0  }
0x678: {  	v1 =	vmul.f32 $2.048000000e+03, v1  }
0x679: {  	v0 =	vadd.f32 $1.258700800e+07, v0  }
0x67a: {  	v1 =	vadd.f32 $1.258496000e+07, v1  }
0x67b: {  	v0 =	vtrunc.f32 v0  }
0x67c: {  	v1 =	vtrunc.f32 v1;
	v0 =	vcvt.f32.s32 v0  }
0x67d: {  	v1 =	vcvt.f32.s32 v1  }
0x67e: {  	v0 =	vadd.s32 $0xFF400000, v0  }
0x67f: {  	v1 =	vadd.s32 $0xFF400000, v1;
	vm10 =	vgt.s32 v0, $0x0  }
0x680: {  	vm11 =	vgt.s32 v1, $0x0;
	v0 =	vnsel vm10, $0x0, v0  }
0x681: {  	v1 =	vnsel vm11, $0x0, v1;
	v0 =	vmin.u32 v0, $0x1FFF  }
0x682: {  	v1 =	vmin.u32 v1, $0xFFF;
	v2 =	vshrl.u32 v0, $0x7  }
0x683: {  	v3 =	vshll.u32 v1, $0x7;
	v1 =	vshrl.u32 v1, $0x3;
	v2 =	vmul.u32 $0x380, v2  }
0x684: {  	v1 =	vmul.u32 $0xFC00, v1;
	v0 =	vadd.s32 v0, v3  }
0x685: {  	s12 =	simm.s32 $0xE040;
	s14 =	simm.s32 $0x7020;
	v0 =	vadd.s32 v2, v0  }
0x686: {  	s2 =	sand.u32 $0x60, s14;
	s0 =	sand.u32 $0xFF00, s12;
	v0 =	vadd.s32 v1, v0  }
0x687: {  	s0 =	sor.u32 s2, s0;
	[tilespmem:s28+$0xFFFFFFF0] =	vst v0  }
0x688: {  	v0 =	vld [tilespmem:s0+$0x0]  }
0x689: {  	v1 =	vld [tilespmem:s0+$0x80];
	_ =	sdelay $0x3  }
0x68a: {  	v0 =	vmul.f32 $4.096000000e+03, v0  }
0x68b: {  	v1 =	vmul.f32 $2.048000000e+03, v1  }
0x68c: {  	v0 =	vadd.f32 $1.258700800e+07, v0  }
0x68d: {  	v1 =	vadd.f32 $1.258496000e+07, v1  }
0x68e: {  	v0 =	vtrunc.f32 v0  }
0x68f: {  	v1 =	vtrunc.f32 v1;
	v0 =	vcvt.f32.s32 v0  }
0x690: {  	v1 =	vcvt.f32.s32 v1  }
0x691: {  	v0 =	vadd.s32 $0xFF400000, v0  }
0x692: {  	v1 =	vadd.s32 $0xFF400000, v1;
	vm12 =	vgt.s32 v0, $0x0  }
0x693: {  	vm13 =	vgt.s32 v1, $0x0;
	v0 =	vnsel vm12, $0x0, v0  }
0x694: {  	v1 =	vnsel vm13, $0x0, v1;
	v0 =	vmin.u32 v0, $0x1FFF  }
0x695: {  	v1 =	vmin.u32 v1, $0xFFF;
	v2 =	vshrl.u32 v0, $0x7  }
0x696: {  	v3 =	vshll.u32 v1, $0x7;
	v1 =	vshrl.u32 v1, $0x3;
	v2 =	vmul.u32 $0x380, v2  }
0x697: {  	v1 =	vmul.u32 $0xFC00, v1;
	v0 =	vadd.s32 v0, v3  }
0x698: {  	s17 =	simm.s32 $0x7030;
	s19 =	simm.s32 $0xE060;
	v0 =	vadd.s32 v2, v0  }
0x699: {  	s2 =	sand.u32 $0xFF00, s19;
	s0 =	sand.u32 $0x70, s17;
	v0 =	vadd.s32 v1, v0  }
0x69a: {  	s0 =	sor.u32 s0, s2;
	[tilespmem:s28+$0x0] =	vst v0  }
0x69b: {  	v0 =	vld [tilespmem:s0+$0x0]  }
0x69c: {  	v1 =	vld [tilespmem:s0+$0x80];
	_ =	sdelay $0x3  }
0x69d: {  	v0 =	vmul.f32 $4.096000000e+03, v0  }
0x69e: {  	v1 =	vmul.f32 $2.048000000e+03, v1  }
0x69f: {  	v0 =	vadd.f32 $1.258700800e+07, v0  }
0x6a0: {  	v1 =	vadd.f32 $1.258496000e+07, v1  }
0x6a1: {  	v0 =	vtrunc.f32 v0  }
0x6a2: {  	v1 =	vtrunc.f32 v1;
	v0 =	vcvt.f32.s32 v0  }
0x6a3: {  	v1 =	vcvt.f32.s32 v1  }
0x6a4: {  	v0 =	vadd.s32 $0xFF400000, v0  }
0x6a5: {  	v1 =	vadd.s32 $0xFF400000, v1;
	vm14 =	vgt.s32 v0, $0x0  }
0x6a6: {  	vm15 =	vgt.s32 v1, $0x0;
	v0 =	vnsel vm14, $0x0, v0  }
0x6a7: {  	v1 =	vnsel vm15, $0x0, v1;
	v0 =	vmin.u32 v0, $0x1FFF  }
0x6a8: {  	v1 =	vmin.u32 v1, $0xFFF;
	v2 =	vshrl.u32 v0, $0x7  }
0x6a9: {  	v3 =	vshll.u32 v1, $0x7;
	v1 =	vshrl.u32 v1, $0x3;
	v2 =	vmul.u32 $0x380, v2  }
0x6aa: {  	s29 =	simm.s32 $0x7070;
	v1 =	vmul.u32 $0xFC00, v1;
	v0 =	vadd.s32 v0, v3  }
0x6ab: {  	s30 =	simm.s32 $0xE0E0;
	s31 =	simm.s32 $0x40;
	s21 =	simm.s32 $0x80;
	v0 =	vadd.s32 v2, v0  }
0x6ac: {  	s12 =	sand.u32 $0x40, s31;
	s2 =	sand.u32 $0x1F00, s21;
	s0 =	simm.s32 $0x4;
	v0 =	vadd.s32 v1, v0  }
.LBB2_16:
0x6ad: {  	s0 =	sadd.s32 $0x4, s0;
	s2 =	sor.u32 s12, s2;
	[tilespmem:s28+$0x10] =	vst v0;
	s28 =	sadd.s32 $0x40, s28  }
0x6ae: {  	p0 =	slt.u32 s0, $0xFC;
	v0 =	vld [tilespmem:s2+$0xE000]  }
0x6af: {  	v1 =	vld [tilespmem:s2+$0xE080];
	_ =	sdelay $0x3  }
0x6b0: {  	v0 =	vmul.f32 $4.096000000e+03, v0  }
0x6b1: {  	v1 =	vmul.f32 $2.048000000e+03, v1  }
0x6b2: {  	v0 =	vadd.f32 $1.258700800e+07, v0  }
0x6b3: {  	v1 =	vadd.f32 $1.258496000e+07, v1  }
0x6b4: {  	v0 =	vtrunc.f32 v0  }
0x6b5: {  	v0 =	vcvt.f32.s32 v0;
	v1 =	vtrunc.f32 v1  }
0x6b6: {  	v1 =	vcvt.f32.s32 v1  }
0x6b7: {  	v0 =	vadd.s32 $0xFF400000, v0  }
0x6b8: {  	vm0 =	vgt.s32 v0, $0x0;
	v1 =	vadd.s32 $0xFF400000, v1  }
0x6b9: {  	v0 =	vnsel vm0, $0x0, v0;
	vm0 =	vgt.s32 v1, $0x0  }
0x6ba: {  	v0 =	vmin.u32 v0, $0x1FFF;
	v1 =	vnsel vm0, $0x0, v1  }
0x6bb: {  	v1 =	vmin.u32 v1, $0xFFF;
	v2 =	vshrl.u32 v0, $0x7  }
0x6bc: {  	v3 =	vshll.u32 v1, $0x7;
	v1 =	vshrl.u32 v1, $0x3;
	v2 =	vmul.u32 $0x380, v2  }
0x6bd: {  	v1 =	vmul.u32 $0xFC00, v1;
	v0 =	vadd.s32 v0, v3  }
0x6be: {  	s12 =	sadd.s32 $0xFFFFFFE0, s29;
	s2 =	sadd.s32 $0xFFFFFFC0, s30;
	v0 =	vadd.s32 v2, v0  }
0x6bf: {  	s12 =	sand.u32 $0x50, s12;
	s2 =	sand.u32 $0xFF00, s2;
	v0 =	vadd.s32 v1, v0  }
0x6c0: {  	s2 =	sor.u32 s12, s2;
	[tilespmem:s28+$0xFFFFFFE0] =	vst v0  }
0x6c1: {  	v0 =	vld [tilespmem:s2+$0x0]  }
0x6c2: {  	v1 =	vld [tilespmem:s2+$0x80];
	_ =	sdelay $0x3  }
0x6c3: {  	v0 =	vmul.f32 $4.096000000e+03, v0  }
0x6c4: {  	v1 =	vmul.f32 $2.048000000e+03, v1  }
0x6c5: {  	v0 =	vadd.f32 $1.258700800e+07, v0  }
0x6c6: {  	v1 =	vadd.f32 $1.258496000e+07, v1  }
0x6c7: {  	v0 =	vtrunc.f32 v0  }
0x6c8: {  	v0 =	vcvt.f32.s32 v0;
	v1 =	vtrunc.f32 v1  }
0x6c9: {  	v1 =	vcvt.f32.s32 v1  }
0x6ca: {  	v0 =	vadd.s32 $0xFF400000, v0  }
0x6cb: {  	vm0 =	vgt.s32 v0, $0x0;
	v1 =	vadd.s32 $0xFF400000, v1  }
0x6cc: {  	v0 =	vnsel vm0, $0x0, v0;
	vm0 =	vgt.s32 v1, $0x0  }
0x6cd: {  	v0 =	vmin.u32 v0, $0x1FFF;
	v1 =	vnsel vm0, $0x0, v1  }
0x6ce: {  	v1 =	vmin.u32 v1, $0xFFF;
	v2 =	vshrl.u32 v0, $0x7  }
0x6cf: {  	v3 =	vshll.u32 v1, $0x7;
	v1 =	vshrl.u32 v1, $0x3;
	v2 =	vmul.u32 $0x380, v2  }
0x6d0: {  	v1 =	vmul.u32 $0xFC00, v1;
	v0 =	vadd.s32 v0, v3  }
0x6d1: {  	s12 =	sadd.s32 $0xFFFFFFF0, s29;
	s2 =	sadd.s32 $0xFFFFFFE0, s30;
	v0 =	vadd.s32 v2, v0  }
0x6d2: {  	s12 =	sand.u32 $0x60, s12;
	s2 =	sand.u32 $0xFF00, s2;
	v0 =	vadd.s32 v1, v0  }
0x6d3: {  	s2 =	sor.u32 s12, s2;
	[tilespmem:s28+$0xFFFFFFF0] =	vst v0  }
0x6d4: {  	v0 =	vld [tilespmem:s2+$0x0]  }
0x6d5: {  	v1 =	vld [tilespmem:s2+$0x80];
	_ =	sdelay $0x3  }
0x6d6: {  	v0 =	vmul.f32 $4.096000000e+03, v0  }
0x6d7: {  	v1 =	vmul.f32 $2.048000000e+03, v1  }
0x6d8: {  	v0 =	vadd.f32 $1.258700800e+07, v0  }
0x6d9: {  	v1 =	vadd.f32 $1.258496000e+07, v1  }
0x6da: {  	v0 =	vtrunc.f32 v0  }
0x6db: {  	v0 =	vcvt.f32.s32 v0;
	v1 =	vtrunc.f32 v1  }
0x6dc: {  	v1 =	vcvt.f32.s32 v1  }
0x6dd: {  	v0 =	vadd.s32 $0xFF400000, v0  }
0x6de: {  	vm0 =	vgt.s32 v0, $0x0;
	v1 =	vadd.s32 $0xFF400000, v1  }
0x6df: {  	v0 =	vnsel vm0, $0x0, v0;
	vm0 =	vgt.s32 v1, $0x0  }
0x6e0: {  	v0 =	vmin.u32 v0, $0x1FFF;
	v1 =	vnsel vm0, $0x0, v1  }
0x6e1: {  	v1 =	vmin.u32 v1, $0xFFF;
	v2 =	vshrl.u32 v0, $0x7  }
0x6e2: {  	v3 =	vshll.u32 v1, $0x7;
	v1 =	vshrl.u32 v1, $0x3;
	v2 =	vmul.u32 $0x380, v2  }
0x6e3: {  	v1 =	vmul.u32 $0xFC00, v1;
	v0 =	vadd.s32 v0, v3  }
0x6e4: {  	v0 =	vadd.s32 v2, v0  }
0x6e5: {  	s12 =	sand.u32 $0x70, s29;
	s2 =	sand.u32 $0xFF00, s30;
	v0 =	vadd.s32 v1, v0  }
0x6e6: {  	s2 =	sor.u32 s12, s2;
	[tilespmem:s28+$0x0] =	vst v0  }
0x6e7: {  	v0 =	vld [tilespmem:s2+$0x0]  }
0x6e8: {  	v1 =	vld [tilespmem:s2+$0x80];
	_ =	sdelay $0x3  }
0x6e9: {  	v0 =	vmul.f32 $4.096000000e+03, v0  }
0x6ea: {  	v1 =	vmul.f32 $2.048000000e+03, v1  }
0x6eb: {  	v0 =	vadd.f32 $1.258700800e+07, v0  }
0x6ec: {  	v1 =	vadd.f32 $1.258496000e+07, v1  }
0x6ed: {  	v0 =	vtrunc.f32 v0  }
0x6ee: {  	v0 =	vcvt.f32.s32 v0;
	v1 =	vtrunc.f32 v1  }
0x6ef: {  	v1 =	vcvt.f32.s32 v1  }
0x6f0: {  	v0 =	vadd.s32 $0xFF400000, v0  }
0x6f1: {  	vm0 =	vgt.s32 v0, $0x0;
	v1 =	vadd.s32 $0xFF400000, v1  }
0x6f2: {  	v0 =	vnsel vm0, $0x0, v0;
	vm0 =	vgt.s32 v1, $0x0  }
0x6f3: {  	v0 =	vmin.u32 v0, $0x1FFF;
	v1 =	vnsel vm0, $0x0, v1  }
.Ltmp7:
0x6f4: {  	v1 =	vmin.u32 v1, $0xFFF;
	v2 =	vshrl.u32 v0, $0x7;
	(pc) =	sbr.rel @p0 .LBB2_16-.Ltmp7, $4  }
0x6f5: {  	v3 =	vshll.u32 v1, $0x7;
	v1 =	vshrl.u32 v1, $0x3;
	v2 =	vmul.u32 $0x380, v2  }
0x6f6: {  	s29 =	sadd.s32 $0x40, s29;
	s30 =	sadd.s32 $0x80, s30;
	v1 =	vmul.u32 $0xFC00, v1;
	v0 =	vadd.s32 v0, v3  }
0x6f7: {  	s12 =	sadd.s32 $0xFFFF8FD0, s29;
	s2 =	sadd.s32 $0xFFFF1FA0, s30;
	v0 =	vadd.s32 v2, v0  }
0x6f8: {  	s12 =	sand.u32 $0x40, s12;
	s2 =	sand.u32 $0x1F00, s2;
	v0 =	vadd.s32 v1, v0  }
0x6f9: {  	s0 =	sor.u32 s12, s2;
	[tilespmem:s28+$0x10] =	vst v0  }
0x6fa: {  	v0 =	vld [tilespmem:s0+$0xE000]  }
0x6fb: {  	v1 =	vld [tilespmem:s0+$0xE080];
	_ =	sdelay $0x3  }
0x6fc: {  	v0 =	vmul.f32 $4.096000000e+03, v0  }
0x6fd: {  	v1 =	vmul.f32 $2.048000000e+03, v1  }
0x6fe: {  	v0 =	vadd.f32 $1.258700800e+07, v0  }
0x6ff: {  	v1 =	vadd.f32 $1.258496000e+07, v1  }
0x700: {  	v0 =	vtrunc.f32 v0  }
0x701: {  	v1 =	vtrunc.f32 v1;
	v0 =	vcvt.f32.s32 v0  }
0x702: {  	v1 =	vcvt.f32.s32 v1  }
0x703: {  	v0 =	vadd.s32 $0xFF400000, v0  }
0x704: {  	v1 =	vadd.s32 $0xFF400000, v1;
	vm0 =	vgt.s32 v0, $0x0  }
0x705: {  	vm9 =	vgt.s32 v1, $0x0;
	v0 =	vnsel vm0, $0x0, v0  }
0x706: {  	v1 =	vnsel vm9, $0x0, v1;
	v0 =	vmin.u32 v0, $0x1FFF  }
0x707: {  	v1 =	vmin.u32 v1, $0xFFF;
	v2 =	vshrl.u32 v0, $0x7  }
0x708: {  	v3 =	vshll.u32 v1, $0x7;
	v1 =	vshrl.u32 v1, $0x3;
	v2 =	vmul.u32 $0x380, v2  }
0x709: {  	v1 =	vmul.u32 $0xFC00, v1;
	v0 =	vadd.s32 v0, v3  }
0x70a: {  	s14 =	sadd.s32 $0xFFFFFFC0, s30;
	s17 =	sadd.s32 $0xFFFFFFE0, s29;
	v0 =	vadd.s32 v2, v0  }
0x70b: {  	s19 =	sadd.s32 $0x40, s28;
	s2 =	sand.u32 $0xFF00, s14;
	s12 =	sand.u32 $0x50, s17;
	v0 =	vadd.s32 v1, v0  }
0x70c: {  	s2 =	sor.u32 s12, s2;
	[tilespmem:s19+$0xFFFFFFE0] =	vst v0  }
0x70d: {  	v0 =	vld [tilespmem:s2+$0x0]  }
0x70e: {  	v55 =	vld [tilespmem:s2+$0x80];
	_ =	sdelay $0x3  }
0x70f: {  	v0 =	vmul.f32 $4.096000000e+03, v0  }
0x710: {  	v1 =	vmul.f32 $2.048000000e+03, v55  }
0x711: {  	v0 =	vadd.f32 $1.258700800e+07, v0  }
0x712: {  	v1 =	vadd.f32 $1.258496000e+07, v1  }
0x713: {  	v0 =	vtrunc.f32 v0  }
0x714: {  	v1 =	vtrunc.f32 v1;
	v0 =	vcvt.f32.s32 v0  }
0x715: {  	v1 =	vcvt.f32.s32 v1  }
0x716: {  	v0 =	vadd.s32 $0xFF400000, v0  }
0x717: {  	v1 =	vadd.s32 $0xFF400000, v1;
	vm10 =	vgt.s32 v0, $0x0  }
0x718: {  	vm11 =	vgt.s32 v1, $0x0;
	v0 =	vnsel vm10, $0x0, v0  }
0x719: {  	v1 =	vnsel vm11, $0x0, v1;
	v0 =	vmin.u32 v0, $0x1FFF  }
0x71a: {  	v1 =	vmin.u32 v1, $0xFFF;
	v56 =	vshrl.u32 v0, $0x7  }
0x71b: {  	v57 =	vshll.u32 v1, $0x7;
	v1 =	vshrl.u32 v1, $0x3;
	v2 =	vmul.u32 $0x380, v56  }
0x71c: {  	v1 =	vmul.u32 $0xFC00, v1;
	v0 =	vadd.s32 v0, v57  }
0x71d: {  	s21 =	sadd.s32 $0xFFFFFFE0, s30;
	s28 =	sadd.s32 $0xFFFFFFF0, s29;
	v0 =	vadd.s32 v2, v0  }
0x71e: {  	s12 =	sand.u32 $0x60, s28;
	s2 =	sand.u32 $0xFF00, s21;
	v0 =	vadd.s32 v1, v0  }
0x71f: {  	s2 =	sor.u32 s12, s2;
	[tilespmem:s19+$0xFFFFFFF0] =	vst v0  }
0x720: {  	v0 =	vld [tilespmem:s2+$0x0]  }
0x721: {  	v58 =	vld [tilespmem:s2+$0x80];
	_ =	sdelay $0x3  }
0x722: {  	v0 =	vmul.f32 $4.096000000e+03, v0  }
0x723: {  	v1 =	vmul.f32 $2.048000000e+03, v58  }
0x724: {  	v0 =	vadd.f32 $1.258700800e+07, v0  }
0x725: {  	v1 =	vadd.f32 $1.258496000e+07, v1  }
0x726: {  	v0 =	vtrunc.f32 v0  }
0x727: {  	v1 =	vtrunc.f32 v1;
	v0 =	vcvt.f32.s32 v0  }
0x728: {  	v1 =	vcvt.f32.s32 v1  }
0x729: {  	v0 =	vadd.s32 $0xFF400000, v0  }
0x72a: {  	v1 =	vadd.s32 $0xFF400000, v1;
	vm12 =	vgt.s32 v0, $0x0  }
0x72b: {  	vm13 =	vgt.s32 v1, $0x0;
	v0 =	vnsel vm12, $0x0, v0  }
0x72c: {  	v1 =	vnsel vm13, $0x0, v1;
	v0 =	vmin.u32 v0, $0x1FFF  }
0x72d: {  	v1 =	vmin.u32 v1, $0xFFF;
	v59 =	vshrl.u32 v0, $0x7  }
0x72e: {  	v60 =	vshll.u32 v1, $0x7;
	v1 =	vshrl.u32 v1, $0x3;
	v2 =	vmul.u32 $0x380, v59  }
0x72f: {  	v1 =	vmul.u32 $0xFC00, v1;
	v0 =	vadd.s32 v0, v60  }
0x730: {  	v0 =	vadd.s32 v2, v0  }
0x731: {  	s30 =	sand.u32 $0xFF00, s30;
	s31 =	sand.u32 $0x70, s29;
	v0 =	vadd.s32 v1, v0  }
0x732: {  	s2 =	sor.u32 s31, s30;
	[tilespmem:s19+$0x0] =	vst v0  }
0x733: {  	v0 =	vld [tilespmem:s2+$0x0]  }
0x734: {  	v61 =	vld [tilespmem:s2+$0x80];
	_ =	sdelay $0x3  }
0x735: {  	v0 =	vmul.f32 $4.096000000e+03, v0  }
0x736: {  	v1 =	vmul.f32 $2.048000000e+03, v61  }
0x737: {  	v0 =	vadd.f32 $1.258700800e+07, v0  }
0x738: {  	v1 =	vadd.f32 $1.258496000e+07, v1  }
0x739: {  	v0 =	vtrunc.f32 v0  }
0x73a: {  	v1 =	vtrunc.f32 v1;
	v0 =	vcvt.f32.s32 v0  }
0x73b: {  	v1 =	vcvt.f32.s32 v1  }
0x73c: {  	v0 =	vadd.s32 $0xFF400000, v0  }
0x73d: {  	v1 =	vadd.s32 $0xFF400000, v1;
	vm14 =	vgt.s32 v0, $0x0  }
0x73e: {  	vm15 =	vgt.s32 v1, $0x0;
	v0 =	vnsel vm14, $0x0, v0  }
0x73f: {  	v1 =	vnsel vm15, $0x0, v1;
	v0 =	vmin.u32 v0, $0x1FFF  }
0x740: {  	v1 =	vmin.u32 v1, $0xFFF;
	v62 =	vshrl.u32 v0, $0x7  }
0x741: {  	v63 =	vshll.u32 v1, $0x7;
	v1 =	vshrl.u32 v1, $0x3;
	v2 =	vmul.u32 $0x380, v62  }
0x742: {  	v1 =	vmul.u32 $0xFC00, v1;
	v0 =	vadd.s32 v0, v63  }
0x743: {  	v0 =	vadd.s32 v2, v0  }
0x744: {  	v0 =	vadd.s32 v1, v0  }
0x745: {  	[tilespmem:s19+$0x10] =	vst v0  }
0x746: {  	_ =	swait.ge [sflag:s15], $0x1000  }
0x747: {  	[sflag:s15] =	ssyncset.done $0x0  }
0x748: {  	[sflag:s15] =	ssyncadd.s32 $0xFFFFF000  }
0x749: {  	[tilespmem:s24], [sflag:$0x5] =	stream.indirect.gather [hbm4b:s1+s8], $0x1, s16, s8, $0xb8;
	[tilespmem:$0x1C000] =	vst v63  }
0x74a: {  	_ =	swait.ge [sflag:s18], $0x1000  }
0x74b: {  	[sflag:s18] =	ssyncset.done $0x0  }
0x74c: {  	[sflag:s18] =	ssyncadd.s32 $0xFFFFF000  }
0x74d: {  	_ =	swait.ge [sflag:s20], $0x1000  }
0x74e: {  	[sflag:s20] =	ssyncset.done $0x0  }
0x74f: {  	[sflag:s20] =	ssyncadd.s32 $0xFFFFF000  }
0x750: {  	s26 =	sadd.s32 $0x1, s26;
	_ =	swait.ge [sflag:s22], $0x1000  }
0x751: {  	p0 =	sne.s32 s26, s6;
	[sflag:s22] =	ssyncset.done $0x0  }
.Ltmp8:
0x752: {  	[sflag:s22] =	ssyncadd.s32 $0xFFFFF000;
	(pc) =	sbr.rel @p0 .LBB2_1-.Ltmp8, $4  }
0x753: {  	[hbm4b:s5+s3] =	stream.linear.scatter [tilespmem:s10], [sflag:$0x6], $0x8000, $0x38;
	[tilespmem:$0x1C000] =	vst v63  }
0x754: {  	_ =	swait.ge [sflag:s25], $0x8000  }
0x755: {  	[sflag:s25] =	ssyncset.done $0x0  }
0x756: {  	[sflag:s25] =	ssyncadd.s32 $0xFFFF8000  }
0x757: {  	_ =	sfence.sel $0x180000  }
0x758: {  	[bflag:$0x0] =	sbarrier.arrive $0xFFFF  }
0x759: {  	_ =	strace $0x90000047  }
0x75a: {  	s0 =	stileid.u32;
	[bflag:$0x2] =	sbarrier.arrive $0xFFFF  }
0x75b: {  	p0 =	sne.s32 s0, $0x0;
	s0 =	rddreg [dreg:$0x3]  }
0x75c: {  	s0 =	sadd.s32 @!p0 $0x100000, s0  }
0x75d: {  	[sflag:s0] =	ssyncadd.tile.s32 @!p0 $0x1;
	_ =	shalt  }
.Lfunc_end2:
_tile_overlayer_lowered:
.L_overlay_start_2:
0x75e: {  	(tag) =	ssettag $0x2  }
0x75f: {  	s0 =	rddreg [dreg:$0x0];
	s2 =	stileid.u32  }
0x760: {  	s1 =	rddreg [dreg:$0x1];
	p0 =	sne.s32 s2, $0x0  }
0x761: {  	s3 =	rddreg [dreg:$0x2];
	[bflag:$0x3] =	sbarrier.arrive $0xFFFF;
	s2 =	simm.s32 @!p0 $0x1C07  }
0x762: {  	[timem:s3], [sflag:s2] =	dma.local @!p0 [hbm:s0], s1  }
0x763: {  	s0 =	simm.s32 @!p0 $0x7  }
0x764: {  	_ =	swait.ge @!p0 [sflag:s0], s1  }
0x765: {  	s1 =	ssub.s32 @!p0 $0x0, s1;
	[sflag:s0] =	ssyncset.done @!p0 $0x0  }
0x766: {  	[sflag:s0] =	ssyncadd.s32 @!p0 s1  }
0x767: {  	[bflag:$0x3] =	sbarrier.arrive $0xFFFF  }
0x768: {  	_ =	shalt  }

</sc_bundles>
